<compile_context>
chip_gen: v7x
topology: tpu7x:2x2x1
jax: 0.10.2.dev20260603
libtpu: 0.0.44.dev20260713+nightly
codegen_flags: <defaults>
</compile_context>

<pallas_src>
import functools

import jax
import jax.numpy as jnp
from jax import lax
from jax.experimental import pallas as pl
from jax.experimental.pallas import tpu as pltpu
from jax.experimental.pallas import tpu_sc as plsc

_NUM_CLASSES = 81
_NUM_KNOWN = 80
_ALPHA_PROTO = 0.9
_TAU_CEC = 0.1
_FOCAL_ALPHA = 0.25
_W_CE = 2.0
_W_CEC = 0.5

_B, _Q, _D, _T = 32, 900, 256, 20
_N = _B * _T
_TP = 24
_NP = _B * _TP
_TX = 32
_NX = _B * _TX
_CCH = 9


def _make_sc_gather():
  mesh = plsc.VectorSubcoreMesh(core_axis_name="c", subcore_axis_name="s")
  info = plsc.get_sparse_core_info()
  num_cores = info.num_cores

  @functools.partial(
      pl.kernel,
      mesh=mesh,
      out_type=jax.ShapeDtypeStruct((_NP, _D), jnp.float32),
      scratch_types=[
          pltpu.VMEM((_TP,), jnp.int32),
          pltpu.VMEM((_TP, _D), jnp.float32),
          pltpu.SemaphoreType.DMA,
      ],
  )
  def sc_gather(eidx_hbm, table_hbm, emb_out, eidx_v, erows_v, sem_e):
    wid = lax.axis_index("s") * num_cores + lax.axis_index("c")
    ebase = pl.multiple_of(wid * _TP, 8)
    pltpu.sync_copy(eidx_hbm.at[pl.ds(ebase, _TP)], eidx_v)
    pltpu.async_copy(table_hbm.at[eidx_v], erows_v, sem_e).wait()
    pltpu.sync_copy(erows_v, emb_out.at[pl.ds(ebase, _TP)])

  return sc_gather


_sc_gather_cache = []


def _get_sc_gather():
  if not _sc_gather_cache:
    _sc_gather_cache.append(_make_sc_gather())
  return _sc_gather_cache[0]


_BCH = 8


def _dense_body(x_ref, si_ref, lb_ref, sv_ref, out_ref, acc_ref):
  i = pl.program_id(0)
  x = x_ref[...]

  a = jnp.exp(-jnp.abs(x))
  lg = jnp.log(1.0 + a)
  r = 1.0 / (1.0 + a)
  p = jnp.where(x >= 0.0, r, 1.0 - r)
  sp = jnp.maximum(x, 0.0) + lg
  s0 = jnp.sum(p * p * sp)

  q_iota = lax.broadcasted_iota(jnp.int32, (1, _Q), 1)
  t_iota = lax.broadcasted_iota(jnp.int32, (_BCH, 128), 1)
  b_iota = lax.broadcasted_iota(jnp.int32, (_BCH, 128), 0)
  xs = jnp.zeros((_BCH, 128), jnp.float32)
  for bb in range(_BCH):
    b = i * _BCH + bb
    sts = [si_ref[t, b] for t in range(_T)]
    lts = [lb_ref[t, b] for t in range(_T)]
    for t in range(_T):
      row = x_ref[pl.ds(lts[t], 1), pl.ds(bb, 1), :].reshape(1, _Q)
      xt = jnp.sum(jnp.where(q_iota == sts[t], row, 0.0))
      m2 = jnp.logical_and(t_iota == t, b_iota == bb)
      xs = jnp.where(m2, xt, xs)

  src = sv_ref[...]
  dup = jnp.zeros((_BCH, _T), jnp.float32)
  for d in range(1, _T):
    eq = (src[:, : _T - d] == src[:, d:]).astype(jnp.float32)
    eq = jnp.concatenate([eq, jnp.zeros((_BCH, d), jnp.float32)], axis=1)
    dup = jnp.maximum(dup, eq)
  fin = 1.0 - dup

  a2 = jnp.exp(-jnp.abs(xs))
  lg2 = jnp.log(1.0 + a2)
  r2 = 1.0 / (1.0 + a2)
  p2 = jnp.where(xs >= 0.0, r2, 1.0 - r2)
  sp2 = jnp.maximum(xs, 0.0) + lg2
  sn2 = sp2 - xs
  om = 1.0 - p2
  g = _FOCAL_ALPHA * om * om * sn2 - (1.0 - _FOCAL_ALPHA) * p2 * p2 * sp2
  part = (1.0 - _FOCAL_ALPHA) * s0 + jnp.sum(fin * g[:, :_T])

  @pl.when(i == 0)
  def _():
    acc_ref[0, 0] = 0.0

  acc = acc_ref[0, 0] + part
  acc_ref[0, 0] = acc

  @pl.when(i == _B // _BCH - 1)
  def _():
    out_ref[0, 0] = acc


def _dense_focal(pred_cm, src_t, labels_t, src_idx):
  return pl.pallas_call(
      _dense_body,
      grid=(_B // _BCH,),
      in_specs=[
          pl.BlockSpec((_NUM_CLASSES, _BCH, _Q), lambda i: (0, i, 0)),
          pl.BlockSpec(memory_space=pltpu.SMEM),
          pl.BlockSpec(memory_space=pltpu.SMEM),
          pl.BlockSpec((_BCH, _T), lambda i: (i, 0)),
      ],
      out_specs=pl.BlockSpec(memory_space=pltpu.SMEM),
      out_shape=jax.ShapeDtypeStruct((1, 1), jnp.float32),
      scratch_shapes=[pltpu.SMEM((1, 1), jnp.float32)],
      compiler_params=pltpu.CompilerParams(
          dimension_semantics=("arbitrary",)),
  )(pred_cm, src_t, labels_t, src_idx)


def _combine_body(s0_ref, lf_ref, g_ref, cm_ref, out_ref):
  num_boxes = jnp.maximum(jnp.float32(_N), 1.0)
  loss_ce = s0_ref[0, 0] / num_boxes

  embs = g_ref[...]
  nrm = jnp.sqrt(jnp.sum(embs * embs, axis=1, keepdims=True))
  embs_n = embs / jnp.maximum(nrm, 1e-6)

  lf = lf_ref[...]
  valid_col = lf >= 0
  k_iota = lax.broadcasted_iota(jnp.int32, (_NUM_KNOWN, _NP), 0)
  mask = (lf == k_iota).astype(jnp.float32)
  counts = jnp.sum(mask, axis=1, keepdims=True)

  sums = lax.dot_general(mask, embs, (((1,), (0,)), ((), ())),
                         preferred_element_type=jnp.float32)
  mean = sums / jnp.maximum(counts, 1.0)
  mnrm = jnp.sqrt(jnp.sum(mean * mean, axis=1, keepdims=True))
  mean_n = mean / jnp.maximum(mnrm, 1e-6)

  cm = cm_ref[...]
  upd = _ALPHA_PROTO * cm + (1.0 - _ALPHA_PROTO) * mean_n
  unrm = jnp.sqrt(jnp.sum(upd * upd, axis=1, keepdims=True))
  upd_n = upd / jnp.maximum(unrm, 1e-6)
  protos = jnp.where(counts > 0, upd_n, cm)
  pnrm = jnp.sqrt(jnp.sum(protos * protos, axis=1, keepdims=True))
  protos_n = protos / jnp.maximum(pnrm, 1e-6)

  sim = lax.dot_general(protos_n, embs_n, (((1,), (1,)), ((), ())),
                        preferred_element_type=jnp.float32)
  logits = jnp.where(valid_col, sim / _TAU_CEC, -1e30)
  m = jnp.max(logits, axis=1, keepdims=True)
  lse = jnp.log(jnp.sum(jnp.exp(logits - m), axis=1, keepdims=True)) + m
  logp = logits - lse
  per_class = -jnp.sum(logp * mask, axis=1, keepdims=True)
  per_class = per_class / jnp.maximum(counts, 1.0)
  validm = (counts > 0).astype(jnp.float32)
  cec = jnp.sum(per_class * validm) / jnp.maximum(jnp.sum(validm), 1.0)

  out_ref[0, 0] = _W_CE * loss_ce + _W_CEC * cec


def _combine(s0, labels_flat, gathered, cls_means):
  return pl.pallas_call(
      _combine_body,
      in_specs=[
          pl.BlockSpec(memory_space=pltpu.SMEM),
          pl.BlockSpec((1, _NP), lambda: (0, 0)),
          pl.BlockSpec((_NP, _D), lambda: (0, 0)),
          pl.BlockSpec((_NUM_KNOWN, _D), lambda: (0, 0)),
      ],
      out_specs=pl.BlockSpec(memory_space=pltpu.SMEM),
      out_shape=jax.ShapeDtypeStruct((1, 1), jnp.float32),
  )(s0, labels_flat, gathered, cls_means)


def kernel(pred_logits, object_embedding, cls_means, src_idx, labels):
  src_idx = src_idx.astype(jnp.int32)
  labels = labels.astype(jnp.int32)

  table = object_embedding.transpose(1, 0, 2).reshape(_Q * _B, _D)
  pred_cm = pred_logits.transpose(2, 0, 1)

  barange = jnp.arange(_B, dtype=jnp.int32)[:, None]
  eidx = jnp.pad(src_idx * _B + barange, ((0, 0), (0, _TP - _T))).reshape(_NP)
  gathered = _get_sc_gather()(eidx, table)

  labels_flat = jnp.pad(labels, ((0, 0), (0, _TP - _T)),
                        constant_values=-1).reshape(1, _NP)

  s0 = _dense_focal(pred_cm, src_idx.T, labels.T, src_idx)
  total = _combine(s0, labels_flat, gathered, cls_means)
  return total[0, 0]

# --- scband reference (transcript-rebuilt; emitter-appended) ---
"""Pipeline reference for scband-asgscriterion-85057532330570 (READ-ONLY COPY).

The authoritative reference and input builder live on the scoring server;
editing this copy changes nothing except your own understanding.
"""

import jax, jax.numpy as jnp
import numpy as np

NUM_CLASSES = 81
NUM_KNOWN = 80
ALPHA_PROTO = 0.9
TAU_CEC = 0.1
FOCAL_ALPHA = 0.25
GAMMA = 2.0
W_CE = 2.0
W_CEC = 0.5
W_SUL = 0.1


def _l2norm(x, eps=1e-6):
    n = jnp.linalg.norm(x, axis=-1, keepdims=True)
    return x / jnp.maximum(n, eps)


def sigmoid_focal_loss(inputs, targets, num_boxes, alpha=FOCAL_ALPHA, gamma=GAMMA):
    prob = jax.nn.sigmoid(inputs)
    # numerically-stable BCE-with-logits
    ce_loss = jnp.maximum(inputs, 0.0) - inputs * targets + jnp.log1p(jnp.exp(-jnp.abs(inputs)))
    p_t = prob * targets + (1.0 - prob) * (1.0 - targets)
    loss = ce_loss * ((1.0 - p_t) ** gamma)
    if alpha >= 0:
        alpha_t = alpha * targets + (1.0 - alpha) * (1.0 - targets)
        loss = alpha_t * loss
    return loss.mean(axis=1).sum() / num_boxes


def setup_inputs(seed: int = 0) -> dict:
    key = jax.random.key(seed)
    k1, k2, k3, k4, k5 = jax.random.split(key, 5)
    B, Q, C, D, T = 32, 900, NUM_CLASSES, 256, 20
    pred_logits = jax.random.normal(k1, (B, Q, C), dtype=jnp.float32)
    object_embedding = jax.random.normal(k2, (B, Q, D), dtype=jnp.float32)
    cls_means = jax.random.normal(k3, (NUM_KNOWN, D), dtype=jnp.float32)
    src_idx = jax.random.randint(k4, (B, T), 0, Q)
    labels = jax.random.randint(k5, (B, T), 0, NUM_KNOWN)
    return {"pred_logits": pred_logits, "object_embedding": object_embedding,
            "cls_means": cls_means, "src_idx": src_idx, "labels": labels}


def reference(pred_logits, object_embedding, cls_means, src_idx, labels):
    B, Q, C = pred_logits.shape
    D = object_embedding.shape[-1]
    T = src_idx.shape[1]

    # gather matched query embeddings (matcher output is precomputed as src_idx/labels)
    matched = jnp.take_along_axis(object_embedding, src_idx[..., None], axis=1)  # [B,T,D]
    flat_embs = matched.reshape(-1, D)
    flat_labels = labels.reshape(-1)

    # --- update_prototypes: per-class mean via segment_sum + EMA (no-grad in torch) ---
    sums = jax.ops.segment_sum(flat_embs, flat_labels, num_segments=NUM_KNOWN)
    counts = jax.ops.segment_sum(jnp.ones_like(flat_labels, dtype=jnp.float32), flat_labels, num_segments=NUM_KNOWN)
    mean = sums / jnp.maximum(counts, 1.0)[:, None]
    mean = _l2norm(mean)
    upd = _l2norm(ALPHA_PROTO * cls_means + (1.0 - ALPHA_PROTO) * mean)
    protos = jnp.where((counts > 0)[:, None], upd, cls_means)
    protos = jax.lax.stop_gradient(protos)

    # --- loss_labels: DETR sigmoid focal classification loss ---
    num_boxes = jnp.maximum(jnp.float32(B * T), 1.0)
    target_classes = jnp.full((B, Q), C, dtype=jnp.int32)
    target_classes = target_classes.at[jnp.arange(B)[:, None], src_idx].set(labels.astype(jnp.int32))
    onehot = jax.nn.one_hot(target_classes, C + 1, dtype=pred_logits.dtype)[..., :C]
    loss_ce = sigmoid_focal_loss(pred_logits, onehot, num_boxes) * Q

    # --- get_cec_loss: class-wise embedding compaction (InfoNCE) ---
    embs_n = _l2norm(flat_embs)
    protos_n = _l2norm(protos)
    logits = (protos_n @ embs_n.T) / TAU_CEC  # [K, N]
    log_probs = jax.nn.log_softmax(logits, axis=1)
    pos_mask = (flat_labels[None, :] == jnp.arange(NUM_KNOWN)[:, None]).astype(jnp.float32)
    pos_counts = pos_mask.sum(axis=1)
    per_class = -(log_probs * pos_mask).sum(axis=1) / jnp.maximum(pos_counts, 1.0)
    valid = (pos_counts > 0).astype(jnp.float32)
    loss_cec = (per_class * valid).sum() / jnp.maximum(valid.sum(), 1.0)

    # --- loss_sul: epoch 0 < WARM_UP -> 0 (as in torch forward) ---
    loss_sul = jnp.float32(0.0)

    total = W_CE * loss_ce + W_CEC * loss_cec + W_SUL * loss_sul
    return total

if __name__ == "__main__":
    import jax
    _d = setup_inputs()
    print(jax.jit(kernel)(*tuple(_d.values())))

</pallas_src>

<mosaic_0001>
#map = affine_map<(d0, d1) -> (0)>
#map1 = affine_map<(d0, d1) -> (0, 0)>
module attributes {stable_mosaic.version = 14 : i64} {
  func.func @sc_gather(%arg0: i32, %arg1: i32, %arg2: memref<768xi32, #tpu.memory_space<hbm>>, %arg3: memref<28800x256xf32, #tpu.memory_space<hbm>>, %arg4: memref<768x256xf32, #tpu.memory_space<hbm>>, %arg5: memref<24xi32, #tpu.memory_space<vmem>>, %arg6: memref<24x256xf32, #tpu.memory_space<vmem>>, %arg7: memref<!tpu.dma_semaphore, #tpu.memory_space<semaphore_mem>>) attributes {dimension_semantics = [#tpu.dimension_semantics<core_parallel>, #tpu.dimension_semantics<subcore_parallel>], iteration_bounds = array<i64: 2, 16>, scalar_prefetch = 0 : i64, scratch_operands = 3 : i64, tpu.core_type = #tpu.core_type<sc_vector_subcore>, window_params = [{transform_indices = #map}, {transform_indices = #map1}, {transform_indices = #map1}]} {
    %mul3A = arith.constant 2 : i32
    %mul3A_0 = arith.muli %arg1, %mul3A : i32
    %add3A = arith.addi %mul3A_0, %arg0 : i32
    %mul3A_1 = arith.constant 24 : i32
    %mul3A_2 = arith.muli %add3A, %mul3A_1 : i32
    %multiple_of3A = tpu.assume_multiple %mul3A_2, 8 : i32
    "tpu.region"() ({
      %run_scoped3A = tpu.sem_alloc : memref<!tpu.dma_semaphore, #tpu.memory_space<semaphore_mem>>
      %dma_start3A_7 = tpu.memref_slice %arg2[%multiple_of3A] : memref<768xi32, #tpu.memory_space<hbm>> -> memref<24xi32, #tpu.memory_space<hbm>>
      %dma_start3A_8 = tpu.memref_slice %arg2[%multiple_of3A] : memref<768xi32, #tpu.memory_space<hbm>> -> memref<24xi32, #tpu.memory_space<hbm>>
      tpu.enqueue_dma source(%dma_start3A_8 : memref<24xi32, #tpu.memory_space<hbm>>) target(%arg5 : memref<24xi32, #tpu.memory_space<vmem>>) target_semaphore(%run_scoped3A : memref<!tpu.dma_semaphore, #tpu.memory_space<semaphore_mem>>)
      %dma_wait3A_9 = tpu.memref_slice %arg2[%multiple_of3A] : memref<768xi32, #tpu.memory_space<hbm>> -> memref<24xi32, #tpu.memory_space<hbm>>
      %dma_wait3A_10 = tpu.memref_slice %arg2[%multiple_of3A] : memref<768xi32, #tpu.memory_space<hbm>> -> memref<24xi32, #tpu.memory_space<hbm>>
      tpu.wait_dma2 semaphore(%run_scoped3A : memref<!tpu.dma_semaphore, #tpu.memory_space<semaphore_mem>>) src(%dma_wait3A_10 : memref<24xi32, #tpu.memory_space<hbm>>) dst(%arg5 : memref<24xi32, #tpu.memory_space<vmem>>)
      tpu.yield
    }) : () -> ()
    %dma_start3A = arith.constant 0 : i32
    %dma_start3A_3 = arith.constant 0 : i32
    %dma_start3A_4 = tpu.memref_slice %arg3[%dma_start3A, %dma_start3A_3] : memref<28800x256xf32, #tpu.memory_space<hbm>> -> memref<28800x256xf32, #tpu.memory_space<hbm>>
    tpu.enqueue_indirect_dma source(%dma_start3A_4 : memref<28800x256xf32, #tpu.memory_space<hbm>>) target(%arg6 : memref<24x256xf32, #tpu.memory_space<vmem>>) offsets(%arg5 : memref<24xi32, #tpu.memory_space<vmem>>) semaphore(%arg7 : memref<!tpu.dma_semaphore, #tpu.memory_space<semaphore_mem>>)
    %dma_wait3A = arith.constant 0 : i32
    %dma_wait3A_5 = arith.constant 0 : i32
    %dma_wait3A_6 = tpu.memref_slice %arg3[%dma_wait3A, %dma_wait3A_5] : memref<28800x256xf32, #tpu.memory_space<hbm>> -> memref<28800x256xf32, #tpu.memory_space<hbm>>
    tpu.wait_indirect_dma semaphore(%arg7 : memref<!tpu.dma_semaphore, #tpu.memory_space<semaphore_mem>>) src(%dma_wait3A_6 : memref<28800x256xf32, #tpu.memory_space<hbm>>) dst(%arg6 : memref<24x256xf32, #tpu.memory_space<vmem>>)
    "tpu.region"() ({
      %run_scoped3A = tpu.sem_alloc : memref<!tpu.dma_semaphore, #tpu.memory_space<semaphore_mem>>
      %dma_start3A_7 = arith.constant 0 : i32
      %dma_start3A_8 = tpu.memref_slice %arg4[%multiple_of3A, %dma_start3A_7] : memref<768x256xf32, #tpu.memory_space<hbm>> -> memref<24x256xf32, #tpu.memory_space<hbm>>
      %dma_start3A_9 = arith.constant 0 : i32
      %dma_start3A_10 = tpu.memref_slice %arg4[%multiple_of3A, %dma_start3A_9] : memref<768x256xf32, #tpu.memory_space<hbm>> -> memref<24x256xf32, #tpu.memory_space<hbm>>
      tpu.enqueue_dma source(%arg6 : memref<24x256xf32, #tpu.memory_space<vmem>>) target(%dma_start3A_10 : memref<24x256xf32, #tpu.memory_space<hbm>>) target_semaphore(%run_scoped3A : memref<!tpu.dma_semaphore, #tpu.memory_space<semaphore_mem>>)
      %dma_wait3A_11 = arith.constant 0 : i32
      %dma_wait3A_12 = tpu.memref_slice %arg4[%multiple_of3A, %dma_wait3A_11] : memref<768x256xf32, #tpu.memory_space<hbm>> -> memref<24x256xf32, #tpu.memory_space<hbm>>
      %dma_wait3A_13 = arith.constant 0 : i32
      %dma_wait3A_14 = tpu.memref_slice %arg4[%multiple_of3A, %dma_wait3A_13] : memref<768x256xf32, #tpu.memory_space<hbm>> -> memref<24x256xf32, #tpu.memory_space<hbm>>
      tpu.wait_dma2 semaphore(%run_scoped3A : memref<!tpu.dma_semaphore, #tpu.memory_space<semaphore_mem>>) src(%arg6 : memref<24x256xf32, #tpu.memory_space<vmem>>) dst(%dma_wait3A_14 : memref<24x256xf32, #tpu.memory_space<hbm>>)
      tpu.yield
    }) : () -> ()
    return
  }
}

module attributes {stable_mosaic.version = 14 : i64} {
  func.func @_combine_body(%arg0: memref<1x1xf32, #tpu.memory_space<smem>>, %arg1: memref<1x768xi32, #tpu.memory_space<vmem>>, %arg2: memref<768x256xf32, #tpu.memory_space<vmem>>, %arg3: memref<80x256xf32, #tpu.memory_space<vmem>>, %arg4: memref<1x1xf32, #tpu.memory_space<smem>>) attributes {dimension_semantics = [], scalar_prefetch = 0 : i64, scratch_operands = 0 : i64, tpu.core_type = #tpu.core_type<tc>} {
    %max3A = arith.constant 6.400000e+02 : f32
    %max3A_0 = arith.constant 1.000000e+00 : f32
    %max3A_1 = arith.maximumf %max3A, %max3A_0 : f32
    %get3A = arith.constant 0 : index
    %get3A_2 = arith.constant 0 : index
    %get3A_3 = memref.load %arg0[%get3A, %get3A_2] : memref<1x1xf32, #tpu.memory_space<smem>>
    %div3A = arith.divf %get3A_3, %max3A_1 : f32
    %get3A_4 = arith.constant 0 : index
    %get3A_5 = arith.constant 0 : index
    %get3A_6 = vector.load %arg2[%get3A_4, %get3A_5] : memref<768x256xf32, #tpu.memory_space<vmem>>, vector<768x256xf32>
    %mul3A = arith.mulf %get3A_6, %get3A_6 : vector<768x256xf32>
    %reduce_sum3A = arith.constant dense<0.000000e+00> : vector<768xf32>
    %reduce_sum3A_7 = vector.multi_reduction <add>, %mul3A, %reduce_sum3A [1] : vector<768x256xf32> to vector<768xf32>
    %broadcast_in_dim3A = vector.shape_cast %reduce_sum3A_7 : vector<768xf32> to vector<768x1xf32>
    %sqrt3A = math.sqrt %broadcast_in_dim3A : vector<768x1xf32>
    %max3A_8 = arith.constant 9.99999997E-7 : f32
    %max3A_9 = vector.broadcast %max3A_8 : f32 to vector<768x1xf32>
    %max3A_10 = arith.maximumf %sqrt3A, %max3A_9 : vector<768x1xf32>
    %div3A_11 = vector.broadcast %max3A_10 : vector<768x1xf32> to vector<768x256xf32>
    %div3A_12 = arith.divf %get3A_6, %div3A_11 : vector<768x256xf32>
    %get3A_13 = arith.constant 0 : index
    %get3A_14 = arith.constant 0 : index
    %get3A_15 = vector.load %arg1[%get3A_13, %get3A_14] : memref<1x768xi32, #tpu.memory_space<vmem>>, vector<1x768xi32>
    %ge3A = arith.constant 0 : i32
    %ge3A_16 = vector.broadcast %ge3A : i32 to vector<1x768xi32>
    %ge3A_17 = arith.cmpi sge, %get3A_15, %ge3A_16 : vector<1x768xi32>
    %iota3A = tpu.iota {dimensions = array<i32: 0>} : vector<80x768xi32>
    %eq3A = vector.broadcast %get3A_15 : vector<1x768xi32> to vector<80x768xi32>
    %eq3A_18 = arith.cmpi eq, %eq3A, %iota3A : vector<80x768xi32>
    %convert_element_type3A = arith.extui %eq3A_18 : vector<80x768xi1> to vector<80x768xi32>
    %convert_element_type3A_19 = arith.sitofp %convert_element_type3A : vector<80x768xi32> to vector<80x768xf32>
    %reduce_sum3A_20 = arith.constant dense<0.000000e+00> : vector<80xf32>
    %reduce_sum3A_21 = vector.multi_reduction <add>, %convert_element_type3A_19, %reduce_sum3A_20 [1] : vector<80x768xf32> to vector<80xf32>
    %broadcast_in_dim3A_22 = vector.shape_cast %reduce_sum3A_21 : vector<80xf32> to vector<80x1xf32>
    %dot_general3A = arith.constant dense<0.000000e+00> : vector<80x256xf32>
    %dot_general3A_23 = tpu.matmul %convert_element_type3A_19, %get3A_6, %dot_general3A {dimension_numbers = #tpu.dot_dimension_numbers<[1], [0], [0], [1], [0, 0, 1, 1], [], []>, transpose_lhs_hint = false} : vector<80x768xf32>, vector<768x256xf32>, vector<80x256xf32> -> vector<80x256xf32>
    %max3A_24 = arith.constant 1.000000e+00 : f32
    %max3A_25 = vector.broadcast %max3A_24 : f32 to vector<80x1xf32>
    %max3A_26 = arith.maximumf %broadcast_in_dim3A_22, %max3A_25 : vector<80x1xf32>
    %div3A_27 = vector.broadcast %max3A_26 : vector<80x1xf32> to vector<80x256xf32>
    %div3A_28 = arith.divf %dot_general3A_23, %div3A_27 : vector<80x256xf32>
    %mul3A_29 = arith.mulf %div3A_28, %div3A_28 : vector<80x256xf32>
    %reduce_sum3A_30 = arith.constant dense<0.000000e+00> : vector<80xf32>
    %reduce_sum3A_31 = vector.multi_reduction <add>, %mul3A_29, %reduce_sum3A_30 [1] : vector<80x256xf32> to vector<80xf32>
    %broadcast_in_dim3A_32 = vector.shape_cast %reduce_sum3A_31 : vector<80xf32> to vector<80x1xf32>
    %sqrt3A_33 = math.sqrt %broadcast_in_dim3A_32 : vector<80x1xf32>
    %max3A_34 = arith.constant 9.99999997E-7 : f32
    %max3A_35 = vector.broadcast %max3A_34 : f32 to vector<80x1xf32>
    %max3A_36 = arith.maximumf %sqrt3A_33, %max3A_35 : vector<80x1xf32>
    %div3A_37 = vector.broadcast %max3A_36 : vector<80x1xf32> to vector<80x256xf32>
    %div3A_38 = arith.divf %div3A_28, %div3A_37 : vector<80x256xf32>
    %get3A_39 = arith.constant 0 : index
    %get3A_40 = arith.constant 0 : index
    %get3A_41 = vector.load %arg3[%get3A_39, %get3A_40] : memref<80x256xf32, #tpu.memory_space<vmem>>, vector<80x256xf32>
    %mul3A_42 = arith.constant 0.899999976 : f32
    %mul3A_43 = vector.broadcast %mul3A_42 : f32 to vector<80x256xf32>
    %mul3A_44 = arith.mulf %mul3A_43, %get3A_41 : vector<80x256xf32>
    %mul3A_45 = arith.constant 1.000000e-01 : f32
    %mul3A_46 = vector.broadcast %mul3A_45 : f32 to vector<80x256xf32>
    %mul3A_47 = arith.mulf %mul3A_46, %div3A_38 : vector<80x256xf32>
    %add3A = arith.addf %mul3A_44, %mul3A_47 : vector<80x256xf32>
    %mul3A_48 = arith.mulf %add3A, %add3A : vector<80x256xf32>
    %reduce_sum3A_49 = arith.constant dense<0.000000e+00> : vector<80xf32>
    %reduce_sum3A_50 = vector.multi_reduction <add>, %mul3A_48, %reduce_sum3A_49 [1] : vector<80x256xf32> to vector<80xf32>
    %broadcast_in_dim3A_51 = vector.shape_cast %reduce_sum3A_50 : vector<80xf32> to vector<80x1xf32>
    %sqrt3A_52 = math.sqrt %broadcast_in_dim3A_51 : vector<80x1xf32>
    %max3A_53 = arith.constant 9.99999997E-7 : f32
    %max3A_54 = vector.broadcast %max3A_53 : f32 to vector<80x1xf32>
    %max3A_55 = arith.maximumf %sqrt3A_52, %max3A_54 : vector<80x1xf32>
    %div3A_56 = vector.broadcast %max3A_55 : vector<80x1xf32> to vector<80x256xf32>
    %div3A_57 = arith.divf %add3A, %div3A_56 : vector<80x256xf32>
    %gt3A = arith.constant 0.000000e+00 : f32
    %gt3A_58 = vector.broadcast %gt3A : f32 to vector<80x1xf32>
    %gt3A_59 = arith.cmpf ogt, %broadcast_in_dim3A_22, %gt3A_58 : vector<80x1xf32>
    %broadcast_in_dim3A_60 = vector.shape_cast %gt3A_59 : vector<80x1xi1> to vector<80x1xi1>
    %broadcast_in_dim3A_61 = vector.broadcast %broadcast_in_dim3A_60 : vector<80x1xi1> to vector<80x256xi1>
    %select_n3A = arith.select %broadcast_in_dim3A_61, %div3A_57, %get3A_41 : vector<80x256xi1>, vector<80x256xf32>
    %mul3A_62 = arith.mulf %select_n3A, %select_n3A : vector<80x256xf32>
    %reduce_sum3A_63 = arith.constant dense<0.000000e+00> : vector<80xf32>
    %reduce_sum3A_64 = vector.multi_reduction <add>, %mul3A_62, %reduce_sum3A_63 [1] : vector<80x256xf32> to vector<80xf32>
    %broadcast_in_dim3A_65 = vector.shape_cast %reduce_sum3A_64 : vector<80xf32> to vector<80x1xf32>
    %sqrt3A_66 = math.sqrt %broadcast_in_dim3A_65 : vector<80x1xf32>
    %max3A_67 = arith.constant 9.99999997E-7 : f32
    %max3A_68 = vector.broadcast %max3A_67 : f32 to vector<80x1xf32>
    %max3A_69 = arith.maximumf %sqrt3A_66, %max3A_68 : vector<80x1xf32>
    %div3A_70 = vector.broadcast %max3A_69 : vector<80x1xf32> to vector<80x256xf32>
    %div3A_71 = arith.divf %select_n3A, %div3A_70 : vector<80x256xf32>
    %dot_general3A_72 = arith.constant dense<0.000000e+00> : vector<80x768xf32>
    %dot_general3A_73 = tpu.matmul %div3A_71, %div3A_12, %dot_general3A_72 {dimension_numbers = #tpu.dot_dimension_numbers<[1], [1], [0], [0], [0, 0, 1, 0], [], []>, transpose_lhs_hint = false} : vector<80x256xf32>, vector<768x256xf32>, vector<80x768xf32> -> vector<80x768xf32>
    %div3A_74 = arith.constant 1.000000e-01 : f32
    %div3A_75 = vector.broadcast %div3A_74 : f32 to vector<80x768xf32>
    %div3A_76 = arith.divf %dot_general3A_73, %div3A_75 : vector<80x768xf32>
    %jit3A = arith.constant -1.000000e+30 : f32
    %broadcast_in_dim3A_77 = vector.shape_cast %ge3A_17 : vector<1x768xi1> to vector<1x768xi1>
    %broadcast_in_dim3A_78 = vector.broadcast %broadcast_in_dim3A_77 : vector<1x768xi1> to vector<80x768xi1>
    %broadcast_in_dim3A_79 = vector.broadcast %jit3A : f32 to vector<80x768xf32>
    %select_n3A_80 = arith.select %broadcast_in_dim3A_78, %div3A_76, %broadcast_in_dim3A_79 : vector<80x768xi1>, vector<80x768xf32>
    %reduce_max3A = arith.constant dense<0xFF800000> : vector<80xf32>
    %reduce_max3A_81 = vector.multi_reduction <maximumf>, %select_n3A_80, %reduce_max3A [1] : vector<80x768xf32> to vector<80xf32>
    %broadcast_in_dim3A_82 = vector.shape_cast %reduce_max3A_81 : vector<80xf32> to vector<80x1xf32>
    %sub3A = vector.broadcast %broadcast_in_dim3A_82 : vector<80x1xf32> to vector<80x768xf32>
    %sub3A_83 = arith.subf %select_n3A_80, %sub3A : vector<80x768xf32>
    %exp3A = math.exp %sub3A_83 : vector<80x768xf32>
    %reduce_sum3A_84 = arith.constant dense<0.000000e+00> : vector<80xf32>
    %reduce_sum3A_85 = vector.multi_reduction <add>, %exp3A, %reduce_sum3A_84 [1] : vector<80x768xf32> to vector<80xf32>
    %broadcast_in_dim3A_86 = vector.shape_cast %reduce_sum3A_85 : vector<80xf32> to vector<80x1xf32>
    %log3A = math.log %broadcast_in_dim3A_86 : vector<80x1xf32>
    %add3A_87 = arith.addf %log3A, %broadcast_in_dim3A_82 : vector<80x1xf32>
    %sub3A_88 = vector.broadcast %add3A_87 : vector<80x1xf32> to vector<80x768xf32>
    %sub3A_89 = arith.subf %select_n3A_80, %sub3A_88 : vector<80x768xf32>
    %mul3A_90 = arith.mulf %sub3A_89, %convert_element_type3A_19 : vector<80x768xf32>
    %reduce_sum3A_91 = arith.constant dense<0.000000e+00> : vector<80xf32>
    %reduce_sum3A_92 = vector.multi_reduction <add>, %mul3A_90, %reduce_sum3A_91 [1] : vector<80x768xf32> to vector<80xf32>
    %broadcast_in_dim3A_93 = vector.shape_cast %reduce_sum3A_92 : vector<80xf32> to vector<80x1xf32>
    %neg3A = arith.constant 0.000000e+00 : f32
    %neg3A_94 = vector.broadcast %neg3A : f32 to vector<80x1xf32>
    %neg3A_95 = arith.subf %neg3A_94, %broadcast_in_dim3A_93 : vector<80x1xf32>
    %max3A_96 = arith.constant 1.000000e+00 : f32
    %max3A_97 = vector.broadcast %max3A_96 : f32 to vector<80x1xf32>
    %max3A_98 = arith.maximumf %broadcast_in_dim3A_22, %max3A_97 : vector<80x1xf32>
    %div3A_99 = arith.divf %neg3A_95, %max3A_98 : vector<80x1xf32>
    %gt3A_100 = arith.constant 0.000000e+00 : f32
    %gt3A_101 = vector.broadcast %gt3A_100 : f32 to vector<80x1xf32>
    %gt3A_102 = arith.cmpf ogt, %broadcast_in_dim3A_22, %gt3A_101 : vector<80x1xf32>
    %convert_element_type3A_103 = arith.extui %gt3A_102 : vector<80x1xi1> to vector<80x1xi32>
    %convert_element_type3A_104 = arith.sitofp %convert_element_type3A_103 : vector<80x1xi32> to vector<80x1xf32>
    %mul3A_105 = arith.mulf %div3A_99, %convert_element_type3A_104 : vector<80x1xf32>
    %reduce_sum3A_106 = vector.shape_cast %mul3A_105 : vector<80x1xf32> to vector<1x80x1xf32>
    %reduce_sum3A_107 = arith.constant dense<0.000000e+00> : vector<1xf32>
    %reduce_sum3A_108 = vector.multi_reduction <add>, %reduce_sum3A_106, %reduce_sum3A_107 [1, 2] : vector<1x80x1xf32> to vector<1xf32>
    %reduce_sum3A_109 = vector.shape_cast %reduce_sum3A_108 : vector<1xf32> to vector<1x1x1xf32>
    %reduce_sum3A_110 = vector.extract %reduce_sum3A_109[0, 0, 0] : f32 from vector<1x1x1xf32>
    %reduce_sum3A_111 = vector.shape_cast %convert_element_type3A_104 : vector<80x1xf32> to vector<1x80x1xf32>
    %reduce_sum3A_112 = arith.constant dense<0.000000e+00> : vector<1xf32>
    %reduce_sum3A_113 = vector.multi_reduction <add>, %reduce_sum3A_111, %reduce_sum3A_112 [1, 2] : vector<1x80x1xf32> to vector<1xf32>
    %reduce_sum3A_114 = vector.shape_cast %reduce_sum3A_113 : vector<1xf32> to vector<1x1x1xf32>
    %reduce_sum3A_115 = vector.extract %reduce_sum3A_114[0, 0, 0] : f32 from vector<1x1x1xf32>
    %max3A_116 = arith.constant 1.000000e+00 : f32
    %max3A_117 = arith.maximumf %reduce_sum3A_115, %max3A_116 : f32
    %div3A_118 = arith.divf %reduce_sum3A_110, %max3A_117 : f32
    %mul3A_119 = arith.constant 2.000000e+00 : f32
    %mul3A_120 = arith.mulf %mul3A_119, %div3A : f32
    %mul3A_121 = arith.constant 5.000000e-01 : f32
    %mul3A_122 = arith.mulf %mul3A_121, %div3A_118 : f32
    %add3A_123 = arith.addf %mul3A_120, %mul3A_122 : f32
    %swap3A = arith.constant 0 : index
    %swap3A_124 = arith.constant 0 : index
    %swap3A_125 = memref.load %arg4[%swap3A, %swap3A_124] : memref<1x1xf32, #tpu.memory_space<smem>>
    memref.store %add3A_123, %arg4[%swap3A, %swap3A_124] : memref<1x1xf32, #tpu.memory_space<smem>>
    return
  }
}

module attributes {stable_mosaic.version = 14 : i64} {
  func.func @_dense_body(%arg0: i32, %arg1: memref<81x8x900xf32, #tpu.memory_space<vmem>>, %arg2: memref<20x32xi32, #tpu.memory_space<smem>>, %arg3: memref<20x32xi32, #tpu.memory_space<smem>>, %arg4: memref<8x20xi32, #tpu.memory_space<vmem>>, %arg5: memref<1x1xf32, #tpu.memory_space<smem>>, %arg6: memref<1x1xf32, #tpu.memory_space<smem>>) attributes {dimension_semantics = [#tpu.dimension_semantics<arbitrary>], iteration_bounds = array<i64: 4>, scalar_prefetch = 0 : i64, scratch_operands = 1 : i64, tpu.core_type = #tpu.core_type<tc>, window_params = [{transform_indices = @transform_0, window_bounds = array<i64: 81, 8, 900>}, {transform_indices = @transform_1, window_bounds = array<i64: 20, 32>}, {transform_indices = @transform_2, window_bounds = array<i64: 20, 32>}, {transform_indices = @transform_3, window_bounds = array<i64: 8, 20>}, {transform_indices = @transform_4, window_bounds = array<i64: 1, 1>}]} {
    %get3A = arith.constant 0 : index
    %get3A_0 = arith.constant 0 : index
    %get3A_1 = arith.constant 0 : index
    %get3A_2 = vector.load %arg1[%get3A, %get3A_0, %get3A_1] : memref<81x8x900xf32, #tpu.memory_space<vmem>>, vector<81x8x900xf32>
    %abs3A = math.absf %get3A_2 : vector<81x8x900xf32>
    %neg3A = arith.constant 0.000000e+00 : f32
    %neg3A_3 = vector.broadcast %neg3A : f32 to vector<81x8x900xf32>
    %neg3A_4 = arith.subf %neg3A_3, %abs3A : vector<81x8x900xf32>
    %exp3A = math.exp %neg3A_4 : vector<81x8x900xf32>
    %add3A = arith.constant 1.000000e+00 : f32
    %add3A_5 = vector.broadcast %add3A : f32 to vector<81x8x900xf32>
    %add3A_6 = arith.addf %add3A_5, %exp3A : vector<81x8x900xf32>
    %log3A = math.log %add3A_6 : vector<81x8x900xf32>
    %add3A_7 = arith.constant 1.000000e+00 : f32
    %add3A_8 = vector.broadcast %add3A_7 : f32 to vector<81x8x900xf32>
    %add3A_9 = arith.addf %add3A_8, %exp3A : vector<81x8x900xf32>
    %div3A = arith.constant 1.000000e+00 : f32
    %div3A_10 = vector.broadcast %div3A : f32 to vector<81x8x900xf32>
    %div3A_11 = arith.divf %div3A_10, %add3A_9 : vector<81x8x900xf32>
    %ge3A = arith.constant 0.000000e+00 : f32
    %ge3A_12 = vector.broadcast %ge3A : f32 to vector<81x8x900xf32>
    %ge3A_13 = arith.cmpf oge, %get3A_2, %ge3A_12 : vector<81x8x900xf32>
    %sub3A = arith.constant 1.000000e+00 : f32
    %sub3A_14 = vector.broadcast %sub3A : f32 to vector<81x8x900xf32>
    %sub3A_15 = arith.subf %sub3A_14, %div3A_11 : vector<81x8x900xf32>
    %select_n3A = arith.select %ge3A_13, %div3A_11, %sub3A_15 : vector<81x8x900xi1>, vector<81x8x900xf32>
    %max3A = arith.constant 0.000000e+00 : f32
    %max3A_16 = vector.broadcast %max3A : f32 to vector<81x8x900xf32>
    %max3A_17 = arith.maximumf %get3A_2, %max3A_16 : vector<81x8x900xf32>
    %add3A_18 = arith.addf %max3A_17, %log3A : vector<81x8x900xf32>
    %mul3A = arith.mulf %select_n3A, %select_n3A : vector<81x8x900xf32>
    %mul3A_19 = arith.mulf %mul3A, %add3A_18 : vector<81x8x900xf32>
    %reduce_sum3A = vector.shape_cast %mul3A_19 : vector<81x8x900xf32> to vector<1x81x8x900xf32>
    %reduce_sum3A_20 = arith.constant dense<0.000000e+00> : vector<1xf32>
    %reduce_sum3A_21 = vector.multi_reduction <add>, %reduce_sum3A, %reduce_sum3A_20 [1, 2, 3] : vector<1x81x8x900xf32> to vector<1xf32>
    %reduce_sum3A_22 = vector.shape_cast %reduce_sum3A_21 : vector<1xf32> to vector<1x1x1x1xf32>
    %reduce_sum3A_23 = vector.extract %reduce_sum3A_22[0, 0, 0, 0] : f32 from vector<1x1x1x1xf32>
    %iota3A = tpu.iota {dimensions = array<i32: 1>} : vector<1x900xi32>
    %iota3A_24 = tpu.iota {dimensions = array<i32: 1>} : vector<8x128xi32>
    %iota3A_25 = tpu.iota {dimensions = array<i32: 0>} : vector<8x128xi32>
    %broadcast_in_dim3A = arith.constant 0.000000e+00 : f32
    %broadcast_in_dim3A_26 = vector.broadcast %broadcast_in_dim3A : f32 to vector<8x128xf32>
    %mul3A_27 = arith.constant 8 : i32
    %mul3A_28 = arith.muli %arg0, %mul3A_27 : i32
    %add3A_29 = arith.constant 0 : i32
    %add3A_30 = arith.addi %mul3A_28, %add3A_29 : i32
    %get3A_31 = arith.constant 0 : index
    %get3A_32 = arith.index_cast %add3A_30 : i32 to index
    %get3A_33 = memref.load %arg2[%get3A_31, %get3A_32] : memref<20x32xi32, #tpu.memory_space<smem>>
    %get3A_34 = arith.constant 1 : index
    %get3A_35 = arith.index_cast %add3A_30 : i32 to index
    %get3A_36 = memref.load %arg2[%get3A_34, %get3A_35] : memref<20x32xi32, #tpu.memory_space<smem>>
    %get3A_37 = arith.constant 2 : index
    %get3A_38 = arith.index_cast %add3A_30 : i32 to index
    %get3A_39 = memref.load %arg2[%get3A_37, %get3A_38] : memref<20x32xi32, #tpu.memory_space<smem>>
    %get3A_40 = arith.constant 3 : index
    %get3A_41 = arith.index_cast %add3A_30 : i32 to index
    %get3A_42 = memref.load %arg2[%get3A_40, %get3A_41] : memref<20x32xi32, #tpu.memory_space<smem>>
    %get3A_43 = arith.constant 4 : index
    %get3A_44 = arith.index_cast %add3A_30 : i32 to index
    %get3A_45 = memref.load %arg2[%get3A_43, %get3A_44] : memref<20x32xi32, #tpu.memory_space<smem>>
    %get3A_46 = arith.constant 5 : index
    %get3A_47 = arith.index_cast %add3A_30 : i32 to index
    %get3A_48 = memref.load %arg2[%get3A_46, %get3A_47] : memref<20x32xi32, #tpu.memory_space<smem>>
    %get3A_49 = arith.constant 6 : index
    %get3A_50 = arith.index_cast %add3A_30 : i32 to index
    %get3A_51 = memref.load %arg2[%get3A_49, %get3A_50] : memref<20x32xi32, #tpu.memory_space<smem>>
    %get3A_52 = arith.constant 7 : index
    %get3A_53 = arith.index_cast %add3A_30 : i32 to index
    %get3A_54 = memref.load %arg2[%get3A_52, %get3A_53] : memref<20x32xi32, #tpu.memory_space<smem>>
    %get3A_55 = arith.constant 8 : index
    %get3A_56 = arith.index_cast %add3A_30 : i32 to index
    %get3A_57 = memref.load %arg2[%get3A_55, %get3A_56] : memref<20x32xi32, #tpu.memory_space<smem>>
    %get3A_58 = arith.constant 9 : index
    %get3A_59 = arith.index_cast %add3A_30 : i32 to index
    %get3A_60 = memref.load %arg2[%get3A_58, %get3A_59] : memref<20x32xi32, #tpu.memory_space<smem>>
    %get3A_61 = arith.constant 10 : index
    %get3A_62 = arith.index_cast %add3A_30 : i32 to index
    %get3A_63 = memref.load %arg2[%get3A_61, %get3A_62] : memref<20x32xi32, #tpu.memory_space<smem>>
    %get3A_64 = arith.constant 11 : index
    %get3A_65 = arith.index_cast %add3A_30 : i32 to index
    %get3A_66 = memref.load %arg2[%get3A_64, %get3A_65] : memref<20x32xi32, #tpu.memory_space<smem>>
    %get3A_67 = arith.constant 12 : index
    %get3A_68 = arith.index_cast %add3A_30 : i32 to index
    %get3A_69 = memref.load %arg2[%get3A_67, %get3A_68] : memref<20x32xi32, #tpu.memory_space<smem>>
    %get3A_70 = arith.constant 13 : index
    %get3A_71 = arith.index_cast %add3A_30 : i32 to index
    %get3A_72 = memref.load %arg2[%get3A_70, %get3A_71] : memref<20x32xi32, #tpu.memory_space<smem>>
    %get3A_73 = arith.constant 14 : index
    %get3A_74 = arith.index_cast %add3A_30 : i32 to index
    %get3A_75 = memref.load %arg2[%get3A_73, %get3A_74] : memref<20x32xi32, #tpu.memory_space<smem>>
    %get3A_76 = arith.constant 15 : index
    %get3A_77 = arith.index_cast %add3A_30 : i32 to index
    %get3A_78 = memref.load %arg2[%get3A_76, %get3A_77] : memref<20x32xi32, #tpu.memory_space<smem>>
    %get3A_79 = arith.constant 16 : index
    %get3A_80 = arith.index_cast %add3A_30 : i32 to index
    %get3A_81 = memref.load %arg2[%get3A_79, %get3A_80] : memref<20x32xi32, #tpu.memory_space<smem>>
    %get3A_82 = arith.constant 17 : index
    %get3A_83 = arith.index_cast %add3A_30 : i32 to index
    %get3A_84 = memref.load %arg2[%get3A_82, %get3A_83] : memref<20x32xi32, #tpu.memory_space<smem>>
    %get3A_85 = arith.constant 18 : index
    %get3A_86 = arith.index_cast %add3A_30 : i32 to index
    %get3A_87 = memref.load %arg2[%get3A_85, %get3A_86] : memref<20x32xi32, #tpu.memory_space<smem>>
    %get3A_88 = arith.constant 19 : index
    %get3A_89 = arith.index_cast %add3A_30 : i32 to index
    %get3A_90 = memref.load %arg2[%get3A_88, %get3A_89] : memref<20x32xi32, #tpu.memory_space<smem>>
    %get3A_91 = arith.constant 0 : index
    %get3A_92 = arith.index_cast %add3A_30 : i32 to index
    %get3A_93 = memref.load %arg3[%get3A_91, %get3A_92] : memref<20x32xi32, #tpu.memory_space<smem>>
    %get3A_94 = arith.constant 1 : index
    %get3A_95 = arith.index_cast %add3A_30 : i32 to index
    %get3A_96 = memref.load %arg3[%get3A_94, %get3A_95] : memref<20x32xi32, #tpu.memory_space<smem>>
    %get3A_97 = arith.constant 2 : index
    %get3A_98 = arith.index_cast %add3A_30 : i32 to index
    %get3A_99 = memref.load %arg3[%get3A_97, %get3A_98] : memref<20x32xi32, #tpu.memory_space<smem>>
    %get3A_100 = arith.constant 3 : index
    %get3A_101 = arith.index_cast %add3A_30 : i32 to index
    %get3A_102 = memref.load %arg3[%get3A_100, %get3A_101] : memref<20x32xi32, #tpu.memory_space<smem>>
    %get3A_103 = arith.constant 4 : index
    %get3A_104 = arith.index_cast %add3A_30 : i32 to index
    %get3A_105 = memref.load %arg3[%get3A_103, %get3A_104] : memref<20x32xi32, #tpu.memory_space<smem>>
    %get3A_106 = arith.constant 5 : index
    %get3A_107 = arith.index_cast %add3A_30 : i32 to index
    %get3A_108 = memref.load %arg3[%get3A_106, %get3A_107] : memref<20x32xi32, #tpu.memory_space<smem>>
    %get3A_109 = arith.constant 6 : index
    %get3A_110 = arith.index_cast %add3A_30 : i32 to index
    %get3A_111 = memref.load %arg3[%get3A_109, %get3A_110] : memref<20x32xi32, #tpu.memory_space<smem>>
    %get3A_112 = arith.constant 7 : index
    %get3A_113 = arith.index_cast %add3A_30 : i32 to index
    %get3A_114 = memref.load %arg3[%get3A_112, %get3A_113] : memref<20x32xi32, #tpu.memory_space<smem>>
    %get3A_115 = arith.constant 8 : index
    %get3A_116 = arith.index_cast %add3A_30 : i32 to index
    %get3A_117 = memref.load %arg3[%get3A_115, %get3A_116] : memref<20x32xi32, #tpu.memory_space<smem>>
    %get3A_118 = arith.constant 9 : index
    %get3A_119 = arith.index_cast %add3A_30 : i32 to index
    %get3A_120 = memref.load %arg3[%get3A_118, %get3A_119] : memref<20x32xi32, #tpu.memory_space<smem>>
    %get3A_121 = arith.constant 10 : index
    %get3A_122 = arith.index_cast %add3A_30 : i32 to index
    %get3A_123 = memref.load %arg3[%get3A_121, %get3A_122] : memref<20x32xi32, #tpu.memory_space<smem>>
    %get3A_124 = arith.constant 11 : index
    %get3A_125 = arith.index_cast %add3A_30 : i32 to index
    %get3A_126 = memref.load %arg3[%get3A_124, %get3A_125] : memref<20x32xi32, #tpu.memory_space<smem>>
    %get3A_127 = arith.constant 12 : index
    %get3A_128 = arith.index_cast %add3A_30 : i32 to index
    %get3A_129 = memref.load %arg3[%get3A_127, %get3A_128] : memref<20x32xi32, #tpu.memory_space<smem>>
    %get3A_130 = arith.constant 13 : index
    %get3A_131 = arith.index_cast %add3A_30 : i32 to index
    %get3A_132 = memref.load %arg3[%get3A_130, %get3A_131] : memref<20x32xi32, #tpu.memory_space<smem>>
    %get3A_133 = arith.constant 14 : index
    %get3A_134 = arith.index_cast %add3A_30 : i32 to index
    %get3A_135 = memref.load %arg3[%get3A_133, %get3A_134] : memref<20x32xi32, #tpu.memory_space<smem>>
    %get3A_136 = arith.constant 15 : index
    %get3A_137 = arith.index_cast %add3A_30 : i32 to index
    %get3A_138 = memref.load %arg3[%get3A_136, %get3A_137] : memref<20x32xi32, #tpu.memory_space<smem>>
    %get3A_139 = arith.constant 16 : index
    %get3A_140 = arith.index_cast %add3A_30 : i32 to index
    %get3A_141 = memref.load %arg3[%get3A_139, %get3A_140] : memref<20x32xi32, #tpu.memory_space<smem>>
    %get3A_142 = arith.constant 17 : index
    %get3A_143 = arith.index_cast %add3A_30 : i32 to index
    %get3A_144 = memref.load %arg3[%get3A_142, %get3A_143] : memref<20x32xi32, #tpu.memory_space<smem>>
    %get3A_145 = arith.constant 18 : index
    %get3A_146 = arith.index_cast %add3A_30 : i32 to index
    %get3A_147 = memref.load %arg3[%get3A_145, %get3A_146] : memref<20x32xi32, #tpu.memory_space<smem>>
    %get3A_148 = arith.constant 19 : index
    %get3A_149 = arith.index_cast %add3A_30 : i32 to index
    %get3A_150 = memref.load %arg3[%get3A_148, %get3A_149] : memref<20x32xi32, #tpu.memory_space<smem>>
    %get3A_151 = arith.index_cast %get3A_93 : i32 to index
    %get3A_152 = arith.constant 0 : index
    %get3A_153 = arith.constant 0 : index
    %get3A_154 = vector.load %arg1[%get3A_151, %get3A_152, %get3A_153] : memref<81x8x900xf32, #tpu.memory_space<vmem>>, vector<1x1x900xf32>
    %reshape3A = vector.shape_cast %get3A_154 : vector<1x1x900xf32> to vector<1x900xf32>
    %eq3A = vector.broadcast %get3A_33 : i32 to vector<1x900xi32>
    %eq3A_155 = arith.cmpi eq, %iota3A, %eq3A : vector<1x900xi32>
    %jit3A = arith.constant 0.000000e+00 : f32
    %broadcast_in_dim3A_156 = vector.broadcast %jit3A : f32 to vector<1x900xf32>
    %select_n3A_157 = arith.select %eq3A_155, %reshape3A, %broadcast_in_dim3A_156 : vector<1x900xi1>, vector<1x900xf32>
    %reduce_sum3A_158 = vector.shape_cast %select_n3A_157 : vector<1x900xf32> to vector<1x1x900xf32>
    %reduce_sum3A_159 = arith.constant dense<0.000000e+00> : vector<1xf32>
    %reduce_sum3A_160 = vector.multi_reduction <add>, %reduce_sum3A_158, %reduce_sum3A_159 [1, 2] : vector<1x1x900xf32> to vector<1xf32>
    %reduce_sum3A_161 = vector.shape_cast %reduce_sum3A_160 : vector<1xf32> to vector<1x1x1xf32>
    %reduce_sum3A_162 = vector.extract %reduce_sum3A_161[0, 0, 0] : f32 from vector<1x1x1xf32>
    %eq3A_163 = arith.constant 0 : i32
    %eq3A_164 = vector.broadcast %eq3A_163 : i32 to vector<8x128xi32>
    %eq3A_165 = arith.cmpi eq, %iota3A_24, %eq3A_164 : vector<8x128xi32>
    %eq3A_166 = arith.constant 0 : i32
    %eq3A_167 = vector.broadcast %eq3A_166 : i32 to vector<8x128xi32>
    %eq3A_168 = arith.cmpi eq, %iota3A_25, %eq3A_167 : vector<8x128xi32>
    %and3A = arith.andi %eq3A_165, %eq3A_168 : vector<8x128xi1>
    %broadcast_in_dim3A_169 = vector.broadcast %reduce_sum3A_162 : f32 to vector<8x128xf32>
    %select_n3A_170 = arith.select %and3A, %broadcast_in_dim3A_169, %broadcast_in_dim3A_26 : vector<8x128xi1>, vector<8x128xf32>
    %get3A_171 = arith.index_cast %get3A_96 : i32 to index
    %get3A_172 = arith.constant 0 : index
    %get3A_173 = arith.constant 0 : index
    %get3A_174 = vector.load %arg1[%get3A_171, %get3A_172, %get3A_173] : memref<81x8x900xf32, #tpu.memory_space<vmem>>, vector<1x1x900xf32>
    %reshape3A_175 = vector.shape_cast %get3A_174 : vector<1x1x900xf32> to vector<1x900xf32>
    %eq3A_176 = vector.broadcast %get3A_36 : i32 to vector<1x900xi32>
    %eq3A_177 = arith.cmpi eq, %iota3A, %eq3A_176 : vector<1x900xi32>
    %jit3A_178 = arith.constant 0.000000e+00 : f32
    %broadcast_in_dim3A_179 = vector.broadcast %jit3A_178 : f32 to vector<1x900xf32>
    %select_n3A_180 = arith.select %eq3A_177, %reshape3A_175, %broadcast_in_dim3A_179 : vector<1x900xi1>, vector<1x900xf32>
    %reduce_sum3A_181 = vector.shape_cast %select_n3A_180 : vector<1x900xf32> to vector<1x1x900xf32>
    %reduce_sum3A_182 = arith.constant dense<0.000000e+00> : vector<1xf32>
    %reduce_sum3A_183 = vector.multi_reduction <add>, %reduce_sum3A_181, %reduce_sum3A_182 [1, 2] : vector<1x1x900xf32> to vector<1xf32>
    %reduce_sum3A_184 = vector.shape_cast %reduce_sum3A_183 : vector<1xf32> to vector<1x1x1xf32>
    %reduce_sum3A_185 = vector.extract %reduce_sum3A_184[0, 0, 0] : f32 from vector<1x1x1xf32>
    %eq3A_186 = arith.constant 1 : i32
    %eq3A_187 = vector.broadcast %eq3A_186 : i32 to vector<8x128xi32>
    %eq3A_188 = arith.cmpi eq, %iota3A_24, %eq3A_187 : vector<8x128xi32>
    %eq3A_189 = arith.constant 0 : i32
    %eq3A_190 = vector.broadcast %eq3A_189 : i32 to vector<8x128xi32>
    %eq3A_191 = arith.cmpi eq, %iota3A_25, %eq3A_190 : vector<8x128xi32>
    %and3A_192 = arith.andi %eq3A_188, %eq3A_191 : vector<8x128xi1>
    %broadcast_in_dim3A_193 = vector.broadcast %reduce_sum3A_185 : f32 to vector<8x128xf32>
    %select_n3A_194 = arith.select %and3A_192, %broadcast_in_dim3A_193, %select_n3A_170 : vector<8x128xi1>, vector<8x128xf32>
    %get3A_195 = arith.index_cast %get3A_99 : i32 to index
    %get3A_196 = arith.constant 0 : index
    %get3A_197 = arith.constant 0 : index
    %get3A_198 = vector.load %arg1[%get3A_195, %get3A_196, %get3A_197] : memref<81x8x900xf32, #tpu.memory_space<vmem>>, vector<1x1x900xf32>
    %reshape3A_199 = vector.shape_cast %get3A_198 : vector<1x1x900xf32> to vector<1x900xf32>
    %eq3A_200 = vector.broadcast %get3A_39 : i32 to vector<1x900xi32>
    %eq3A_201 = arith.cmpi eq, %iota3A, %eq3A_200 : vector<1x900xi32>
    %jit3A_202 = arith.constant 0.000000e+00 : f32
    %broadcast_in_dim3A_203 = vector.broadcast %jit3A_202 : f32 to vector<1x900xf32>
    %select_n3A_204 = arith.select %eq3A_201, %reshape3A_199, %broadcast_in_dim3A_203 : vector<1x900xi1>, vector<1x900xf32>
    %reduce_sum3A_205 = vector.shape_cast %select_n3A_204 : vector<1x900xf32> to vector<1x1x900xf32>
    %reduce_sum3A_206 = arith.constant dense<0.000000e+00> : vector<1xf32>
    %reduce_sum3A_207 = vector.multi_reduction <add>, %reduce_sum3A_205, %reduce_sum3A_206 [1, 2] : vector<1x1x900xf32> to vector<1xf32>
    %reduce_sum3A_208 = vector.shape_cast %reduce_sum3A_207 : vector<1xf32> to vector<1x1x1xf32>
    %reduce_sum3A_209 = vector.extract %reduce_sum3A_208[0, 0, 0] : f32 from vector<1x1x1xf32>
    %eq3A_210 = arith.constant 2 : i32
    %eq3A_211 = vector.broadcast %eq3A_210 : i32 to vector<8x128xi32>
    %eq3A_212 = arith.cmpi eq, %iota3A_24, %eq3A_211 : vector<8x128xi32>
    %eq3A_213 = arith.constant 0 : i32
    %eq3A_214 = vector.broadcast %eq3A_213 : i32 to vector<8x128xi32>
    %eq3A_215 = arith.cmpi eq, %iota3A_25, %eq3A_214 : vector<8x128xi32>
    %and3A_216 = arith.andi %eq3A_212, %eq3A_215 : vector<8x128xi1>
    %broadcast_in_dim3A_217 = vector.broadcast %reduce_sum3A_209 : f32 to vector<8x128xf32>
    %select_n3A_218 = arith.select %and3A_216, %broadcast_in_dim3A_217, %select_n3A_194 : vector<8x128xi1>, vector<8x128xf32>
    %get3A_219 = arith.index_cast %get3A_102 : i32 to index
    %get3A_220 = arith.constant 0 : index
    %get3A_221 = arith.constant 0 : index
    %get3A_222 = vector.load %arg1[%get3A_219, %get3A_220, %get3A_221] : memref<81x8x900xf32, #tpu.memory_space<vmem>>, vector<1x1x900xf32>
    %reshape3A_223 = vector.shape_cast %get3A_222 : vector<1x1x900xf32> to vector<1x900xf32>
    %eq3A_224 = vector.broadcast %get3A_42 : i32 to vector<1x900xi32>
    %eq3A_225 = arith.cmpi eq, %iota3A, %eq3A_224 : vector<1x900xi32>
    %jit3A_226 = arith.constant 0.000000e+00 : f32
    %broadcast_in_dim3A_227 = vector.broadcast %jit3A_226 : f32 to vector<1x900xf32>
    %select_n3A_228 = arith.select %eq3A_225, %reshape3A_223, %broadcast_in_dim3A_227 : vector<1x900xi1>, vector<1x900xf32>
    %reduce_sum3A_229 = vector.shape_cast %select_n3A_228 : vector<1x900xf32> to vector<1x1x900xf32>
    %reduce_sum3A_230 = arith.constant dense<0.000000e+00> : vector<1xf32>
    %reduce_sum3A_231 = vector.multi_reduction <add>, %reduce_sum3A_229, %reduce_sum3A_230 [1, 2] : vector<1x1x900xf32> to vector<1xf32>
    %reduce_sum3A_232 = vector.shape_cast %reduce_sum3A_231 : vector<1xf32> to vector<1x1x1xf32>
    %reduce_sum3A_233 = vector.extract %reduce_sum3A_232[0, 0, 0] : f32 from vector<1x1x1xf32>
    %eq3A_234 = arith.constant 3 : i32
    %eq3A_235 = vector.broadcast %eq3A_234 : i32 to vector<8x128xi32>
    %eq3A_236 = arith.cmpi eq, %iota3A_24, %eq3A_235 : vector<8x128xi32>
    %eq3A_237 = arith.constant 0 : i32
    %eq3A_238 = vector.broadcast %eq3A_237 : i32 to vector<8x128xi32>
    %eq3A_239 = arith.cmpi eq, %iota3A_25, %eq3A_238 : vector<8x128xi32>
    %and3A_240 = arith.andi %eq3A_236, %eq3A_239 : vector<8x128xi1>
    %broadcast_in_dim3A_241 = vector.broadcast %reduce_sum3A_233 : f32 to vector<8x128xf32>
    %select_n3A_242 = arith.select %and3A_240, %broadcast_in_dim3A_241, %select_n3A_218 : vector<8x128xi1>, vector<8x128xf32>
    %get3A_243 = arith.index_cast %get3A_105 : i32 to index
    %get3A_244 = arith.constant 0 : index
    %get3A_245 = arith.constant 0 : index
    %get3A_246 = vector.load %arg1[%get3A_243, %get3A_244, %get3A_245] : memref<81x8x900xf32, #tpu.memory_space<vmem>>, vector<1x1x900xf32>
    %reshape3A_247 = vector.shape_cast %get3A_246 : vector<1x1x900xf32> to vector<1x900xf32>
    %eq3A_248 = vector.broadcast %get3A_45 : i32 to vector<1x900xi32>
    %eq3A_249 = arith.cmpi eq, %iota3A, %eq3A_248 : vector<1x900xi32>
    %jit3A_250 = arith.constant 0.000000e+00 : f32
    %broadcast_in_dim3A_251 = vector.broadcast %jit3A_250 : f32 to vector<1x900xf32>
    %select_n3A_252 = arith.select %eq3A_249, %reshape3A_247, %broadcast_in_dim3A_251 : vector<1x900xi1>, vector<1x900xf32>
    %reduce_sum3A_253 = vector.shape_cast %select_n3A_252 : vector<1x900xf32> to vector<1x1x900xf32>
    %reduce_sum3A_254 = arith.constant dense<0.000000e+00> : vector<1xf32>
    %reduce_sum3A_255 = vector.multi_reduction <add>, %reduce_sum3A_253, %reduce_sum3A_254 [1, 2] : vector<1x1x900xf32> to vector<1xf32>
    %reduce_sum3A_256 = vector.shape_cast %reduce_sum3A_255 : vector<1xf32> to vector<1x1x1xf32>
    %reduce_sum3A_257 = vector.extract %reduce_sum3A_256[0, 0, 0] : f32 from vector<1x1x1xf32>
    %eq3A_258 = arith.constant 4 : i32
    %eq3A_259 = vector.broadcast %eq3A_258 : i32 to vector<8x128xi32>
    %eq3A_260 = arith.cmpi eq, %iota3A_24, %eq3A_259 : vector<8x128xi32>
    %eq3A_261 = arith.constant 0 : i32
    %eq3A_262 = vector.broadcast %eq3A_261 : i32 to vector<8x128xi32>
    %eq3A_263 = arith.cmpi eq, %iota3A_25, %eq3A_262 : vector<8x128xi32>
    %and3A_264 = arith.andi %eq3A_260, %eq3A_263 : vector<8x128xi1>
    %broadcast_in_dim3A_265 = vector.broadcast %reduce_sum3A_257 : f32 to vector<8x128xf32>
    %select_n3A_266 = arith.select %and3A_264, %broadcast_in_dim3A_265, %select_n3A_242 : vector<8x128xi1>, vector<8x128xf32>
    %get3A_267 = arith.index_cast %get3A_108 : i32 to index
    %get3A_268 = arith.constant 0 : index
    %get3A_269 = arith.constant 0 : index
    %get3A_270 = vector.load %arg1[%get3A_267, %get3A_268, %get3A_269] : memref<81x8x900xf32, #tpu.memory_space<vmem>>, vector<1x1x900xf32>
    %reshape3A_271 = vector.shape_cast %get3A_270 : vector<1x1x900xf32> to vector<1x900xf32>
    %eq3A_272 = vector.broadcast %get3A_48 : i32 to vector<1x900xi32>
    %eq3A_273 = arith.cmpi eq, %iota3A, %eq3A_272 : vector<1x900xi32>
    %jit3A_274 = arith.constant 0.000000e+00 : f32
    %broadcast_in_dim3A_275 = vector.broadcast %jit3A_274 : f32 to vector<1x900xf32>
    %select_n3A_276 = arith.select %eq3A_273, %reshape3A_271, %broadcast_in_dim3A_275 : vector<1x900xi1>, vector<1x900xf32>
    %reduce_sum3A_277 = vector.shape_cast %select_n3A_276 : vector<1x900xf32> to vector<1x1x900xf32>
    %reduce_sum3A_278 = arith.constant dense<0.000000e+00> : vector<1xf32>
    %reduce_sum3A_279 = vector.multi_reduction <add>, %reduce_sum3A_277, %reduce_sum3A_278 [1, 2] : vector<1x1x900xf32> to vector<1xf32>
    %reduce_sum3A_280 = vector.shape_cast %reduce_sum3A_279 : vector<1xf32> to vector<1x1x1xf32>
    %reduce_sum3A_281 = vector.extract %reduce_sum3A_280[0, 0, 0] : f32 from vector<1x1x1xf32>
    %eq3A_282 = arith.constant 5 : i32
    %eq3A_283 = vector.broadcast %eq3A_282 : i32 to vector<8x128xi32>
    %eq3A_284 = arith.cmpi eq, %iota3A_24, %eq3A_283 : vector<8x128xi32>
    %eq3A_285 = arith.constant 0 : i32
    %eq3A_286 = vector.broadcast %eq3A_285 : i32 to vector<8x128xi32>
    %eq3A_287 = arith.cmpi eq, %iota3A_25, %eq3A_286 : vector<8x128xi32>
    %and3A_288 = arith.andi %eq3A_284, %eq3A_287 : vector<8x128xi1>
    %broadcast_in_dim3A_289 = vector.broadcast %reduce_sum3A_281 : f32 to vector<8x128xf32>
    %select_n3A_290 = arith.select %and3A_288, %broadcast_in_dim3A_289, %select_n3A_266 : vector<8x128xi1>, vector<8x128xf32>
    %get3A_291 = arith.index_cast %get3A_111 : i32 to index
    %get3A_292 = arith.constant 0 : index
    %get3A_293 = arith.constant 0 : index
    %get3A_294 = vector.load %arg1[%get3A_291, %get3A_292, %get3A_293] : memref<81x8x900xf32, #tpu.memory_space<vmem>>, vector<1x1x900xf32>
    %reshape3A_295 = vector.shape_cast %get3A_294 : vector<1x1x900xf32> to vector<1x900xf32>
    %eq3A_296 = vector.broadcast %get3A_51 : i32 to vector<1x900xi32>
    %eq3A_297 = arith.cmpi eq, %iota3A, %eq3A_296 : vector<1x900xi32>
    %jit3A_298 = arith.constant 0.000000e+00 : f32
    %broadcast_in_dim3A_299 = vector.broadcast %jit3A_298 : f32 to vector<1x900xf32>
    %select_n3A_300 = arith.select %eq3A_297, %reshape3A_295, %broadcast_in_dim3A_299 : vector<1x900xi1>, vector<1x900xf32>
    %reduce_sum3A_301 = vector.shape_cast %select_n3A_300 : vector<1x900xf32> to vector<1x1x900xf32>
    %reduce_sum3A_302 = arith.constant dense<0.000000e+00> : vector<1xf32>
    %reduce_sum3A_303 = vector.multi_reduction <add>, %reduce_sum3A_301, %reduce_sum3A_302 [1, 2] : vector<1x1x900xf32> to vector<1xf32>
    %reduce_sum3A_304 = vector.shape_cast %reduce_sum3A_303 : vector<1xf32> to vector<1x1x1xf32>
    %reduce_sum3A_305 = vector.extract %reduce_sum3A_304[0, 0, 0] : f32 from vector<1x1x1xf32>
    %eq3A_306 = arith.constant 6 : i32
    %eq3A_307 = vector.broadcast %eq3A_306 : i32 to vector<8x128xi32>
    %eq3A_308 = arith.cmpi eq, %iota3A_24, %eq3A_307 : vector<8x128xi32>
    %eq3A_309 = arith.constant 0 : i32
    %eq3A_310 = vector.broadcast %eq3A_309 : i32 to vector<8x128xi32>
    %eq3A_311 = arith.cmpi eq, %iota3A_25, %eq3A_310 : vector<8x128xi32>
    %and3A_312 = arith.andi %eq3A_308, %eq3A_311 : vector<8x128xi1>
    %broadcast_in_dim3A_313 = vector.broadcast %reduce_sum3A_305 : f32 to vector<8x128xf32>
    %select_n3A_314 = arith.select %and3A_312, %broadcast_in_dim3A_313, %select_n3A_290 : vector<8x128xi1>, vector<8x128xf32>
    %get3A_315 = arith.index_cast %get3A_114 : i32 to index
    %get3A_316 = arith.constant 0 : index
    %get3A_317 = arith.constant 0 : index
    %get3A_318 = vector.load %arg1[%get3A_315, %get3A_316, %get3A_317] : memref<81x8x900xf32, #tpu.memory_space<vmem>>, vector<1x1x900xf32>
    %reshape3A_319 = vector.shape_cast %get3A_318 : vector<1x1x900xf32> to vector<1x900xf32>
    %eq3A_320 = vector.broadcast %get3A_54 : i32 to vector<1x900xi32>
    %eq3A_321 = arith.cmpi eq, %iota3A, %eq3A_320 : vector<1x900xi32>
    %jit3A_322 = arith.constant 0.000000e+00 : f32
    %broadcast_in_dim3A_323 = vector.broadcast %jit3A_322 : f32 to vector<1x900xf32>
    %select_n3A_324 = arith.select %eq3A_321, %reshape3A_319, %broadcast_in_dim3A_323 : vector<1x900xi1>, vector<1x900xf32>
    %reduce_sum3A_325 = vector.shape_cast %select_n3A_324 : vector<1x900xf32> to vector<1x1x900xf32>
    %reduce_sum3A_326 = arith.constant dense<0.000000e+00> : vector<1xf32>
    %reduce_sum3A_327 = vector.multi_reduction <add>, %reduce_sum3A_325, %reduce_sum3A_326 [1, 2] : vector<1x1x900xf32> to vector<1xf32>
    %reduce_sum3A_328 = vector.shape_cast %reduce_sum3A_327 : vector<1xf32> to vector<1x1x1xf32>
    %reduce_sum3A_329 = vector.extract %reduce_sum3A_328[0, 0, 0] : f32 from vector<1x1x1xf32>
    %eq3A_330 = arith.constant 7 : i32
    %eq3A_331 = vector.broadcast %eq3A_330 : i32 to vector<8x128xi32>
    %eq3A_332 = arith.cmpi eq, %iota3A_24, %eq3A_331 : vector<8x128xi32>
    %eq3A_333 = arith.constant 0 : i32
    %eq3A_334 = vector.broadcast %eq3A_333 : i32 to vector<8x128xi32>
    %eq3A_335 = arith.cmpi eq, %iota3A_25, %eq3A_334 : vector<8x128xi32>
    %and3A_336 = arith.andi %eq3A_332, %eq3A_335 : vector<8x128xi1>
    %broadcast_in_dim3A_337 = vector.broadcast %reduce_sum3A_329 : f32 to vector<8x128xf32>
    %select_n3A_338 = arith.select %and3A_336, %broadcast_in_dim3A_337, %select_n3A_314 : vector<8x128xi1>, vector<8x128xf32>
    %get3A_339 = arith.index_cast %get3A_117 : i32 to index
    %get3A_340 = arith.constant 0 : index
    %get3A_341 = arith.constant 0 : index
    %get3A_342 = vector.load %arg1[%get3A_339, %get3A_340, %get3A_341] : memref<81x8x900xf32, #tpu.memory_space<vmem>>, vector<1x1x900xf32>
    %reshape3A_343 = vector.shape_cast %get3A_342 : vector<1x1x900xf32> to vector<1x900xf32>
    %eq3A_344 = vector.broadcast %get3A_57 : i32 to vector<1x900xi32>
    %eq3A_345 = arith.cmpi eq, %iota3A, %eq3A_344 : vector<1x900xi32>
    %jit3A_346 = arith.constant 0.000000e+00 : f32
    %broadcast_in_dim3A_347 = vector.broadcast %jit3A_346 : f32 to vector<1x900xf32>
    %select_n3A_348 = arith.select %eq3A_345, %reshape3A_343, %broadcast_in_dim3A_347 : vector<1x900xi1>, vector<1x900xf32>
    %reduce_sum3A_349 = vector.shape_cast %select_n3A_348 : vector<1x900xf32> to vector<1x1x900xf32>
    %reduce_sum3A_350 = arith.constant dense<0.000000e+00> : vector<1xf32>
    %reduce_sum3A_351 = vector.multi_reduction <add>, %reduce_sum3A_349, %reduce_sum3A_350 [1, 2] : vector<1x1x900xf32> to vector<1xf32>
    %reduce_sum3A_352 = vector.shape_cast %reduce_sum3A_351 : vector<1xf32> to vector<1x1x1xf32>
    %reduce_sum3A_353 = vector.extract %reduce_sum3A_352[0, 0, 0] : f32 from vector<1x1x1xf32>
    %eq3A_354 = arith.constant 8 : i32
    %eq3A_355 = vector.broadcast %eq3A_354 : i32 to vector<8x128xi32>
    %eq3A_356 = arith.cmpi eq, %iota3A_24, %eq3A_355 : vector<8x128xi32>
    %eq3A_357 = arith.constant 0 : i32
    %eq3A_358 = vector.broadcast %eq3A_357 : i32 to vector<8x128xi32>
    %eq3A_359 = arith.cmpi eq, %iota3A_25, %eq3A_358 : vector<8x128xi32>
    %and3A_360 = arith.andi %eq3A_356, %eq3A_359 : vector<8x128xi1>
    %broadcast_in_dim3A_361 = vector.broadcast %reduce_sum3A_353 : f32 to vector<8x128xf32>
    %select_n3A_362 = arith.select %and3A_360, %broadcast_in_dim3A_361, %select_n3A_338 : vector<8x128xi1>, vector<8x128xf32>
    %get3A_363 = arith.index_cast %get3A_120 : i32 to index
    %get3A_364 = arith.constant 0 : index
    %get3A_365 = arith.constant 0 : index
    %get3A_366 = vector.load %arg1[%get3A_363, %get3A_364, %get3A_365] : memref<81x8x900xf32, #tpu.memory_space<vmem>>, vector<1x1x900xf32>
    %reshape3A_367 = vector.shape_cast %get3A_366 : vector<1x1x900xf32> to vector<1x900xf32>
    %eq3A_368 = vector.broadcast %get3A_60 : i32 to vector<1x900xi32>
    %eq3A_369 = arith.cmpi eq, %iota3A, %eq3A_368 : vector<1x900xi32>
    %jit3A_370 = arith.constant 0.000000e+00 : f32
    %broadcast_in_dim3A_371 = vector.broadcast %jit3A_370 : f32 to vector<1x900xf32>
    %select_n3A_372 = arith.select %eq3A_369, %reshape3A_367, %broadcast_in_dim3A_371 : vector<1x900xi1>, vector<1x900xf32>
    %reduce_sum3A_373 = vector.shape_cast %select_n3A_372 : vector<1x900xf32> to vector<1x1x900xf32>
    %reduce_sum3A_374 = arith.constant dense<0.000000e+00> : vector<1xf32>
    %reduce_sum3A_375 = vector.multi_reduction <add>, %reduce_sum3A_373, %reduce_sum3A_374 [1, 2] : vector<1x1x900xf32> to vector<1xf32>
    %reduce_sum3A_376 = vector.shape_cast %reduce_sum3A_375 : vector<1xf32> to vector<1x1x1xf32>
    %reduce_sum3A_377 = vector.extract %reduce_sum3A_376[0, 0, 0] : f32 from vector<1x1x1xf32>
    %eq3A_378 = arith.constant 9 : i32
    %eq3A_379 = vector.broadcast %eq3A_378 : i32 to vector<8x128xi32>
    %eq3A_380 = arith.cmpi eq, %iota3A_24, %eq3A_379 : vector<8x128xi32>
    %eq3A_381 = arith.constant 0 : i32
    %eq3A_382 = vector.broadcast %eq3A_381 : i32 to vector<8x128xi32>
    %eq3A_383 = arith.cmpi eq, %iota3A_25, %eq3A_382 : vector<8x128xi32>
    %and3A_384 = arith.andi %eq3A_380, %eq3A_383 : vector<8x128xi1>
    %broadcast_in_dim3A_385 = vector.broadcast %reduce_sum3A_377 : f32 to vector<8x128xf32>
    %select_n3A_386 = arith.select %and3A_384, %broadcast_in_dim3A_385, %select_n3A_362 : vector<8x128xi1>, vector<8x128xf32>
    %get3A_387 = arith.index_cast %get3A_123 : i32 to index
    %get3A_388 = arith.constant 0 : index
    %get3A_389 = arith.constant 0 : index
    %get3A_390 = vector.load %arg1[%get3A_387, %get3A_388, %get3A_389] : memref<81x8x900xf32, #tpu.memory_space<vmem>>, vector<1x1x900xf32>
    %reshape3A_391 = vector.shape_cast %get3A_390 : vector<1x1x900xf32> to vector<1x900xf32>
    %eq3A_392 = vector.broadcast %get3A_63 : i32 to vector<1x900xi32>
    %eq3A_393 = arith.cmpi eq, %iota3A, %eq3A_392 : vector<1x900xi32>
    %jit3A_394 = arith.constant 0.000000e+00 : f32
    %broadcast_in_dim3A_395 = vector.broadcast %jit3A_394 : f32 to vector<1x900xf32>
    %select_n3A_396 = arith.select %eq3A_393, %reshape3A_391, %broadcast_in_dim3A_395 : vector<1x900xi1>, vector<1x900xf32>
    %reduce_sum3A_397 = vector.shape_cast %select_n3A_396 : vector<1x900xf32> to vector<1x1x900xf32>
    %reduce_sum3A_398 = arith.constant dense<0.000000e+00> : vector<1xf32>
    %reduce_sum3A_399 = vector.multi_reduction <add>, %reduce_sum3A_397, %reduce_sum3A_398 [1, 2] : vector<1x1x900xf32> to vector<1xf32>
    %reduce_sum3A_400 = vector.shape_cast %reduce_sum3A_399 : vector<1xf32> to vector<1x1x1xf32>
    %reduce_sum3A_401 = vector.extract %reduce_sum3A_400[0, 0, 0] : f32 from vector<1x1x1xf32>
    %eq3A_402 = arith.constant 10 : i32
    %eq3A_403 = vector.broadcast %eq3A_402 : i32 to vector<8x128xi32>
    %eq3A_404 = arith.cmpi eq, %iota3A_24, %eq3A_403 : vector<8x128xi32>
    %eq3A_405 = arith.constant 0 : i32
    %eq3A_406 = vector.broadcast %eq3A_405 : i32 to vector<8x128xi32>
    %eq3A_407 = arith.cmpi eq, %iota3A_25, %eq3A_406 : vector<8x128xi32>
    %and3A_408 = arith.andi %eq3A_404, %eq3A_407 : vector<8x128xi1>
    %broadcast_in_dim3A_409 = vector.broadcast %reduce_sum3A_401 : f32 to vector<8x128xf32>
    %select_n3A_410 = arith.select %and3A_408, %broadcast_in_dim3A_409, %select_n3A_386 : vector<8x128xi1>, vector<8x128xf32>
    %get3A_411 = arith.index_cast %get3A_126 : i32 to index
    %get3A_412 = arith.constant 0 : index
    %get3A_413 = arith.constant 0 : index
    %get3A_414 = vector.load %arg1[%get3A_411, %get3A_412, %get3A_413] : memref<81x8x900xf32, #tpu.memory_space<vmem>>, vector<1x1x900xf32>
    %reshape3A_415 = vector.shape_cast %get3A_414 : vector<1x1x900xf32> to vector<1x900xf32>
    %eq3A_416 = vector.broadcast %get3A_66 : i32 to vector<1x900xi32>
    %eq3A_417 = arith.cmpi eq, %iota3A, %eq3A_416 : vector<1x900xi32>
    %jit3A_418 = arith.constant 0.000000e+00 : f32
    %broadcast_in_dim3A_419 = vector.broadcast %jit3A_418 : f32 to vector<1x900xf32>
    %select_n3A_420 = arith.select %eq3A_417, %reshape3A_415, %broadcast_in_dim3A_419 : vector<1x900xi1>, vector<1x900xf32>
    %reduce_sum3A_421 = vector.shape_cast %select_n3A_420 : vector<1x900xf32> to vector<1x1x900xf32>
    %reduce_sum3A_422 = arith.constant dense<0.000000e+00> : vector<1xf32>
    %reduce_sum3A_423 = vector.multi_reduction <add>, %reduce_sum3A_421, %reduce_sum3A_422 [1, 2] : vector<1x1x900xf32> to vector<1xf32>
    %reduce_sum3A_424 = vector.shape_cast %reduce_sum3A_423 : vector<1xf32> to vector<1x1x1xf32>
    %reduce_sum3A_425 = vector.extract %reduce_sum3A_424[0, 0, 0] : f32 from vector<1x1x1xf32>
    %eq3A_426 = arith.constant 11 : i32
    %eq3A_427 = vector.broadcast %eq3A_426 : i32 to vector<8x128xi32>
    %eq3A_428 = arith.cmpi eq, %iota3A_24, %eq3A_427 : vector<8x128xi32>
    %eq3A_429 = arith.constant 0 : i32
    %eq3A_430 = vector.broadcast %eq3A_429 : i32 to vector<8x128xi32>
    %eq3A_431 = arith.cmpi eq, %iota3A_25, %eq3A_430 : vector<8x128xi32>
    %and3A_432 = arith.andi %eq3A_428, %eq3A_431 : vector<8x128xi1>
    %broadcast_in_dim3A_433 = vector.broadcast %reduce_sum3A_425 : f32 to vector<8x128xf32>
    %select_n3A_434 = arith.select %and3A_432, %broadcast_in_dim3A_433, %select_n3A_410 : vector<8x128xi1>, vector<8x128xf32>
    %get3A_435 = arith.index_cast %get3A_129 : i32 to index
    %get3A_436 = arith.constant 0 : index
    %get3A_437 = arith.constant 0 : index
    %get3A_438 = vector.load %arg1[%get3A_435, %get3A_436, %get3A_437] : memref<81x8x900xf32, #tpu.memory_space<vmem>>, vector<1x1x900xf32>
    %reshape3A_439 = vector.shape_cast %get3A_438 : vector<1x1x900xf32> to vector<1x900xf32>
    %eq3A_440 = vector.broadcast %get3A_69 : i32 to vector<1x900xi32>
    %eq3A_441 = arith.cmpi eq, %iota3A, %eq3A_440 : vector<1x900xi32>
    %jit3A_442 = arith.constant 0.000000e+00 : f32
    %broadcast_in_dim3A_443 = vector.broadcast %jit3A_442 : f32 to vector<1x900xf32>
    %select_n3A_444 = arith.select %eq3A_441, %reshape3A_439, %broadcast_in_dim3A_443 : vector<1x900xi1>, vector<1x900xf32>
    %reduce_sum3A_445 = vector.shape_cast %select_n3A_444 : vector<1x900xf32> to vector<1x1x900xf32>
    %reduce_sum3A_446 = arith.constant dense<0.000000e+00> : vector<1xf32>
    %reduce_sum3A_447 = vector.multi_reduction <add>, %reduce_sum3A_445, %reduce_sum3A_446 [1, 2] : vector<1x1x900xf32> to vector<1xf32>
    %reduce_sum3A_448 = vector.shape_cast %reduce_sum3A_447 : vector<1xf32> to vector<1x1x1xf32>
    %reduce_sum3A_449 = vector.extract %reduce_sum3A_448[0, 0, 0] : f32 from vector<1x1x1xf32>
    %eq3A_450 = arith.constant 12 : i32
    %eq3A_451 = vector.broadcast %eq3A_450 : i32 to vector<8x128xi32>
    %eq3A_452 = arith.cmpi eq, %iota3A_24, %eq3A_451 : vector<8x128xi32>
    %eq3A_453 = arith.constant 0 : i32
    %eq3A_454 = vector.broadcast %eq3A_453 : i32 to vector<8x128xi32>
    %eq3A_455 = arith.cmpi eq, %iota3A_25, %eq3A_454 : vector<8x128xi32>
    %and3A_456 = arith.andi %eq3A_452, %eq3A_455 : vector<8x128xi1>
    %broadcast_in_dim3A_457 = vector.broadcast %reduce_sum3A_449 : f32 to vector<8x128xf32>
    %select_n3A_458 = arith.select %and3A_456, %broadcast_in_dim3A_457, %select_n3A_434 : vector<8x128xi1>, vector<8x128xf32>
    %get3A_459 = arith.index_cast %get3A_132 : i32 to index
    %get3A_460 = arith.constant 0 : index
    %get3A_461 = arith.constant 0 : index
    %get3A_462 = vector.load %arg1[%get3A_459, %get3A_460, %get3A_461] : memref<81x8x900xf32, #tpu.memory_space<vmem>>, vector<1x1x900xf32>
    %reshape3A_463 = vector.shape_cast %get3A_462 : vector<1x1x900xf32> to vector<1x900xf32>
    %eq3A_464 = vector.broadcast %get3A_72 : i32 to vector<1x900xi32>
    %eq3A_465 = arith.cmpi eq, %iota3A, %eq3A_464 : vector<1x900xi32>
    %jit3A_466 = arith.constant 0.000000e+00 : f32
    %broadcast_in_dim3A_467 = vector.broadcast %jit3A_466 : f32 to vector<1x900xf32>
    %select_n3A_468 = arith.select %eq3A_465, %reshape3A_463, %broadcast_in_dim3A_467 : vector<1x900xi1>, vector<1x900xf32>
    %reduce_sum3A_469 = vector.shape_cast %select_n3A_468 : vector<1x900xf32> to vector<1x1x900xf32>
    %reduce_sum3A_470 = arith.constant dense<0.000000e+00> : vector<1xf32>
    %reduce_sum3A_471 = vector.multi_reduction <add>, %reduce_sum3A_469, %reduce_sum3A_470 [1, 2] : vector<1x1x900xf32> to vector<1xf32>
    %reduce_sum3A_472 = vector.shape_cast %reduce_sum3A_471 : vector<1xf32> to vector<1x1x1xf32>
    %reduce_sum3A_473 = vector.extract %reduce_sum3A_472[0, 0, 0] : f32 from vector<1x1x1xf32>
    %eq3A_474 = arith.constant 13 : i32
    %eq3A_475 = vector.broadcast %eq3A_474 : i32 to vector<8x128xi32>
    %eq3A_476 = arith.cmpi eq, %iota3A_24, %eq3A_475 : vector<8x128xi32>
    %eq3A_477 = arith.constant 0 : i32
    %eq3A_478 = vector.broadcast %eq3A_477 : i32 to vector<8x128xi32>
    %eq3A_479 = arith.cmpi eq, %iota3A_25, %eq3A_478 : vector<8x128xi32>
    %and3A_480 = arith.andi %eq3A_476, %eq3A_479 : vector<8x128xi1>
    %broadcast_in_dim3A_481 = vector.broadcast %reduce_sum3A_473 : f32 to vector<8x128xf32>
    %select_n3A_482 = arith.select %and3A_480, %broadcast_in_dim3A_481, %select_n3A_458 : vector<8x128xi1>, vector<8x128xf32>
    %get3A_483 = arith.index_cast %get3A_135 : i32 to index
    %get3A_484 = arith.constant 0 : index
    %get3A_485 = arith.constant 0 : index
    %get3A_486 = vector.load %arg1[%get3A_483, %get3A_484, %get3A_485] : memref<81x8x900xf32, #tpu.memory_space<vmem>>, vector<1x1x900xf32>
    %reshape3A_487 = vector.shape_cast %get3A_486 : vector<1x1x900xf32> to vector<1x900xf32>
    %eq3A_488 = vector.broadcast %get3A_75 : i32 to vector<1x900xi32>
    %eq3A_489 = arith.cmpi eq, %iota3A, %eq3A_488 : vector<1x900xi32>
    %jit3A_490 = arith.constant 0.000000e+00 : f32
    %broadcast_in_dim3A_491 = vector.broadcast %jit3A_490 : f32 to vector<1x900xf32>
    %select_n3A_492 = arith.select %eq3A_489, %reshape3A_487, %broadcast_in_dim3A_491 : vector<1x900xi1>, vector<1x900xf32>
    %reduce_sum3A_493 = vector.shape_cast %select_n3A_492 : vector<1x900xf32> to vector<1x1x900xf32>
    %reduce_sum3A_494 = arith.constant dense<0.000000e+00> : vector<1xf32>
    %reduce_sum3A_495 = vector.multi_reduction <add>, %reduce_sum3A_493, %reduce_sum3A_494 [1, 2] : vector<1x1x900xf32> to vector<1xf32>
    %reduce_sum3A_496 = vector.shape_cast %reduce_sum3A_495 : vector<1xf32> to vector<1x1x1xf32>
    %reduce_sum3A_497 = vector.extract %reduce_sum3A_496[0, 0, 0] : f32 from vector<1x1x1xf32>
    %eq3A_498 = arith.constant 14 : i32
    %eq3A_499 = vector.broadcast %eq3A_498 : i32 to vector<8x128xi32>
    %eq3A_500 = arith.cmpi eq, %iota3A_24, %eq3A_499 : vector<8x128xi32>
    %eq3A_501 = arith.constant 0 : i32
    %eq3A_502 = vector.broadcast %eq3A_501 : i32 to vector<8x128xi32>
    %eq3A_503 = arith.cmpi eq, %iota3A_25, %eq3A_502 : vector<8x128xi32>
    %and3A_504 = arith.andi %eq3A_500, %eq3A_503 : vector<8x128xi1>
    %broadcast_in_dim3A_505 = vector.broadcast %reduce_sum3A_497 : f32 to vector<8x128xf32>
    %select_n3A_506 = arith.select %and3A_504, %broadcast_in_dim3A_505, %select_n3A_482 : vector<8x128xi1>, vector<8x128xf32>
    %get3A_507 = arith.index_cast %get3A_138 : i32 to index
    %get3A_508 = arith.constant 0 : index
    %get3A_509 = arith.constant 0 : index
    %get3A_510 = vector.load %arg1[%get3A_507, %get3A_508, %get3A_509] : memref<81x8x900xf32, #tpu.memory_space<vmem>>, vector<1x1x900xf32>
    %reshape3A_511 = vector.shape_cast %get3A_510 : vector<1x1x900xf32> to vector<1x900xf32>
    %eq3A_512 = vector.broadcast %get3A_78 : i32 to vector<1x900xi32>
    %eq3A_513 = arith.cmpi eq, %iota3A, %eq3A_512 : vector<1x900xi32>
    %jit3A_514 = arith.constant 0.000000e+00 : f32
    %broadcast_in_dim3A_515 = vector.broadcast %jit3A_514 : f32 to vector<1x900xf32>
    %select_n3A_516 = arith.select %eq3A_513, %reshape3A_511, %broadcast_in_dim3A_515 : vector<1x900xi1>, vector<1x900xf32>
    %reduce_sum3A_517 = vector.shape_cast %select_n3A_516 : vector<1x900xf32> to vector<1x1x900xf32>
    %reduce_sum3A_518 = arith.constant dense<0.000000e+00> : vector<1xf32>
    %reduce_sum3A_519 = vector.multi_reduction <add>, %reduce_sum3A_517, %reduce_sum3A_518 [1, 2] : vector<1x1x900xf32> to vector<1xf32>
    %reduce_sum3A_520 = vector.shape_cast %reduce_sum3A_519 : vector<1xf32> to vector<1x1x1xf32>
    %reduce_sum3A_521 = vector.extract %reduce_sum3A_520[0, 0, 0] : f32 from vector<1x1x1xf32>
    %eq3A_522 = arith.constant 15 : i32
    %eq3A_523 = vector.broadcast %eq3A_522 : i32 to vector<8x128xi32>
    %eq3A_524 = arith.cmpi eq, %iota3A_24, %eq3A_523 : vector<8x128xi32>
    %eq3A_525 = arith.constant 0 : i32
    %eq3A_526 = vector.broadcast %eq3A_525 : i32 to vector<8x128xi32>
    %eq3A_527 = arith.cmpi eq, %iota3A_25, %eq3A_526 : vector<8x128xi32>
    %and3A_528 = arith.andi %eq3A_524, %eq3A_527 : vector<8x128xi1>
    %broadcast_in_dim3A_529 = vector.broadcast %reduce_sum3A_521 : f32 to vector<8x128xf32>
    %select_n3A_530 = arith.select %and3A_528, %broadcast_in_dim3A_529, %select_n3A_506 : vector<8x128xi1>, vector<8x128xf32>
    %get3A_531 = arith.index_cast %get3A_141 : i32 to index
    %get3A_532 = arith.constant 0 : index
    %get3A_533 = arith.constant 0 : index
    %get3A_534 = vector.load %arg1[%get3A_531, %get3A_532, %get3A_533] : memref<81x8x900xf32, #tpu.memory_space<vmem>>, vector<1x1x900xf32>
    %reshape3A_535 = vector.shape_cast %get3A_534 : vector<1x1x900xf32> to vector<1x900xf32>
    %eq3A_536 = vector.broadcast %get3A_81 : i32 to vector<1x900xi32>
    %eq3A_537 = arith.cmpi eq, %iota3A, %eq3A_536 : vector<1x900xi32>
    %jit3A_538 = arith.constant 0.000000e+00 : f32
    %broadcast_in_dim3A_539 = vector.broadcast %jit3A_538 : f32 to vector<1x900xf32>
    %select_n3A_540 = arith.select %eq3A_537, %reshape3A_535, %broadcast_in_dim3A_539 : vector<1x900xi1>, vector<1x900xf32>
    %reduce_sum3A_541 = vector.shape_cast %select_n3A_540 : vector<1x900xf32> to vector<1x1x900xf32>
    %reduce_sum3A_542 = arith.constant dense<0.000000e+00> : vector<1xf32>
    %reduce_sum3A_543 = vector.multi_reduction <add>, %reduce_sum3A_541, %reduce_sum3A_542 [1, 2] : vector<1x1x900xf32> to vector<1xf32>
    %reduce_sum3A_544 = vector.shape_cast %reduce_sum3A_543 : vector<1xf32> to vector<1x1x1xf32>
    %reduce_sum3A_545 = vector.extract %reduce_sum3A_544[0, 0, 0] : f32 from vector<1x1x1xf32>
    %eq3A_546 = arith.constant 16 : i32
    %eq3A_547 = vector.broadcast %eq3A_546 : i32 to vector<8x128xi32>
    %eq3A_548 = arith.cmpi eq, %iota3A_24, %eq3A_547 : vector<8x128xi32>
    %eq3A_549 = arith.constant 0 : i32
    %eq3A_550 = vector.broadcast %eq3A_549 : i32 to vector<8x128xi32>
    %eq3A_551 = arith.cmpi eq, %iota3A_25, %eq3A_550 : vector<8x128xi32>
    %and3A_552 = arith.andi %eq3A_548, %eq3A_551 : vector<8x128xi1>
    %broadcast_in_dim3A_553 = vector.broadcast %reduce_sum3A_545 : f32 to vector<8x128xf32>
    %select_n3A_554 = arith.select %and3A_552, %broadcast_in_dim3A_553, %select_n3A_530 : vector<8x128xi1>, vector<8x128xf32>
    %get3A_555 = arith.index_cast %get3A_144 : i32 to index
    %get3A_556 = arith.constant 0 : index
    %get3A_557 = arith.constant 0 : index
    %get3A_558 = vector.load %arg1[%get3A_555, %get3A_556, %get3A_557] : memref<81x8x900xf32, #tpu.memory_space<vmem>>, vector<1x1x900xf32>
    %reshape3A_559 = vector.shape_cast %get3A_558 : vector<1x1x900xf32> to vector<1x900xf32>
    %eq3A_560 = vector.broadcast %get3A_84 : i32 to vector<1x900xi32>
    %eq3A_561 = arith.cmpi eq, %iota3A, %eq3A_560 : vector<1x900xi32>
    %jit3A_562 = arith.constant 0.000000e+00 : f32
    %broadcast_in_dim3A_563 = vector.broadcast %jit3A_562 : f32 to vector<1x900xf32>
    %select_n3A_564 = arith.select %eq3A_561, %reshape3A_559, %broadcast_in_dim3A_563 : vector<1x900xi1>, vector<1x900xf32>
    %reduce_sum3A_565 = vector.shape_cast %select_n3A_564 : vector<1x900xf32> to vector<1x1x900xf32>
    %reduce_sum3A_566 = arith.constant dense<0.000000e+00> : vector<1xf32>
    %reduce_sum3A_567 = vector.multi_reduction <add>, %reduce_sum3A_565, %reduce_sum3A_566 [1, 2] : vector<1x1x900xf32> to vector<1xf32>
    %reduce_sum3A_568 = vector.shape_cast %reduce_sum3A_567 : vector<1xf32> to vector<1x1x1xf32>
    %reduce_sum3A_569 = vector.extract %reduce_sum3A_568[0, 0, 0] : f32 from vector<1x1x1xf32>
    %eq3A_570 = arith.constant 17 : i32
    %eq3A_571 = vector.broadcast %eq3A_570 : i32 to vector<8x128xi32>
    %eq3A_572 = arith.cmpi eq, %iota3A_24, %eq3A_571 : vector<8x128xi32>
    %eq3A_573 = arith.constant 0 : i32
    %eq3A_574 = vector.broadcast %eq3A_573 : i32 to vector<8x128xi32>
    %eq3A_575 = arith.cmpi eq, %iota3A_25, %eq3A_574 : vector<8x128xi32>
    %and3A_576 = arith.andi %eq3A_572, %eq3A_575 : vector<8x128xi1>
    %broadcast_in_dim3A_577 = vector.broadcast %reduce_sum3A_569 : f32 to vector<8x128xf32>
    %select_n3A_578 = arith.select %and3A_576, %broadcast_in_dim3A_577, %select_n3A_554 : vector<8x128xi1>, vector<8x128xf32>
    %get3A_579 = arith.index_cast %get3A_147 : i32 to index
    %get3A_580 = arith.constant 0 : index
    %get3A_581 = arith.constant 0 : index
    %get3A_582 = vector.load %arg1[%get3A_579, %get3A_580, %get3A_581] : memref<81x8x900xf32, #tpu.memory_space<vmem>>, vector<1x1x900xf32>
    %reshape3A_583 = vector.shape_cast %get3A_582 : vector<1x1x900xf32> to vector<1x900xf32>
    %eq3A_584 = vector.broadcast %get3A_87 : i32 to vector<1x900xi32>
    %eq3A_585 = arith.cmpi eq, %iota3A, %eq3A_584 : vector<1x900xi32>
    %jit3A_586 = arith.constant 0.000000e+00 : f32
    %broadcast_in_dim3A_587 = vector.broadcast %jit3A_586 : f32 to vector<1x900xf32>
    %select_n3A_588 = arith.select %eq3A_585, %reshape3A_583, %broadcast_in_dim3A_587 : vector<1x900xi1>, vector<1x900xf32>
    %reduce_sum3A_589 = vector.shape_cast %select_n3A_588 : vector<1x900xf32> to vector<1x1x900xf32>
    %reduce_sum3A_590 = arith.constant dense<0.000000e+00> : vector<1xf32>
    %reduce_sum3A_591 = vector.multi_reduction <add>, %reduce_sum3A_589, %reduce_sum3A_590 [1, 2] : vector<1x1x900xf32> to vector<1xf32>
    %reduce_sum3A_592 = vector.shape_cast %reduce_sum3A_591 : vector<1xf32> to vector<1x1x1xf32>
    %reduce_sum3A_593 = vector.extract %reduce_sum3A_592[0, 0, 0] : f32 from vector<1x1x1xf32>
    %eq3A_594 = arith.constant 18 : i32
    %eq3A_595 = vector.broadcast %eq3A_594 : i32 to vector<8x128xi32>
    %eq3A_596 = arith.cmpi eq, %iota3A_24, %eq3A_595 : vector<8x128xi32>
    %eq3A_597 = arith.constant 0 : i32
    %eq3A_598 = vector.broadcast %eq3A_597 : i32 to vector<8x128xi32>
    %eq3A_599 = arith.cmpi eq, %iota3A_25, %eq3A_598 : vector<8x128xi32>
    %and3A_600 = arith.andi %eq3A_596, %eq3A_599 : vector<8x128xi1>
    %broadcast_in_dim3A_601 = vector.broadcast %reduce_sum3A_593 : f32 to vector<8x128xf32>
    %select_n3A_602 = arith.select %and3A_600, %broadcast_in_dim3A_601, %select_n3A_578 : vector<8x128xi1>, vector<8x128xf32>
    %get3A_603 = arith.index_cast %get3A_150 : i32 to index
    %get3A_604 = arith.constant 0 : index
    %get3A_605 = arith.constant 0 : index
    %get3A_606 = vector.load %arg1[%get3A_603, %get3A_604, %get3A_605] : memref<81x8x900xf32, #tpu.memory_space<vmem>>, vector<1x1x900xf32>
    %reshape3A_607 = vector.shape_cast %get3A_606 : vector<1x1x900xf32> to vector<1x900xf32>
    %eq3A_608 = vector.broadcast %get3A_90 : i32 to vector<1x900xi32>
    %eq3A_609 = arith.cmpi eq, %iota3A, %eq3A_608 : vector<1x900xi32>
    %jit3A_610 = arith.constant 0.000000e+00 : f32
    %broadcast_in_dim3A_611 = vector.broadcast %jit3A_610 : f32 to vector<1x900xf32>
    %select_n3A_612 = arith.select %eq3A_609, %reshape3A_607, %broadcast_in_dim3A_611 : vector<1x900xi1>, vector<1x900xf32>
    %reduce_sum3A_613 = vector.shape_cast %select_n3A_612 : vector<1x900xf32> to vector<1x1x900xf32>
    %reduce_sum3A_614 = arith.constant dense<0.000000e+00> : vector<1xf32>
    %reduce_sum3A_615 = vector.multi_reduction <add>, %reduce_sum3A_613, %reduce_sum3A_614 [1, 2] : vector<1x1x900xf32> to vector<1xf32>
    %reduce_sum3A_616 = vector.shape_cast %reduce_sum3A_615 : vector<1xf32> to vector<1x1x1xf32>
    %reduce_sum3A_617 = vector.extract %reduce_sum3A_616[0, 0, 0] : f32 from vector<1x1x1xf32>
    %eq3A_618 = arith.constant 19 : i32
    %eq3A_619 = vector.broadcast %eq3A_618 : i32 to vector<8x128xi32>
    %eq3A_620 = arith.cmpi eq, %iota3A_24, %eq3A_619 : vector<8x128xi32>
    %eq3A_621 = arith.constant 0 : i32
    %eq3A_622 = vector.broadcast %eq3A_621 : i32 to vector<8x128xi32>
    %eq3A_623 = arith.cmpi eq, %iota3A_25, %eq3A_622 : vector<8x128xi32>
    %and3A_624 = arith.andi %eq3A_620, %eq3A_623 : vector<8x128xi1>
    %broadcast_in_dim3A_625 = vector.broadcast %reduce_sum3A_617 : f32 to vector<8x128xf32>
    %select_n3A_626 = arith.select %and3A_624, %broadcast_in_dim3A_625, %select_n3A_602 : vector<8x128xi1>, vector<8x128xf32>
    %mul3A_627 = arith.constant 8 : i32
    %mul3A_628 = arith.muli %arg0, %mul3A_627 : i32
    %add3A_629 = arith.constant 1 : i32
    %add3A_630 = arith.addi %mul3A_628, %add3A_629 : i32
    %get3A_631 = arith.constant 0 : index
    %get3A_632 = arith.index_cast %add3A_630 : i32 to index
    %get3A_633 = memref.load %arg2[%get3A_631, %get3A_632] : memref<20x32xi32, #tpu.memory_space<smem>>
    %get3A_634 = arith.constant 1 : index
    %get3A_635 = arith.index_cast %add3A_630 : i32 to index
    %get3A_636 = memref.load %arg2[%get3A_634, %get3A_635] : memref<20x32xi32, #tpu.memory_space<smem>>
    %get3A_637 = arith.constant 2 : index
    %get3A_638 = arith.index_cast %add3A_630 : i32 to index
    %get3A_639 = memref.load %arg2[%get3A_637, %get3A_638] : memref<20x32xi32, #tpu.memory_space<smem>>
    %get3A_640 = arith.constant 3 : index
    %get3A_641 = arith.index_cast %add3A_630 : i32 to index
    %get3A_642 = memref.load %arg2[%get3A_640, %get3A_641] : memref<20x32xi32, #tpu.memory_space<smem>>
    %get3A_643 = arith.constant 4 : index
    %get3A_644 = arith.index_cast %add3A_630 : i32 to index
    %get3A_645 = memref.load %arg2[%get3A_643, %get3A_644] : memref<20x32xi32, #tpu.memory_space<smem>>
    %get3A_646 = arith.constant 5 : index
    %get3A_647 = arith.index_cast %add3A_630 : i32 to index
    %get3A_648 = memref.load %arg2[%get3A_646, %get3A_647] : memref<20x32xi32, #tpu.memory_space<smem>>
    %get3A_649 = arith.constant 6 : index
    %get3A_650 = arith.index_cast %add3A_630 : i32 to index
    %get3A_651 = memref.load %arg2[%get3A_649, %get3A_650] : memref<20x32xi32, #tpu.memory_space<smem>>
    %get3A_652 = arith.constant 7 : index
    %get3A_653 = arith.index_cast %add3A_630 : i32 to index
    %get3A_654 = memref.load %arg2[%get3A_652, %get3A_653] : memref<20x32xi32, #tpu.memory_space<smem>>
    %get3A_655 = arith.constant 8 : index
    %get3A_656 = arith.index_cast %add3A_630 : i32 to index
    %get3A_657 = memref.load %arg2[%get3A_655, %get3A_656] : memref<20x32xi32, #tpu.memory_space<smem>>
    %get3A_658 = arith.constant 9 : index
    %get3A_659 = arith.index_cast %add3A_630 : i32 to index
    %get3A_660 = memref.load %arg2[%get3A_658, %get3A_659] : memref<20x32xi32, #tpu.memory_space<smem>>
    %get3A_661 = arith.constant 10 : index
    %get3A_662 = arith.index_cast %add3A_630 : i32 to index
    %get3A_663 = memref.load %arg2[%get3A_661, %get3A_662] : memref<20x32xi32, #tpu.memory_space<smem>>
    %get3A_664 = arith.constant 11 : index
    %get3A_665 = arith.index_cast %add3A_630 : i32 to index
    %get3A_666 = memref.load %arg2[%get3A_664, %get3A_665] : memref<20x32xi32, #tpu.memory_space<smem>>
    %get3A_667 = arith.constant 12 : index
    %get3A_668 = arith.index_cast %add3A_630 : i32 to index
    %get3A_669 = memref.load %arg2[%get3A_667, %get3A_668] : memref<20x32xi32, #tpu.memory_space<smem>>
    %get3A_670 = arith.constant 13 : index
    %get3A_671 = arith.index_cast %add3A_630 : i32 to index
    %get3A_672 = memref.load %arg2[%get3A_670, %get3A_671] : memref<20x32xi32, #tpu.memory_space<smem>>
    %get3A_673 = arith.constant 14 : index
    %get3A_674 = arith.index_cast %add3A_630 : i32 to index
    %get3A_675 = memref.load %arg2[%get3A_673, %get3A_674] : memref<20x32xi32, #tpu.memory_space<smem>>
    %get3A_676 = arith.constant 15 : index
    %get3A_677 = arith.index_cast %add3A_630 : i32 to index
    %get3A_678 = memref.load %arg2[%get3A_676, %get3A_677] : memref<20x32xi32, #tpu.memory_space<smem>>
    %get3A_679 = arith.constant 16 : index
    %get3A_680 = arith.index_cast %add3A_630 : i32 to index
    %get3A_681 = memref.load %arg2[%get3A_679, %get3A_680] : memref<20x32xi32, #tpu.memory_space<smem>>
    %get3A_682 = arith.constant 17 : index
    %get3A_683 = arith.index_cast %add3A_630 : i32 to index
    %get3A_684 = memref.load %arg2[%get3A_682, %get3A_683] : memref<20x32xi32, #tpu.memory_space<smem>>
    %get3A_685 = arith.constant 18 : index
    %get3A_686 = arith.index_cast %add3A_630 : i32 to index
    %get3A_687 = memref.load %arg2[%get3A_685, %get3A_686] : memref<20x32xi32, #tpu.memory_space<smem>>
    %get3A_688 = arith.constant 19 : index
    %get3A_689 = arith.index_cast %add3A_630 : i32 to index
    %get3A_690 = memref.load %arg2[%get3A_688, %get3A_689] : memref<20x32xi32, #tpu.memory_space<smem>>
    %get3A_691 = arith.constant 0 : index
    %get3A_692 = arith.index_cast %add3A_630 : i32 to index
    %get3A_693 = memref.load %arg3[%get3A_691, %get3A_692] : memref<20x32xi32, #tpu.memory_space<smem>>
    %get3A_694 = arith.constant 1 : index
    %get3A_695 = arith.index_cast %add3A_630 : i32 to index
    %get3A_696 = memref.load %arg3[%get3A_694, %get3A_695] : memref<20x32xi32, #tpu.memory_space<smem>>
    %get3A_697 = arith.constant 2 : index
    %get3A_698 = arith.index_cast %add3A_630 : i32 to index
    %get3A_699 = memref.load %arg3[%get3A_697, %get3A_698] : memref<20x32xi32, #tpu.memory_space<smem>>
    %get3A_700 = arith.constant 3 : index
    %get3A_701 = arith.index_cast %add3A_630 : i32 to index
    %get3A_702 = memref.load %arg3[%get3A_700, %get3A_701] : memref<20x32xi32, #tpu.memory_space<smem>>
    %get3A_703 = arith.constant 4 : index
    %get3A_704 = arith.index_cast %add3A_630 : i32 to index
    %get3A_705 = memref.load %arg3[%get3A_703, %get3A_704] : memref<20x32xi32, #tpu.memory_space<smem>>
    %get3A_706 = arith.constant 5 : index
    %get3A_707 = arith.index_cast %add3A_630 : i32 to index
    %get3A_708 = memref.load %arg3[%get3A_706, %get3A_707] : memref<20x32xi32, #tpu.memory_space<smem>>
    %get3A_709 = arith.constant 6 : index
    %get3A_710 = arith.index_cast %add3A_630 : i32 to index
    %get3A_711 = memref.load %arg3[%get3A_709, %get3A_710] : memref<20x32xi32, #tpu.memory_space<smem>>
    %get3A_712 = arith.constant 7 : index
    %get3A_713 = arith.index_cast %add3A_630 : i32 to index
    %get3A_714 = memref.load %arg3[%get3A_712, %get3A_713] : memref<20x32xi32, #tpu.memory_space<smem>>
    %get3A_715 = arith.constant 8 : index
    %get3A_716 = arith.index_cast %add3A_630 : i32 to index
    %get3A_717 = memref.load %arg3[%get3A_715, %get3A_716] : memref<20x32xi32, #tpu.memory_space<smem>>
    %get3A_718 = arith.constant 9 : index
    %get3A_719 = arith.index_cast %add3A_630 : i32 to index
    %get3A_720 = memref.load %arg3[%get3A_718, %get3A_719] : memref<20x32xi32, #tpu.memory_space<smem>>
    %get3A_721 = arith.constant 10 : index
    %get3A_722 = arith.index_cast %add3A_630 : i32 to index
    %get3A_723 = memref.load %arg3[%get3A_721, %get3A_722] : memref<20x32xi32, #tpu.memory_space<smem>>
    %get3A_724 = arith.constant 11 : index
    %get3A_725 = arith.index_cast %add3A_630 : i32 to index
    %get3A_726 = memref.load %arg3[%get3A_724, %get3A_725] : memref<20x32xi32, #tpu.memory_space<smem>>
    %get3A_727 = arith.constant 12 : index
    %get3A_728 = arith.index_cast %add3A_630 : i32 to index
    %get3A_729 = memref.load %arg3[%get3A_727, %get3A_728] : memref<20x32xi32, #tpu.memory_space<smem>>
    %get3A_730 = arith.constant 13 : index
    %get3A_731 = arith.index_cast %add3A_630 : i32 to index
    %get3A_732 = memref.load %arg3[%get3A_730, %get3A_731] : memref<20x32xi32, #tpu.memory_space<smem>>
    %get3A_733 = arith.constant 14 : index
    %get3A_734 = arith.index_cast %add3A_630 : i32 to index
    %get3A_735 = memref.load %arg3[%get3A_733, %get3A_734] : memref<20x32xi32, #tpu.memory_space<smem>>
    %get3A_736 = arith.constant 15 : index
    %get3A_737 = arith.index_cast %add3A_630 : i32 to index
    %get3A_738 = memref.load %arg3[%get3A_736, %get3A_737] : memref<20x32xi32, #tpu.memory_space<smem>>
    %get3A_739 = arith.constant 16 : index
    %get3A_740 = arith.index_cast %add3A_630 : i32 to index
    %get3A_741 = memref.load %arg3[%get3A_739, %get3A_740] : memref<20x32xi32, #tpu.memory_space<smem>>
    %get3A_742 = arith.constant 17 : index
    %get3A_743 = arith.index_cast %add3A_630 : i32 to index
    %get3A_744 = memref.load %arg3[%get3A_742, %get3A_743] : memref<20x32xi32, #tpu.memory_space<smem>>
    %get3A_745 = arith.constant 18 : index
    %get3A_746 = arith.index_cast %add3A_630 : i32 to index
    %get3A_747 = memref.load %arg3[%get3A_745, %get3A_746] : memref<20x32xi32, #tpu.memory_space<smem>>
    %get3A_748 = arith.constant 19 : index
    %get3A_749 = arith.index_cast %add3A_630 : i32 to index
    %get3A_750 = memref.load %arg3[%get3A_748, %get3A_749] : memref<20x32xi32, #tpu.memory_space<smem>>
    %get3A_751 = arith.index_cast %get3A_693 : i32 to index
    %get3A_752 = arith.constant 1 : index
    %get3A_753 = arith.constant 0 : index
    %get3A_754 = vector.load %arg1[%get3A_751, %get3A_752, %get3A_753] : memref<81x8x900xf32, #tpu.memory_space<vmem>>, vector<1x1x900xf32>
    %reshape3A_755 = vector.shape_cast %get3A_754 : vector<1x1x900xf32> to vector<1x900xf32>
    %eq3A_756 = vector.broadcast %get3A_633 : i32 to vector<1x900xi32>
    %eq3A_757 = arith.cmpi eq, %iota3A, %eq3A_756 : vector<1x900xi32>
    %jit3A_758 = arith.constant 0.000000e+00 : f32
    %broadcast_in_dim3A_759 = vector.broadcast %jit3A_758 : f32 to vector<1x900xf32>
    %select_n3A_760 = arith.select %eq3A_757, %reshape3A_755, %broadcast_in_dim3A_759 : vector<1x900xi1>, vector<1x900xf32>
    %reduce_sum3A_761 = vector.shape_cast %select_n3A_760 : vector<1x900xf32> to vector<1x1x900xf32>
    %reduce_sum3A_762 = arith.constant dense<0.000000e+00> : vector<1xf32>
    %reduce_sum3A_763 = vector.multi_reduction <add>, %reduce_sum3A_761, %reduce_sum3A_762 [1, 2] : vector<1x1x900xf32> to vector<1xf32>
    %reduce_sum3A_764 = vector.shape_cast %reduce_sum3A_763 : vector<1xf32> to vector<1x1x1xf32>
    %reduce_sum3A_765 = vector.extract %reduce_sum3A_764[0, 0, 0] : f32 from vector<1x1x1xf32>
    %eq3A_766 = arith.constant 0 : i32
    %eq3A_767 = vector.broadcast %eq3A_766 : i32 to vector<8x128xi32>
    %eq3A_768 = arith.cmpi eq, %iota3A_24, %eq3A_767 : vector<8x128xi32>
    %eq3A_769 = arith.constant 1 : i32
    %eq3A_770 = vector.broadcast %eq3A_769 : i32 to vector<8x128xi32>
    %eq3A_771 = arith.cmpi eq, %iota3A_25, %eq3A_770 : vector<8x128xi32>
    %and3A_772 = arith.andi %eq3A_768, %eq3A_771 : vector<8x128xi1>
    %broadcast_in_dim3A_773 = vector.broadcast %reduce_sum3A_765 : f32 to vector<8x128xf32>
    %select_n3A_774 = arith.select %and3A_772, %broadcast_in_dim3A_773, %select_n3A_626 : vector<8x128xi1>, vector<8x128xf32>
    %get3A_775 = arith.index_cast %get3A_696 : i32 to index
    %get3A_776 = arith.constant 1 : index
    %get3A_777 = arith.constant 0 : index
    %get3A_778 = vector.load %arg1[%get3A_775, %get3A_776, %get3A_777] : memref<81x8x900xf32, #tpu.memory_space<vmem>>, vector<1x1x900xf32>
    %reshape3A_779 = vector.shape_cast %get3A_778 : vector<1x1x900xf32> to vector<1x900xf32>
    %eq3A_780 = vector.broadcast %get3A_636 : i32 to vector<1x900xi32>
    %eq3A_781 = arith.cmpi eq, %iota3A, %eq3A_780 : vector<1x900xi32>
    %jit3A_782 = arith.constant 0.000000e+00 : f32
    %broadcast_in_dim3A_783 = vector.broadcast %jit3A_782 : f32 to vector<1x900xf32>
    %select_n3A_784 = arith.select %eq3A_781, %reshape3A_779, %broadcast_in_dim3A_783 : vector<1x900xi1>, vector<1x900xf32>
    %reduce_sum3A_785 = vector.shape_cast %select_n3A_784 : vector<1x900xf32> to vector<1x1x900xf32>
    %reduce_sum3A_786 = arith.constant dense<0.000000e+00> : vector<1xf32>
    %reduce_sum3A_787 = vector.multi_reduction <add>, %reduce_sum3A_785, %reduce_sum3A_786 [1, 2] : vector<1x1x900xf32> to vector<1xf32>
    %reduce_sum3A_788 = vector.shape_cast %reduce_sum3A_787 : vector<1xf32> to vector<1x1x1xf32>
    %reduce_sum3A_789 = vector.extract %reduce_sum3A_788[0, 0, 0] : f32 from vector<1x1x1xf32>
    %eq3A_790 = arith.constant 1 : i32
    %eq3A_791 = vector.broadcast %eq3A_790 : i32 to vector<8x128xi32>
    %eq3A_792 = arith.cmpi eq, %iota3A_24, %eq3A_791 : vector<8x128xi32>
    %eq3A_793 = arith.constant 1 : i32
    %eq3A_794 = vector.broadcast %eq3A_793 : i32 to vector<8x128xi32>
    %eq3A_795 = arith.cmpi eq, %iota3A_25, %eq3A_794 : vector<8x128xi32>
    %and3A_796 = arith.andi %eq3A_792, %eq3A_795 : vector<8x128xi1>
    %broadcast_in_dim3A_797 = vector.broadcast %reduce_sum3A_789 : f32 to vector<8x128xf32>
    %select_n3A_798 = arith.select %and3A_796, %broadcast_in_dim3A_797, %select_n3A_774 : vector<8x128xi1>, vector<8x128xf32>
    %get3A_799 = arith.index_cast %get3A_699 : i32 to index
    %get3A_800 = arith.constant 1 : index
    %get3A_801 = arith.constant 0 : index
    %get3A_802 = vector.load %arg1[%get3A_799, %get3A_800, %get3A_801] : memref<81x8x900xf32, #tpu.memory_space<vmem>>, vector<1x1x900xf32>
    %reshape3A_803 = vector.shape_cast %get3A_802 : vector<1x1x900xf32> to vector<1x900xf32>
    %eq3A_804 = vector.broadcast %get3A_639 : i32 to vector<1x900xi32>
    %eq3A_805 = arith.cmpi eq, %iota3A, %eq3A_804 : vector<1x900xi32>
    %jit3A_806 = arith.constant 0.000000e+00 : f32
    %broadcast_in_dim3A_807 = vector.broadcast %jit3A_806 : f32 to vector<1x900xf32>
    %select_n3A_808 = arith.select %eq3A_805, %reshape3A_803, %broadcast_in_dim3A_807 : vector<1x900xi1>, vector<1x900xf32>
    %reduce_sum3A_809 = vector.shape_cast %select_n3A_808 : vector<1x900xf32> to vector<1x1x900xf32>
    %reduce_sum3A_810 = arith.constant dense<0.000000e+00> : vector<1xf32>
    %reduce_sum3A_811 = vector.multi_reduction <add>, %reduce_sum3A_809, %reduce_sum3A_810 [1, 2] : vector<1x1x900xf32> to vector<1xf32>
    %reduce_sum3A_812 = vector.shape_cast %reduce_sum3A_811 : vector<1xf32> to vector<1x1x1xf32>
    %reduce_sum3A_813 = vector.extract %reduce_sum3A_812[0, 0, 0] : f32 from vector<1x1x1xf32>
    %eq3A_814 = arith.constant 2 : i32
    %eq3A_815 = vector.broadcast %eq3A_814 : i32 to vector<8x128xi32>
    %eq3A_816 = arith.cmpi eq, %iota3A_24, %eq3A_815 : vector<8x128xi32>
    %eq3A_817 = arith.constant 1 : i32
    %eq3A_818 = vector.broadcast %eq3A_817 : i32 to vector<8x128xi32>
    %eq3A_819 = arith.cmpi eq, %iota3A_25, %eq3A_818 : vector<8x128xi32>
    %and3A_820 = arith.andi %eq3A_816, %eq3A_819 : vector<8x128xi1>
    %broadcast_in_dim3A_821 = vector.broadcast %reduce_sum3A_813 : f32 to vector<8x128xf32>
    %select_n3A_822 = arith.select %and3A_820, %broadcast_in_dim3A_821, %select_n3A_798 : vector<8x128xi1>, vector<8x128xf32>
    %get3A_823 = arith.index_cast %get3A_702 : i32 to index
    %get3A_824 = arith.constant 1 : index
    %get3A_825 = arith.constant 0 : index
    %get3A_826 = vector.load %arg1[%get3A_823, %get3A_824, %get3A_825] : memref<81x8x900xf32, #tpu.memory_space<vmem>>, vector<1x1x900xf32>
    %reshape3A_827 = vector.shape_cast %get3A_826 : vector<1x1x900xf32> to vector<1x900xf32>
    %eq3A_828 = vector.broadcast %get3A_642 : i32 to vector<1x900xi32>
    %eq3A_829 = arith.cmpi eq, %iota3A, %eq3A_828 : vector<1x900xi32>
    %jit3A_830 = arith.constant 0.000000e+00 : f32
    %broadcast_in_dim3A_831 = vector.broadcast %jit3A_830 : f32 to vector<1x900xf32>
    %select_n3A_832 = arith.select %eq3A_829, %reshape3A_827, %broadcast_in_dim3A_831 : vector<1x900xi1>, vector<1x900xf32>
    %reduce_sum3A_833 = vector.shape_cast %select_n3A_832 : vector<1x900xf32> to vector<1x1x900xf32>
    %reduce_sum3A_834 = arith.constant dense<0.000000e+00> : vector<1xf32>
    %reduce_sum3A_835 = vector.multi_reduction <add>, %reduce_sum3A_833, %reduce_sum3A_834 [1, 2] : vector<1x1x900xf32> to vector<1xf32>
    %reduce_sum3A_836 = vector.shape_cast %reduce_sum3A_835 : vector<1xf32> to vector<1x1x1xf32>
    %reduce_sum3A_837 = vector.extract %reduce_sum3A_836[0, 0, 0] : f32 from vector<1x1x1xf32>
    %eq3A_838 = arith.constant 3 : i32
    %eq3A_839 = vector.broadcast %eq3A_838 : i32 to vector<8x128xi32>
    %eq3A_840 = arith.cmpi eq, %iota3A_24, %eq3A_839 : vector<8x128xi32>
    %eq3A_841 = arith.constant 1 : i32
    %eq3A_842 = vector.broadcast %eq3A_841 : i32 to vector<8x128xi32>
    %eq3A_843 = arith.cmpi eq, %iota3A_25, %eq3A_842 : vector<8x128xi32>
    %and3A_844 = arith.andi %eq3A_840, %eq3A_843 : vector<8x128xi1>
    %broadcast_in_dim3A_845 = vector.broadcast %reduce_sum3A_837 : f32 to vector<8x128xf32>
    %select_n3A_846 = arith.select %and3A_844, %broadcast_in_dim3A_845, %select_n3A_822 : vector<8x128xi1>, vector<8x128xf32>
    %get3A_847 = arith.index_cast %get3A_705 : i32 to index
    %get3A_848 = arith.constant 1 : index
    %get3A_849 = arith.constant 0 : index
    %get3A_850 = vector.load %arg1[%get3A_847, %get3A_848, %get3A_849] : memref<81x8x900xf32, #tpu.memory_space<vmem>>, vector<1x1x900xf32>
    %reshape3A_851 = vector.shape_cast %get3A_850 : vector<1x1x900xf32> to vector<1x900xf32>
    %eq3A_852 = vector.broadcast %get3A_645 : i32 to vector<1x900xi32>
    %eq3A_853 = arith.cmpi eq, %iota3A, %eq3A_852 : vector<1x900xi32>
    %jit3A_854 = arith.constant 0.000000e+00 : f32
    %broadcast_in_dim3A_855 = vector.broadcast %jit3A_854 : f32 to vector<1x900xf32>
    %select_n3A_856 = arith.select %eq3A_853, %reshape3A_851, %broadcast_in_dim3A_855 : vector<1x900xi1>, vector<1x900xf32>
    %reduce_sum3A_857 = vector.shape_cast %select_n3A_856 : vector<1x900xf32> to vector<1x1x900xf32>
    %reduce_sum3A_858 = arith.constant dense<0.000000e+00> : vector<1xf32>
    %reduce_sum3A_859 = vector.multi_reduction <add>, %reduce_sum3A_857, %reduce_sum3A_858 [1, 2] : vector<1x1x900xf32> to vector<1xf32>
    %reduce_sum3A_860 = vector.shape_cast %reduce_sum3A_859 : vector<1xf32> to vector<1x1x1xf32>
    %reduce_sum3A_861 = vector.extract %reduce_sum3A_860[0, 0, 0] : f32 from vector<1x1x1xf32>
    %eq3A_862 = arith.constant 4 : i32
    %eq3A_863 = vector.broadcast %eq3A_862 : i32 to vector<8x128xi32>
    %eq3A_864 = arith.cmpi eq, %iota3A_24, %eq3A_863 : vector<8x128xi32>
    %eq3A_865 = arith.constant 1 : i32
    %eq3A_866 = vector.broadcast %eq3A_865 : i32 to vector<8x128xi32>
    %eq3A_867 = arith.cmpi eq, %iota3A_25, %eq3A_866 : vector<8x128xi32>
    %and3A_868 = arith.andi %eq3A_864, %eq3A_867 : vector<8x128xi1>
    %broadcast_in_dim3A_869 = vector.broadcast %reduce_sum3A_861 : f32 to vector<8x128xf32>
    %select_n3A_870 = arith.select %and3A_868, %broadcast_in_dim3A_869, %select_n3A_846 : vector<8x128xi1>, vector<8x128xf32>
    %get3A_871 = arith.index_cast %get3A_708 : i32 to index
    %get3A_872 = arith.constant 1 : index
    %get3A_873 = arith.constant 0 : index
    %get3A_874 = vector.load %arg1[%get3A_871, %get3A_872, %get3A_873] : memref<81x8x900xf32, #tpu.memory_space<vmem>>, vector<1x1x900xf32>
    %reshape3A_875 = vector.shape_cast %get3A_874 : vector<1x1x900xf32> to vector<1x900xf32>
    %eq3A_876 = vector.broadcast %get3A_648 : i32 to vector<1x900xi32>
    %eq3A_877 = arith.cmpi eq, %iota3A, %eq3A_876 : vector<1x900xi32>
    %jit3A_878 = arith.constant 0.000000e+00 : f32
    %broadcast_in_dim3A_879 = vector.broadcast %jit3A_878 : f32 to vector<1x900xf32>
    %select_n3A_880 = arith.select %eq3A_877, %reshape3A_875, %broadcast_in_dim3A_879 : vector<1x900xi1>, vector<1x900xf32>
    %reduce_sum3A_881 = vector.shape_cast %select_n3A_880 : vector<1x900xf32> to vector<1x1x900xf32>
    %reduce_sum3A_882 = arith.constant dense<0.000000e+00> : vector<1xf32>
    %reduce_sum3A_883 = vector.multi_reduction <add>, %reduce_sum3A_881, %reduce_sum3A_882 [1, 2] : vector<1x1x900xf32> to vector<1xf32>
    %reduce_sum3A_884 = vector.shape_cast %reduce_sum3A_883 : vector<1xf32> to vector<1x1x1xf32>
    %reduce_sum3A_885 = vector.extract %reduce_sum3A_884[0, 0, 0] : f32 from vector<1x1x1xf32>
    %eq3A_886 = arith.constant 5 : i32
    %eq3A_887 = vector.broadcast %eq3A_886 : i32 to vector<8x128xi32>
    %eq3A_888 = arith.cmpi eq, %iota3A_24, %eq3A_887 : vector<8x128xi32>
    %eq3A_889 = arith.constant 1 : i32
    %eq3A_890 = vector.broadcast %eq3A_889 : i32 to vector<8x128xi32>
    %eq3A_891 = arith.cmpi eq, %iota3A_25, %eq3A_890 : vector<8x128xi32>
    %and3A_892 = arith.andi %eq3A_888, %eq3A_891 : vector<8x128xi1>
    %broadcast_in_dim3A_893 = vector.broadcast %reduce_sum3A_885 : f32 to vector<8x128xf32>
    %select_n3A_894 = arith.select %and3A_892, %broadcast_in_dim3A_893, %select_n3A_870 : vector<8x128xi1>, vector<8x128xf32>
    %get3A_895 = arith.index_cast %get3A_711 : i32 to index
    %get3A_896 = arith.constant 1 : index
    %get3A_897 = arith.constant 0 : index
    %get3A_898 = vector.load %arg1[%get3A_895, %get3A_896, %get3A_897] : memref<81x8x900xf32, #tpu.memory_space<vmem>>, vector<1x1x900xf32>
    %reshape3A_899 = vector.shape_cast %get3A_898 : vector<1x1x900xf32> to vector<1x900xf32>
    %eq3A_900 = vector.broadcast %get3A_651 : i32 to vector<1x900xi32>
    %eq3A_901 = arith.cmpi eq, %iota3A, %eq3A_900 : vector<1x900xi32>
    %jit3A_902 = arith.constant 0.000000e+00 : f32
    %broadcast_in_dim3A_903 = vector.broadcast %jit3A_902 : f32 to vector<1x900xf32>
    %select_n3A_904 = arith.select %eq3A_901, %reshape3A_899, %broadcast_in_dim3A_903 : vector<1x900xi1>, vector<1x900xf32>
    %reduce_sum3A_905 = vector.shape_cast %select_n3A_904 : vector<1x900xf32> to vector<1x1x900xf32>
    %reduce_sum3A_906 = arith.constant dense<0.000000e+00> : vector<1xf32>
    %reduce_sum3A_907 = vector.multi_reduction <add>, %reduce_sum3A_905, %reduce_sum3A_906 [1, 2] : vector<1x1x900xf32> to vector<1xf32>
    %reduce_sum3A_908 = vector.shape_cast %reduce_sum3A_907 : vector<1xf32> to vector<1x1x1xf32>
    %reduce_sum3A_909 = vector.extract %reduce_sum3A_908[0, 0, 0] : f32 from vector<1x1x1xf32>
    %eq3A_910 = arith.constant 6 : i32
    %eq3A_911 = vector.broadcast %eq3A_910 : i32 to vector<8x128xi32>
    %eq3A_912 = arith.cmpi eq, %iota3A_24, %eq3A_911 : vector<8x128xi32>
    %eq3A_913 = arith.constant 1 : i32
    %eq3A_914 = vector.broadcast %eq3A_913 : i32 to vector<8x128xi32>
    %eq3A_915 = arith.cmpi eq, %iota3A_25, %eq3A_914 : vector<8x128xi32>
    %and3A_916 = arith.andi %eq3A_912, %eq3A_915 : vector<8x128xi1>
    %broadcast_in_dim3A_917 = vector.broadcast %reduce_sum3A_909 : f32 to vector<8x128xf32>
    %select_n3A_918 = arith.select %and3A_916, %broadcast_in_dim3A_917, %select_n3A_894 : vector<8x128xi1>, vector<8x128xf32>
    %get3A_919 = arith.index_cast %get3A_714 : i32 to index
    %get3A_920 = arith.constant 1 : index
    %get3A_921 = arith.constant 0 : index
    %get3A_922 = vector.load %arg1[%get3A_919, %get3A_920, %get3A_921] : memref<81x8x900xf32, #tpu.memory_space<vmem>>, vector<1x1x900xf32>
    %reshape3A_923 = vector.shape_cast %get3A_922 : vector<1x1x900xf32> to vector<1x900xf32>
    %eq3A_924 = vector.broadcast %get3A_654 : i32 to vector<1x900xi32>
    %eq3A_925 = arith.cmpi eq, %iota3A, %eq3A_924 : vector<1x900xi32>
    %jit3A_926 = arith.constant 0.000000e+00 : f32
    %broadcast_in_dim3A_927 = vector.broadcast %jit3A_926 : f32 to vector<1x900xf32>
    %select_n3A_928 = arith.select %eq3A_925, %reshape3A_923, %broadcast_in_dim3A_927 : vector<1x900xi1>, vector<1x900xf32>
    %reduce_sum3A_929 = vector.shape_cast %select_n3A_928 : vector<1x900xf32> to vector<1x1x900xf32>
    %reduce_sum3A_930 = arith.constant dense<0.000000e+00> : vector<1xf32>
    %reduce_sum3A_931 = vector.multi_reduction <add>, %reduce_sum3A_929, %reduce_sum3A_930 [1, 2] : vector<1x1x900xf32> to vector<1xf32>
    %reduce_sum3A_932 = vector.shape_cast %reduce_sum3A_931 : vector<1xf32> to vector<1x1x1xf32>
    %reduce_sum3A_933 = vector.extract %reduce_sum3A_932[0, 0, 0] : f32 from vector<1x1x1xf32>
    %eq3A_934 = arith.constant 7 : i32
    %eq3A_935 = vector.broadcast %eq3A_934 : i32 to vector<8x128xi32>
    %eq3A_936 = arith.cmpi eq, %iota3A_24, %eq3A_935 : vector<8x128xi32>
    %eq3A_937 = arith.constant 1 : i32
    %eq3A_938 = vector.broadcast %eq3A_937 : i32 to vector<8x128xi32>
    %eq3A_939 = arith.cmpi eq, %iota3A_25, %eq3A_938 : vector<8x128xi32>
    %and3A_940 = arith.andi %eq3A_936, %eq3A_939 : vector<8x128xi1>
    %broadcast_in_dim3A_941 = vector.broadcast %reduce_sum3A_933 : f32 to vector<8x128xf32>
    %select_n3A_942 = arith.select %and3A_940, %broadcast_in_dim3A_941, %select_n3A_918 : vector<8x128xi1>, vector<8x128xf32>
    %get3A_943 = arith.index_cast %get3A_717 : i32 to index
    %get3A_944 = arith.constant 1 : index
    %get3A_945 = arith.constant 0 : index
    %get3A_946 = vector.load %arg1[%get3A_943, %get3A_944, %get3A_945] : memref<81x8x900xf32, #tpu.memory_space<vmem>>, vector<1x1x900xf32>
    %reshape3A_947 = vector.shape_cast %get3A_946 : vector<1x1x900xf32> to vector<1x900xf32>
    %eq3A_948 = vector.broadcast %get3A_657 : i32 to vector<1x900xi32>
    %eq3A_949 = arith.cmpi eq, %iota3A, %eq3A_948 : vector<1x900xi32>
    %jit3A_950 = arith.constant 0.000000e+00 : f32
    %broadcast_in_dim3A_951 = vector.broadcast %jit3A_950 : f32 to vector<1x900xf32>
    %select_n3A_952 = arith.select %eq3A_949, %reshape3A_947, %broadcast_in_dim3A_951 : vector<1x900xi1>, vector<1x900xf32>
    %reduce_sum3A_953 = vector.shape_cast %select_n3A_952 : vector<1x900xf32> to vector<1x1x900xf32>
    %reduce_sum3A_954 = arith.constant dense<0.000000e+00> : vector<1xf32>
    %reduce_sum3A_955 = vector.multi_reduction <add>, %reduce_sum3A_953, %reduce_sum3A_954 [1, 2] : vector<1x1x900xf32> to vector<1xf32>
    %reduce_sum3A_956 = vector.shape_cast %reduce_sum3A_955 : vector<1xf32> to vector<1x1x1xf32>
    %reduce_sum3A_957 = vector.extract %reduce_sum3A_956[0, 0, 0] : f32 from vector<1x1x1xf32>
    %eq3A_958 = arith.constant 8 : i32
    %eq3A_959 = vector.broadcast %eq3A_958 : i32 to vector<8x128xi32>
    %eq3A_960 = arith.cmpi eq, %iota3A_24, %eq3A_959 : vector<8x128xi32>
    %eq3A_961 = arith.constant 1 : i32
    %eq3A_962 = vector.broadcast %eq3A_961 : i32 to vector<8x128xi32>
    %eq3A_963 = arith.cmpi eq, %iota3A_25, %eq3A_962 : vector<8x128xi32>
    %and3A_964 = arith.andi %eq3A_960, %eq3A_963 : vector<8x128xi1>
    %broadcast_in_dim3A_965 = vector.broadcast %reduce_sum3A_957 : f32 to vector<8x128xf32>
    %select_n3A_966 = arith.select %and3A_964, %broadcast_in_dim3A_965, %select_n3A_942 : vector<8x128xi1>, vector<8x128xf32>
    %get3A_967 = arith.index_cast %get3A_720 : i32 to index
    %get3A_968 = arith.constant 1 : index
    %get3A_969 = arith.constant 0 : index
    %get3A_970 = vector.load %arg1[%get3A_967, %get3A_968, %get3A_969] : memref<81x8x900xf32, #tpu.memory_space<vmem>>, vector<1x1x900xf32>
    %reshape3A_971 = vector.shape_cast %get3A_970 : vector<1x1x900xf32> to vector<1x900xf32>
    %eq3A_972 = vector.broadcast %get3A_660 : i32 to vector<1x900xi32>
    %eq3A_973 = arith.cmpi eq, %iota3A, %eq3A_972 : vector<1x900xi32>
    %jit3A_974 = arith.constant 0.000000e+00 : f32
    %broadcast_in_dim3A_975 = vector.broadcast %jit3A_974 : f32 to vector<1x900xf32>
    %select_n3A_976 = arith.select %eq3A_973, %reshape3A_971, %broadcast_in_dim3A_975 : vector<1x900xi1>, vector<1x900xf32>
    %reduce_sum3A_977 = vector.shape_cast %select_n3A_976 : vector<1x900xf32> to vector<1x1x900xf32>
    %reduce_sum3A_978 = arith.constant dense<0.000000e+00> : vector<1xf32>
    %reduce_sum3A_979 = vector.multi_reduction <add>, %reduce_sum3A_977, %reduce_sum3A_978 [1, 2] : vector<1x1x900xf32> to vector<1xf32>
    %reduce_sum3A_980 = vector.shape_cast %reduce_sum3A_979 : vector<1xf32> to vector<1x1x1xf32>
    %reduce_sum3A_981 = vector.extract %reduce_sum3A_980[0, 0, 0] : f32 from vector<1x1x1xf32>
    %eq3A_982 = arith.constant 9 : i32
    %eq3A_983 = vector.broadcast %eq3A_982 : i32 to vector<8x128xi32>
    %eq3A_984 = arith.cmpi eq, %iota3A_24, %eq3A_983 : vector<8x128xi32>
    %eq3A_985 = arith.constant 1 : i32
    %eq3A_986 = vector.broadcast %eq3A_985 : i32 to vector<8x128xi32>
    %eq3A_987 = arith.cmpi eq, %iota3A_25, %eq3A_986 : vector<8x128xi32>
    %and3A_988 = arith.andi %eq3A_984, %eq3A_987 : vector<8x128xi1>
    %broadcast_in_dim3A_989 = vector.broadcast %reduce_sum3A_981 : f32 to vector<8x128xf32>
    %select_n3A_990 = arith.select %and3A_988, %broadcast_in_dim3A_989, %select_n3A_966 : vector<8x128xi1>, vector<8x128xf32>
    %get3A_991 = arith.index_cast %get3A_723 : i32 to index
    %get3A_992 = arith.constant 1 : index
    %get3A_993 = arith.constant 0 : index
    %get3A_994 = vector.load %arg1[%get3A_991, %get3A_992, %get3A_993] : memref<81x8x900xf32, #tpu.memory_space<vmem>>, vector<1x1x900xf32>
    %reshape3A_995 = vector.shape_cast %get3A_994 : vector<1x1x900xf32> to vector<1x900xf32>
    %eq3A_996 = vector.broadcast %get3A_663 : i32 to vector<1x900xi32>
    %eq3A_997 = arith.cmpi eq, %iota3A, %eq3A_996 : vector<1x900xi32>
    %jit3A_998 = arith.constant 0.000000e+00 : f32
    %broadcast_in_dim3A_999 = vector.broadcast %jit3A_998 : f32 to vector<1x900xf32>
    %select_n3A_1000 = arith.select %eq3A_997, %reshape3A_995, %broadcast_in_dim3A_999 : vector<1x900xi1>, vector<1x900xf32>
    %reduce_sum3A_1001 = vector.shape_cast %select_n3A_1000 : vector<1x900xf32> to vector<1x1x900xf32>
    %reduce_sum3A_1002 = arith.constant dense<0.000000e+00> : vector<1xf32>
    %reduce_sum3A_1003 = vector.multi_reduction <add>, %reduce_sum3A_1001, %reduce_sum3A_1002 [1, 2] : vector<1x1x900xf32> to vector<1xf32>
    %reduce_sum3A_1004 = vector.shape_cast %reduce_sum3A_1003 : vector<1xf32> to vector<1x1x1xf32>
    %reduce_sum3A_1005 = vector.extract %reduce_sum3A_1004[0, 0, 0] : f32 from vector<1x1x1xf32>
    %eq3A_1006 = arith.constant 10 : i32
    %eq3A_1007 = vector.broadcast %eq3A_1006 : i32 to vector<8x128xi32>
    %eq3A_1008 = arith.cmpi eq, %iota3A_24, %eq3A_1007 : vector<8x128xi32>
    %eq3A_1009 = arith.constant 1 : i32
    %eq3A_1010 = vector.broadcast %eq3A_1009 : i32 to vector<8x128xi32>
    %eq3A_1011 = arith.cmpi eq, %iota3A_25, %eq3A_1010 : vector<8x128xi32>
    %and3A_1012 = arith.andi %eq3A_1008, %eq3A_1011 : vector<8x128xi1>
    %broadcast_in_dim3A_1013 = vector.broadcast %reduce_sum3A_1005 : f32 to vector<8x128xf32>
    %select_n3A_1014 = arith.select %and3A_1012, %broadcast_in_dim3A_1013, %select_n3A_990 : vector<8x128xi1>, vector<8x128xf32>
    %get3A_1015 = arith.index_cast %get3A_726 : i32 to index
    %get3A_1016 = arith.constant 1 : index
    %get3A_1017 = arith.constant 0 : index
    %get3A_1018 = vector.load %arg1[%get3A_1015, %get3A_1016, %get3A_1017] : memref<81x8x900xf32, #tpu.memory_space<vmem>>, vector<1x1x900xf32>
    %reshape3A_1019 = vector.shape_cast %get3A_1018 : vector<1x1x900xf32> to vector<1x900xf32>
    %eq3A_1020 = vector.broadcast %get3A_666 : i32 to vector<1x900xi32>
    %eq3A_1021 = arith.cmpi eq, %iota3A, %eq3A_1020 : vector<1x900xi32>
    %jit3A_1022 = arith.constant 0.000000e+00 : f32
    %broadcast_in_dim3A_1023 = vector.broadcast %jit3A_1022 : f32 to vector<1x900xf32>
    %select_n3A_1024 = arith.select %eq3A_1021, %reshape3A_1019, %broadcast_in_dim3A_1023 : vector<1x900xi1>, vector<1x900xf32>
    %reduce_sum3A_1025 = vector.shape_cast %select_n3A_1024 : vector<1x900xf32> to vector<1x1x900xf32>
    %reduce_sum3A_1026 = arith.constant dense<0.000000e+00> : vector<1xf32>
    %reduce_sum3A_1027 = vector.multi_reduction <add>, %reduce_sum3A_1025, %reduce_sum3A_1026 [1, 2] : vector<1x1x900xf32> to vector<1xf32>
    %reduce_sum3A_1028 = vector.shape_cast %reduce_sum3A_1027 : vector<1xf32> to vector<1x1x1xf32>
    %reduce_sum3A_1029 = vector.extract %reduce_sum3A_1028[0, 0, 0] : f32 from vector<1x1x1xf32>
    %eq3A_1030 = arith.constant 11 : i32
    %eq3A_1031 = vector.broadcast %eq3A_1030 : i32 to vector<8x128xi32>
    %eq3A_1032 = arith.cmpi eq, %iota3A_24, %eq3A_1031 : vector<8x128xi32>
    %eq3A_1033 = arith.constant 1 : i32
    %eq3A_1034 = vector.broadcast %eq3A_1033 : i32 to vector<8x128xi32>
    %eq3A_1035 = arith.cmpi eq, %iota3A_25, %eq3A_1034 : vector<8x128xi32>
    %and3A_1036 = arith.andi %eq3A_1032, %eq3A_1035 : vector<8x128xi1>
    %broadcast_in_dim3A_1037 = vector.broadcast %reduce_sum3A_1029 : f32 to vector<8x128xf32>
    %select_n3A_1038 = arith.select %and3A_1036, %broadcast_in_dim3A_1037, %select_n3A_1014 : vector<8x128xi1>, vector<8x128xf32>
    %get3A_1039 = arith.index_cast %get3A_729 : i32 to index
    %get3A_1040 = arith.constant 1 : index
    %get3A_1041 = arith.constant 0 : index
    %get3A_1042 = vector.load %arg1[%get3A_1039, %get3A_1040, %get3A_1041] : memref<81x8x900xf32, #tpu.memory_space<vmem>>, vector<1x1x900xf32>
    %reshape3A_1043 = vector.shape_cast %get3A_1042 : vector<1x1x900xf32> to vector<1x900xf32>
    %eq3A_1044 = vector.broadcast %get3A_669 : i32 to vector<1x900xi32>
    %eq3A_1045 = arith.cmpi eq, %iota3A, %eq3A_1044 : vector<1x900xi32>
    %jit3A_1046 = arith.constant 0.000000e+00 : f32
    %broadcast_in_dim3A_1047 = vector.broadcast %jit3A_1046 : f32 to vector<1x900xf32>
    %select_n3A_1048 = arith.select %eq3A_1045, %reshape3A_1043, %broadcast_in_dim3A_1047 : vector<1x900xi1>, vector<1x900xf32>
    %reduce_sum3A_1049 = vector.shape_cast %select_n3A_1048 : vector<1x900xf32> to vector<1x1x900xf32>
    %reduce_sum3A_1050 = arith.constant dense<0.000000e+00> : vector<1xf32>
    %reduce_sum3A_1051 = vector.multi_reduction <add>, %reduce_sum3A_1049, %reduce_sum3A_1050 [1, 2] : vector<1x1x900xf32> to vector<1xf32>
    %reduce_sum3A_1052 = vector.shape_cast %reduce_sum3A_1051 : vector<1xf32> to vector<1x1x1xf32>
    %reduce_sum3A_1053 = vector.extract %reduce_sum3A_1052[0, 0, 0] : f32 from vector<1x1x1xf32>
    %eq3A_1054 = arith.constant 12 : i32
    %eq3A_1055 = vector.broadcast %eq3A_1054 : i32 to vector<8x128xi32>
    %eq3A_1056 = arith.cmpi eq, %iota3A_24, %eq3A_1055 : vector<8x128xi32>
    %eq3A_1057 = arith.constant 1 : i32
    %eq3A_1058 = vector.broadcast %eq3A_1057 : i32 to vector<8x128xi32>
    %eq3A_1059 = arith.cmpi eq, %iota3A_25, %eq3A_1058 : vector<8x128xi32>
    %and3A_1060 = arith.andi %eq3A_1056, %eq3A_1059 : vector<8x128xi1>
    %broadcast_in_dim3A_1061 = vector.broadcast %reduce_sum3A_1053 : f32 to vector<8x128xf32>
    %select_n3A_1062 = arith.select %and3A_1060, %broadcast_in_dim3A_1061, %select_n3A_1038 : vector<8x128xi1>, vector<8x128xf32>
    %get3A_1063 = arith.index_cast %get3A_732 : i32 to index
    %get3A_1064 = arith.constant 1 : index
    %get3A_1065 = arith.constant 0 : index
    %get3A_1066 = vector.load %arg1[%get3A_1063, %get3A_1064, %get3A_1065] : memref<81x8x900xf32, #tpu.memory_space<vmem>>, vector<1x1x900xf32>
    %reshape3A_1067 = vector.shape_cast %get3A_1066 : vector<1x1x900xf32> to vector<1x900xf32>
    %eq3A_1068 = vector.broadcast %get3A_672 : i32 to vector<1x900xi32>
    %eq3A_1069 = arith.cmpi eq, %iota3A, %eq3A_1068 : vector<1x900xi32>
    %jit3A_1070 = arith.constant 0.000000e+00 : f32
    %broadcast_in_dim3A_1071 = vector.broadcast %jit3A_1070 : f32 to vector<1x900xf32>
    %select_n3A_1072 = arith.select %eq3A_1069, %reshape3A_1067, %broadcast_in_dim3A_1071 : vector<1x900xi1>, vector<1x900xf32>
    %reduce_sum3A_1073 = vector.shape_cast %select_n3A_1072 : vector<1x900xf32> to vector<1x1x900xf32>
    %reduce_sum3A_1074 = arith.constant dense<0.000000e+00> : vector<1xf32>
    %reduce_sum3A_1075 = vector.multi_reduction <add>, %reduce_sum3A_1073, %reduce_sum3A_1074 [1, 2] : vector<1x1x900xf32> to vector<1xf32>
    %reduce_sum3A_1076 = vector.shape_cast %reduce_sum3A_1075 : vector<1xf32> to vector<1x1x1xf32>
    %reduce_sum3A_1077 = vector.extract %reduce_sum3A_1076[0, 0, 0] : f32 from vector<1x1x1xf32>
    %eq3A_1078 = arith.constant 13 : i32
    %eq3A_1079 = vector.broadcast %eq3A_1078 : i32 to vector<8x128xi32>
    %eq3A_1080 = arith.cmpi eq, %iota3A_24, %eq3A_1079 : vector<8x128xi32>
    %eq3A_1081 = arith.constant 1 : i32
    %eq3A_1082 = vector.broadcast %eq3A_1081 : i32 to vector<8x128xi32>
    %eq3A_1083 = arith.cmpi eq, %iota3A_25, %eq3A_1082 : vector<8x128xi32>
    %and3A_1084 = arith.andi %eq3A_1080, %eq3A_1083 : vector<8x128xi1>
    %broadcast_in_dim3A_1085 = vector.broadcast %reduce_sum3A_1077 : f32 to vector<8x128xf32>
    %select_n3A_1086 = arith.select %and3A_1084, %broadcast_in_dim3A_1085, %select_n3A_1062 : vector<8x128xi1>, vector<8x128xf32>
    %get3A_1087 = arith.index_cast %get3A_735 : i32 to index
    %get3A_1088 = arith.constant 1 : index
    %get3A_1089 = arith.constant 0 : index
    %get3A_1090 = vector.load %arg1[%get3A_1087, %get3A_1088, %get3A_1089] : memref<81x8x900xf32, #tpu.memory_space<vmem>>, vector<1x1x900xf32>
    %reshape3A_1091 = vector.shape_cast %get3A_1090 : vector<1x1x900xf32> to vector<1x900xf32>
    %eq3A_1092 = vector.broadcast %get3A_675 : i32 to vector<1x900xi32>
    %eq3A_1093 = arith.cmpi eq, %iota3A, %eq3A_1092 : vector<1x900xi32>
    %jit3A_1094 = arith.constant 0.000000e+00 : f32
    %broadcast_in_dim3A_1095 = vector.broadcast %jit3A_1094 : f32 to vector<1x900xf32>
    %select_n3A_1096 = arith.select %eq3A_1093, %reshape3A_1091, %broadcast_in_dim3A_1095 : vector<1x900xi1>, vector<1x900xf32>
    %reduce_sum3A_1097 = vector.shape_cast %select_n3A_1096 : vector<1x900xf32> to vector<1x1x900xf32>
    %reduce_sum3A_1098 = arith.constant dense<0.000000e+00> : vector<1xf32>
    %reduce_sum3A_1099 = vector.multi_reduction <add>, %reduce_sum3A_1097, %reduce_sum3A_1098 [1, 2] : vector<1x1x900xf32> to vector<1xf32>
    %reduce_sum3A_1100 = vector.shape_cast %reduce_sum3A_1099 : vector<1xf32> to vector<1x1x1xf32>
    %reduce_sum3A_1101 = vector.extract %reduce_sum3A_1100[0, 0, 0] : f32 from vector<1x1x1xf32>
    %eq3A_1102 = arith.constant 14 : i32
    %eq3A_1103 = vector.broadcast %eq3A_1102 : i32 to vector<8x128xi32>
    %eq3A_1104 = arith.cmpi eq, %iota3A_24, %eq3A_1103 : vector<8x128xi32>
    %eq3A_1105 = arith.constant 1 : i32
    %eq3A_1106 = vector.broadcast %eq3A_1105 : i32 to vector<8x128xi32>
    %eq3A_1107 = arith.cmpi eq, %iota3A_25, %eq3A_1106 : vector<8x128xi32>
    %and3A_1108 = arith.andi %eq3A_1104, %eq3A_1107 : vector<8x128xi1>
    %broadcast_in_dim3A_1109 = vector.broadcast %reduce_sum3A_1101 : f32 to vector<8x128xf32>
    %select_n3A_1110 = arith.select %and3A_1108, %broadcast_in_dim3A_1109, %select_n3A_1086 : vector<8x128xi1>, vector<8x128xf32>
    %get3A_1111 = arith.index_cast %get3A_738 : i32 to index
    %get3A_1112 = arith.constant 1 : index
    %get3A_1113 = arith.constant 0 : index
    %get3A_1114 = vector.load %arg1[%get3A_1111, %get3A_1112, %get3A_1113] : memref<81x8x900xf32, #tpu.memory_space<vmem>>, vector<1x1x900xf32>
    %reshape3A_1115 = vector.shape_cast %get3A_1114 : vector<1x1x900xf32> to vector<1x900xf32>
    %eq3A_1116 = vector.broadcast %get3A_678 : i32 to vector<1x900xi32>
    %eq3A_1117 = arith.cmpi eq, %iota3A, %eq3A_1116 : vector<1x900xi32>
    %jit3A_1118 = arith.constant 0.000000e+00 : f32
    %broadcast_in_dim3A_1119 = vector.broadcast %jit3A_1118 : f32 to vector<1x900xf32>
    %select_n3A_1120 = arith.select %eq3A_1117, %reshape3A_1115, %broadcast_in_dim3A_1119 : vector<1x900xi1>, vector<1x900xf32>
    %reduce_sum3A_1121 = vector.shape_cast %select_n3A_1120 : vector<1x900xf32> to vector<1x1x900xf32>
    %reduce_sum3A_1122 = arith.constant dense<0.000000e+00> : vector<1xf32>
    %reduce_sum3A_1123 = vector.multi_reduction <add>, %reduce_sum3A_1121, %reduce_sum3A_1122 [1, 2] : vector<1x1x900xf32> to vector<1xf32>
    %reduce_sum3A_1124 = vector.shape_cast %reduce_sum3A_1123 : vector<1xf32> to vector<1x1x1xf32>
    %reduce_sum3A_1125 = vector.extract %reduce_sum3A_1124[0, 0, 0] : f32 from vector<1x1x1xf32>
    %eq3A_1126 = arith.constant 15 : i32
    %eq3A_1127 = vector.broadcast %eq3A_1126 : i32 to vector<8x128xi32>
    %eq3A_1128 = arith.cmpi eq, %iota3A_24, %eq3A_1127 : vector<8x128xi32>
    %eq3A_1129 = arith.constant 1 : i32
    %eq3A_1130 = vector.broadcast %eq3A_1129 : i32 to vector<8x128xi32>
    %eq3A_1131 = arith.cmpi eq, %iota3A_25, %eq3A_1130 : vector<8x128xi32>
    %and3A_1132 = arith.andi %eq3A_1128, %eq3A_1131 : vector<8x128xi1>
    %broadcast_in_dim3A_1133 = vector.broadcast %reduce_sum3A_1125 : f32 to vector<8x128xf32>
    %select_n3A_1134 = arith.select %and3A_1132, %broadcast_in_dim3A_1133, %select_n3A_1110 : vector<8x128xi1>, vector<8x128xf32>
    %get3A_1135 = arith.index_cast %get3A_741 : i32 to index
    %get3A_1136 = arith.constant 1 : index
    %get3A_1137 = arith.constant 0 : index
    %get3A_1138 = vector.load %arg1[%get3A_1135, %get3A_1136, %get3A_1137] : memref<81x8x900xf32, #tpu.memory_space<vmem>>, vector<1x1x900xf32>
    %reshape3A_1139 = vector.shape_cast %get3A_1138 : vector<1x1x900xf32> to vector<1x900xf32>
    %eq3A_1140 = vector.broadcast %get3A_681 : i32 to vector<1x900xi32>
    %eq3A_1141 = arith.cmpi eq, %iota3A, %eq3A_1140 : vector<1x900xi32>
    %jit3A_1142 = arith.constant 0.000000e+00 : f32
    %broadcast_in_dim3A_1143 = vector.broadcast %jit3A_1142 : f32 to vector<1x900xf32>
    %select_n3A_1144 = arith.select %eq3A_1141, %reshape3A_1139, %broadcast_in_dim3A_1143 : vector<1x900xi1>, vector<1x900xf32>
    %reduce_sum3A_1145 = vector.shape_cast %select_n3A_1144 : vector<1x900xf32> to vector<1x1x900xf32>
    %reduce_sum3A_1146 = arith.constant dense<0.000000e+00> : vector<1xf32>
    %reduce_sum3A_1147 = vector.multi_reduction <add>, %reduce_sum3A_1145, %reduce_sum3A_1146 [1, 2] : vector<1x1x900xf32> to vector<1xf32>
    %reduce_sum3A_1148 = vector.shape_cast %reduce_sum3A_1147 : vector<1xf32> to vector<1x1x1xf32>
    %reduce_sum3A_1149 = vector.extract %reduce_sum3A_1148[0, 0, 0] : f32 from vector<1x1x1xf32>
    %eq3A_1150 = arith.constant 16 : i32
    %eq3A_1151 = vector.broadcast %eq3A_1150 : i32 to vector<8x128xi32>
    %eq3A_1152 = arith.cmpi eq, %iota3A_24, %eq3A_1151 : vector<8x128xi32>
    %eq3A_1153 = arith.constant 1 : i32
    %eq3A_1154 = vector.broadcast %eq3A_1153 : i32 to vector<8x128xi32>
    %eq3A_1155 = arith.cmpi eq, %iota3A_25, %eq3A_1154 : vector<8x128xi32>
    %and3A_1156 = arith.andi %eq3A_1152, %eq3A_1155 : vector<8x128xi1>
    %broadcast_in_dim3A_1157 = vector.broadcast %reduce_sum3A_1149 : f32 to vector<8x128xf32>
    %select_n3A_1158 = arith.select %and3A_1156, %broadcast_in_dim3A_1157, %select_n3A_1134 : vector<8x128xi1>, vector<8x128xf32>
    %get3A_1159 = arith.index_cast %get3A_744 : i32 to index
    %get3A_1160 = arith.constant 1 : index
    %get3A_1161 = arith.constant 0 : index
    %get3A_1162 = vector.load %arg1[%get3A_1159, %get3A_1160, %get3A_1161] : memref<81x8x900xf32, #tpu.memory_space<vmem>>, vector<1x1x900xf32>
    %reshape3A_1163 = vector.shape_cast %get3A_1162 : vector<1x1x900xf32> to vector<1x900xf32>
    %eq3A_1164 = vector.broadcast %get3A_684 : i32 to vector<1x900xi32>
    %eq3A_1165 = arith.cmpi eq, %iota3A, %eq3A_1164 : vector<1x900xi32>
    %jit3A_1166 = arith.constant 0.000000e+00 : f32
    %broadcast_in_dim3A_1167 = vector.broadcast %jit3A_1166 : f32 to vector<1x900xf32>
    %select_n3A_1168 = arith.select %eq3A_1165, %reshape3A_1163, %broadcast_in_dim3A_1167 : vector<1x900xi1>, vector<1x900xf32>
    %reduce_sum3A_1169 = vector.shape_cast %select_n3A_1168 : vector<1x900xf32> to vector<1x1x900xf32>
    %reduce_sum3A_1170 = arith.constant dense<0.000000e+00> : vector<1xf32>
    %reduce_sum3A_1171 = vector.multi_reduction <add>, %reduce_sum3A_1169, %reduce_sum3A_1170 [1, 2] : vector<1x1x900xf32> to vector<1xf32>
    %reduce_sum3A_1172 = vector.shape_cast %reduce_sum3A_1171 : vector<1xf32> to vector<1x1x1xf32>
    %reduce_sum3A_1173 = vector.extract %reduce_sum3A_1172[0, 0, 0] : f32 from vector<1x1x1xf32>
    %eq3A_1174 = arith.constant 17 : i32
    %eq3A_1175 = vector.broadcast %eq3A_1174 : i32 to vector<8x128xi32>
    %eq3A_1176 = arith.cmpi eq, %iota3A_24, %eq3A_1175 : vector<8x128xi32>
    %eq3A_1177 = arith.constant 1 : i32
    %eq3A_1178 = vector.broadcast %eq3A_1177 : i32 to vector<8x128xi32>
    %eq3A_1179 = arith.cmpi eq, %iota3A_25, %eq3A_1178 : vector<8x128xi32>
    %and3A_1180 = arith.andi %eq3A_1176, %eq3A_1179 : vector<8x128xi1>
    %broadcast_in_dim3A_1181 = vector.broadcast %reduce_sum3A_1173 : f32 to vector<8x128xf32>
    %select_n3A_1182 = arith.select %and3A_1180, %broadcast_in_dim3A_1181, %select_n3A_1158 : vector<8x128xi1>, vector<8x128xf32>
    %get3A_1183 = arith.index_cast %get3A_747 : i32 to index
    %get3A_1184 = arith.constant 1 : index
    %get3A_1185 = arith.constant 0 : index
    %get3A_1186 = vector.load %arg1[%get3A_1183, %get3A_1184, %get3A_1185] : memref<81x8x900xf32, #tpu.memory_space<vmem>>, vector<1x1x900xf32>
    %reshape3A_1187 = vector.shape_cast %get3A_1186 : vector<1x1x900xf32> to vector<1x900xf32>
    %eq3A_1188 = vector.broadcast %get3A_687 : i32 to vector<1x900xi32>
    %eq3A_1189 = arith.cmpi eq, %iota3A, %eq3A_1188 : vector<1x900xi32>
    %jit3A_1190 = arith.constant 0.000000e+00 : f32
    %broadcast_in_dim3A_1191 = vector.broadcast %jit3A_1190 : f32 to vector<1x900xf32>
    %select_n3A_1192 = arith.select %eq3A_1189, %reshape3A_1187, %broadcast_in_dim3A_1191 : vector<1x900xi1>, vector<1x900xf32>
    %reduce_sum3A_1193 = vector.shape_cast %select_n3A_1192 : vector<1x900xf32> to vector<1x1x900xf32>
    %reduce_sum3A_1194 = arith.constant dense<0.000000e+00> : vector<1xf32>
    %reduce_sum3A_1195 = vector.multi_reduction <add>, %reduce_sum3A_1193, %reduce_sum3A_1194 [1, 2] : vector<1x1x900xf32> to vector<1xf32>
    %reduce_sum3A_1196 = vector.shape_cast %reduce_sum3A_1195 : vector<1xf32> to vector<1x1x1xf32>
    %reduce_sum3A_1197 = vector.extract %reduce_sum3A_1196[0, 0, 0] : f32 from vector<1x1x1xf32>
    %eq3A_1198 = arith.constant 18 : i32
    %eq3A_1199 = vector.broadcast %eq3A_1198 : i32 to vector<8x128xi32>
    %eq3A_1200 = arith.cmpi eq, %iota3A_24, %eq3A_1199 : vector<8x128xi32>
    %eq3A_1201 = arith.constant 1 : i32
    %eq3A_1202 = vector.broadcast %eq3A_1201 : i32 to vector<8x128xi32>
    %eq3A_1203 = arith.cmpi eq, %iota3A_25, %eq3A_1202 : vector<8x128xi32>
    %and3A_1204 = arith.andi %eq3A_1200, %eq3A_1203 : vector<8x128xi1>
    %broadcast_in_dim3A_1205 = vector.broadcast %reduce_sum3A_1197 : f32 to vector<8x128xf32>
    %select_n3A_1206 = arith.select %and3A_1204, %broadcast_in_dim3A_1205, %select_n3A_1182 : vector<8x128xi1>, vector<8x128xf32>
    %get3A_1207 = arith.index_cast %get3A_750 : i32 to index
    %get3A_1208 = arith.constant 1 : index
    %get3A_1209 = arith.constant 0 : index
    %get3A_1210 = vector.load %arg1[%get3A_1207, %get3A_1208, %get3A_1209] : memref<81x8x900xf32, #tpu.memory_space<vmem>>, vector<1x1x900xf32>
    %reshape3A_1211 = vector.shape_cast %get3A_1210 : vector<1x1x900xf32> to vector<1x900xf32>
    %eq3A_1212 = vector.broadcast %get3A_690 : i32 to vector<1x900xi32>
    %eq3A_1213 = arith.cmpi eq, %iota3A, %eq3A_1212 : vector<1x900xi32>
    %jit3A_1214 = arith.constant 0.000000e+00 : f32
    %broadcast_in_dim3A_1215 = vector.broadcast %jit3A_1214 : f32 to vector<1x900xf32>
    %select_n3A_1216 = arith.select %eq3A_1213, %reshape3A_1211, %broadcast_in_dim3A_1215 : vector<1x900xi1>, vector<1x900xf32>
    %reduce_sum3A_1217 = vector.shape_cast %select_n3A_1216 : vector<1x900xf32> to vector<1x1x900xf32>
    %reduce_sum3A_1218 = arith.constant dense<0.000000e+00> : vector<1xf32>
    %reduce_sum3A_1219 = vector.multi_reduction <add>, %reduce_sum3A_1217, %reduce_sum3A_1218 [1, 2] : vector<1x1x900xf32> to vector<1xf32>
    %reduce_sum3A_1220 = vector.shape_cast %reduce_sum3A_1219 : vector<1xf32> to vector<1x1x1xf32>
    %reduce_sum3A_1221 = vector.extract %reduce_sum3A_1220[0, 0, 0] : f32 from vector<1x1x1xf32>
    %eq3A_1222 = arith.constant 19 : i32
    %eq3A_1223 = vector.broadcast %eq3A_1222 : i32 to vector<8x128xi32>
    %eq3A_1224 = arith.cmpi eq, %iota3A_24, %eq3A_1223 : vector<8x128xi32>
    %eq3A_1225 = arith.constant 1 : i32
    %eq3A_1226 = vector.broadcast %eq3A_1225 : i32 to vector<8x128xi32>
    %eq3A_1227 = arith.cmpi eq, %iota3A_25, %eq3A_1226 : vector<8x128xi32>
    %and3A_1228 = arith.andi %eq3A_1224, %eq3A_1227 : vector<8x128xi1>
    %broadcast_in_dim3A_1229 = vector.broadcast %reduce_sum3A_1221 : f32 to vector<8x128xf32>
    %select_n3A_1230 = arith.select %and3A_1228, %broadcast_in_dim3A_1229, %select_n3A_1206 : vector<8x128xi1>, vector<8x128xf32>
    %mul3A_1231 = arith.constant 8 : i32
    %mul3A_1232 = arith.muli %arg0, %mul3A_1231 : i32
    %add3A_1233 = arith.constant 2 : i32
    %add3A_1234 = arith.addi %mul3A_1232, %add3A_1233 : i32
    %get3A_1235 = arith.constant 0 : index
    %get3A_1236 = arith.index_cast %add3A_1234 : i32 to index
    %get3A_1237 = memref.load %arg2[%get3A_1235, %get3A_1236] : memref<20x32xi32, #tpu.memory_space<smem>>
    %get3A_1238 = arith.constant 1 : index
    %get3A_1239 = arith.index_cast %add3A_1234 : i32 to index
    %get3A_1240 = memref.load %arg2[%get3A_1238, %get3A_1239] : memref<20x32xi32, #tpu.memory_space<smem>>
    %get3A_1241 = arith.constant 2 : index
    %get3A_1242 = arith.index_cast %add3A_1234 : i32 to index
    %get3A_1243 = memref.load %arg2[%get3A_1241, %get3A_1242] : memref<20x32xi32, #tpu.memory_space<smem>>
    %get3A_1244 = arith.constant 3 : index
    %get3A_1245 = arith.index_cast %add3A_1234 : i32 to index
    %get3A_1246 = memref.load %arg2[%get3A_1244, %get3A_1245] : memref<20x32xi32, #tpu.memory_space<smem>>
    %get3A_1247 = arith.constant 4 : index
    %get3A_1248 = arith.index_cast %add3A_1234 : i32 to index
    %get3A_1249 = memref.load %arg2[%get3A_1247, %get3A_1248] : memref<20x32xi32, #tpu.memory_space<smem>>
    %get3A_1250 = arith.constant 5 : index
    %get3A_1251 = arith.index_cast %add3A_1234 : i32 to index
    %get3A_1252 = memref.load %arg2[%get3A_1250, %get3A_1251] : memref<20x32xi32, #tpu.memory_space<smem>>
    %get3A_1253 = arith.constant 6 : index
    %get3A_1254 = arith.index_cast %add3A_1234 : i32 to index
    %get3A_1255 = memref.load %arg2[%get3A_1253, %get3A_1254] : memref<20x32xi32, #tpu.memory_space<smem>>
    %get3A_1256 = arith.constant 7 : index
    %get3A_1257 = arith.index_cast %add3A_1234 : i32 to index
    %get3A_1258 = memref.load %arg2[%get3A_1256, %get3A_1257] : memref<20x32xi32, #tpu.memory_space<smem>>
    %get3A_1259 = arith.constant 8 : index
    %get3A_1260 = arith.index_cast %add3A_1234 : i32 to index
    %get3A_1261 = memref.load %arg2[%get3A_1259, %get3A_1260] : memref<20x32xi32, #tpu.memory_space<smem>>
    %get3A_1262 = arith.constant 9 : index
    %get3A_1263 = arith.index_cast %add3A_1234 : i32 to index
    %get3A_1264 = memref.load %arg2[%get3A_1262, %get3A_1263] : memref<20x32xi32, #tpu.memory_space<smem>>
    %get3A_1265 = arith.constant 10 : index
    %get3A_1266 = arith.index_cast %add3A_1234 : i32 to index
    %get3A_1267 = memref.load %arg2[%get3A_1265, %get3A_1266] : memref<20x32xi32, #tpu.memory_space<smem>>
    %get3A_1268 = arith.constant 11 : index
    %get3A_1269 = arith.index_cast %add3A_1234 : i32 to index
    %get3A_1270 = memref.load %arg2[%get3A_1268, %get3A_1269] : memref<20x32xi32, #tpu.memory_space<smem>>
    %get3A_1271 = arith.constant 12 : index
    %get3A_1272 = arith.index_cast %add3A_1234 : i32 to index
    %get3A_1273 = memref.load %arg2[%get3A_1271, %get3A_1272] : memref<20x32xi32, #tpu.memory_space<smem>>
    %get3A_1274 = arith.constant 13 : index
    %get3A_1275 = arith.index_cast %add3A_1234 : i32 to index
    %get3A_1276 = memref.load %arg2[%get3A_1274, %get3A_1275] : memref<20x32xi32, #tpu.memory_space<smem>>
    %get3A_1277 = arith.constant 14 : index
    %get3A_1278 = arith.index_cast %add3A_1234 : i32 to index
    %get3A_1279 = memref.load %arg2[%get3A_1277, %get3A_1278] : memref<20x32xi32, #tpu.memory_space<smem>>
    %get3A_1280 = arith.constant 15 : index
    %get3A_1281 = arith.index_cast %add3A_1234 : i32 to index
    %get3A_1282 = memref.load %arg2[%get3A_1280, %get3A_1281] : memref<20x32xi32, #tpu.memory_space<smem>>
    %get3A_1283 = arith.constant 16 : index
    %get3A_1284 = arith.index_cast %add3A_1234 : i32 to index
    %get3A_1285 = memref.load %arg2[%get3A_1283, %get3A_1284] : memref<20x32xi32, #tpu.memory_space<smem>>
    %get3A_1286 = arith.constant 17 : index
    %get3A_1287 = arith.index_cast %add3A_1234 : i32 to index
    %get3A_1288 = memref.load %arg2[%get3A_1286, %get3A_1287] : memref<20x32xi32, #tpu.memory_space<smem>>
    %get3A_1289 = arith.constant 18 : index
    %get3A_1290 = arith.index_cast %add3A_1234 : i32 to index
    %get3A_1291 = memref.load %arg2[%get3A_1289, %get3A_1290] : memref<20x32xi32, #tpu.memory_space<smem>>
    %get3A_1292 = arith.constant 19 : index
    %get3A_1293 = arith.index_cast %add3A_1234 : i32 to index
    %get3A_1294 = memref.load %arg2[%get3A_1292, %get3A_1293] : memref<20x32xi32, #tpu.memory_space<smem>>
    %get3A_1295 = arith.constant 0 : index
    %get3A_1296 = arith.index_cast %add3A_1234 : i32 to index
    %get3A_1297 = memref.load %arg3[%get3A_1295, %get3A_1296] : memref<20x32xi32, #tpu.memory_space<smem>>
    %get3A_1298 = arith.constant 1 : index
    %get3A_1299 = arith.index_cast %add3A_1234 : i32 to index
    %get3A_1300 = memref.load %arg3[%get3A_1298, %get3A_1299] : memref<20x32xi32, #tpu.memory_space<smem>>
    %get3A_1301 = arith.constant 2 : index
    %get3A_1302 = arith.index_cast %add3A_1234 : i32 to index
    %get3A_1303 = memref.load %arg3[%get3A_1301, %get3A_1302] : memref<20x32xi32, #tpu.memory_space<smem>>
    %get3A_1304 = arith.constant 3 : index
    %get3A_1305 = arith.index_cast %add3A_1234 : i32 to index
    %get3A_1306 = memref.load %arg3[%get3A_1304, %get3A_1305] : memref<20x32xi32, #tpu.memory_space<smem>>
    %get3A_1307 = arith.constant 4 : index
    %get3A_1308 = arith.index_cast %add3A_1234 : i32 to index
    %get3A_1309 = memref.load %arg3[%get3A_1307, %get3A_1308] : memref<20x32xi32, #tpu.memory_space<smem>>
    %get3A_1310 = arith.constant 5 : index
    %get3A_1311 = arith.index_cast %add3A_1234 : i32 to index
    %get3A_1312 = memref.load %arg3[%get3A_1310, %get3A_1311] : memref<20x32xi32, #tpu.memory_space<smem>>
    %get3A_1313 = arith.constant 6 : index
    %get3A_1314 = arith.index_cast %add3A_1234 : i32 to index
    %get3A_1315 = memref.load %arg3[%get3A_1313, %get3A_1314] : memref<20x32xi32, #tpu.memory_space<smem>>
    %get3A_1316 = arith.constant 7 : index
    %get3A_1317 = arith.index_cast %add3A_1234 : i32 to index
    %get3A_1318 = memref.load %arg3[%get3A_1316, %get3A_1317] : memref<20x32xi32, #tpu.memory_space<smem>>
    %get3A_1319 = arith.constant 8 : index
    %get3A_1320 = arith.index_cast %add3A_1234 : i32 to index
    %get3A_1321 = memref.load %arg3[%get3A_1319, %get3A_1320] : memref<20x32xi32, #tpu.memory_space<smem>>
    %get3A_1322 = arith.constant 9 : index
    %get3A_1323 = arith.index_cast %add3A_1234 : i32 to index
    %get3A_1324 = memref.load %arg3[%get3A_1322, %get3A_1323] : memref<20x32xi32, #tpu.memory_space<smem>>
    %get3A_1325 = arith.constant 10 : index
    %get3A_1326 = arith.index_cast %add3A_1234 : i32 to index
    %get3A_1327 = memref.load %arg3[%get3A_1325, %get3A_1326] : memref<20x32xi32, #tpu.memory_space<smem>>
    %get3A_1328 = arith.constant 11 : index
    %get3A_1329 = arith.index_cast %add3A_1234 : i32 to index
    %get3A_1330 = memref.load %arg3[%get3A_1328, %get3A_1329] : memref<20x32xi32, #tpu.memory_space<smem>>
    %get3A_1331 = arith.constant 12 : index
    %get3A_1332 = arith.index_cast %add3A_1234 : i32 to index
    %get3A_1333 = memref.load %arg3[%get3A_1331, %get3A_1332] : memref<20x32xi32, #tpu.memory_space<smem>>
    %get3A_1334 = arith.constant 13 : index
    %get3A_1335 = arith.index_cast %add3A_1234 : i32 to index
    %get3A_1336 = memref.load %arg3[%get3A_1334, %get3A_1335] : memref<20x32xi32, #tpu.memory_space<smem>>
    %get3A_1337 = arith.constant 14 : index
    %get3A_1338 = arith.index_cast %add3A_1234 : i32 to index
    %get3A_1339 = memref.load %arg3[%get3A_1337, %get3A_1338] : memref<20x32xi32, #tpu.memory_space<smem>>
    %get3A_1340 = arith.constant 15 : index
    %get3A_1341 = arith.index_cast %add3A_1234 : i32 to index
    %get3A_1342 = memref.load %arg3[%get3A_1340, %get3A_1341] : memref<20x32xi32, #tpu.memory_space<smem>>
    %get3A_1343 = arith.constant 16 : index
    %get3A_1344 = arith.index_cast %add3A_1234 : i32 to index
    %get3A_1345 = memref.load %arg3[%get3A_1343, %get3A_1344] : memref<20x32xi32, #tpu.memory_space<smem>>
    %get3A_1346 = arith.constant 17 : index
    %get3A_1347 = arith.index_cast %add3A_1234 : i32 to index
    %get3A_1348 = memref.load %arg3[%get3A_1346, %get3A_1347] : memref<20x32xi32, #tpu.memory_space<smem>>
    %get3A_1349 = arith.constant 18 : index
    %get3A_1350 = arith.index_cast %add3A_1234 : i32 to index
    %get3A_1351 = memref.load %arg3[%get3A_1349, %get3A_1350] : memref<20x32xi32, #tpu.memory_space<smem>>
    %get3A_1352 = arith.constant 19 : index
    %get3A_1353 = arith.index_cast %add3A_1234 : i32 to index
    %get3A_1354 = memref.load %arg3[%get3A_1352, %get3A_1353] : memref<20x32xi32, #tpu.memory_space<smem>>
    %get3A_1355 = arith.index_cast %get3A_1297 : i32 to index
    %get3A_1356 = arith.constant 2 : index
    %get3A_1357 = arith.constant 0 : index
    %get3A_1358 = vector.load %arg1[%get3A_1355, %get3A_1356, %get3A_1357] : memref<81x8x900xf32, #tpu.memory_space<vmem>>, vector<1x1x900xf32>
    %reshape3A_1359 = vector.shape_cast %get3A_1358 : vector<1x1x900xf32> to vector<1x900xf32>
    %eq3A_1360 = vector.broadcast %get3A_1237 : i32 to vector<1x900xi32>
    %eq3A_1361 = arith.cmpi eq, %iota3A, %eq3A_1360 : vector<1x900xi32>
    %jit3A_1362 = arith.constant 0.000000e+00 : f32
    %broadcast_in_dim3A_1363 = vector.broadcast %jit3A_1362 : f32 to vector<1x900xf32>
    %select_n3A_1364 = arith.select %eq3A_1361, %reshape3A_1359, %broadcast_in_dim3A_1363 : vector<1x900xi1>, vector<1x900xf32>
    %reduce_sum3A_1365 = vector.shape_cast %select_n3A_1364 : vector<1x900xf32> to vector<1x1x900xf32>
    %reduce_sum3A_1366 = arith.constant dense<0.000000e+00> : vector<1xf32>
    %reduce_sum3A_1367 = vector.multi_reduction <add>, %reduce_sum3A_1365, %reduce_sum3A_1366 [1, 2] : vector<1x1x900xf32> to vector<1xf32>
    %reduce_sum3A_1368 = vector.shape_cast %reduce_sum3A_1367 : vector<1xf32> to vector<1x1x1xf32>
    %reduce_sum3A_1369 = vector.extract %reduce_sum3A_1368[0, 0, 0] : f32 from vector<1x1x1xf32>
    %eq3A_1370 = arith.constant 0 : i32
    %eq3A_1371 = vector.broadcast %eq3A_1370 : i32 to vector<8x128xi32>
    %eq3A_1372 = arith.cmpi eq, %iota3A_24, %eq3A_1371 : vector<8x128xi32>
    %eq3A_1373 = arith.constant 2 : i32
    %eq3A_1374 = vector.broadcast %eq3A_1373 : i32 to vector<8x128xi32>
    %eq3A_1375 = arith.cmpi eq, %iota3A_25, %eq3A_1374 : vector<8x128xi32>
    %and3A_1376 = arith.andi %eq3A_1372, %eq3A_1375 : vector<8x128xi1>
    %broadcast_in_dim3A_1377 = vector.broadcast %reduce_sum3A_1369 : f32 to vector<8x128xf32>
    %select_n3A_1378 = arith.select %and3A_1376, %broadcast_in_dim3A_1377, %select_n3A_1230 : vector<8x128xi1>, vector<8x128xf32>
    %get3A_1379 = arith.index_cast %get3A_1300 : i32 to index
    %get3A_1380 = arith.constant 2 : index
    %get3A_1381 = arith.constant 0 : index
    %get3A_1382 = vector.load %arg1[%get3A_1379, %get3A_1380, %get3A_1381] : memref<81x8x900xf32, #tpu.memory_space<vmem>>, vector<1x1x900xf32>
    %reshape3A_1383 = vector.shape_cast %get3A_1382 : vector<1x1x900xf32> to vector<1x900xf32>
    %eq3A_1384 = vector.broadcast %get3A_1240 : i32 to vector<1x900xi32>
    %eq3A_1385 = arith.cmpi eq, %iota3A, %eq3A_1384 : vector<1x900xi32>
    %jit3A_1386 = arith.constant 0.000000e+00 : f32
    %broadcast_in_dim3A_1387 = vector.broadcast %jit3A_1386 : f32 to vector<1x900xf32>
    %select_n3A_1388 = arith.select %eq3A_1385, %reshape3A_1383, %broadcast_in_dim3A_1387 : vector<1x900xi1>, vector<1x900xf32>
    %reduce_sum3A_1389 = vector.shape_cast %select_n3A_1388 : vector<1x900xf32> to vector<1x1x900xf32>
    %reduce_sum3A_1390 = arith.constant dense<0.000000e+00> : vector<1xf32>
    %reduce_sum3A_1391 = vector.multi_reduction <add>, %reduce_sum3A_1389, %reduce_sum3A_1390 [1, 2] : vector<1x1x900xf32> to vector<1xf32>
    %reduce_sum3A_1392 = vector.shape_cast %reduce_sum3A_1391 : vector<1xf32> to vector<1x1x1xf32>
    %reduce_sum3A_1393 = vector.extract %reduce_sum3A_1392[0, 0, 0] : f32 from vector<1x1x1xf32>
    %eq3A_1394 = arith.constant 1 : i32
    %eq3A_1395 = vector.broadcast %eq3A_1394 : i32 to vector<8x128xi32>
    %eq3A_1396 = arith.cmpi eq, %iota3A_24, %eq3A_1395 : vector<8x128xi32>
    %eq3A_1397 = arith.constant 2 : i32
    %eq3A_1398 = vector.broadcast %eq3A_1397 : i32 to vector<8x128xi32>
    %eq3A_1399 = arith.cmpi eq, %iota3A_25, %eq3A_1398 : vector<8x128xi32>
    %and3A_1400 = arith.andi %eq3A_1396, %eq3A_1399 : vector<8x128xi1>
    %broadcast_in_dim3A_1401 = vector.broadcast %reduce_sum3A_1393 : f32 to vector<8x128xf32>
    %select_n3A_1402 = arith.select %and3A_1400, %broadcast_in_dim3A_1401, %select_n3A_1378 : vector<8x128xi1>, vector<8x128xf32>
    %get3A_1403 = arith.index_cast %get3A_1303 : i32 to index
    %get3A_1404 = arith.constant 2 : index
    %get3A_1405 = arith.constant 0 : index
    %get3A_1406 = vector.load %arg1[%get3A_1403, %get3A_1404, %get3A_1405] : memref<81x8x900xf32, #tpu.memory_space<vmem>>, vector<1x1x900xf32>
    %reshape3A_1407 = vector.shape_cast %get3A_1406 : vector<1x1x900xf32> to vector<1x900xf32>
    %eq3A_1408 = vector.broadcast %get3A_1243 : i32 to vector<1x900xi32>
    %eq3A_1409 = arith.cmpi eq, %iota3A, %eq3A_1408 : vector<1x900xi32>
    %jit3A_1410 = arith.constant 0.000000e+00 : f32
    %broadcast_in_dim3A_1411 = vector.broadcast %jit3A_1410 : f32 to vector<1x900xf32>
    %select_n3A_1412 = arith.select %eq3A_1409, %reshape3A_1407, %broadcast_in_dim3A_1411 : vector<1x900xi1>, vector<1x900xf32>
    %reduce_sum3A_1413 = vector.shape_cast %select_n3A_1412 : vector<1x900xf32> to vector<1x1x900xf32>
    %reduce_sum3A_1414 = arith.constant dense<0.000000e+00> : vector<1xf32>
    %reduce_sum3A_1415 = vector.multi_reduction <add>, %reduce_sum3A_1413, %reduce_sum3A_1414 [1, 2] : vector<1x1x900xf32> to vector<1xf32>
    %reduce_sum3A_1416 = vector.shape_cast %reduce_sum3A_1415 : vector<1xf32> to vector<1x1x1xf32>
    %reduce_sum3A_1417 = vector.extract %reduce_sum3A_1416[0, 0, 0] : f32 from vector<1x1x1xf32>
    %eq3A_1418 = arith.constant 2 : i32
    %eq3A_1419 = vector.broadcast %eq3A_1418 : i32 to vector<8x128xi32>
    %eq3A_1420 = arith.cmpi eq, %iota3A_24, %eq3A_1419 : vector<8x128xi32>
    %eq3A_1421 = arith.constant 2 : i32
    %eq3A_1422 = vector.broadcast %eq3A_1421 : i32 to vector<8x128xi32>
    %eq3A_1423 = arith.cmpi eq, %iota3A_25, %eq3A_1422 : vector<8x128xi32>
    %and3A_1424 = arith.andi %eq3A_1420, %eq3A_1423 : vector<8x128xi1>
    %broadcast_in_dim3A_1425 = vector.broadcast %reduce_sum3A_1417 : f32 to vector<8x128xf32>
    %select_n3A_1426 = arith.select %and3A_1424, %broadcast_in_dim3A_1425, %select_n3A_1402 : vector<8x128xi1>, vector<8x128xf32>
    %get3A_1427 = arith.index_cast %get3A_1306 : i32 to index
    %get3A_1428 = arith.constant 2 : index
    %get3A_1429 = arith.constant 0 : index
    %get3A_1430 = vector.load %arg1[%get3A_1427, %get3A_1428, %get3A_1429] : memref<81x8x900xf32, #tpu.memory_space<vmem>>, vector<1x1x900xf32>
    %reshape3A_1431 = vector.shape_cast %get3A_1430 : vector<1x1x900xf32> to vector<1x900xf32>
    %eq3A_1432 = vector.broadcast %get3A_1246 : i32 to vector<1x900xi32>
    %eq3A_1433 = arith.cmpi eq, %iota3A, %eq3A_1432 : vector<1x900xi32>
    %jit3A_1434 = arith.constant 0.000000e+00 : f32
    %broadcast_in_dim3A_1435 = vector.broadcast %jit3A_1434 : f32 to vector<1x900xf32>
    %select_n3A_1436 = arith.select %eq3A_1433, %reshape3A_1431, %broadcast_in_dim3A_1435 : vector<1x900xi1>, vector<1x900xf32>
    %reduce_sum3A_1437 = vector.shape_cast %select_n3A_1436 : vector<1x900xf32> to vector<1x1x900xf32>
    %reduce_sum3A_1438 = arith.constant dense<0.000000e+00> : vector<1xf32>
    %reduce_sum3A_1439 = vector.multi_reduction <add>, %reduce_sum3A_1437, %reduce_sum3A_1438 [1, 2] : vector<1x1x900xf32> to vector<1xf32>
    %reduce_sum3A_1440 = vector.shape_cast %reduce_sum3A_1439 : vector<1xf32> to vector<1x1x1xf32>
    %reduce_sum3A_1441 = vector.extract %reduce_sum3A_1440[0, 0, 0] : f32 from vector<1x1x1xf32>
    %eq3A_1442 = arith.constant 3 : i32
    %eq3A_1443 = vector.broadcast %eq3A_1442 : i32 to vector<8x128xi32>
    %eq3A_1444 = arith.cmpi eq, %iota3A_24, %eq3A_1443 : vector<8x128xi32>
    %eq3A_1445 = arith.constant 2 : i32
    %eq3A_1446 = vector.broadcast %eq3A_1445 : i32 to vector<8x128xi32>
    %eq3A_1447 = arith.cmpi eq, %iota3A_25, %eq3A_1446 : vector<8x128xi32>
    %and3A_1448 = arith.andi %eq3A_1444, %eq3A_1447 : vector<8x128xi1>
    %broadcast_in_dim3A_1449 = vector.broadcast %reduce_sum3A_1441 : f32 to vector<8x128xf32>
    %select_n3A_1450 = arith.select %and3A_1448, %broadcast_in_dim3A_1449, %select_n3A_1426 : vector<8x128xi1>, vector<8x128xf32>
    %get3A_1451 = arith.index_cast %get3A_1309 : i32 to index
    %get3A_1452 = arith.constant 2 : index
    %get3A_1453 = arith.constant 0 : index
    %get3A_1454 = vector.load %arg1[%get3A_1451, %get3A_1452, %get3A_1453] : memref<81x8x900xf32, #tpu.memory_space<vmem>>, vector<1x1x900xf32>
    %reshape3A_1455 = vector.shape_cast %get3A_1454 : vector<1x1x900xf32> to vector<1x900xf32>
    %eq3A_1456 = vector.broadcast %get3A_1249 : i32 to vector<1x900xi32>
    %eq3A_1457 = arith.cmpi eq, %iota3A, %eq3A_1456 : vector<1x900xi32>
    %jit3A_1458 = arith.constant 0.000000e+00 : f32
    %broadcast_in_dim3A_1459 = vector.broadcast %jit3A_1458 : f32 to vector<1x900xf32>
    %select_n3A_1460 = arith.select %eq3A_1457, %reshape3A_1455, %broadcast_in_dim3A_1459 : vector<1x900xi1>, vector<1x900xf32>
    %reduce_sum3A_1461 = vector.shape_cast %select_n3A_1460 : vector<1x900xf32> to vector<1x1x900xf32>
    %reduce_sum3A_1462 = arith.constant dense<0.000000e+00> : vector<1xf32>
    %reduce_sum3A_1463 = vector.multi_reduction <add>, %reduce_sum3A_1461, %reduce_sum3A_1462 [1, 2] : vector<1x1x900xf32> to vector<1xf32>
    %reduce_sum3A_1464 = vector.shape_cast %reduce_sum3A_1463 : vector<1xf32> to vector<1x1x1xf32>
    %reduce_sum3A_1465 = vector.extract %reduce_sum3A_1464[0, 0, 0] : f32 from vector<1x1x1xf32>
    %eq3A_1466 = arith.constant 4 : i32
    %eq3A_1467 = vector.broadcast %eq3A_1466 : i32 to vector<8x128xi32>
    %eq3A_1468 = arith.cmpi eq, %iota3A_24, %eq3A_1467 : vector<8x128xi32>
    %eq3A_1469 = arith.constant 2 : i32
    %eq3A_1470 = vector.broadcast %eq3A_1469 : i32 to vector<8x128xi32>
    %eq3A_1471 = arith.cmpi eq, %iota3A_25, %eq3A_1470 : vector<8x128xi32>
    %and3A_1472 = arith.andi %eq3A_1468, %eq3A_1471 : vector<8x128xi1>
    %broadcast_in_dim3A_1473 = vector.broadcast %reduce_sum3A_1465 : f32 to vector<8x128xf32>
    %select_n3A_1474 = arith.select %and3A_1472, %broadcast_in_dim3A_1473, %select_n3A_1450 : vector<8x128xi1>, vector<8x128xf32>
    %get3A_1475 = arith.index_cast %get3A_1312 : i32 to index
    %get3A_1476 = arith.constant 2 : index
    %get3A_1477 = arith.constant 0 : index
    %get3A_1478 = vector.load %arg1[%get3A_1475, %get3A_1476, %get3A_1477] : memref<81x8x900xf32, #tpu.memory_space<vmem>>, vector<1x1x900xf32>
    %reshape3A_1479 = vector.shape_cast %get3A_1478 : vector<1x1x900xf32> to vector<1x900xf32>
    %eq3A_1480 = vector.broadcast %get3A_1252 : i32 to vector<1x900xi32>
    %eq3A_1481 = arith.cmpi eq, %iota3A, %eq3A_1480 : vector<1x900xi32>
    %jit3A_1482 = arith.constant 0.000000e+00 : f32
    %broadcast_in_dim3A_1483 = vector.broadcast %jit3A_1482 : f32 to vector<1x900xf32>
    %select_n3A_1484 = arith.select %eq3A_1481, %reshape3A_1479, %broadcast_in_dim3A_1483 : vector<1x900xi1>, vector<1x900xf32>
    %reduce_sum3A_1485 = vector.shape_cast %select_n3A_1484 : vector<1x900xf32> to vector<1x1x900xf32>
    %reduce_sum3A_1486 = arith.constant dense<0.000000e+00> : vector<1xf32>
    %reduce_sum3A_1487 = vector.multi_reduction <add>, %reduce_sum3A_1485, %reduce_sum3A_1486 [1, 2] : vector<1x1x900xf32> to vector<1xf32>
    %reduce_sum3A_1488 = vector.shape_cast %reduce_sum3A_1487 : vector<1xf32> to vector<1x1x1xf32>
    %reduce_sum3A_1489 = vector.extract %reduce_sum3A_1488[0, 0, 0] : f32 from vector<1x1x1xf32>
    %eq3A_1490 = arith.constant 5 : i32
    %eq3A_1491 = vector.broadcast %eq3A_1490 : i32 to vector<8x128xi32>
    %eq3A_1492 = arith.cmpi eq, %iota3A_24, %eq3A_1491 : vector<8x128xi32>
    %eq3A_1493 = arith.constant 2 : i32
    %eq3A_1494 = vector.broadcast %eq3A_1493 : i32 to vector<8x128xi32>
    %eq3A_1495 = arith.cmpi eq, %iota3A_25, %eq3A_1494 : vector<8x128xi32>
    %and3A_1496 = arith.andi %eq3A_1492, %eq3A_1495 : vector<8x128xi1>
    %broadcast_in_dim3A_1497 = vector.broadcast %reduce_sum3A_1489 : f32 to vector<8x128xf32>
    %select_n3A_1498 = arith.select %and3A_1496, %broadcast_in_dim3A_1497, %select_n3A_1474 : vector<8x128xi1>, vector<8x128xf32>
    %get3A_1499 = arith.index_cast %get3A_1315 : i32 to index
    %get3A_1500 = arith.constant 2 : index
    %get3A_1501 = arith.constant 0 : index
    %get3A_1502 = vector.load %arg1[%get3A_1499, %get3A_1500, %get3A_1501] : memref<81x8x900xf32, #tpu.memory_space<vmem>>, vector<1x1x900xf32>
    %reshape3A_1503 = vector.shape_cast %get3A_1502 : vector<1x1x900xf32> to vector<1x900xf32>
    %eq3A_1504 = vector.broadcast %get3A_1255 : i32 to vector<1x900xi32>
    %eq3A_1505 = arith.cmpi eq, %iota3A, %eq3A_1504 : vector<1x900xi32>
    %jit3A_1506 = arith.constant 0.000000e+00 : f32
    %broadcast_in_dim3A_1507 = vector.broadcast %jit3A_1506 : f32 to vector<1x900xf32>
    %select_n3A_1508 = arith.select %eq3A_1505, %reshape3A_1503, %broadcast_in_dim3A_1507 : vector<1x900xi1>, vector<1x900xf32>
    %reduce_sum3A_1509 = vector.shape_cast %select_n3A_1508 : vector<1x900xf32> to vector<1x1x900xf32>
    %reduce_sum3A_1510 = arith.constant dense<0.000000e+00> : vector<1xf32>
    %reduce_sum3A_1511 = vector.multi_reduction <add>, %reduce_sum3A_1509, %reduce_sum3A_1510 [1, 2] : vector<1x1x900xf32> to vector<1xf32>
    %reduce_sum3A_1512 = vector.shape_cast %reduce_sum3A_1511 : vector<1xf32> to vector<1x1x1xf32>
    %reduce_sum3A_1513 = vector.extract %reduce_sum3A_1512[0, 0, 0] : f32 from vector<1x1x1xf32>
    %eq3A_1514 = arith.constant 6 : i32
    %eq3A_1515 = vector.broadcast %eq3A_1514 : i32 to vector<8x128xi32>
    %eq3A_1516 = arith.cmpi eq, %iota3A_24, %eq3A_1515 : vector<8x128xi32>
    %eq3A_1517 = arith.constant 2 : i32
    %eq3A_1518 = vector.broadcast %eq3A_1517 : i32 to vector<8x128xi32>
    %eq3A_1519 = arith.cmpi eq, %iota3A_25, %eq3A_1518 : vector<8x128xi32>
    %and3A_1520 = arith.andi %eq3A_1516, %eq3A_1519 : vector<8x128xi1>
    %broadcast_in_dim3A_1521 = vector.broadcast %reduce_sum3A_1513 : f32 to vector<8x128xf32>
    %select_n3A_1522 = arith.select %and3A_1520, %broadcast_in_dim3A_1521, %select_n3A_1498 : vector<8x128xi1>, vector<8x128xf32>
    %get3A_1523 = arith.index_cast %get3A_1318 : i32 to index
    %get3A_1524 = arith.constant 2 : index
    %get3A_1525 = arith.constant 0 : index
    %get3A_1526 = vector.load %arg1[%get3A_1523, %get3A_1524, %get3A_1525] : memref<81x8x900xf32, #tpu.memory_space<vmem>>, vector<1x1x900xf32>
    %reshape3A_1527 = vector.shape_cast %get3A_1526 : vector<1x1x900xf32> to vector<1x900xf32>
    %eq3A_1528 = vector.broadcast %get3A_1258 : i32 to vector<1x900xi32>
    %eq3A_1529 = arith.cmpi eq, %iota3A, %eq3A_1528 : vector<1x900xi32>
    %jit3A_1530 = arith.constant 0.000000e+00 : f32
    %broadcast_in_dim3A_1531 = vector.broadcast %jit3A_1530 : f32 to vector<1x900xf32>
    %select_n3A_1532 = arith.select %eq3A_1529, %reshape3A_1527, %broadcast_in_dim3A_1531 : vector<1x900xi1>, vector<1x900xf32>
    %reduce_sum3A_1533 = vector.shape_cast %select_n3A_1532 : vector<1x900xf32> to vector<1x1x900xf32>
    %reduce_sum3A_1534 = arith.constant dense<0.000000e+00> : vector<1xf32>
    %reduce_sum3A_1535 = vector.multi_reduction <add>, %reduce_sum3A_1533, %reduce_sum3A_1534 [1, 2] : vector<1x1x900xf32> to vector<1xf32>
    %reduce_sum3A_1536 = vector.shape_cast %reduce_sum3A_1535 : vector<1xf32> to vector<1x1x1xf32>
    %reduce_sum3A_1537 = vector.extract %reduce_sum3A_1536[0, 0, 0] : f32 from vector<1x1x1xf32>
    %eq3A_1538 = arith.constant 7 : i32
    %eq3A_1539 = vector.broadcast %eq3A_1538 : i32 to vector<8x128xi32>
    %eq3A_1540 = arith.cmpi eq, %iota3A_24, %eq3A_1539 : vector<8x128xi32>
    %eq3A_1541 = arith.constant 2 : i32
    %eq3A_1542 = vector.broadcast %eq3A_1541 : i32 to vector<8x128xi32>
    %eq3A_1543 = arith.cmpi eq, %iota3A_25, %eq3A_1542 : vector<8x128xi32>
    %and3A_1544 = arith.andi %eq3A_1540, %eq3A_1543 : vector<8x128xi1>
    %broadcast_in_dim3A_1545 = vector.broadcast %reduce_sum3A_1537 : f32 to vector<8x128xf32>
    %select_n3A_1546 = arith.select %and3A_1544, %broadcast_in_dim3A_1545, %select_n3A_1522 : vector<8x128xi1>, vector<8x128xf32>
    %get3A_1547 = arith.index_cast %get3A_1321 : i32 to index
    %get3A_1548 = arith.constant 2 : index
    %get3A_1549 = arith.constant 0 : index
    %get3A_1550 = vector.load %arg1[%get3A_1547, %get3A_1548, %get3A_1549] : memref<81x8x900xf32, #tpu.memory_space<vmem>>, vector<1x1x900xf32>
    %reshape3A_1551 = vector.shape_cast %get3A_1550 : vector<1x1x900xf32> to vector<1x900xf32>
    %eq3A_1552 = vector.broadcast %get3A_1261 : i32 to vector<1x900xi32>
    %eq3A_1553 = arith.cmpi eq, %iota3A, %eq3A_1552 : vector<1x900xi32>
    %jit3A_1554 = arith.constant 0.000000e+00 : f32
    %broadcast_in_dim3A_1555 = vector.broadcast %jit3A_1554 : f32 to vector<1x900xf32>
    %select_n3A_1556 = arith.select %eq3A_1553, %reshape3A_1551, %broadcast_in_dim3A_1555 : vector<1x900xi1>, vector<1x900xf32>
    %reduce_sum3A_1557 = vector.shape_cast %select_n3A_1556 : vector<1x900xf32> to vector<1x1x900xf32>
    %reduce_sum3A_1558 = arith.constant dense<0.000000e+00> : vector<1xf32>
    %reduce_sum3A_1559 = vector.multi_reduction <add>, %reduce_sum3A_1557, %reduce_sum3A_1558 [1, 2] : vector<1x1x900xf32> to vector<1xf32>
    %reduce_sum3A_1560 = vector.shape_cast %reduce_sum3A_1559 : vector<1xf32> to vector<1x1x1xf32>
    %reduce_sum3A_1561 = vector.extract %reduce_sum3A_1560[0, 0, 0] : f32 from vector<1x1x1xf32>
    %eq3A_1562 = arith.constant 8 : i32
    %eq3A_1563 = vector.broadcast %eq3A_1562 : i32 to vector<8x128xi32>
    %eq3A_1564 = arith.cmpi eq, %iota3A_24, %eq3A_1563 : vector<8x128xi32>
    %eq3A_1565 = arith.constant 2 : i32
    %eq3A_1566 = vector.broadcast %eq3A_1565 : i32 to vector<8x128xi32>
    %eq3A_1567 = arith.cmpi eq, %iota3A_25, %eq3A_1566 : vector<8x128xi32>
    %and3A_1568 = arith.andi %eq3A_1564, %eq3A_1567 : vector<8x128xi1>
    %broadcast_in_dim3A_1569 = vector.broadcast %reduce_sum3A_1561 : f32 to vector<8x128xf32>
    %select_n3A_1570 = arith.select %and3A_1568, %broadcast_in_dim3A_1569, %select_n3A_1546 : vector<8x128xi1>, vector<8x128xf32>
    %get3A_1571 = arith.index_cast %get3A_1324 : i32 to index
    %get3A_1572 = arith.constant 2 : index
    %get3A_1573 = arith.constant 0 : index
    %get3A_1574 = vector.load %arg1[%get3A_1571, %get3A_1572, %get3A_1573] : memref<81x8x900xf32, #tpu.memory_space<vmem>>, vector<1x1x900xf32>
    %reshape3A_1575 = vector.shape_cast %get3A_1574 : vector<1x1x900xf32> to vector<1x900xf32>
    %eq3A_1576 = vector.broadcast %get3A_1264 : i32 to vector<1x900xi32>
    %eq3A_1577 = arith.cmpi eq, %iota3A, %eq3A_1576 : vector<1x900xi32>
    %jit3A_1578 = arith.constant 0.000000e+00 : f32
    %broadcast_in_dim3A_1579 = vector.broadcast %jit3A_1578 : f32 to vector<1x900xf32>
    %select_n3A_1580 = arith.select %eq3A_1577, %reshape3A_1575, %broadcast_in_dim3A_1579 : vector<1x900xi1>, vector<1x900xf32>
    %reduce_sum3A_1581 = vector.shape_cast %select_n3A_1580 : vector<1x900xf32> to vector<1x1x900xf32>
    %reduce_sum3A_1582 = arith.constant dense<0.000000e+00> : vector<1xf32>
    %reduce_sum3A_1583 = vector.multi_reduction <add>, %reduce_sum3A_1581, %reduce_sum3A_1582 [1, 2] : vector<1x1x900xf32> to vector<1xf32>
    %reduce_sum3A_1584 = vector.shape_cast %reduce_sum3A_1583 : vector<1xf32> to vector<1x1x1xf32>
    %reduce_sum3A_1585 = vector.extract %reduce_sum3A_1584[0, 0, 0] : f32 from vector<1x1x1xf32>
    %eq3A_1586 = arith.constant 9 : i32
    %eq3A_1587 = vector.broadcast %eq3A_1586 : i32 to vector<8x128xi32>
    %eq3A_1588 = arith.cmpi eq, %iota3A_24, %eq3A_1587 : vector<8x128xi32>
    %eq3A_1589 = arith.constant 2 : i32
    %eq3A_1590 = vector.broadcast %eq3A_1589 : i32 to vector<8x128xi32>
    %eq3A_1591 = arith.cmpi eq, %iota3A_25, %eq3A_1590 : vector<8x128xi32>
    %and3A_1592 = arith.andi %eq3A_1588, %eq3A_1591 : vector<8x128xi1>
    %broadcast_in_dim3A_1593 = vector.broadcast %reduce_sum3A_1585 : f32 to vector<8x128xf32>
    %select_n3A_1594 = arith.select %and3A_1592, %broadcast_in_dim3A_1593, %select_n3A_1570 : vector<8x128xi1>, vector<8x128xf32>
    %get3A_1595 = arith.index_cast %get3A_1327 : i32 to index
    %get3A_1596 = arith.constant 2 : index
    %get3A_1597 = arith.constant 0 : index
    %get3A_1598 = vector.load %arg1[%get3A_1595, %get3A_1596, %get3A_1597] : memref<81x8x900xf32, #tpu.memory_space<vmem>>, vector<1x1x900xf32>
    %reshape3A_1599 = vector.shape_cast %get3A_1598 : vector<1x1x900xf32> to vector<1x900xf32>
    %eq3A_1600 = vector.broadcast %get3A_1267 : i32 to vector<1x900xi32>
    %eq3A_1601 = arith.cmpi eq, %iota3A, %eq3A_1600 : vector<1x900xi32>
    %jit3A_1602 = arith.constant 0.000000e+00 : f32
    %broadcast_in_dim3A_1603 = vector.broadcast %jit3A_1602 : f32 to vector<1x900xf32>
    %select_n3A_1604 = arith.select %eq3A_1601, %reshape3A_1599, %broadcast_in_dim3A_1603 : vector<1x900xi1>, vector<1x900xf32>
    %reduce_sum3A_1605 = vector.shape_cast %select_n3A_1604 : vector<1x900xf32> to vector<1x1x900xf32>
    %reduce_sum3A_1606 = arith.constant dense<0.000000e+00> : vector<1xf32>
    %reduce_sum3A_1607 = vector.multi_reduction <add>, %reduce_sum3A_1605, %reduce_sum3A_1606 [1, 2] : vector<1x1x900xf32> to vector<1xf32>
    %reduce_sum3A_1608 = vector.shape_cast %reduce_sum3A_1607 : vector<1xf32> to vector<1x1x1xf32>
    %reduce_sum3A_1609 = vector.extract %reduce_sum3A_1608[0, 0, 0] : f32 from vector<1x1x1xf32>
    %eq3A_1610 = arith.constant 10 : i32
    %eq3A_1611 = vector.broadcast %eq3A_1610 : i32 to vector<8x128xi32>
    %eq3A_1612 = arith.cmpi eq, %iota3A_24, %eq3A_1611 : vector<8x128xi32>
    %eq3A_1613 = arith.constant 2 : i32
    %eq3A_1614 = vector.broadcast %eq3A_1613 : i32 to vector<8x128xi32>
    %eq3A_1615 = arith.cmpi eq, %iota3A_25, %eq3A_1614 : vector<8x128xi32>
    %and3A_1616 = arith.andi %eq3A_1612, %eq3A_1615 : vector<8x128xi1>
    %broadcast_in_dim3A_1617 = vector.broadcast %reduce_sum3A_1609 : f32 to vector<8x128xf32>
    %select_n3A_1618 = arith.select %and3A_1616, %broadcast_in_dim3A_1617, %select_n3A_1594 : vector<8x128xi1>, vector<8x128xf32>
    %get3A_1619 = arith.index_cast %get3A_1330 : i32 to index
    %get3A_1620 = arith.constant 2 : index
    %get3A_1621 = arith.constant 0 : index
    %get3A_1622 = vector.load %arg1[%get3A_1619, %get3A_1620, %get3A_1621] : memref<81x8x900xf32, #tpu.memory_space<vmem>>, vector<1x1x900xf32>
    %reshape3A_1623 = vector.shape_cast %get3A_1622 : vector<1x1x900xf32> to vector<1x900xf32>
    %eq3A_1624 = vector.broadcast %get3A_1270 : i32 to vector<1x900xi32>
    %eq3A_1625 = arith.cmpi eq, %iota3A, %eq3A_1624 : vector<1x900xi32>
    %jit3A_1626 = arith.constant 0.000000e+00 : f32
    %broadcast_in_dim3A_1627 = vector.broadcast %jit3A_1626 : f32 to vector<1x900xf32>
    %select_n3A_1628 = arith.select %eq3A_1625, %reshape3A_1623, %broadcast_in_dim3A_1627 : vector<1x900xi1>, vector<1x900xf32>
    %reduce_sum3A_1629 = vector.shape_cast %select_n3A_1628 : vector<1x900xf32> to vector<1x1x900xf32>
    %reduce_sum3A_1630 = arith.constant dense<0.000000e+00> : vector<1xf32>
    %reduce_sum3A_1631 = vector.multi_reduction <add>, %reduce_sum3A_1629, %reduce_sum3A_1630 [1, 2] : vector<1x1x900xf32> to vector<1xf32>
    %reduce_sum3A_1632 = vector.shape_cast %reduce_sum3A_1631 : vector<1xf32> to vector<1x1x1xf32>
    %reduce_sum3A_1633 = vector.extract %reduce_sum3A_1632[0, 0, 0] : f32 from vector<1x1x1xf32>
    %eq3A_1634 = arith.constant 11 : i32
    %eq3A_1635 = vector.broadcast %eq3A_1634 : i32 to vector<8x128xi32>
    %eq3A_1636 = arith.cmpi eq, %iota3A_24, %eq3A_1635 : vector<8x128xi32>
    %eq3A_1637 = arith.constant 2 : i32
    %eq3A_1638 = vector.broadcast %eq3A_1637 : i32 to vector<8x128xi32>
    %eq3A_1639 = arith.cmpi eq, %iota3A_25, %eq3A_1638 : vector<8x128xi32>
    %and3A_1640 = arith.andi %eq3A_1636, %eq3A_1639 : vector<8x128xi1>
    %broadcast_in_dim3A_1641 = vector.broadcast %reduce_sum3A_1633 : f32 to vector<8x128xf32>
    %select_n3A_1642 = arith.select %and3A_1640, %broadcast_in_dim3A_1641, %select_n3A_1618 : vector<8x128xi1>, vector<8x128xf32>
    %get3A_1643 = arith.index_cast %get3A_1333 : i32 to index
    %get3A_1644 = arith.constant 2 : index
    %get3A_1645 = arith.constant 0 : index
    %get3A_1646 = vector.load %arg1[%get3A_1643, %get3A_1644, %get3A_1645] : memref<81x8x900xf32, #tpu.memory_space<vmem>>, vector<1x1x900xf32>
    %reshape3A_1647 = vector.shape_cast %get3A_1646 : vector<1x1x900xf32> to vector<1x900xf32>
    %eq3A_1648 = vector.broadcast %get3A_1273 : i32 to vector<1x900xi32>
    %eq3A_1649 = arith.cmpi eq, %iota3A, %eq3A_1648 : vector<1x900xi32>
    %jit3A_1650 = arith.constant 0.000000e+00 : f32
    %broadcast_in_dim3A_1651 = vector.broadcast %jit3A_1650 : f32 to vector<1x900xf32>
    %select_n3A_1652 = arith.select %eq3A_1649, %reshape3A_1647, %broadcast_in_dim3A_1651 : vector<1x900xi1>, vector<1x900xf32>
    %reduce_sum3A_1653 = vector.shape_cast %select_n3A_1652 : vector<1x900xf32> to vector<1x1x900xf32>
    %reduce_sum3A_1654 = arith.constant dense<0.000000e+00> : vector<1xf32>
    %reduce_sum3A_1655 = vector.multi_reduction <add>, %reduce_sum3A_1653, %reduce_sum3A_1654 [1, 2] : vector<1x1x900xf32> to vector<1xf32>
    %reduce_sum3A_1656 = vector.shape_cast %reduce_sum3A_1655 : vector<1xf32> to vector<1x1x1xf32>
    %reduce_sum3A_1657 = vector.extract %reduce_sum3A_1656[0, 0, 0] : f32 from vector<1x1x1xf32>
    %eq3A_1658 = arith.constant 12 : i32
    %eq3A_1659 = vector.broadcast %eq3A_1658 : i32 to vector<8x128xi32>
    %eq3A_1660 = arith.cmpi eq, %iota3A_24, %eq3A_1659 : vector<8x128xi32>
    %eq3A_1661 = arith.constant 2 : i32
    %eq3A_1662 = vector.broadcast %eq3A_1661 : i32 to vector<8x128xi32>
    %eq3A_1663 = arith.cmpi eq, %iota3A_25, %eq3A_1662 : vector<8x128xi32>
    %and3A_1664 = arith.andi %eq3A_1660, %eq3A_1663 : vector<8x128xi1>
    %broadcast_in_dim3A_1665 = vector.broadcast %reduce_sum3A_1657 : f32 to vector<8x128xf32>
    %select_n3A_1666 = arith.select %and3A_1664, %broadcast_in_dim3A_1665, %select_n3A_1642 : vector<8x128xi1>, vector<8x128xf32>
    %get3A_1667 = arith.index_cast %get3A_1336 : i32 to index
    %get3A_1668 = arith.constant 2 : index
    %get3A_1669 = arith.constant 0 : index
    %get3A_1670 = vector.load %arg1[%get3A_1667, %get3A_1668, %get3A_1669] : memref<81x8x900xf32, #tpu.memory_space<vmem>>, vector<1x1x900xf32>
    %reshape3A_1671 = vector.shape_cast %get3A_1670 : vector<1x1x900xf32> to vector<1x900xf32>
    %eq3A_1672 = vector.broadcast %get3A_1276 : i32 to vector<1x900xi32>
    %eq3A_1673 = arith.cmpi eq, %iota3A, %eq3A_1672 : vector<1x900xi32>
    %jit3A_1674 = arith.constant 0.000000e+00 : f32
    %broadcast_in_dim3A_1675 = vector.broadcast %jit3A_1674 : f32 to vector<1x900xf32>
    %select_n3A_1676 = arith.select %eq3A_1673, %reshape3A_1671, %broadcast_in_dim3A_1675 : vector<1x900xi1>, vector<1x900xf32>
    %reduce_sum3A_1677 = vector.shape_cast %select_n3A_1676 : vector<1x900xf32> to vector<1x1x900xf32>
    %reduce_sum3A_1678 = arith.constant dense<0.000000e+00> : vector<1xf32>
    %reduce_sum3A_1679 = vector.multi_reduction <add>, %reduce_sum3A_1677, %reduce_sum3A_1678 [1, 2] : vector<1x1x900xf32> to vector<1xf32>
    %reduce_sum3A_1680 = vector.shape_cast %reduce_sum3A_1679 : vector<1xf32> to vector<1x1x1xf32>
    %reduce_sum3A_1681 = vector.extract %reduce_sum3A_1680[0, 0, 0] : f32 from vector<1x1x1xf32>
    %eq3A_1682 = arith.constant 13 : i32
    %eq3A_1683 = vector.broadcast %eq3A_1682 : i32 to vector<8x128xi32>
    %eq3A_1684 = arith.cmpi eq, %iota3A_24, %eq3A_1683 : vector<8x128xi32>
    %eq3A_1685 = arith.constant 2 : i32
    %eq3A_1686 = vector.broadcast %eq3A_1685 : i32 to vector<8x128xi32>
    %eq3A_1687 = arith.cmpi eq, %iota3A_25, %eq3A_1686 : vector<8x128xi32>
    %and3A_1688 = arith.andi %eq3A_1684, %eq3A_1687 : vector<8x128xi1>
    %broadcast_in_dim3A_1689 = vector.broadcast %reduce_sum3A_1681 : f32 to vector<8x128xf32>
    %select_n3A_1690 = arith.select %and3A_1688, %broadcast_in_dim3A_1689, %select_n3A_1666 : vector<8x128xi1>, vector<8x128xf32>
    %get3A_1691 = arith.index_cast %get3A_1339 : i32 to index
    %get3A_1692 = arith.constant 2 : index
    %get3A_1693 = arith.constant 0 : index
    %get3A_1694 = vector.load %arg1[%get3A_1691, %get3A_1692, %get3A_1693] : memref<81x8x900xf32, #tpu.memory_space<vmem>>, vector<1x1x900xf32>
    %reshape3A_1695 = vector.shape_cast %get3A_1694 : vector<1x1x900xf32> to vector<1x900xf32>
    %eq3A_1696 = vector.broadcast %get3A_1279 : i32 to vector<1x900xi32>
    %eq3A_1697 = arith.cmpi eq, %iota3A, %eq3A_1696 : vector<1x900xi32>
    %jit3A_1698 = arith.constant 0.000000e+00 : f32
    %broadcast_in_dim3A_1699 = vector.broadcast %jit3A_1698 : f32 to vector<1x900xf32>
    %select_n3A_1700 = arith.select %eq3A_1697, %reshape3A_1695, %broadcast_in_dim3A_1699 : vector<1x900xi1>, vector<1x900xf32>
    %reduce_sum3A_1701 = vector.shape_cast %select_n3A_1700 : vector<1x900xf32> to vector<1x1x900xf32>
    %reduce_sum3A_1702 = arith.constant dense<0.000000e+00> : vector<1xf32>
    %reduce_sum3A_1703 = vector.multi_reduction <add>, %reduce_sum3A_1701, %reduce_sum3A_1702 [1, 2] : vector<1x1x900xf32> to vector<1xf32>
    %reduce_sum3A_1704 = vector.shape_cast %reduce_sum3A_1703 : vector<1xf32> to vector<1x1x1xf32>
    %reduce_sum3A_1705 = vector.extract %reduce_sum3A_1704[0, 0, 0] : f32 from vector<1x1x1xf32>
    %eq3A_1706 = arith.constant 14 : i32
    %eq3A_1707 = vector.broadcast %eq3A_1706 : i32 to vector<8x128xi32>
    %eq3A_1708 = arith.cmpi eq, %iota3A_24, %eq3A_1707 : vector<8x128xi32>
    %eq3A_1709 = arith.constant 2 : i32
    %eq3A_1710 = vector.broadcast %eq3A_1709 : i32 to vector<8x128xi32>
    %eq3A_1711 = arith.cmpi eq, %iota3A_25, %eq3A_1710 : vector<8x128xi32>
    %and3A_1712 = arith.andi %eq3A_1708, %eq3A_1711 : vector<8x128xi1>
    %broadcast_in_dim3A_1713 = vector.broadcast %reduce_sum3A_1705 : f32 to vector<8x128xf32>
    %select_n3A_1714 = arith.select %and3A_1712, %broadcast_in_dim3A_1713, %select_n3A_1690 : vector<8x128xi1>, vector<8x128xf32>
    %get3A_1715 = arith.index_cast %get3A_1342 : i32 to index
    %get3A_1716 = arith.constant 2 : index
    %get3A_1717 = arith.constant 0 : index
    %get3A_1718 = vector.load %arg1[%get3A_1715, %get3A_1716, %get3A_1717] : memref<81x8x900xf32, #tpu.memory_space<vmem>>, vector<1x1x900xf32>
    %reshape3A_1719 = vector.shape_cast %get3A_1718 : vector<1x1x900xf32> to vector<1x900xf32>
    %eq3A_1720 = vector.broadcast %get3A_1282 : i32 to vector<1x900xi32>
    %eq3A_1721 = arith.cmpi eq, %iota3A, %eq3A_1720 : vector<1x900xi32>
    %jit3A_1722 = arith.constant 0.000000e+00 : f32
    %broadcast_in_dim3A_1723 = vector.broadcast %jit3A_1722 : f32 to vector<1x900xf32>
    %select_n3A_1724 = arith.select %eq3A_1721, %reshape3A_1719, %broadcast_in_dim3A_1723 : vector<1x900xi1>, vector<1x900xf32>
    %reduce_sum3A_1725 = vector.shape_cast %select_n3A_1724 : vector<1x900xf32> to vector<1x1x900xf32>
    %reduce_sum3A_1726 = arith.constant dense<0.000000e+00> : vector<1xf32>
    %reduce_sum3A_1727 = vector.multi_reduction <add>, %reduce_sum3A_1725, %reduce_sum3A_1726 [1, 2] : vector<1x1x900xf32> to vector<1xf32>
    %reduce_sum3A_1728 = vector.shape_cast %reduce_sum3A_1727 : vector<1xf32> to vector<1x1x1xf32>
    %reduce_sum3A_1729 = vector.extract %reduce_sum3A_1728[0, 0, 0] : f32 from vector<1x1x1xf32>
    %eq3A_1730 = arith.constant 15 : i32
    %eq3A_1731 = vector.broadcast %eq3A_1730 : i32 to vector<8x128xi32>
    %eq3A_1732 = arith.cmpi eq, %iota3A_24, %eq3A_1731 : vector<8x128xi32>
    %eq3A_1733 = arith.constant 2 : i32
    %eq3A_1734 = vector.broadcast %eq3A_1733 : i32 to vector<8x128xi32>
    %eq3A_1735 = arith.cmpi eq, %iota3A_25, %eq3A_1734 : vector<8x128xi32>
    %and3A_1736 = arith.andi %eq3A_1732, %eq3A_1735 : vector<8x128xi1>
    %broadcast_in_dim3A_1737 = vector.broadcast %reduce_sum3A_1729 : f32 to vector<8x128xf32>
    %select_n3A_1738 = arith.select %and3A_1736, %broadcast_in_dim3A_1737, %select_n3A_1714 : vector<8x128xi1>, vector<8x128xf32>
    %get3A_1739 = arith.index_cast %get3A_1345 : i32 to index
    %get3A_1740 = arith.constant 2 : index
    %get3A_1741 = arith.constant 0 : index
    %get3A_1742 = vector.load %arg1[%get3A_1739, %get3A_1740, %get3A_1741] : memref<81x8x900xf32, #tpu.memory_space<vmem>>, vector<1x1x900xf32>
    %reshape3A_1743 = vector.shape_cast %get3A_1742 : vector<1x1x900xf32> to vector<1x900xf32>
    %eq3A_1744 = vector.broadcast %get3A_1285 : i32 to vector<1x900xi32>
    %eq3A_1745 = arith.cmpi eq, %iota3A, %eq3A_1744 : vector<1x900xi32>
    %jit3A_1746 = arith.constant 0.000000e+00 : f32
    %broadcast_in_dim3A_1747 = vector.broadcast %jit3A_1746 : f32 to vector<1x900xf32>
    %select_n3A_1748 = arith.select %eq3A_1745, %reshape3A_1743, %broadcast_in_dim3A_1747 : vector<1x900xi1>, vector<1x900xf32>
    %reduce_sum3A_1749 = vector.shape_cast %select_n3A_1748 : vector<1x900xf32> to vector<1x1x900xf32>
    %reduce_sum3A_1750 = arith.constant dense<0.000000e+00> : vector<1xf32>
    %reduce_sum3A_1751 = vector.multi_reduction <add>, %reduce_sum3A_1749, %reduce_sum3A_1750 [1, 2] : vector<1x1x900xf32> to vector<1xf32>
    %reduce_sum3A_1752 = vector.shape_cast %reduce_sum3A_1751 : vector<1xf32> to vector<1x1x1xf32>
    %reduce_sum3A_1753 = vector.extract %reduce_sum3A_1752[0, 0, 0] : f32 from vector<1x1x1xf32>
    %eq3A_1754 = arith.constant 16 : i32
    %eq3A_1755 = vector.broadcast %eq3A_1754 : i32 to vector<8x128xi32>
    %eq3A_1756 = arith.cmpi eq, %iota3A_24, %eq3A_1755 : vector<8x128xi32>
    %eq3A_1757 = arith.constant 2 : i32
    %eq3A_1758 = vector.broadcast %eq3A_1757 : i32 to vector<8x128xi32>
    %eq3A_1759 = arith.cmpi eq, %iota3A_25, %eq3A_1758 : vector<8x128xi32>
    %and3A_1760 = arith.andi %eq3A_1756, %eq3A_1759 : vector<8x128xi1>
    %broadcast_in_dim3A_1761 = vector.broadcast %reduce_sum3A_1753 : f32 to vector<8x128xf32>
    %select_n3A_1762 = arith.select %and3A_1760, %broadcast_in_dim3A_1761, %select_n3A_1738 : vector<8x128xi1>, vector<8x128xf32>
    %get3A_1763 = arith.index_cast %get3A_1348 : i32 to index
    %get3A_1764 = arith.constant 2 : index
    %get3A_1765 = arith.constant 0 : index
    %get3A_1766 = vector.load %arg1[%get3A_1763, %get3A_1764, %get3A_1765] : memref<81x8x900xf32, #tpu.memory_space<vmem>>, vector<1x1x900xf32>
    %reshape3A_1767 = vector.shape_cast %get3A_1766 : vector<1x1x900xf32> to vector<1x900xf32>
    %eq3A_1768 = vector.broadcast %get3A_1288 : i32 to vector<1x900xi32>
    %eq3A_1769 = arith.cmpi eq, %iota3A, %eq3A_1768 : vector<1x900xi32>
    %jit3A_1770 = arith.constant 0.000000e+00 : f32
    %broadcast_in_dim3A_1771 = vector.broadcast %jit3A_1770 : f32 to vector<1x900xf32>
    %select_n3A_1772 = arith.select %eq3A_1769, %reshape3A_1767, %broadcast_in_dim3A_1771 : vector<1x900xi1>, vector<1x900xf32>
    %reduce_sum3A_1773 = vector.shape_cast %select_n3A_1772 : vector<1x900xf32> to vector<1x1x900xf32>
    %reduce_sum3A_1774 = arith.constant dense<0.000000e+00> : vector<1xf32>
    %reduce_sum3A_1775 = vector.multi_reduction <add>, %reduce_sum3A_1773, %reduce_sum3A_1774 [1, 2] : vector<1x1x900xf32> to vector<1xf32>
    %reduce_sum3A_1776 = vector.shape_cast %reduce_sum3A_1775 : vector<1xf32> to vector<1x1x1xf32>
    %reduce_sum3A_1777 = vector.extract %reduce_sum3A_1776[0, 0, 0] : f32 from vector<1x1x1xf32>
    %eq3A_1778 = arith.constant 17 : i32
    %eq3A_1779 = vector.broadcast %eq3A_1778 : i32 to vector<8x128xi32>
    %eq3A_1780 = arith.cmpi eq, %iota3A_24, %eq3A_1779 : vector<8x128xi32>
    %eq3A_1781 = arith.constant 2 : i32
    %eq3A_1782 = vector.broadcast %eq3A_1781 : i32 to vector<8x128xi32>
    %eq3A_1783 = arith.cmpi eq, %iota3A_25, %eq3A_1782 : vector<8x128xi32>
    %and3A_1784 = arith.andi %eq3A_1780, %eq3A_1783 : vector<8x128xi1>
    %broadcast_in_dim3A_1785 = vector.broadcast %reduce_sum3A_1777 : f32 to vector<8x128xf32>
    %select_n3A_1786 = arith.select %and3A_1784, %broadcast_in_dim3A_1785, %select_n3A_1762 : vector<8x128xi1>, vector<8x128xf32>
    %get3A_1787 = arith.index_cast %get3A_1351 : i32 to index
    %get3A_1788 = arith.constant 2 : index
    %get3A_1789 = arith.constant 0 : index
    %get3A_1790 = vector.load %arg1[%get3A_1787, %get3A_1788, %get3A_1789] : memref<81x8x900xf32, #tpu.memory_space<vmem>>, vector<1x1x900xf32>
    %reshape3A_1791 = vector.shape_cast %get3A_1790 : vector<1x1x900xf32> to vector<1x900xf32>
    %eq3A_1792 = vector.broadcast %get3A_1291 : i32 to vector<1x900xi32>
    %eq3A_1793 = arith.cmpi eq, %iota3A, %eq3A_1792 : vector<1x900xi32>
    %jit3A_1794 = arith.constant 0.000000e+00 : f32
    %broadcast_in_dim3A_1795 = vector.broadcast %jit3A_1794 : f32 to vector<1x900xf32>
    %select_n3A_1796 = arith.select %eq3A_1793, %reshape3A_1791, %broadcast_in_dim3A_1795 : vector<1x900xi1>, vector<1x900xf32>
    %reduce_sum3A_1797 = vector.shape_cast %select_n3A_1796 : vector<1x900xf32> to vector<1x1x900xf32>
    %reduce_sum3A_1798 = arith.constant dense<0.000000e+00> : vector<1xf32>
    %reduce_sum3A_1799 = vector.multi_reduction <add>, %reduce_sum3A_1797, %reduce_sum3A_1798 [1, 2] : vector<1x1x900xf32> to vector<1xf32>
    %reduce_sum3A_1800 = vector.shape_cast %reduce_sum3A_1799 : vector<1xf32> to vector<1x1x1xf32>
    %reduce_sum3A_1801 = vector.extract %reduce_sum3A_1800[0, 0, 0] : f32 from vector<1x1x1xf32>
    %eq3A_1802 = arith.constant 18 : i32
    %eq3A_1803 = vector.broadcast %eq3A_1802 : i32 to vector<8x128xi32>
    %eq3A_1804 = arith.cmpi eq, %iota3A_24, %eq3A_1803 : vector<8x128xi32>
    %eq3A_1805 = arith.constant 2 : i32
    %eq3A_1806 = vector.broadcast %eq3A_1805 : i32 to vector<8x128xi32>
    %eq3A_1807 = arith.cmpi eq, %iota3A_25, %eq3A_1806 : vector<8x128xi32>
    %and3A_1808 = arith.andi %eq3A_1804, %eq3A_1807 : vector<8x128xi1>
    %broadcast_in_dim3A_1809 = vector.broadcast %reduce_sum3A_1801 : f32 to vector<8x128xf32>
    %select_n3A_1810 = arith.select %and3A_1808, %broadcast_in_dim3A_1809, %select_n3A_1786 : vector<8x128xi1>, vector<8x128xf32>
    %get3A_1811 = arith.index_cast %get3A_1354 : i32 to index
    %get3A_1812 = arith.constant 2 : index
    %get3A_1813 = arith.constant 0 : index
    %get3A_1814 = vector.load %arg1[%get3A_1811, %get3A_1812, %get3A_1813] : memref<81x8x900xf32, #tpu.memory_space<vmem>>, vector<1x1x900xf32>
    %reshape3A_1815 = vector.shape_cast %get3A_1814 : vector<1x1x900xf32> to vector<1x900xf32>
    %eq3A_1816 = vector.broadcast %get3A_1294 : i32 to vector<1x900xi32>
    %eq3A_1817 = arith.cmpi eq, %iota3A, %eq3A_1816 : vector<1x900xi32>
    %jit3A_1818 = arith.constant 0.000000e+00 : f32
    %broadcast_in_dim3A_1819 = vector.broadcast %jit3A_1818 : f32 to vector<1x900xf32>
    %select_n3A_1820 = arith.select %eq3A_1817, %reshape3A_1815, %broadcast_in_dim3A_1819 : vector<1x900xi1>, vector<1x900xf32>
    %reduce_sum3A_1821 = vector.shape_cast %select_n3A_1820 : vector<1x900xf32> to vector<1x1x900xf32>
    %reduce_sum3A_1822 = arith.constant dense<0.000000e+00> : vector<1xf32>
    %reduce_sum3A_1823 = vector.multi_reduction <add>, %reduce_sum3A_1821, %reduce_sum3A_1822 [1, 2] : vector<1x1x900xf32> to vector<1xf32>
    %reduce_sum3A_1824 = vector.shape_cast %reduce_sum3A_1823 : vector<1xf32> to vector<1x1x1xf32>
    %reduce_sum3A_1825 = vector.extract %reduce_sum3A_1824[0, 0, 0] : f32 from vector<1x1x1xf32>
    %eq3A_1826 = arith.constant 19 : i32
    %eq3A_1827 = vector.broadcast %eq3A_1826 : i32 to vector<8x128xi32>
    %eq3A_1828 = arith.cmpi eq, %iota3A_24, %eq3A_1827 : vector<8x128xi32>
    %eq3A_1829 = arith.constant 2 : i32
    %eq3A_1830 = vector.broadcast %eq3A_1829 : i32 to vector<8x128xi32>
    %eq3A_1831 = arith.cmpi eq, %iota3A_25, %eq3A_1830 : vector<8x128xi32>
    %and3A_1832 = arith.andi %eq3A_1828, %eq3A_1831 : vector<8x128xi1>
    %broadcast_in_dim3A_1833 = vector.broadcast %reduce_sum3A_1825 : f32 to vector<8x128xf32>
    %select_n3A_1834 = arith.select %and3A_1832, %broadcast_in_dim3A_1833, %select_n3A_1810 : vector<8x128xi1>, vector<8x128xf32>
    %mul3A_1835 = arith.constant 8 : i32
    %mul3A_1836 = arith.muli %arg0, %mul3A_1835 : i32
    %add3A_1837 = arith.constant 3 : i32
    %add3A_1838 = arith.addi %mul3A_1836, %add3A_1837 : i32
    %get3A_1839 = arith.constant 0 : index
    %get3A_1840 = arith.index_cast %add3A_1838 : i32 to index
    %get3A_1841 = memref.load %arg2[%get3A_1839, %get3A_1840] : memref<20x32xi32, #tpu.memory_space<smem>>
    %get3A_1842 = arith.constant 1 : index
    %get3A_1843 = arith.index_cast %add3A_1838 : i32 to index
    %get3A_1844 = memref.load %arg2[%get3A_1842, %get3A_1843] : memref<20x32xi32, #tpu.memory_space<smem>>
    %get3A_1845 = arith.constant 2 : index
    %get3A_1846 = arith.index_cast %add3A_1838 : i32 to index
    %get3A_1847 = memref.load %arg2[%get3A_1845, %get3A_1846] : memref<20x32xi32, #tpu.memory_space<smem>>
    %get3A_1848 = arith.constant 3 : index
    %get3A_1849 = arith.index_cast %add3A_1838 : i32 to index
    %get3A_1850 = memref.load %arg2[%get3A_1848, %get3A_1849] : memref<20x32xi32, #tpu.memory_space<smem>>
    %get3A_1851 = arith.constant 4 : index
    %get3A_1852 = arith.index_cast %add3A_1838 : i32 to index
    %get3A_1853 = memref.load %arg2[%get3A_1851, %get3A_1852] : memref<20x32xi32, #tpu.memory_space<smem>>
    %get3A_1854 = arith.constant 5 : index
    %get3A_1855 = arith.index_cast %add3A_1838 : i32 to index
    %get3A_1856 = memref.load %arg2[%get3A_1854, %get3A_1855] : memref<20x32xi32, #tpu.memory_space<smem>>
    %get3A_1857 = arith.constant 6 : index
    %get3A_1858 = arith.index_cast %add3A_1838 : i32 to index
    %get3A_1859 = memref.load %arg2[%get3A_1857, %get3A_1858] : memref<20x32xi32, #tpu.memory_space<smem>>
    %get3A_1860 = arith.constant 7 : index
    %get3A_1861 = arith.index_cast %add3A_1838 : i32 to index
    %get3A_1862 = memref.load %arg2[%get3A_1860, %get3A_1861] : memref<20x32xi32, #tpu.memory_space<smem>>
    %get3A_1863 = arith.constant 8 : index
    %get3A_1864 = arith.index_cast %add3A_1838 : i32 to index
    %get3A_1865 = memref.load %arg2[%get3A_1863, %get3A_1864] : memref<20x32xi32, #tpu.memory_space<smem>>
    %get3A_1866 = arith.constant 9 : index
    %get3A_1867 = arith.index_cast %add3A_1838 : i32 to index
    %get3A_1868 = memref.load %arg2[%get3A_1866, %get3A_1867] : memref<20x32xi32, #tpu.memory_space<smem>>
    %get3A_1869 = arith.constant 10 : index
    %get3A_1870 = arith.index_cast %add3A_1838 : i32 to index
    %get3A_1871 = memref.load %arg2[%get3A_1869, %get3A_1870] : memref<20x32xi32, #tpu.memory_space<smem>>
    %get3A_1872 = arith.constant 11 : index
    %get3A_1873 = arith.index_cast %add3A_1838 : i32 to index
    %get3A_1874 = memref.load %arg2[%get3A_1872, %get3A_1873] : memref<20x32xi32, #tpu.memory_space<smem>>
    %get3A_1875 = arith.constant 12 : index
    %get3A_1876 = arith.index_cast %add3A_1838 : i32 to index
    %get3A_1877 = memref.load %arg2[%get3A_1875, %get3A_1876] : memref<20x32xi32, #tpu.memory_space<smem>>
    %get3A_1878 = arith.constant 13 : index
    %get3A_1879 = arith.index_cast %add3A_1838 : i32 to index
    %get3A_1880 = memref.load %arg2[%get3A_1878, %get3A_1879] : memref<20x32xi32, #tpu.memory_space<smem>>
    %get3A_1881 = arith.constant 14 : index
    %get3A_1882 = arith.index_cast %add3A_1838 : i32 to index
    %get3A_1883 = memref.load %arg2[%get3A_1881, %get3A_1882] : memref<20x32xi32, #tpu.memory_space<smem>>
    %get3A_1884 = arith.constant 15 : index
    %get3A_1885 = arith.index_cast %add3A_1838 : i32 to index
    %get3A_1886 = memref.load %arg2[%get3A_1884, %get3A_1885] : memref<20x32xi32, #tpu.memory_space<smem>>
    %get3A_1887 = arith.constant 16 : index
    %get3A_1888 = arith.index_cast %add3A_1838 : i32 to index
    %get3A_1889 = memref.load %arg2[%get3A_1887, %get3A_1888] : memref<20x32xi32, #tpu.memory_space<smem>>
    %get3A_1890 = arith.constant 17 : index
    %get3A_1891 = arith.index_cast %add3A_1838 : i32 to index
    %get3A_1892 = memref.load %arg2[%get3A_1890, %get3A_1891] : memref<20x32xi32, #tpu.memory_space<smem>>
    %get3A_1893 = arith.constant 18 : index
    %get3A_1894 = arith.index_cast %add3A_1838 : i32 to index
    %get3A_1895 = memref.load %arg2[%get3A_1893, %get3A_1894] : memref<20x32xi32, #tpu.memory_space<smem>>
    %get3A_1896 = arith.constant 19 : index
    %get3A_1897 = arith.index_cast %add3A_1838 : i32 to index
    %get3A_1898 = memref.load %arg2[%get3A_1896, %get3A_1897] : memref<20x32xi32, #tpu.memory_space<smem>>
    %get3A_1899 = arith.constant 0 : index
    %get3A_1900 = arith.index_cast %add3A_1838 : i32 to index
    %get3A_1901 = memref.load %arg3[%get3A_1899, %get3A_1900] : memref<20x32xi32, #tpu.memory_space<smem>>
    %get3A_1902 = arith.constant 1 : index
    %get3A_1903 = arith.index_cast %add3A_1838 : i32 to index
    %get3A_1904 = memref.load %arg3[%get3A_1902, %get3A_1903] : memref<20x32xi32, #tpu.memory_space<smem>>
    %get3A_1905 = arith.constant 2 : index
    %get3A_1906 = arith.index_cast %add3A_1838 : i32 to index
    %get3A_1907 = memref.load %arg3[%get3A_1905, %get3A_1906] : memref<20x32xi32, #tpu.memory_space<smem>>
    %get3A_1908 = arith.constant 3 : index
    %get3A_1909 = arith.index_cast %add3A_1838 : i32 to index
    %get3A_1910 = memref.load %arg3[%get3A_1908, %get3A_1909] : memref<20x32xi32, #tpu.memory_space<smem>>
    %get3A_1911 = arith.constant 4 : index
    %get3A_1912 = arith.index_cast %add3A_1838 : i32 to index
    %get3A_1913 = memref.load %arg3[%get3A_1911, %get3A_1912] : memref<20x32xi32, #tpu.memory_space<smem>>
    %get3A_1914 = arith.constant 5 : index
    %get3A_1915 = arith.index_cast %add3A_1838 : i32 to index
    %get3A_1916 = memref.load %arg3[%get3A_1914, %get3A_1915] : memref<20x32xi32, #tpu.memory_space<smem>>
    %get3A_1917 = arith.constant 6 : index
    %get3A_1918 = arith.index_cast %add3A_1838 : i32 to index
    %get3A_1919 = memref.load %arg3[%get3A_1917, %get3A_1918] : memref<20x32xi32, #tpu.memory_space<smem>>
    %get3A_1920 = arith.constant 7 : index
    %get3A_1921 = arith.index_cast %add3A_1838 : i32 to index
    %get3A_1922 = memref.load %arg3[%get3A_1920, %get3A_1921] : memref<20x32xi32, #tpu.memory_space<smem>>
    %get3A_1923 = arith.constant 8 : index
    %get3A_1924 = arith.index_cast %add3A_1838 : i32 to index
    %get3A_1925 = memref.load %arg3[%get3A_1923, %get3A_1924] : memref<20x32xi32, #tpu.memory_space<smem>>
    %get3A_1926 = arith.constant 9 : index
    %get3A_1927 = arith.index_cast %add3A_1838 : i32 to index
    %get3A_1928 = memref.load %arg3[%get3A_1926, %get3A_1927] : memref<20x32xi32, #tpu.memory_space<smem>>
    %get3A_1929 = arith.constant 10 : index
    %get3A_1930 = arith.index_cast %add3A_1838 : i32 to index
    %get3A_1931 = memref.load %arg3[%get3A_1929, %get3A_1930] : memref<20x32xi32, #tpu.memory_space<smem>>
    %get3A_1932 = arith.constant 11 : index
    %get3A_1933 = arith.index_cast %add3A_1838 : i32 to index
    %get3A_1934 = memref.load %arg3[%get3A_1932, %get3A_1933] : memref<20x32xi32, #tpu.memory_space<smem>>
    %get3A_1935 = arith.constant 12 : index
    %get3A_1936 = arith.index_cast %add3A_1838 : i32 to index
    %get3A_1937 = memref.load %arg3[%get3A_1935, %get3A_1936] : memref<20x32xi32, #tpu.memory_space<smem>>
    %get3A_1938 = arith.constant 13 : index
    %get3A_1939 = arith.index_cast %add3A_1838 : i32 to index
    %get3A_1940 = memref.load %arg3[%get3A_1938, %get3A_1939] : memref<20x32xi32, #tpu.memory_space<smem>>
    %get3A_1941 = arith.constant 14 : index
    %get3A_1942 = arith.index_cast %add3A_1838 : i32 to index
    %get3A_1943 = memref.load %arg3[%get3A_1941, %get3A_1942] : memref<20x32xi32, #tpu.memory_space<smem>>
    %get3A_1944 = arith.constant 15 : index
    %get3A_1945 = arith.index_cast %add3A_1838 : i32 to index
    %get3A_1946 = memref.load %arg3[%get3A_1944, %get3A_1945] : memref<20x32xi32, #tpu.memory_space<smem>>
    %get3A_1947 = arith.constant 16 : index
    %get3A_1948 = arith.index_cast %add3A_1838 : i32 to index
    %get3A_1949 = memref.load %arg3[%get3A_1947, %get3A_1948] : memref<20x32xi32, #tpu.memory_space<smem>>
    %get3A_1950 = arith.constant 17 : index
    %get3A_1951 = arith.index_cast %add3A_1838 : i32 to index
    %get3A_1952 = memref.load %arg3[%get3A_1950, %get3A_1951] : memref<20x32xi32, #tpu.memory_space<smem>>
    %get3A_1953 = arith.constant 18 : index
    %get3A_1954 = arith.index_cast %add3A_1838 : i32 to index
    %get3A_1955 = memref.load %arg3[%get3A_1953, %get3A_1954] : memref<20x32xi32, #tpu.memory_space<smem>>
    %get3A_1956 = arith.constant 19 : index
    %get3A_1957 = arith.index_cast %add3A_1838 : i32 to index
    %get3A_1958 = memref.load %arg3[%get3A_1956, %get3A_1957] : memref<20x32xi32, #tpu.memory_space<smem>>
    %get3A_1959 = arith.index_cast %get3A_1901 : i32 to index
    %get3A_1960 = arith.constant 3 : index
    %get3A_1961 = arith.constant 0 : index
    %get3A_1962 = vector.load %arg1[%get3A_1959, %get3A_1960, %get3A_1961] : memref<81x8x900xf32, #tpu.memory_space<vmem>>, vector<1x1x900xf32>
    %reshape3A_1963 = vector.shape_cast %get3A_1962 : vector<1x1x900xf32> to vector<1x900xf32>
    %eq3A_1964 = vector.broadcast %get3A_1841 : i32 to vector<1x900xi32>
    %eq3A_1965 = arith.cmpi eq, %iota3A, %eq3A_1964 : vector<1x900xi32>
    %jit3A_1966 = arith.constant 0.000000e+00 : f32
    %broadcast_in_dim3A_1967 = vector.broadcast %jit3A_1966 : f32 to vector<1x900xf32>
    %select_n3A_1968 = arith.select %eq3A_1965, %reshape3A_1963, %broadcast_in_dim3A_1967 : vector<1x900xi1>, vector<1x900xf32>
    %reduce_sum3A_1969 = vector.shape_cast %select_n3A_1968 : vector<1x900xf32> to vector<1x1x900xf32>
    %reduce_sum3A_1970 = arith.constant dense<0.000000e+00> : vector<1xf32>
    %reduce_sum3A_1971 = vector.multi_reduction <add>, %reduce_sum3A_1969, %reduce_sum3A_1970 [1, 2] : vector<1x1x900xf32> to vector<1xf32>
    %reduce_sum3A_1972 = vector.shape_cast %reduce_sum3A_1971 : vector<1xf32> to vector<1x1x1xf32>
    %reduce_sum3A_1973 = vector.extract %reduce_sum3A_1972[0, 0, 0] : f32 from vector<1x1x1xf32>
    %eq3A_1974 = arith.constant 0 : i32
    %eq3A_1975 = vector.broadcast %eq3A_1974 : i32 to vector<8x128xi32>
    %eq3A_1976 = arith.cmpi eq, %iota3A_24, %eq3A_1975 : vector<8x128xi32>
    %eq3A_1977 = arith.constant 3 : i32
    %eq3A_1978 = vector.broadcast %eq3A_1977 : i32 to vector<8x128xi32>
    %eq3A_1979 = arith.cmpi eq, %iota3A_25, %eq3A_1978 : vector<8x128xi32>
    %and3A_1980 = arith.andi %eq3A_1976, %eq3A_1979 : vector<8x128xi1>
    %broadcast_in_dim3A_1981 = vector.broadcast %reduce_sum3A_1973 : f32 to vector<8x128xf32>
    %select_n3A_1982 = arith.select %and3A_1980, %broadcast_in_dim3A_1981, %select_n3A_1834 : vector<8x128xi1>, vector<8x128xf32>
    %get3A_1983 = arith.index_cast %get3A_1904 : i32 to index
    %get3A_1984 = arith.constant 3 : index
    %get3A_1985 = arith.constant 0 : index
    %get3A_1986 = vector.load %arg1[%get3A_1983, %get3A_1984, %get3A_1985] : memref<81x8x900xf32, #tpu.memory_space<vmem>>, vector<1x1x900xf32>
    %reshape3A_1987 = vector.shape_cast %get3A_1986 : vector<1x1x900xf32> to vector<1x900xf32>
    %eq3A_1988 = vector.broadcast %get3A_1844 : i32 to vector<1x900xi32>
    %eq3A_1989 = arith.cmpi eq, %iota3A, %eq3A_1988 : vector<1x900xi32>
    %jit3A_1990 = arith.constant 0.000000e+00 : f32
    %broadcast_in_dim3A_1991 = vector.broadcast %jit3A_1990 : f32 to vector<1x900xf32>
    %select_n3A_1992 = arith.select %eq3A_1989, %reshape3A_1987, %broadcast_in_dim3A_1991 : vector<1x900xi1>, vector<1x900xf32>
    %reduce_sum3A_1993 = vector.shape_cast %select_n3A_1992 : vector<1x900xf32> to vector<1x1x900xf32>
    %reduce_sum3A_1994 = arith.constant dense<0.000000e+00> : vector<1xf32>
    %reduce_sum3A_1995 = vector.multi_reduction <add>, %reduce_sum3A_1993, %reduce_sum3A_1994 [1, 2] : vector<1x1x900xf32> to vector<1xf32>
    %reduce_sum3A_1996 = vector.shape_cast %reduce_sum3A_1995 : vector<1xf32> to vector<1x1x1xf32>
    %reduce_sum3A_1997 = vector.extract %reduce_sum3A_1996[0, 0, 0] : f32 from vector<1x1x1xf32>
    %eq3A_1998 = arith.constant 1 : i32
    %eq3A_1999 = vector.broadcast %eq3A_1998 : i32 to vector<8x128xi32>
    %eq3A_2000 = arith.cmpi eq, %iota3A_24, %eq3A_1999 : vector<8x128xi32>
    %eq3A_2001 = arith.constant 3 : i32
    %eq3A_2002 = vector.broadcast %eq3A_2001 : i32 to vector<8x128xi32>
    %eq3A_2003 = arith.cmpi eq, %iota3A_25, %eq3A_2002 : vector<8x128xi32>
    %and3A_2004 = arith.andi %eq3A_2000, %eq3A_2003 : vector<8x128xi1>
    %broadcast_in_dim3A_2005 = vector.broadcast %reduce_sum3A_1997 : f32 to vector<8x128xf32>
    %select_n3A_2006 = arith.select %and3A_2004, %broadcast_in_dim3A_2005, %select_n3A_1982 : vector<8x128xi1>, vector<8x128xf32>
    %get3A_2007 = arith.index_cast %get3A_1907 : i32 to index
    %get3A_2008 = arith.constant 3 : index
    %get3A_2009 = arith.constant 0 : index
    %get3A_2010 = vector.load %arg1[%get3A_2007, %get3A_2008, %get3A_2009] : memref<81x8x900xf32, #tpu.memory_space<vmem>>, vector<1x1x900xf32>
    %reshape3A_2011 = vector.shape_cast %get3A_2010 : vector<1x1x900xf32> to vector<1x900xf32>
    %eq3A_2012 = vector.broadcast %get3A_1847 : i32 to vector<1x900xi32>
    %eq3A_2013 = arith.cmpi eq, %iota3A, %eq3A_2012 : vector<1x900xi32>
    %jit3A_2014 = arith.constant 0.000000e+00 : f32
    %broadcast_in_dim3A_2015 = vector.broadcast %jit3A_2014 : f32 to vector<1x900xf32>
    %select_n3A_2016 = arith.select %eq3A_2013, %reshape3A_2011, %broadcast_in_dim3A_2015 : vector<1x900xi1>, vector<1x900xf32>
    %reduce_sum3A_2017 = vector.shape_cast %select_n3A_2016 : vector<1x900xf32> to vector<1x1x900xf32>
    %reduce_sum3A_2018 = arith.constant dense<0.000000e+00> : vector<1xf32>
    %reduce_sum3A_2019 = vector.multi_reduction <add>, %reduce_sum3A_2017, %reduce_sum3A_2018 [1, 2] : vector<1x1x900xf32> to vector<1xf32>
    %reduce_sum3A_2020 = vector.shape_cast %reduce_sum3A_2019 : vector<1xf32> to vector<1x1x1xf32>
    %reduce_sum3A_2021 = vector.extract %reduce_sum3A_2020[0, 0, 0] : f32 from vector<1x1x1xf32>
    %eq3A_2022 = arith.constant 2 : i32
    %eq3A_2023 = vector.broadcast %eq3A_2022 : i32 to vector<8x128xi32>
    %eq3A_2024 = arith.cmpi eq, %iota3A_24, %eq3A_2023 : vector<8x128xi32>
    %eq3A_2025 = arith.constant 3 : i32
    %eq3A_2026 = vector.broadcast %eq3A_2025 : i32 to vector<8x128xi32>
    %eq3A_2027 = arith.cmpi eq, %iota3A_25, %eq3A_2026 : vector<8x128xi32>
    %and3A_2028 = arith.andi %eq3A_2024, %eq3A_2027 : vector<8x128xi1>
    %broadcast_in_dim3A_2029 = vector.broadcast %reduce_sum3A_2021 : f32 to vector<8x128xf32>
    %select_n3A_2030 = arith.select %and3A_2028, %broadcast_in_dim3A_2029, %select_n3A_2006 : vector<8x128xi1>, vector<8x128xf32>
    %get3A_2031 = arith.index_cast %get3A_1910 : i32 to index
    %get3A_2032 = arith.constant 3 : index
    %get3A_2033 = arith.constant 0 : index
    %get3A_2034 = vector.load %arg1[%get3A_2031, %get3A_2032, %get3A_2033] : memref<81x8x900xf32, #tpu.memory_space<vmem>>, vector<1x1x900xf32>
    %reshape3A_2035 = vector.shape_cast %get3A_2034 : vector<1x1x900xf32> to vector<1x900xf32>
    %eq3A_2036 = vector.broadcast %get3A_1850 : i32 to vector<1x900xi32>
    %eq3A_2037 = arith.cmpi eq, %iota3A, %eq3A_2036 : vector<1x900xi32>
    %jit3A_2038 = arith.constant 0.000000e+00 : f32
    %broadcast_in_dim3A_2039 = vector.broadcast %jit3A_2038 : f32 to vector<1x900xf32>
    %select_n3A_2040 = arith.select %eq3A_2037, %reshape3A_2035, %broadcast_in_dim3A_2039 : vector<1x900xi1>, vector<1x900xf32>
    %reduce_sum3A_2041 = vector.shape_cast %select_n3A_2040 : vector<1x900xf32> to vector<1x1x900xf32>
    %reduce_sum3A_2042 = arith.constant dense<0.000000e+00> : vector<1xf32>
    %reduce_sum3A_2043 = vector.multi_reduction <add>, %reduce_sum3A_2041, %reduce_sum3A_2042 [1, 2] : vector<1x1x900xf32> to vector<1xf32>
    %reduce_sum3A_2044 = vector.shape_cast %reduce_sum3A_2043 : vector<1xf32> to vector<1x1x1xf32>
    %reduce_sum3A_2045 = vector.extract %reduce_sum3A_2044[0, 0, 0] : f32 from vector<1x1x1xf32>
    %eq3A_2046 = arith.constant 3 : i32
    %eq3A_2047 = vector.broadcast %eq3A_2046 : i32 to vector<8x128xi32>
    %eq3A_2048 = arith.cmpi eq, %iota3A_24, %eq3A_2047 : vector<8x128xi32>
    %eq3A_2049 = arith.constant 3 : i32
    %eq3A_2050 = vector.broadcast %eq3A_2049 : i32 to vector<8x128xi32>
    %eq3A_2051 = arith.cmpi eq, %iota3A_25, %eq3A_2050 : vector<8x128xi32>
    %and3A_2052 = arith.andi %eq3A_2048, %eq3A_2051 : vector<8x128xi1>
    %broadcast_in_dim3A_2053 = vector.broadcast %reduce_sum3A_2045 : f32 to vector<8x128xf32>
    %select_n3A_2054 = arith.select %and3A_2052, %broadcast_in_dim3A_2053, %select_n3A_2030 : vector<8x128xi1>, vector<8x128xf32>
    %get3A_2055 = arith.index_cast %get3A_1913 : i32 to index
    %get3A_2056 = arith.constant 3 : index
    %get3A_2057 = arith.constant 0 : index
    %get3A_2058 = vector.load %arg1[%get3A_2055, %get3A_2056, %get3A_2057] : memref<81x8x900xf32, #tpu.memory_space<vmem>>, vector<1x1x900xf32>
    %reshape3A_2059 = vector.shape_cast %get3A_2058 : vector<1x1x900xf32> to vector<1x900xf32>
    %eq3A_2060 = vector.broadcast %get3A_1853 : i32 to vector<1x900xi32>
    %eq3A_2061 = arith.cmpi eq, %iota3A, %eq3A_2060 : vector<1x900xi32>
    %jit3A_2062 = arith.constant 0.000000e+00 : f32
    %broadcast_in_dim3A_2063 = vector.broadcast %jit3A_2062 : f32 to vector<1x900xf32>
    %select_n3A_2064 = arith.select %eq3A_2061, %reshape3A_2059, %broadcast_in_dim3A_2063 : vector<1x900xi1>, vector<1x900xf32>
    %reduce_sum3A_2065 = vector.shape_cast %select_n3A_2064 : vector<1x900xf32> to vector<1x1x900xf32>
    %reduce_sum3A_2066 = arith.constant dense<0.000000e+00> : vector<1xf32>
    %reduce_sum3A_2067 = vector.multi_reduction <add>, %reduce_sum3A_2065, %reduce_sum3A_2066 [1, 2] : vector<1x1x900xf32> to vector<1xf32>
    %reduce_sum3A_2068 = vector.shape_cast %reduce_sum3A_2067 : vector<1xf32> to vector<1x1x1xf32>
    %reduce_sum3A_2069 = vector.extract %reduce_sum3A_2068[0, 0, 0] : f32 from vector<1x1x1xf32>
    %eq3A_2070 = arith.constant 4 : i32
    %eq3A_2071 = vector.broadcast %eq3A_2070 : i32 to vector<8x128xi32>
    %eq3A_2072 = arith.cmpi eq, %iota3A_24, %eq3A_2071 : vector<8x128xi32>
    %eq3A_2073 = arith.constant 3 : i32
    %eq3A_2074 = vector.broadcast %eq3A_2073 : i32 to vector<8x128xi32>
    %eq3A_2075 = arith.cmpi eq, %iota3A_25, %eq3A_2074 : vector<8x128xi32>
    %and3A_2076 = arith.andi %eq3A_2072, %eq3A_2075 : vector<8x128xi1>
    %broadcast_in_dim3A_2077 = vector.broadcast %reduce_sum3A_2069 : f32 to vector<8x128xf32>
    %select_n3A_2078 = arith.select %and3A_2076, %broadcast_in_dim3A_2077, %select_n3A_2054 : vector<8x128xi1>, vector<8x128xf32>
    %get3A_2079 = arith.index_cast %get3A_1916 : i32 to index
    %get3A_2080 = arith.constant 3 : index
    %get3A_2081 = arith.constant 0 : index
    %get3A_2082 = vector.load %arg1[%get3A_2079, %get3A_2080, %get3A_2081] : memref<81x8x900xf32, #tpu.memory_space<vmem>>, vector<1x1x900xf32>
    %reshape3A_2083 = vector.shape_cast %get3A_2082 : vector<1x1x900xf32> to vector<1x900xf32>
    %eq3A_2084 = vector.broadcast %get3A_1856 : i32 to vector<1x900xi32>
    %eq3A_2085 = arith.cmpi eq, %iota3A, %eq3A_2084 : vector<1x900xi32>
    %jit3A_2086 = arith.constant 0.000000e+00 : f32
    %broadcast_in_dim3A_2087 = vector.broadcast %jit3A_2086 : f32 to vector<1x900xf32>
    %select_n3A_2088 = arith.select %eq3A_2085, %reshape3A_2083, %broadcast_in_dim3A_2087 : vector<1x900xi1>, vector<1x900xf32>
    %reduce_sum3A_2089 = vector.shape_cast %select_n3A_2088 : vector<1x900xf32> to vector<1x1x900xf32>
    %reduce_sum3A_2090 = arith.constant dense<0.000000e+00> : vector<1xf32>
    %reduce_sum3A_2091 = vector.multi_reduction <add>, %reduce_sum3A_2089, %reduce_sum3A_2090 [1, 2] : vector<1x1x900xf32> to vector<1xf32>
    %reduce_sum3A_2092 = vector.shape_cast %reduce_sum3A_2091 : vector<1xf32> to vector<1x1x1xf32>
    %reduce_sum3A_2093 = vector.extract %reduce_sum3A_2092[0, 0, 0] : f32 from vector<1x1x1xf32>
    %eq3A_2094 = arith.constant 5 : i32
    %eq3A_2095 = vector.broadcast %eq3A_2094 : i32 to vector<8x128xi32>
    %eq3A_2096 = arith.cmpi eq, %iota3A_24, %eq3A_2095 : vector<8x128xi32>
    %eq3A_2097 = arith.constant 3 : i32
    %eq3A_2098 = vector.broadcast %eq3A_2097 : i32 to vector<8x128xi32>
    %eq3A_2099 = arith.cmpi eq, %iota3A_25, %eq3A_2098 : vector<8x128xi32>
    %and3A_2100 = arith.andi %eq3A_2096, %eq3A_2099 : vector<8x128xi1>
    %broadcast_in_dim3A_2101 = vector.broadcast %reduce_sum3A_2093 : f32 to vector<8x128xf32>
    %select_n3A_2102 = arith.select %and3A_2100, %broadcast_in_dim3A_2101, %select_n3A_2078 : vector<8x128xi1>, vector<8x128xf32>
    %get3A_2103 = arith.index_cast %get3A_1919 : i32 to index
    %get3A_2104 = arith.constant 3 : index
    %get3A_2105 = arith.constant 0 : index
    %get3A_2106 = vector.load %arg1[%get3A_2103, %get3A_2104, %get3A_2105] : memref<81x8x900xf32, #tpu.memory_space<vmem>>, vector<1x1x900xf32>
    %reshape3A_2107 = vector.shape_cast %get3A_2106 : vector<1x1x900xf32> to vector<1x900xf32>
    %eq3A_2108 = vector.broadcast %get3A_1859 : i32 to vector<1x900xi32>
    %eq3A_2109 = arith.cmpi eq, %iota3A, %eq3A_2108 : vector<1x900xi32>
    %jit3A_2110 = arith.constant 0.000000e+00 : f32
    %broadcast_in_dim3A_2111 = vector.broadcast %jit3A_2110 : f32 to vector<1x900xf32>
    %select_n3A_2112 = arith.select %eq3A_2109, %reshape3A_2107, %broadcast_in_dim3A_2111 : vector<1x900xi1>, vector<1x900xf32>
    %reduce_sum3A_2113 = vector.shape_cast %select_n3A_2112 : vector<1x900xf32> to vector<1x1x900xf32>
    %reduce_sum3A_2114 = arith.constant dense<0.000000e+00> : vector<1xf32>
    %reduce_sum3A_2115 = vector.multi_reduction <add>, %reduce_sum3A_2113, %reduce_sum3A_2114 [1, 2] : vector<1x1x900xf32> to vector<1xf32>
    %reduce_sum3A_2116 = vector.shape_cast %reduce_sum3A_2115 : vector<1xf32> to vector<1x1x1xf32>
    %reduce_sum3A_2117 = vector.extract %reduce_sum3A_2116[0, 0, 0] : f32 from vector<1x1x1xf32>
    %eq3A_2118 = arith.constant 6 : i32
    %eq3A_2119 = vector.broadcast %eq3A_2118 : i32 to vector<8x128xi32>
    %eq3A_2120 = arith.cmpi eq, %iota3A_24, %eq3A_2119 : vector<8x128xi32>
    %eq3A_2121 = arith.constant 3 : i32
    %eq3A_2122 = vector.broadcast %eq3A_2121 : i32 to vector<8x128xi32>
    %eq3A_2123 = arith.cmpi eq, %iota3A_25, %eq3A_2122 : vector<8x128xi32>
    %and3A_2124 = arith.andi %eq3A_2120, %eq3A_2123 : vector<8x128xi1>
    %broadcast_in_dim3A_2125 = vector.broadcast %reduce_sum3A_2117 : f32 to vector<8x128xf32>
    %select_n3A_2126 = arith.select %and3A_2124, %broadcast_in_dim3A_2125, %select_n3A_2102 : vector<8x128xi1>, vector<8x128xf32>
    %get3A_2127 = arith.index_cast %get3A_1922 : i32 to index
    %get3A_2128 = arith.constant 3 : index
    %get3A_2129 = arith.constant 0 : index
    %get3A_2130 = vector.load %arg1[%get3A_2127, %get3A_2128, %get3A_2129] : memref<81x8x900xf32, #tpu.memory_space<vmem>>, vector<1x1x900xf32>
    %reshape3A_2131 = vector.shape_cast %get3A_2130 : vector<1x1x900xf32> to vector<1x900xf32>
    %eq3A_2132 = vector.broadcast %get3A_1862 : i32 to vector<1x900xi32>
    %eq3A_2133 = arith.cmpi eq, %iota3A, %eq3A_2132 : vector<1x900xi32>
    %jit3A_2134 = arith.constant 0.000000e+00 : f32
    %broadcast_in_dim3A_2135 = vector.broadcast %jit3A_2134 : f32 to vector<1x900xf32>
    %select_n3A_2136 = arith.select %eq3A_2133, %reshape3A_2131, %broadcast_in_dim3A_2135 : vector<1x900xi1>, vector<1x900xf32>
    %reduce_sum3A_2137 = vector.shape_cast %select_n3A_2136 : vector<1x900xf32> to vector<1x1x900xf32>
    %reduce_sum3A_2138 = arith.constant dense<0.000000e+00> : vector<1xf32>
    %reduce_sum3A_2139 = vector.multi_reduction <add>, %reduce_sum3A_2137, %reduce_sum3A_2138 [1, 2] : vector<1x1x900xf32> to vector<1xf32>
    %reduce_sum3A_2140 = vector.shape_cast %reduce_sum3A_2139 : vector<1xf32> to vector<1x1x1xf32>
    %reduce_sum3A_2141 = vector.extract %reduce_sum3A_2140[0, 0, 0] : f32 from vector<1x1x1xf32>
    %eq3A_2142 = arith.constant 7 : i32
    %eq3A_2143 = vector.broadcast %eq3A_2142 : i32 to vector<8x128xi32>
    %eq3A_2144 = arith.cmpi eq, %iota3A_24, %eq3A_2143 : vector<8x128xi32>
    %eq3A_2145 = arith.constant 3 : i32
    %eq3A_2146 = vector.broadcast %eq3A_2145 : i32 to vector<8x128xi32>
    %eq3A_2147 = arith.cmpi eq, %iota3A_25, %eq3A_2146 : vector<8x128xi32>
    %and3A_2148 = arith.andi %eq3A_2144, %eq3A_2147 : vector<8x128xi1>
    %broadcast_in_dim3A_2149 = vector.broadcast %reduce_sum3A_2141 : f32 to vector<8x128xf32>
    %select_n3A_2150 = arith.select %and3A_2148, %broadcast_in_dim3A_2149, %select_n3A_2126 : vector<8x128xi1>, vector<8x128xf32>
    %get3A_2151 = arith.index_cast %get3A_1925 : i32 to index
    %get3A_2152 = arith.constant 3 : index
    %get3A_2153 = arith.constant 0 : index
    %get3A_2154 = vector.load %arg1[%get3A_2151, %get3A_2152, %get3A_2153] : memref<81x8x900xf32, #tpu.memory_space<vmem>>, vector<1x1x900xf32>
    %reshape3A_2155 = vector.shape_cast %get3A_2154 : vector<1x1x900xf32> to vector<1x900xf32>
    %eq3A_2156 = vector.broadcast %get3A_1865 : i32 to vector<1x900xi32>
    %eq3A_2157 = arith.cmpi eq, %iota3A, %eq3A_2156 : vector<1x900xi32>
    %jit3A_2158 = arith.constant 0.000000e+00 : f32
    %broadcast_in_dim3A_2159 = vector.broadcast %jit3A_2158 : f32 to vector<1x900xf32>
    %select_n3A_2160 = arith.select %eq3A_2157, %reshape3A_2155, %broadcast_in_dim3A_2159 : vector<1x900xi1>, vector<1x900xf32>
    %reduce_sum3A_2161 = vector.shape_cast %select_n3A_2160 : vector<1x900xf32> to vector<1x1x900xf32>
    %reduce_sum3A_2162 = arith.constant dense<0.000000e+00> : vector<1xf32>
    %reduce_sum3A_2163 = vector.multi_reduction <add>, %reduce_sum3A_2161, %reduce_sum3A_2162 [1, 2] : vector<1x1x900xf32> to vector<1xf32>
    %reduce_sum3A_2164 = vector.shape_cast %reduce_sum3A_2163 : vector<1xf32> to vector<1x1x1xf32>
    %reduce_sum3A_2165 = vector.extract %reduce_sum3A_2164[0, 0, 0] : f32 from vector<1x1x1xf32>
    %eq3A_2166 = arith.constant 8 : i32
    %eq3A_2167 = vector.broadcast %eq3A_2166 : i32 to vector<8x128xi32>
    %eq3A_2168 = arith.cmpi eq, %iota3A_24, %eq3A_2167 : vector<8x128xi32>
    %eq3A_2169 = arith.constant 3 : i32
    %eq3A_2170 = vector.broadcast %eq3A_2169 : i32 to vector<8x128xi32>
    %eq3A_2171 = arith.cmpi eq, %iota3A_25, %eq3A_2170 : vector<8x128xi32>
    %and3A_2172 = arith.andi %eq3A_2168, %eq3A_2171 : vector<8x128xi1>
    %broadcast_in_dim3A_2173 = vector.broadcast %reduce_sum3A_2165 : f32 to vector<8x128xf32>
    %select_n3A_2174 = arith.select %and3A_2172, %broadcast_in_dim3A_2173, %select_n3A_2150 : vector<8x128xi1>, vector<8x128xf32>
    %get3A_2175 = arith.index_cast %get3A_1928 : i32 to index
    %get3A_2176 = arith.constant 3 : index
    %get3A_2177 = arith.constant 0 : index
    %get3A_2178 = vector.load %arg1[%get3A_2175, %get3A_2176, %get3A_2177] : memref<81x8x900xf32, #tpu.memory_space<vmem>>, vector<1x1x900xf32>
    %reshape3A_2179 = vector.shape_cast %get3A_2178 : vector<1x1x900xf32> to vector<1x900xf32>
    %eq3A_2180 = vector.broadcast %get3A_1868 : i32 to vector<1x900xi32>
    %eq3A_2181 = arith.cmpi eq, %iota3A, %eq3A_2180 : vector<1x900xi32>
    %jit3A_2182 = arith.constant 0.000000e+00 : f32
    %broadcast_in_dim3A_2183 = vector.broadcast %jit3A_2182 : f32 to vector<1x900xf32>
    %select_n3A_2184 = arith.select %eq3A_2181, %reshape3A_2179, %broadcast_in_dim3A_2183 : vector<1x900xi1>, vector<1x900xf32>
    %reduce_sum3A_2185 = vector.shape_cast %select_n3A_2184 : vector<1x900xf32> to vector<1x1x900xf32>
    %reduce_sum3A_2186 = arith.constant dense<0.000000e+00> : vector<1xf32>
    %reduce_sum3A_2187 = vector.multi_reduction <add>, %reduce_sum3A_2185, %reduce_sum3A_2186 [1, 2] : vector<1x1x900xf32> to vector<1xf32>
    %reduce_sum3A_2188 = vector.shape_cast %reduce_sum3A_2187 : vector<1xf32> to vector<1x1x1xf32>
    %reduce_sum3A_2189 = vector.extract %reduce_sum3A_2188[0, 0, 0] : f32 from vector<1x1x1xf32>
    %eq3A_2190 = arith.constant 9 : i32
    %eq3A_2191 = vector.broadcast %eq3A_2190 : i32 to vector<8x128xi32>
    %eq3A_2192 = arith.cmpi eq, %iota3A_24, %eq3A_2191 : vector<8x128xi32>
    %eq3A_2193 = arith.constant 3 : i32
    %eq3A_2194 = vector.broadcast %eq3A_2193 : i32 to vector<8x128xi32>
    %eq3A_2195 = arith.cmpi eq, %iota3A_25, %eq3A_2194 : vector<8x128xi32>
    %and3A_2196 = arith.andi %eq3A_2192, %eq3A_2195 : vector<8x128xi1>
    %broadcast_in_dim3A_2197 = vector.broadcast %reduce_sum3A_2189 : f32 to vector<8x128xf32>
    %select_n3A_2198 = arith.select %and3A_2196, %broadcast_in_dim3A_2197, %select_n3A_2174 : vector<8x128xi1>, vector<8x128xf32>
    %get3A_2199 = arith.index_cast %get3A_1931 : i32 to index
    %get3A_2200 = arith.constant 3 : index
    %get3A_2201 = arith.constant 0 : index
    %get3A_2202 = vector.load %arg1[%get3A_2199, %get3A_2200, %get3A_2201] : memref<81x8x900xf32, #tpu.memory_space<vmem>>, vector<1x1x900xf32>
    %reshape3A_2203 = vector.shape_cast %get3A_2202 : vector<1x1x900xf32> to vector<1x900xf32>
    %eq3A_2204 = vector.broadcast %get3A_1871 : i32 to vector<1x900xi32>
    %eq3A_2205 = arith.cmpi eq, %iota3A, %eq3A_2204 : vector<1x900xi32>
    %jit3A_2206 = arith.constant 0.000000e+00 : f32
    %broadcast_in_dim3A_2207 = vector.broadcast %jit3A_2206 : f32 to vector<1x900xf32>
    %select_n3A_2208 = arith.select %eq3A_2205, %reshape3A_2203, %broadcast_in_dim3A_2207 : vector<1x900xi1>, vector<1x900xf32>
    %reduce_sum3A_2209 = vector.shape_cast %select_n3A_2208 : vector<1x900xf32> to vector<1x1x900xf32>
    %reduce_sum3A_2210 = arith.constant dense<0.000000e+00> : vector<1xf32>
    %reduce_sum3A_2211 = vector.multi_reduction <add>, %reduce_sum3A_2209, %reduce_sum3A_2210 [1, 2] : vector<1x1x900xf32> to vector<1xf32>
    %reduce_sum3A_2212 = vector.shape_cast %reduce_sum3A_2211 : vector<1xf32> to vector<1x1x1xf32>
    %reduce_sum3A_2213 = vector.extract %reduce_sum3A_2212[0, 0, 0] : f32 from vector<1x1x1xf32>
    %eq3A_2214 = arith.constant 10 : i32
    %eq3A_2215 = vector.broadcast %eq3A_2214 : i32 to vector<8x128xi32>
    %eq3A_2216 = arith.cmpi eq, %iota3A_24, %eq3A_2215 : vector<8x128xi32>
    %eq3A_2217 = arith.constant 3 : i32
    %eq3A_2218 = vector.broadcast %eq3A_2217 : i32 to vector<8x128xi32>
    %eq3A_2219 = arith.cmpi eq, %iota3A_25, %eq3A_2218 : vector<8x128xi32>
    %and3A_2220 = arith.andi %eq3A_2216, %eq3A_2219 : vector<8x128xi1>
    %broadcast_in_dim3A_2221 = vector.broadcast %reduce_sum3A_2213 : f32 to vector<8x128xf32>
    %select_n3A_2222 = arith.select %and3A_2220, %broadcast_in_dim3A_2221, %select_n3A_2198 : vector<8x128xi1>, vector<8x128xf32>
    %get3A_2223 = arith.index_cast %get3A_1934 : i32 to index
    %get3A_2224 = arith.constant 3 : index
    %get3A_2225 = arith.constant 0 : index
    %get3A_2226 = vector.load %arg1[%get3A_2223, %get3A_2224, %get3A_2225] : memref<81x8x900xf32, #tpu.memory_space<vmem>>, vector<1x1x900xf32>
    %reshape3A_2227 = vector.shape_cast %get3A_2226 : vector<1x1x900xf32> to vector<1x900xf32>
    %eq3A_2228 = vector.broadcast %get3A_1874 : i32 to vector<1x900xi32>
    %eq3A_2229 = arith.cmpi eq, %iota3A, %eq3A_2228 : vector<1x900xi32>
    %jit3A_2230 = arith.constant 0.000000e+00 : f32
    %broadcast_in_dim3A_2231 = vector.broadcast %jit3A_2230 : f32 to vector<1x900xf32>
    %select_n3A_2232 = arith.select %eq3A_2229, %reshape3A_2227, %broadcast_in_dim3A_2231 : vector<1x900xi1>, vector<1x900xf32>
    %reduce_sum3A_2233 = vector.shape_cast %select_n3A_2232 : vector<1x900xf32> to vector<1x1x900xf32>
    %reduce_sum3A_2234 = arith.constant dense<0.000000e+00> : vector<1xf32>
    %reduce_sum3A_2235 = vector.multi_reduction <add>, %reduce_sum3A_2233, %reduce_sum3A_2234 [1, 2] : vector<1x1x900xf32> to vector<1xf32>
    %reduce_sum3A_2236 = vector.shape_cast %reduce_sum3A_2235 : vector<1xf32> to vector<1x1x1xf32>
    %reduce_sum3A_2237 = vector.extract %reduce_sum3A_2236[0, 0, 0] : f32 from vector<1x1x1xf32>
    %eq3A_2238 = arith.constant 11 : i32
    %eq3A_2239 = vector.broadcast %eq3A_2238 : i32 to vector<8x128xi32>
    %eq3A_2240 = arith.cmpi eq, %iota3A_24, %eq3A_2239 : vector<8x128xi32>
    %eq3A_2241 = arith.constant 3 : i32
    %eq3A_2242 = vector.broadcast %eq3A_2241 : i32 to vector<8x128xi32>
    %eq3A_2243 = arith.cmpi eq, %iota3A_25, %eq3A_2242 : vector<8x128xi32>
    %and3A_2244 = arith.andi %eq3A_2240, %eq3A_2243 : vector<8x128xi1>
    %broadcast_in_dim3A_2245 = vector.broadcast %reduce_sum3A_2237 : f32 to vector<8x128xf32>
    %select_n3A_2246 = arith.select %and3A_2244, %broadcast_in_dim3A_2245, %select_n3A_2222 : vector<8x128xi1>, vector<8x128xf32>
    %get3A_2247 = arith.index_cast %get3A_1937 : i32 to index
    %get3A_2248 = arith.constant 3 : index
    %get3A_2249 = arith.constant 0 : index
    %get3A_2250 = vector.load %arg1[%get3A_2247, %get3A_2248, %get3A_2249] : memref<81x8x900xf32, #tpu.memory_space<vmem>>, vector<1x1x900xf32>
    %reshape3A_2251 = vector.shape_cast %get3A_2250 : vector<1x1x900xf32> to vector<1x900xf32>
    %eq3A_2252 = vector.broadcast %get3A_1877 : i32 to vector<1x900xi32>
    %eq3A_2253 = arith.cmpi eq, %iota3A, %eq3A_2252 : vector<1x900xi32>
    %jit3A_2254 = arith.constant 0.000000e+00 : f32
    %broadcast_in_dim3A_2255 = vector.broadcast %jit3A_2254 : f32 to vector<1x900xf32>
    %select_n3A_2256 = arith.select %eq3A_2253, %reshape3A_2251, %broadcast_in_dim3A_2255 : vector<1x900xi1>, vector<1x900xf32>
    %reduce_sum3A_2257 = vector.shape_cast %select_n3A_2256 : vector<1x900xf32> to vector<1x1x900xf32>
    %reduce_sum3A_2258 = arith.constant dense<0.000000e+00> : vector<1xf32>
    %reduce_sum3A_2259 = vector.multi_reduction <add>, %reduce_sum3A_2257, %reduce_sum3A_2258 [1, 2] : vector<1x1x900xf32> to vector<1xf32>
    %reduce_sum3A_2260 = vector.shape_cast %reduce_sum3A_2259 : vector<1xf32> to vector<1x1x1xf32>
    %reduce_sum3A_2261 = vector.extract %reduce_sum3A_2260[0, 0, 0] : f32 from vector<1x1x1xf32>
    %eq3A_2262 = arith.constant 12 : i32
    %eq3A_2263 = vector.broadcast %eq3A_2262 : i32 to vector<8x128xi32>
    %eq3A_2264 = arith.cmpi eq, %iota3A_24, %eq3A_2263 : vector<8x128xi32>
    %eq3A_2265 = arith.constant 3 : i32
    %eq3A_2266 = vector.broadcast %eq3A_2265 : i32 to vector<8x128xi32>
    %eq3A_2267 = arith.cmpi eq, %iota3A_25, %eq3A_2266 : vector<8x128xi32>
    %and3A_2268 = arith.andi %eq3A_2264, %eq3A_2267 : vector<8x128xi1>
    %broadcast_in_dim3A_2269 = vector.broadcast %reduce_sum3A_2261 : f32 to vector<8x128xf32>
    %select_n3A_2270 = arith.select %and3A_2268, %broadcast_in_dim3A_2269, %select_n3A_2246 : vector<8x128xi1>, vector<8x128xf32>
    %get3A_2271 = arith.index_cast %get3A_1940 : i32 to index
    %get3A_2272 = arith.constant 3 : index
    %get3A_2273 = arith.constant 0 : index
    %get3A_2274 = vector.load %arg1[%get3A_2271, %get3A_2272, %get3A_2273] : memref<81x8x900xf32, #tpu.memory_space<vmem>>, vector<1x1x900xf32>
    %reshape3A_2275 = vector.shape_cast %get3A_2274 : vector<1x1x900xf32> to vector<1x900xf32>
    %eq3A_2276 = vector.broadcast %get3A_1880 : i32 to vector<1x900xi32>
    %eq3A_2277 = arith.cmpi eq, %iota3A, %eq3A_2276 : vector<1x900xi32>
    %jit3A_2278 = arith.constant 0.000000e+00 : f32
    %broadcast_in_dim3A_2279 = vector.broadcast %jit3A_2278 : f32 to vector<1x900xf32>
    %select_n3A_2280 = arith.select %eq3A_2277, %reshape3A_2275, %broadcast_in_dim3A_2279 : vector<1x900xi1>, vector<1x900xf32>
    %reduce_sum3A_2281 = vector.shape_cast %select_n3A_2280 : vector<1x900xf32> to vector<1x1x900xf32>
    %reduce_sum3A_2282 = arith.constant dense<0.000000e+00> : vector<1xf32>
    %reduce_sum3A_2283 = vector.multi_reduction <add>, %reduce_sum3A_2281, %reduce_sum3A_2282 [1, 2] : vector<1x1x900xf32> to vector<1xf32>
    %reduce_sum3A_2284 = vector.shape_cast %reduce_sum3A_2283 : vector<1xf32> to vector<1x1x1xf32>
    %reduce_sum3A_2285 = vector.extract %reduce_sum3A_2284[0, 0, 0] : f32 from vector<1x1x1xf32>
    %eq3A_2286 = arith.constant 13 : i32
    %eq3A_2287 = vector.broadcast %eq3A_2286 : i32 to vector<8x128xi32>
    %eq3A_2288 = arith.cmpi eq, %iota3A_24, %eq3A_2287 : vector<8x128xi32>
    %eq3A_2289 = arith.constant 3 : i32
    %eq3A_2290 = vector.broadcast %eq3A_2289 : i32 to vector<8x128xi32>
    %eq3A_2291 = arith.cmpi eq, %iota3A_25, %eq3A_2290 : vector<8x128xi32>
    %and3A_2292 = arith.andi %eq3A_2288, %eq3A_2291 : vector<8x128xi1>
    %broadcast_in_dim3A_2293 = vector.broadcast %reduce_sum3A_2285 : f32 to vector<8x128xf32>
    %select_n3A_2294 = arith.select %and3A_2292, %broadcast_in_dim3A_2293, %select_n3A_2270 : vector<8x128xi1>, vector<8x128xf32>
    %get3A_2295 = arith.index_cast %get3A_1943 : i32 to index
    %get3A_2296 = arith.constant 3 : index
    %get3A_2297 = arith.constant 0 : index
    %get3A_2298 = vector.load %arg1[%get3A_2295, %get3A_2296, %get3A_2297] : memref<81x8x900xf32, #tpu.memory_space<vmem>>, vector<1x1x900xf32>
    %reshape3A_2299 = vector.shape_cast %get3A_2298 : vector<1x1x900xf32> to vector<1x900xf32>
    %eq3A_2300 = vector.broadcast %get3A_1883 : i32 to vector<1x900xi32>
    %eq3A_2301 = arith.cmpi eq, %iota3A, %eq3A_2300 : vector<1x900xi32>
    %jit3A_2302 = arith.constant 0.000000e+00 : f32
    %broadcast_in_dim3A_2303 = vector.broadcast %jit3A_2302 : f32 to vector<1x900xf32>
    %select_n3A_2304 = arith.select %eq3A_2301, %reshape3A_2299, %broadcast_in_dim3A_2303 : vector<1x900xi1>, vector<1x900xf32>
    %reduce_sum3A_2305 = vector.shape_cast %select_n3A_2304 : vector<1x900xf32> to vector<1x1x900xf32>
    %reduce_sum3A_2306 = arith.constant dense<0.000000e+00> : vector<1xf32>
    %reduce_sum3A_2307 = vector.multi_reduction <add>, %reduce_sum3A_2305, %reduce_sum3A_2306 [1, 2] : vector<1x1x900xf32> to vector<1xf32>
    %reduce_sum3A_2308 = vector.shape_cast %reduce_sum3A_2307 : vector<1xf32> to vector<1x1x1xf32>
    %reduce_sum3A_2309 = vector.extract %reduce_sum3A_2308[0, 0, 0] : f32 from vector<1x1x1xf32>
    %eq3A_2310 = arith.constant 14 : i32
    %eq3A_2311 = vector.broadcast %eq3A_2310 : i32 to vector<8x128xi32>
    %eq3A_2312 = arith.cmpi eq, %iota3A_24, %eq3A_2311 : vector<8x128xi32>
    %eq3A_2313 = arith.constant 3 : i32
    %eq3A_2314 = vector.broadcast %eq3A_2313 : i32 to vector<8x128xi32>
    %eq3A_2315 = arith.cmpi eq, %iota3A_25, %eq3A_2314 : vector<8x128xi32>
    %and3A_2316 = arith.andi %eq3A_2312, %eq3A_2315 : vector<8x128xi1>
    %broadcast_in_dim3A_2317 = vector.broadcast %reduce_sum3A_2309 : f32 to vector<8x128xf32>
    %select_n3A_2318 = arith.select %and3A_2316, %broadcast_in_dim3A_2317, %select_n3A_2294 : vector<8x128xi1>, vector<8x128xf32>
    %get3A_2319 = arith.index_cast %get3A_1946 : i32 to index
    %get3A_2320 = arith.constant 3 : index
    %get3A_2321 = arith.constant 0 : index
    %get3A_2322 = vector.load %arg1[%get3A_2319, %get3A_2320, %get3A_2321] : memref<81x8x900xf32, #tpu.memory_space<vmem>>, vector<1x1x900xf32>
    %reshape3A_2323 = vector.shape_cast %get3A_2322 : vector<1x1x900xf32> to vector<1x900xf32>
    %eq3A_2324 = vector.broadcast %get3A_1886 : i32 to vector<1x900xi32>
    %eq3A_2325 = arith.cmpi eq, %iota3A, %eq3A_2324 : vector<1x900xi32>
    %jit3A_2326 = arith.constant 0.000000e+00 : f32
    %broadcast_in_dim3A_2327 = vector.broadcast %jit3A_2326 : f32 to vector<1x900xf32>
    %select_n3A_2328 = arith.select %eq3A_2325, %reshape3A_2323, %broadcast_in_dim3A_2327 : vector<1x900xi1>, vector<1x900xf32>
    %reduce_sum3A_2329 = vector.shape_cast %select_n3A_2328 : vector<1x900xf32> to vector<1x1x900xf32>
    %reduce_sum3A_2330 = arith.constant dense<0.000000e+00> : vector<1xf32>
    %reduce_sum3A_2331 = vector.multi_reduction <add>, %reduce_sum3A_2329, %reduce_sum3A_2330 [1, 2] : vector<1x1x900xf32> to vector<1xf32>
    %reduce_sum3A_2332 = vector.shape_cast %reduce_sum3A_2331 : vector<1xf32> to vector<1x1x1xf32>
    %reduce_sum3A_2333 = vector.extract %reduce_sum3A_2332[0, 0, 0] : f32 from vector<1x1x1xf32>
    %eq3A_2334 = arith.constant 15 : i32
    %eq3A_2335 = vector.broadcast %eq3A_2334 : i32 to vector<8x128xi32>
    %eq3A_2336 = arith.cmpi eq, %iota3A_24, %eq3A_2335 : vector<8x128xi32>
    %eq3A_2337 = arith.constant 3 : i32
    %eq3A_2338 = vector.broadcast %eq3A_2337 : i32 to vector<8x128xi32>
    %eq3A_2339 = arith.cmpi eq, %iota3A_25, %eq3A_2338 : vector<8x128xi32>
    %and3A_2340 = arith.andi %eq3A_2336, %eq3A_2339 : vector<8x128xi1>
    %broadcast_in_dim3A_2341 = vector.broadcast %reduce_sum3A_2333 : f32 to vector<8x128xf32>
    %select_n3A_2342 = arith.select %and3A_2340, %broadcast_in_dim3A_2341, %select_n3A_2318 : vector<8x128xi1>, vector<8x128xf32>
    %get3A_2343 = arith.index_cast %get3A_1949 : i32 to index
    %get3A_2344 = arith.constant 3 : index
    %get3A_2345 = arith.constant 0 : index
    %get3A_2346 = vector.load %arg1[%get3A_2343, %get3A_2344, %get3A_2345] : memref<81x8x900xf32, #tpu.memory_space<vmem>>, vector<1x1x900xf32>
    %reshape3A_2347 = vector.shape_cast %get3A_2346 : vector<1x1x900xf32> to vector<1x900xf32>
    %eq3A_2348 = vector.broadcast %get3A_1889 : i32 to vector<1x900xi32>
    %eq3A_2349 = arith.cmpi eq, %iota3A, %eq3A_2348 : vector<1x900xi32>
    %jit3A_2350 = arith.constant 0.000000e+00 : f32
    %broadcast_in_dim3A_2351 = vector.broadcast %jit3A_2350 : f32 to vector<1x900xf32>
    %select_n3A_2352 = arith.select %eq3A_2349, %reshape3A_2347, %broadcast_in_dim3A_2351 : vector<1x900xi1>, vector<1x900xf32>
    %reduce_sum3A_2353 = vector.shape_cast %select_n3A_2352 : vector<1x900xf32> to vector<1x1x900xf32>
    %reduce_sum3A_2354 = arith.constant dense<0.000000e+00> : vector<1xf32>
    %reduce_sum3A_2355 = vector.multi_reduction <add>, %reduce_sum3A_2353, %reduce_sum3A_2354 [1, 2] : vector<1x1x900xf32> to vector<1xf32>
    %reduce_sum3A_2356 = vector.shape_cast %reduce_sum3A_2355 : vector<1xf32> to vector<1x1x1xf32>
    %reduce_sum3A_2357 = vector.extract %reduce_sum3A_2356[0, 0, 0] : f32 from vector<1x1x1xf32>
    %eq3A_2358 = arith.constant 16 : i32
    %eq3A_2359 = vector.broadcast %eq3A_2358 : i32 to vector<8x128xi32>
    %eq3A_2360 = arith.cmpi eq, %iota3A_24, %eq3A_2359 : vector<8x128xi32>
    %eq3A_2361 = arith.constant 3 : i32
    %eq3A_2362 = vector.broadcast %eq3A_2361 : i32 to vector<8x128xi32>
    %eq3A_2363 = arith.cmpi eq, %iota3A_25, %eq3A_2362 : vector<8x128xi32>
    %and3A_2364 = arith.andi %eq3A_2360, %eq3A_2363 : vector<8x128xi1>
    %broadcast_in_dim3A_2365 = vector.broadcast %reduce_sum3A_2357 : f32 to vector<8x128xf32>
    %select_n3A_2366 = arith.select %and3A_2364, %broadcast_in_dim3A_2365, %select_n3A_2342 : vector<8x128xi1>, vector<8x128xf32>
    %get3A_2367 = arith.index_cast %get3A_1952 : i32 to index
    %get3A_2368 = arith.constant 3 : index
    %get3A_2369 = arith.constant 0 : index
    %get3A_2370 = vector.load %arg1[%get3A_2367, %get3A_2368, %get3A_2369] : memref<81x8x900xf32, #tpu.memory_space<vmem>>, vector<1x1x900xf32>
    %reshape3A_2371 = vector.shape_cast %get3A_2370 : vector<1x1x900xf32> to vector<1x900xf32>
    %eq3A_2372 = vector.broadcast %get3A_1892 : i32 to vector<1x900xi32>
    %eq3A_2373 = arith.cmpi eq, %iota3A, %eq3A_2372 : vector<1x900xi32>
    %jit3A_2374 = arith.constant 0.000000e+00 : f32
    %broadcast_in_dim3A_2375 = vector.broadcast %jit3A_2374 : f32 to vector<1x900xf32>
    %select_n3A_2376 = arith.select %eq3A_2373, %reshape3A_2371, %broadcast_in_dim3A_2375 : vector<1x900xi1>, vector<1x900xf32>
    %reduce_sum3A_2377 = vector.shape_cast %select_n3A_2376 : vector<1x900xf32> to vector<1x1x900xf32>
    %reduce_sum3A_2378 = arith.constant dense<0.000000e+00> : vector<1xf32>
    %reduce_sum3A_2379 = vector.multi_reduction <add>, %reduce_sum3A_2377, %reduce_sum3A_2378 [1, 2] : vector<1x1x900xf32> to vector<1xf32>
    %reduce_sum3A_2380 = vector.shape_cast %reduce_sum3A_2379 : vector<1xf32> to vector<1x1x1xf32>
    %reduce_sum3A_2381 = vector.extract %reduce_sum3A_2380[0, 0, 0] : f32 from vector<1x1x1xf32>
    %eq3A_2382 = arith.constant 17 : i32
    %eq3A_2383 = vector.broadcast %eq3A_2382 : i32 to vector<8x128xi32>
    %eq3A_2384 = arith.cmpi eq, %iota3A_24, %eq3A_2383 : vector<8x128xi32>
    %eq3A_2385 = arith.constant 3 : i32
    %eq3A_2386 = vector.broadcast %eq3A_2385 : i32 to vector<8x128xi32>
    %eq3A_2387 = arith.cmpi eq, %iota3A_25, %eq3A_2386 : vector<8x128xi32>
    %and3A_2388 = arith.andi %eq3A_2384, %eq3A_2387 : vector<8x128xi1>
    %broadcast_in_dim3A_2389 = vector.broadcast %reduce_sum3A_2381 : f32 to vector<8x128xf32>
    %select_n3A_2390 = arith.select %and3A_2388, %broadcast_in_dim3A_2389, %select_n3A_2366 : vector<8x128xi1>, vector<8x128xf32>
    %get3A_2391 = arith.index_cast %get3A_1955 : i32 to index
    %get3A_2392 = arith.constant 3 : index
    %get3A_2393 = arith.constant 0 : index
    %get3A_2394 = vector.load %arg1[%get3A_2391, %get3A_2392, %get3A_2393] : memref<81x8x900xf32, #tpu.memory_space<vmem>>, vector<1x1x900xf32>
    %reshape3A_2395 = vector.shape_cast %get3A_2394 : vector<1x1x900xf32> to vector<1x900xf32>
    %eq3A_2396 = vector.broadcast %get3A_1895 : i32 to vector<1x900xi32>
    %eq3A_2397 = arith.cmpi eq, %iota3A, %eq3A_2396 : vector<1x900xi32>
    %jit3A_2398 = arith.constant 0.000000e+00 : f32
    %broadcast_in_dim3A_2399 = vector.broadcast %jit3A_2398 : f32 to vector<1x900xf32>
    %select_n3A_2400 = arith.select %eq3A_2397, %reshape3A_2395, %broadcast_in_dim3A_2399 : vector<1x900xi1>, vector<1x900xf32>
    %reduce_sum3A_2401 = vector.shape_cast %select_n3A_2400 : vector<1x900xf32> to vector<1x1x900xf32>
    %reduce_sum3A_2402 = arith.constant dense<0.000000e+00> : vector<1xf32>
    %reduce_sum3A_2403 = vector.multi_reduction <add>, %reduce_sum3A_2401, %reduce_sum3A_2402 [1, 2] : vector<1x1x900xf32> to vector<1xf32>
    %reduce_sum3A_2404 = vector.shape_cast %reduce_sum3A_2403 : vector<1xf32> to vector<1x1x1xf32>
    %reduce_sum3A_2405 = vector.extract %reduce_sum3A_2404[0, 0, 0] : f32 from vector<1x1x1xf32>
    %eq3A_2406 = arith.constant 18 : i32
    %eq3A_2407 = vector.broadcast %eq3A_2406 : i32 to vector<8x128xi32>
    %eq3A_2408 = arith.cmpi eq, %iota3A_24, %eq3A_2407 : vector<8x128xi32>
    %eq3A_2409 = arith.constant 3 : i32
    %eq3A_2410 = vector.broadcast %eq3A_2409 : i32 to vector<8x128xi32>
    %eq3A_2411 = arith.cmpi eq, %iota3A_25, %eq3A_2410 : vector<8x128xi32>
    %and3A_2412 = arith.andi %eq3A_2408, %eq3A_2411 : vector<8x128xi1>
    %broadcast_in_dim3A_2413 = vector.broadcast %reduce_sum3A_2405 : f32 to vector<8x128xf32>
    %select_n3A_2414 = arith.select %and3A_2412, %broadcast_in_dim3A_2413, %select_n3A_2390 : vector<8x128xi1>, vector<8x128xf32>
    %get3A_2415 = arith.index_cast %get3A_1958 : i32 to index
    %get3A_2416 = arith.constant 3 : index
    %get3A_2417 = arith.constant 0 : index
    %get3A_2418 = vector.load %arg1[%get3A_2415, %get3A_2416, %get3A_2417] : memref<81x8x900xf32, #tpu.memory_space<vmem>>, vector<1x1x900xf32>
    %reshape3A_2419 = vector.shape_cast %get3A_2418 : vector<1x1x900xf32> to vector<1x900xf32>
    %eq3A_2420 = vector.broadcast %get3A_1898 : i32 to vector<1x900xi32>
    %eq3A_2421 = arith.cmpi eq, %iota3A, %eq3A_2420 : vector<1x900xi32>
    %jit3A_2422 = arith.constant 0.000000e+00 : f32
    %broadcast_in_dim3A_2423 = vector.broadcast %jit3A_2422 : f32 to vector<1x900xf32>
    %select_n3A_2424 = arith.select %eq3A_2421, %reshape3A_2419, %broadcast_in_dim3A_2423 : vector<1x900xi1>, vector<1x900xf32>
    %reduce_sum3A_2425 = vector.shape_cast %select_n3A_2424 : vector<1x900xf32> to vector<1x1x900xf32>
    %reduce_sum3A_2426 = arith.constant dense<0.000000e+00> : vector<1xf32>
    %reduce_sum3A_2427 = vector.multi_reduction <add>, %reduce_sum3A_2425, %reduce_sum3A_2426 [1, 2] : vector<1x1x900xf32> to vector<1xf32>
    %reduce_sum3A_2428 = vector.shape_cast %reduce_sum3A_2427 : vector<1xf32> to vector<1x1x1xf32>
    %reduce_sum3A_2429 = vector.extract %reduce_sum3A_2428[0, 0, 0] : f32 from vector<1x1x1xf32>
    %eq3A_2430 = arith.constant 19 : i32
    %eq3A_2431 = vector.broadcast %eq3A_2430 : i32 to vector<8x128xi32>
    %eq3A_2432 = arith.cmpi eq, %iota3A_24, %eq3A_2431 : vector<8x128xi32>
    %eq3A_2433 = arith.constant 3 : i32
    %eq3A_2434 = vector.broadcast %eq3A_2433 : i32 to vector<8x128xi32>
    %eq3A_2435 = arith.cmpi eq, %iota3A_25, %eq3A_2434 : vector<8x128xi32>
    %and3A_2436 = arith.andi %eq3A_2432, %eq3A_2435 : vector<8x128xi1>
    %broadcast_in_dim3A_2437 = vector.broadcast %reduce_sum3A_2429 : f32 to vector<8x128xf32>
    %select_n3A_2438 = arith.select %and3A_2436, %broadcast_in_dim3A_2437, %select_n3A_2414 : vector<8x128xi1>, vector<8x128xf32>
    %mul3A_2439 = arith.constant 8 : i32
    %mul3A_2440 = arith.muli %arg0, %mul3A_2439 : i32
    %add3A_2441 = arith.constant 4 : i32
    %add3A_2442 = arith.addi %mul3A_2440, %add3A_2441 : i32
    %get3A_2443 = arith.constant 0 : index
    %get3A_2444 = arith.index_cast %add3A_2442 : i32 to index
    %get3A_2445 = memref.load %arg2[%get3A_2443, %get3A_2444] : memref<20x32xi32, #tpu.memory_space<smem>>
    %get3A_2446 = arith.constant 1 : index
    %get3A_2447 = arith.index_cast %add3A_2442 : i32 to index
    %get3A_2448 = memref.load %arg2[%get3A_2446, %get3A_2447] : memref<20x32xi32, #tpu.memory_space<smem>>
    %get3A_2449 = arith.constant 2 : index
    %get3A_2450 = arith.index_cast %add3A_2442 : i32 to index
    %get3A_2451 = memref.load %arg2[%get3A_2449, %get3A_2450] : memref<20x32xi32, #tpu.memory_space<smem>>
    %get3A_2452 = arith.constant 3 : index
    %get3A_2453 = arith.index_cast %add3A_2442 : i32 to index
    %get3A_2454 = memref.load %arg2[%get3A_2452, %get3A_2453] : memref<20x32xi32, #tpu.memory_space<smem>>
    %get3A_2455 = arith.constant 4 : index
    %get3A_2456 = arith.index_cast %add3A_2442 : i32 to index
    %get3A_2457 = memref.load %arg2[%get3A_2455, %get3A_2456] : memref<20x32xi32, #tpu.memory_space<smem>>
    %get3A_2458 = arith.constant 5 : index
    %get3A_2459 = arith.index_cast %add3A_2442 : i32 to index
    %get3A_2460 = memref.load %arg2[%get3A_2458, %get3A_2459] : memref<20x32xi32, #tpu.memory_space<smem>>
    %get3A_2461 = arith.constant 6 : index
    %get3A_2462 = arith.index_cast %add3A_2442 : i32 to index
    %get3A_2463 = memref.load %arg2[%get3A_2461, %get3A_2462] : memref<20x32xi32, #tpu.memory_space<smem>>
    %get3A_2464 = arith.constant 7 : index
    %get3A_2465 = arith.index_cast %add3A_2442 : i32 to index
    %get3A_2466 = memref.load %arg2[%get3A_2464, %get3A_2465] : memref<20x32xi32, #tpu.memory_space<smem>>
    %get3A_2467 = arith.constant 8 : index
    %get3A_2468 = arith.index_cast %add3A_2442 : i32 to index
    %get3A_2469 = memref.load %arg2[%get3A_2467, %get3A_2468] : memref<20x32xi32, #tpu.memory_space<smem>>
    %get3A_2470 = arith.constant 9 : index
    %get3A_2471 = arith.index_cast %add3A_2442 : i32 to index
    %get3A_2472 = memref.load %arg2[%get3A_2470, %get3A_2471] : memref<20x32xi32, #tpu.memory_space<smem>>
    %get3A_2473 = arith.constant 10 : index
    %get3A_2474 = arith.index_cast %add3A_2442 : i32 to index
    %get3A_2475 = memref.load %arg2[%get3A_2473, %get3A_2474] : memref<20x32xi32, #tpu.memory_space<smem>>
    %get3A_2476 = arith.constant 11 : index
    %get3A_2477 = arith.index_cast %add3A_2442 : i32 to index
    %get3A_2478 = memref.load %arg2[%get3A_2476, %get3A_2477] : memref<20x32xi32, #tpu.memory_space<smem>>
    %get3A_2479 = arith.constant 12 : index
    %get3A_2480 = arith.index_cast %add3A_2442 : i32 to index
    %get3A_2481 = memref.load %arg2[%get3A_2479, %get3A_2480] : memref<20x32xi32, #tpu.memory_space<smem>>
    %get3A_2482 = arith.constant 13 : index
    %get3A_2483 = arith.index_cast %add3A_2442 : i32 to index
    %get3A_2484 = memref.load %arg2[%get3A_2482, %get3A_2483] : memref<20x32xi32, #tpu.memory_space<smem>>
    %get3A_2485 = arith.constant 14 : index
    %get3A_2486 = arith.index_cast %add3A_2442 : i32 to index
    %get3A_2487 = memref.load %arg2[%get3A_2485, %get3A_2486] : memref<20x32xi32, #tpu.memory_space<smem>>
    %get3A_2488 = arith.constant 15 : index
    %get3A_2489 = arith.index_cast %add3A_2442 : i32 to index
    %get3A_2490 = memref.load %arg2[%get3A_2488, %get3A_2489] : memref<20x32xi32, #tpu.memory_space<smem>>
    %get3A_2491 = arith.constant 16 : index
    %get3A_2492 = arith.index_cast %add3A_2442 : i32 to index
    %get3A_2493 = memref.load %arg2[%get3A_2491, %get3A_2492] : memref<20x32xi32, #tpu.memory_space<smem>>
    %get3A_2494 = arith.constant 17 : index
    %get3A_2495 = arith.index_cast %add3A_2442 : i32 to index
    %get3A_2496 = memref.load %arg2[%get3A_2494, %get3A_2495] : memref<20x32xi32, #tpu.memory_space<smem>>
    %get3A_2497 = arith.constant 18 : index
    %get3A_2498 = arith.index_cast %add3A_2442 : i32 to index
    %get3A_2499 = memref.load %arg2[%get3A_2497, %get3A_2498] : memref<20x32xi32, #tpu.memory_space<smem>>
    %get3A_2500 = arith.constant 19 : index
    %get3A_2501 = arith.index_cast %add3A_2442 : i32 to index
    %get3A_2502 = memref.load %arg2[%get3A_2500, %get3A_2501] : memref<20x32xi32, #tpu.memory_space<smem>>
    %get3A_2503 = arith.constant 0 : index
    %get3A_2504 = arith.index_cast %add3A_2442 : i32 to index
    %get3A_2505 = memref.load %arg3[%get3A_2503, %get3A_2504] : memref<20x32xi32, #tpu.memory_space<smem>>
    %get3A_2506 = arith.constant 1 : index
    %get3A_2507 = arith.index_cast %add3A_2442 : i32 to index
    %get3A_2508 = memref.load %arg3[%get3A_2506, %get3A_2507] : memref<20x32xi32, #tpu.memory_space<smem>>
    %get3A_2509 = arith.constant 2 : index
    %get3A_2510 = arith.index_cast %add3A_2442 : i32 to index
    %get3A_2511 = memref.load %arg3[%get3A_2509, %get3A_2510] : memref<20x32xi32, #tpu.memory_space<smem>>
    %get3A_2512 = arith.constant 3 : index
    %get3A_2513 = arith.index_cast %add3A_2442 : i32 to index
    %get3A_2514 = memref.load %arg3[%get3A_2512, %get3A_2513] : memref<20x32xi32, #tpu.memory_space<smem>>
    %get3A_2515 = arith.constant 4 : index
    %get3A_2516 = arith.index_cast %add3A_2442 : i32 to index
    %get3A_2517 = memref.load %arg3[%get3A_2515, %get3A_2516] : memref<20x32xi32, #tpu.memory_space<smem>>
    %get3A_2518 = arith.constant 5 : index
    %get3A_2519 = arith.index_cast %add3A_2442 : i32 to index
    %get3A_2520 = memref.load %arg3[%get3A_2518, %get3A_2519] : memref<20x32xi32, #tpu.memory_space<smem>>
    %get3A_2521 = arith.constant 6 : index
    %get3A_2522 = arith.index_cast %add3A_2442 : i32 to index
    %get3A_2523 = memref.load %arg3[%get3A_2521, %get3A_2522] : memref<20x32xi32, #tpu.memory_space<smem>>
    %get3A_2524 = arith.constant 7 : index
    %get3A_2525 = arith.index_cast %add3A_2442 : i32 to index
    %get3A_2526 = memref.load %arg3[%get3A_2524, %get3A_2525] : memref<20x32xi32, #tpu.memory_space<smem>>
    %get3A_2527 = arith.constant 8 : index
    %get3A_2528 = arith.index_cast %add3A_2442 : i32 to index
    %get3A_2529 = memref.load %arg3[%get3A_2527, %get3A_2528] : memref<20x32xi32, #tpu.memory_space<smem>>
    %get3A_2530 = arith.constant 9 : index
    %get3A_2531 = arith.index_cast %add3A_2442 : i32 to index
    %get3A_2532 = memref.load %arg3[%get3A_2530, %get3A_2531] : memref<20x32xi32, #tpu.memory_space<smem>>
    %get3A_2533 = arith.constant 10 : index
    %get3A_2534 = arith.index_cast %add3A_2442 : i32 to index
    %get3A_2535 = memref.load %arg3[%get3A_2533, %get3A_2534] : memref<20x32xi32, #tpu.memory_space<smem>>
    %get3A_2536 = arith.constant 11 : index
    %get3A_2537 = arith.index_cast %add3A_2442 : i32 to index
    %get3A_2538 = memref.load %arg3[%get3A_2536, %get3A_2537] : memref<20x32xi32, #tpu.memory_space<smem>>
    %get3A_2539 = arith.constant 12 : index
    %get3A_2540 = arith.index_cast %add3A_2442 : i32 to index
    %get3A_2541 = memref.load %arg3[%get3A_2539, %get3A_2540] : memref<20x32xi32, #tpu.memory_space<smem>>
    %get3A_2542 = arith.constant 13 : index
    %get3A_2543 = arith.index_cast %add3A_2442 : i32 to index
    %get3A_2544 = memref.load %arg3[%get3A_2542, %get3A_2543] : memref<20x32xi32, #tpu.memory_space<smem>>
    %get3A_2545 = arith.constant 14 : index
    %get3A_2546 = arith.index_cast %add3A_2442 : i32 to index
    %get3A_2547 = memref.load %arg3[%get3A_2545, %get3A_2546] : memref<20x32xi32, #tpu.memory_space<smem>>
    %get3A_2548 = arith.constant 15 : index
    %get3A_2549 = arith.index_cast %add3A_2442 : i32 to index
    %get3A_2550 = memref.load %arg3[%get3A_2548, %get3A_2549] : memref<20x32xi32, #tpu.memory_space<smem>>
    %get3A_2551 = arith.constant 16 : index
    %get3A_2552 = arith.index_cast %add3A_2442 : i32 to index
    %get3A_2553 = memref.load %arg3[%get3A_2551, %get3A_2552] : memref<20x32xi32, #tpu.memory_space<smem>>
    %get3A_2554 = arith.constant 17 : index
    %get3A_2555 = arith.index_cast %add3A_2442 : i32 to index
    %get3A_2556 = memref.load %arg3[%get3A_2554, %get3A_2555] : memref<20x32xi32, #tpu.memory_space<smem>>
    %get3A_2557 = arith.constant 18 : index
    %get3A_2558 = arith.index_cast %add3A_2442 : i32 to index
    %get3A_2559 = memref.load %arg3[%get3A_2557, %get3A_2558] : memref<20x32xi32, #tpu.memory_space<smem>>
    %get3A_2560 = arith.constant 19 : index
    %get3A_2561 = arith.index_cast %add3A_2442 : i32 to index
    %get3A_2562 = memref.load %arg3[%get3A_2560, %get3A_2561] : memref<20x32xi32, #tpu.memory_space<smem>>
    %get3A_2563 = arith.index_cast %get3A_2505 : i32 to index
    %get3A_2564 = arith.constant 4 : index
    %get3A_2565 = arith.constant 0 : index
    %get3A_2566 = vector.load %arg1[%get3A_2563, %get3A_2564, %get3A_2565] : memref<81x8x900xf32, #tpu.memory_space<vmem>>, vector<1x1x900xf32>
    %reshape3A_2567 = vector.shape_cast %get3A_2566 : vector<1x1x900xf32> to vector<1x900xf32>
    %eq3A_2568 = vector.broadcast %get3A_2445 : i32 to vector<1x900xi32>
    %eq3A_2569 = arith.cmpi eq, %iota3A, %eq3A_2568 : vector<1x900xi32>
    %jit3A_2570 = arith.constant 0.000000e+00 : f32
    %broadcast_in_dim3A_2571 = vector.broadcast %jit3A_2570 : f32 to vector<1x900xf32>
    %select_n3A_2572 = arith.select %eq3A_2569, %reshape3A_2567, %broadcast_in_dim3A_2571 : vector<1x900xi1>, vector<1x900xf32>
    %reduce_sum3A_2573 = vector.shape_cast %select_n3A_2572 : vector<1x900xf32> to vector<1x1x900xf32>
    %reduce_sum3A_2574 = arith.constant dense<0.000000e+00> : vector<1xf32>
    %reduce_sum3A_2575 = vector.multi_reduction <add>, %reduce_sum3A_2573, %reduce_sum3A_2574 [1, 2] : vector<1x1x900xf32> to vector<1xf32>
    %reduce_sum3A_2576 = vector.shape_cast %reduce_sum3A_2575 : vector<1xf32> to vector<1x1x1xf32>
    %reduce_sum3A_2577 = vector.extract %reduce_sum3A_2576[0, 0, 0] : f32 from vector<1x1x1xf32>
    %eq3A_2578 = arith.constant 0 : i32
    %eq3A_2579 = vector.broadcast %eq3A_2578 : i32 to vector<8x128xi32>
    %eq3A_2580 = arith.cmpi eq, %iota3A_24, %eq3A_2579 : vector<8x128xi32>
    %eq3A_2581 = arith.constant 4 : i32
    %eq3A_2582 = vector.broadcast %eq3A_2581 : i32 to vector<8x128xi32>
    %eq3A_2583 = arith.cmpi eq, %iota3A_25, %eq3A_2582 : vector<8x128xi32>
    %and3A_2584 = arith.andi %eq3A_2580, %eq3A_2583 : vector<8x128xi1>
    %broadcast_in_dim3A_2585 = vector.broadcast %reduce_sum3A_2577 : f32 to vector<8x128xf32>
    %select_n3A_2586 = arith.select %and3A_2584, %broadcast_in_dim3A_2585, %select_n3A_2438 : vector<8x128xi1>, vector<8x128xf32>
    %get3A_2587 = arith.index_cast %get3A_2508 : i32 to index
    %get3A_2588 = arith.constant 4 : index
    %get3A_2589 = arith.constant 0 : index
    %get3A_2590 = vector.load %arg1[%get3A_2587, %get3A_2588, %get3A_2589] : memref<81x8x900xf32, #tpu.memory_space<vmem>>, vector<1x1x900xf32>
    %reshape3A_2591 = vector.shape_cast %get3A_2590 : vector<1x1x900xf32> to vector<1x900xf32>
    %eq3A_2592 = vector.broadcast %get3A_2448 : i32 to vector<1x900xi32>
    %eq3A_2593 = arith.cmpi eq, %iota3A, %eq3A_2592 : vector<1x900xi32>
    %jit3A_2594 = arith.constant 0.000000e+00 : f32
    %broadcast_in_dim3A_2595 = vector.broadcast %jit3A_2594 : f32 to vector<1x900xf32>
    %select_n3A_2596 = arith.select %eq3A_2593, %reshape3A_2591, %broadcast_in_dim3A_2595 : vector<1x900xi1>, vector<1x900xf32>
    %reduce_sum3A_2597 = vector.shape_cast %select_n3A_2596 : vector<1x900xf32> to vector<1x1x900xf32>
    %reduce_sum3A_2598 = arith.constant dense<0.000000e+00> : vector<1xf32>
    %reduce_sum3A_2599 = vector.multi_reduction <add>, %reduce_sum3A_2597, %reduce_sum3A_2598 [1, 2] : vector<1x1x900xf32> to vector<1xf32>
    %reduce_sum3A_2600 = vector.shape_cast %reduce_sum3A_2599 : vector<1xf32> to vector<1x1x1xf32>
    %reduce_sum3A_2601 = vector.extract %reduce_sum3A_2600[0, 0, 0] : f32 from vector<1x1x1xf32>
    %eq3A_2602 = arith.constant 1 : i32
    %eq3A_2603 = vector.broadcast %eq3A_2602 : i32 to vector<8x128xi32>
    %eq3A_2604 = arith.cmpi eq, %iota3A_24, %eq3A_2603 : vector<8x128xi32>
    %eq3A_2605 = arith.constant 4 : i32
    %eq3A_2606 = vector.broadcast %eq3A_2605 : i32 to vector<8x128xi32>
    %eq3A_2607 = arith.cmpi eq, %iota3A_25, %eq3A_2606 : vector<8x128xi32>
    %and3A_2608 = arith.andi %eq3A_2604, %eq3A_2607 : vector<8x128xi1>
    %broadcast_in_dim3A_2609 = vector.broadcast %reduce_sum3A_2601 : f32 to vector<8x128xf32>
    %select_n3A_2610 = arith.select %and3A_2608, %broadcast_in_dim3A_2609, %select_n3A_2586 : vector<8x128xi1>, vector<8x128xf32>
    %get3A_2611 = arith.index_cast %get3A_2511 : i32 to index
    %get3A_2612 = arith.constant 4 : index
    %get3A_2613 = arith.constant 0 : index
    %get3A_2614 = vector.load %arg1[%get3A_2611, %get3A_2612, %get3A_2613] : memref<81x8x900xf32, #tpu.memory_space<vmem>>, vector<1x1x900xf32>
    %reshape3A_2615 = vector.shape_cast %get3A_2614 : vector<1x1x900xf32> to vector<1x900xf32>
    %eq3A_2616 = vector.broadcast %get3A_2451 : i32 to vector<1x900xi32>
    %eq3A_2617 = arith.cmpi eq, %iota3A, %eq3A_2616 : vector<1x900xi32>
    %jit3A_2618 = arith.constant 0.000000e+00 : f32
    %broadcast_in_dim3A_2619 = vector.broadcast %jit3A_2618 : f32 to vector<1x900xf32>
    %select_n3A_2620 = arith.select %eq3A_2617, %reshape3A_2615, %broadcast_in_dim3A_2619 : vector<1x900xi1>, vector<1x900xf32>
    %reduce_sum3A_2621 = vector.shape_cast %select_n3A_2620 : vector<1x900xf32> to vector<1x1x900xf32>
    %reduce_sum3A_2622 = arith.constant dense<0.000000e+00> : vector<1xf32>
    %reduce_sum3A_2623 = vector.multi_reduction <add>, %reduce_sum3A_2621, %reduce_sum3A_2622 [1, 2] : vector<1x1x900xf32> to vector<1xf32>
    %reduce_sum3A_2624 = vector.shape_cast %reduce_sum3A_2623 : vector<1xf32> to vector<1x1x1xf32>
    %reduce_sum3A_2625 = vector.extract %reduce_sum3A_2624[0, 0, 0] : f32 from vector<1x1x1xf32>
    %eq3A_2626 = arith.constant 2 : i32
    %eq3A_2627 = vector.broadcast %eq3A_2626 : i32 to vector<8x128xi32>
    %eq3A_2628 = arith.cmpi eq, %iota3A_24, %eq3A_2627 : vector<8x128xi32>
    %eq3A_2629 = arith.constant 4 : i32
    %eq3A_2630 = vector.broadcast %eq3A_2629 : i32 to vector<8x128xi32>
    %eq3A_2631 = arith.cmpi eq, %iota3A_25, %eq3A_2630 : vector<8x128xi32>
    %and3A_2632 = arith.andi %eq3A_2628, %eq3A_2631 : vector<8x128xi1>
    %broadcast_in_dim3A_2633 = vector.broadcast %reduce_sum3A_2625 : f32 to vector<8x128xf32>
    %select_n3A_2634 = arith.select %and3A_2632, %broadcast_in_dim3A_2633, %select_n3A_2610 : vector<8x128xi1>, vector<8x128xf32>
    %get3A_2635 = arith.index_cast %get3A_2514 : i32 to index
    %get3A_2636 = arith.constant 4 : index
    %get3A_2637 = arith.constant 0 : index
    %get3A_2638 = vector.load %arg1[%get3A_2635, %get3A_2636, %get3A_2637] : memref<81x8x900xf32, #tpu.memory_space<vmem>>, vector<1x1x900xf32>
    %reshape3A_2639 = vector.shape_cast %get3A_2638 : vector<1x1x900xf32> to vector<1x900xf32>
    %eq3A_2640 = vector.broadcast %get3A_2454 : i32 to vector<1x900xi32>
    %eq3A_2641 = arith.cmpi eq, %iota3A, %eq3A_2640 : vector<1x900xi32>
    %jit3A_2642 = arith.constant 0.000000e+00 : f32
    %broadcast_in_dim3A_2643 = vector.broadcast %jit3A_2642 : f32 to vector<1x900xf32>
    %select_n3A_2644 = arith.select %eq3A_2641, %reshape3A_2639, %broadcast_in_dim3A_2643 : vector<1x900xi1>, vector<1x900xf32>
    %reduce_sum3A_2645 = vector.shape_cast %select_n3A_2644 : vector<1x900xf32> to vector<1x1x900xf32>
    %reduce_sum3A_2646 = arith.constant dense<0.000000e+00> : vector<1xf32>
    %reduce_sum3A_2647 = vector.multi_reduction <add>, %reduce_sum3A_2645, %reduce_sum3A_2646 [1, 2] : vector<1x1x900xf32> to vector<1xf32>
    %reduce_sum3A_2648 = vector.shape_cast %reduce_sum3A_2647 : vector<1xf32> to vector<1x1x1xf32>
    %reduce_sum3A_2649 = vector.extract %reduce_sum3A_2648[0, 0, 0] : f32 from vector<1x1x1xf32>
    %eq3A_2650 = arith.constant 3 : i32
    %eq3A_2651 = vector.broadcast %eq3A_2650 : i32 to vector<8x128xi32>
    %eq3A_2652 = arith.cmpi eq, %iota3A_24, %eq3A_2651 : vector<8x128xi32>
    %eq3A_2653 = arith.constant 4 : i32
    %eq3A_2654 = vector.broadcast %eq3A_2653 : i32 to vector<8x128xi32>
    %eq3A_2655 = arith.cmpi eq, %iota3A_25, %eq3A_2654 : vector<8x128xi32>
    %and3A_2656 = arith.andi %eq3A_2652, %eq3A_2655 : vector<8x128xi1>
    %broadcast_in_dim3A_2657 = vector.broadcast %reduce_sum3A_2649 : f32 to vector<8x128xf32>
    %select_n3A_2658 = arith.select %and3A_2656, %broadcast_in_dim3A_2657, %select_n3A_2634 : vector<8x128xi1>, vector<8x128xf32>
    %get3A_2659 = arith.index_cast %get3A_2517 : i32 to index
    %get3A_2660 = arith.constant 4 : index
    %get3A_2661 = arith.constant 0 : index
    %get3A_2662 = vector.load %arg1[%get3A_2659, %get3A_2660, %get3A_2661] : memref<81x8x900xf32, #tpu.memory_space<vmem>>, vector<1x1x900xf32>
    %reshape3A_2663 = vector.shape_cast %get3A_2662 : vector<1x1x900xf32> to vector<1x900xf32>
    %eq3A_2664 = vector.broadcast %get3A_2457 : i32 to vector<1x900xi32>
    %eq3A_2665 = arith.cmpi eq, %iota3A, %eq3A_2664 : vector<1x900xi32>
    %jit3A_2666 = arith.constant 0.000000e+00 : f32
    %broadcast_in_dim3A_2667 = vector.broadcast %jit3A_2666 : f32 to vector<1x900xf32>
    %select_n3A_2668 = arith.select %eq3A_2665, %reshape3A_2663, %broadcast_in_dim3A_2667 : vector<1x900xi1>, vector<1x900xf32>
    %reduce_sum3A_2669 = vector.shape_cast %select_n3A_2668 : vector<1x900xf32> to vector<1x1x900xf32>
    %reduce_sum3A_2670 = arith.constant dense<0.000000e+00> : vector<1xf32>
    %reduce_sum3A_2671 = vector.multi_reduction <add>, %reduce_sum3A_2669, %reduce_sum3A_2670 [1, 2] : vector<1x1x900xf32> to vector<1xf32>
    %reduce_sum3A_2672 = vector.shape_cast %reduce_sum3A_2671 : vector<1xf32> to vector<1x1x1xf32>
    %reduce_sum3A_2673 = vector.extract %reduce_sum3A_2672[0, 0, 0] : f32 from vector<1x1x1xf32>
    %eq3A_2674 = arith.constant 4 : i32
    %eq3A_2675 = vector.broadcast %eq3A_2674 : i32 to vector<8x128xi32>
    %eq3A_2676 = arith.cmpi eq, %iota3A_24, %eq3A_2675 : vector<8x128xi32>
    %eq3A_2677 = arith.constant 4 : i32
    %eq3A_2678 = vector.broadcast %eq3A_2677 : i32 to vector<8x128xi32>
    %eq3A_2679 = arith.cmpi eq, %iota3A_25, %eq3A_2678 : vector<8x128xi32>
    %and3A_2680 = arith.andi %eq3A_2676, %eq3A_2679 : vector<8x128xi1>
    %broadcast_in_dim3A_2681 = vector.broadcast %reduce_sum3A_2673 : f32 to vector<8x128xf32>
    %select_n3A_2682 = arith.select %and3A_2680, %broadcast_in_dim3A_2681, %select_n3A_2658 : vector<8x128xi1>, vector<8x128xf32>
    %get3A_2683 = arith.index_cast %get3A_2520 : i32 to index
    %get3A_2684 = arith.constant 4 : index
    %get3A_2685 = arith.constant 0 : index
    %get3A_2686 = vector.load %arg1[%get3A_2683, %get3A_2684, %get3A_2685] : memref<81x8x900xf32, #tpu.memory_space<vmem>>, vector<1x1x900xf32>
    %reshape3A_2687 = vector.shape_cast %get3A_2686 : vector<1x1x900xf32> to vector<1x900xf32>
    %eq3A_2688 = vector.broadcast %get3A_2460 : i32 to vector<1x900xi32>
    %eq3A_2689 = arith.cmpi eq, %iota3A, %eq3A_2688 : vector<1x900xi32>
    %jit3A_2690 = arith.constant 0.000000e+00 : f32
    %broadcast_in_dim3A_2691 = vector.broadcast %jit3A_2690 : f32 to vector<1x900xf32>
    %select_n3A_2692 = arith.select %eq3A_2689, %reshape3A_2687, %broadcast_in_dim3A_2691 : vector<1x900xi1>, vector<1x900xf32>
    %reduce_sum3A_2693 = vector.shape_cast %select_n3A_2692 : vector<1x900xf32> to vector<1x1x900xf32>
    %reduce_sum3A_2694 = arith.constant dense<0.000000e+00> : vector<1xf32>
    %reduce_sum3A_2695 = vector.multi_reduction <add>, %reduce_sum3A_2693, %reduce_sum3A_2694 [1, 2] : vector<1x1x900xf32> to vector<1xf32>
    %reduce_sum3A_2696 = vector.shape_cast %reduce_sum3A_2695 : vector<1xf32> to vector<1x1x1xf32>
    %reduce_sum3A_2697 = vector.extract %reduce_sum3A_2696[0, 0, 0] : f32 from vector<1x1x1xf32>
    %eq3A_2698 = arith.constant 5 : i32
    %eq3A_2699 = vector.broadcast %eq3A_2698 : i32 to vector<8x128xi32>
    %eq3A_2700 = arith.cmpi eq, %iota3A_24, %eq3A_2699 : vector<8x128xi32>
    %eq3A_2701 = arith.constant 4 : i32
    %eq3A_2702 = vector.broadcast %eq3A_2701 : i32 to vector<8x128xi32>
    %eq3A_2703 = arith.cmpi eq, %iota3A_25, %eq3A_2702 : vector<8x128xi32>
    %and3A_2704 = arith.andi %eq3A_2700, %eq3A_2703 : vector<8x128xi1>
    %broadcast_in_dim3A_2705 = vector.broadcast %reduce_sum3A_2697 : f32 to vector<8x128xf32>
    %select_n3A_2706 = arith.select %and3A_2704, %broadcast_in_dim3A_2705, %select_n3A_2682 : vector<8x128xi1>, vector<8x128xf32>
    %get3A_2707 = arith.index_cast %get3A_2523 : i32 to index
    %get3A_2708 = arith.constant 4 : index
    %get3A_2709 = arith.constant 0 : index
    %get3A_2710 = vector.load %arg1[%get3A_2707, %get3A_2708, %get3A_2709] : memref<81x8x900xf32, #tpu.memory_space<vmem>>, vector<1x1x900xf32>
    %reshape3A_2711 = vector.shape_cast %get3A_2710 : vector<1x1x900xf32> to vector<1x900xf32>
    %eq3A_2712 = vector.broadcast %get3A_2463 : i32 to vector<1x900xi32>
    %eq3A_2713 = arith.cmpi eq, %iota3A, %eq3A_2712 : vector<1x900xi32>
    %jit3A_2714 = arith.constant 0.000000e+00 : f32
    %broadcast_in_dim3A_2715 = vector.broadcast %jit3A_2714 : f32 to vector<1x900xf32>
    %select_n3A_2716 = arith.select %eq3A_2713, %reshape3A_2711, %broadcast_in_dim3A_2715 : vector<1x900xi1>, vector<1x900xf32>
    %reduce_sum3A_2717 = vector.shape_cast %select_n3A_2716 : vector<1x900xf32> to vector<1x1x900xf32>
    %reduce_sum3A_2718 = arith.constant dense<0.000000e+00> : vector<1xf32>
    %reduce_sum3A_2719 = vector.multi_reduction <add>, %reduce_sum3A_2717, %reduce_sum3A_2718 [1, 2] : vector<1x1x900xf32> to vector<1xf32>
    %reduce_sum3A_2720 = vector.shape_cast %reduce_sum3A_2719 : vector<1xf32> to vector<1x1x1xf32>
    %reduce_sum3A_2721 = vector.extract %reduce_sum3A_2720[0, 0, 0] : f32 from vector<1x1x1xf32>
    %eq3A_2722 = arith.constant 6 : i32
    %eq3A_2723 = vector.broadcast %eq3A_2722 : i32 to vector<8x128xi32>
    %eq3A_2724 = arith.cmpi eq, %iota3A_24, %eq3A_2723 : vector<8x128xi32>
    %eq3A_2725 = arith.constant 4 : i32
    %eq3A_2726 = vector.broadcast %eq3A_2725 : i32 to vector<8x128xi32>
    %eq3A_2727 = arith.cmpi eq, %iota3A_25, %eq3A_2726 : vector<8x128xi32>
    %and3A_2728 = arith.andi %eq3A_2724, %eq3A_2727 : vector<8x128xi1>
    %broadcast_in_dim3A_2729 = vector.broadcast %reduce_sum3A_2721 : f32 to vector<8x128xf32>
    %select_n3A_2730 = arith.select %and3A_2728, %broadcast_in_dim3A_2729, %select_n3A_2706 : vector<8x128xi1>, vector<8x128xf32>
    %get3A_2731 = arith.index_cast %get3A_2526 : i32 to index
    %get3A_2732 = arith.constant 4 : index
    %get3A_2733 = arith.constant 0 : index
    %get3A_2734 = vector.load %arg1[%get3A_2731, %get3A_2732, %get3A_2733] : memref<81x8x900xf32, #tpu.memory_space<vmem>>, vector<1x1x900xf32>
    %reshape3A_2735 = vector.shape_cast %get3A_2734 : vector<1x1x900xf32> to vector<1x900xf32>
    %eq3A_2736 = vector.broadcast %get3A_2466 : i32 to vector<1x900xi32>
    %eq3A_2737 = arith.cmpi eq, %iota3A, %eq3A_2736 : vector<1x900xi32>
    %jit3A_2738 = arith.constant 0.000000e+00 : f32
    %broadcast_in_dim3A_2739 = vector.broadcast %jit3A_2738 : f32 to vector<1x900xf32>
    %select_n3A_2740 = arith.select %eq3A_2737, %reshape3A_2735, %broadcast_in_dim3A_2739 : vector<1x900xi1>, vector<1x900xf32>
    %reduce_sum3A_2741 = vector.shape_cast %select_n3A_2740 : vector<1x900xf32> to vector<1x1x900xf32>
    %reduce_sum3A_2742 = arith.constant dense<0.000000e+00> : vector<1xf32>
    %reduce_sum3A_2743 = vector.multi_reduction <add>, %reduce_sum3A_2741, %reduce_sum3A_2742 [1, 2] : vector<1x1x900xf32> to vector<1xf32>
    %reduce_sum3A_2744 = vector.shape_cast %reduce_sum3A_2743 : vector<1xf32> to vector<1x1x1xf32>
    %reduce_sum3A_2745 = vector.extract %reduce_sum3A_2744[0, 0, 0] : f32 from vector<1x1x1xf32>
    %eq3A_2746 = arith.constant 7 : i32
    %eq3A_2747 = vector.broadcast %eq3A_2746 : i32 to vector<8x128xi32>
    %eq3A_2748 = arith.cmpi eq, %iota3A_24, %eq3A_2747 : vector<8x128xi32>
    %eq3A_2749 = arith.constant 4 : i32
    %eq3A_2750 = vector.broadcast %eq3A_2749 : i32 to vector<8x128xi32>
    %eq3A_2751 = arith.cmpi eq, %iota3A_25, %eq3A_2750 : vector<8x128xi32>
    %and3A_2752 = arith.andi %eq3A_2748, %eq3A_2751 : vector<8x128xi1>
    %broadcast_in_dim3A_2753 = vector.broadcast %reduce_sum3A_2745 : f32 to vector<8x128xf32>
    %select_n3A_2754 = arith.select %and3A_2752, %broadcast_in_dim3A_2753, %select_n3A_2730 : vector<8x128xi1>, vector<8x128xf32>
    %get3A_2755 = arith.index_cast %get3A_2529 : i32 to index
    %get3A_2756 = arith.constant 4 : index
    %get3A_2757 = arith.constant 0 : index
    %get3A_2758 = vector.load %arg1[%get3A_2755, %get3A_2756, %get3A_2757] : memref<81x8x900xf32, #tpu.memory_space<vmem>>, vector<1x1x900xf32>
    %reshape3A_2759 = vector.shape_cast %get3A_2758 : vector<1x1x900xf32> to vector<1x900xf32>
    %eq3A_2760 = vector.broadcast %get3A_2469 : i32 to vector<1x900xi32>
    %eq3A_2761 = arith.cmpi eq, %iota3A, %eq3A_2760 : vector<1x900xi32>
    %jit3A_2762 = arith.constant 0.000000e+00 : f32
    %broadcast_in_dim3A_2763 = vector.broadcast %jit3A_2762 : f32 to vector<1x900xf32>
    %select_n3A_2764 = arith.select %eq3A_2761, %reshape3A_2759, %broadcast_in_dim3A_2763 : vector<1x900xi1>, vector<1x900xf32>
    %reduce_sum3A_2765 = vector.shape_cast %select_n3A_2764 : vector<1x900xf32> to vector<1x1x900xf32>
    %reduce_sum3A_2766 = arith.constant dense<0.000000e+00> : vector<1xf32>
    %reduce_sum3A_2767 = vector.multi_reduction <add>, %reduce_sum3A_2765, %reduce_sum3A_2766 [1, 2] : vector<1x1x900xf32> to vector<1xf32>
    %reduce_sum3A_2768 = vector.shape_cast %reduce_sum3A_2767 : vector<1xf32> to vector<1x1x1xf32>
    %reduce_sum3A_2769 = vector.extract %reduce_sum3A_2768[0, 0, 0] : f32 from vector<1x1x1xf32>
    %eq3A_2770 = arith.constant 8 : i32
    %eq3A_2771 = vector.broadcast %eq3A_2770 : i32 to vector<8x128xi32>
    %eq3A_2772 = arith.cmpi eq, %iota3A_24, %eq3A_2771 : vector<8x128xi32>
    %eq3A_2773 = arith.constant 4 : i32
    %eq3A_2774 = vector.broadcast %eq3A_2773 : i32 to vector<8x128xi32>
    %eq3A_2775 = arith.cmpi eq, %iota3A_25, %eq3A_2774 : vector<8x128xi32>
    %and3A_2776 = arith.andi %eq3A_2772, %eq3A_2775 : vector<8x128xi1>
    %broadcast_in_dim3A_2777 = vector.broadcast %reduce_sum3A_2769 : f32 to vector<8x128xf32>
    %select_n3A_2778 = arith.select %and3A_2776, %broadcast_in_dim3A_2777, %select_n3A_2754 : vector<8x128xi1>, vector<8x128xf32>
    %get3A_2779 = arith.index_cast %get3A_2532 : i32 to index
    %get3A_2780 = arith.constant 4 : index
    %get3A_2781 = arith.constant 0 : index
    %get3A_2782 = vector.load %arg1[%get3A_2779, %get3A_2780, %get3A_2781] : memref<81x8x900xf32, #tpu.memory_space<vmem>>, vector<1x1x900xf32>
    %reshape3A_2783 = vector.shape_cast %get3A_2782 : vector<1x1x900xf32> to vector<1x900xf32>
    %eq3A_2784 = vector.broadcast %get3A_2472 : i32 to vector<1x900xi32>
    %eq3A_2785 = arith.cmpi eq, %iota3A, %eq3A_2784 : vector<1x900xi32>
    %jit3A_2786 = arith.constant 0.000000e+00 : f32
    %broadcast_in_dim3A_2787 = vector.broadcast %jit3A_2786 : f32 to vector<1x900xf32>
    %select_n3A_2788 = arith.select %eq3A_2785, %reshape3A_2783, %broadcast_in_dim3A_2787 : vector<1x900xi1>, vector<1x900xf32>
    %reduce_sum3A_2789 = vector.shape_cast %select_n3A_2788 : vector<1x900xf32> to vector<1x1x900xf32>
    %reduce_sum3A_2790 = arith.constant dense<0.000000e+00> : vector<1xf32>
    %reduce_sum3A_2791 = vector.multi_reduction <add>, %reduce_sum3A_2789, %reduce_sum3A_2790 [1, 2] : vector<1x1x900xf32> to vector<1xf32>
    %reduce_sum3A_2792 = vector.shape_cast %reduce_sum3A_2791 : vector<1xf32> to vector<1x1x1xf32>
    %reduce_sum3A_2793 = vector.extract %reduce_sum3A_2792[0, 0, 0] : f32 from vector<1x1x1xf32>
    %eq3A_2794 = arith.constant 9 : i32
    %eq3A_2795 = vector.broadcast %eq3A_2794 : i32 to vector<8x128xi32>
    %eq3A_2796 = arith.cmpi eq, %iota3A_24, %eq3A_2795 : vector<8x128xi32>
    %eq3A_2797 = arith.constant 4 : i32
    %eq3A_2798 = vector.broadcast %eq3A_2797 : i32 to vector<8x128xi32>
    %eq3A_2799 = arith.cmpi eq, %iota3A_25, %eq3A_2798 : vector<8x128xi32>
    %and3A_2800 = arith.andi %eq3A_2796, %eq3A_2799 : vector<8x128xi1>
    %broadcast_in_dim3A_2801 = vector.broadcast %reduce_sum3A_2793 : f32 to vector<8x128xf32>
    %select_n3A_2802 = arith.select %and3A_2800, %broadcast_in_dim3A_2801, %select_n3A_2778 : vector<8x128xi1>, vector<8x128xf32>
    %get3A_2803 = arith.index_cast %get3A_2535 : i32 to index
    %get3A_2804 = arith.constant 4 : index
    %get3A_2805 = arith.constant 0 : index
    %get3A_2806 = vector.load %arg1[%get3A_2803, %get3A_2804, %get3A_2805] : memref<81x8x900xf32, #tpu.memory_space<vmem>>, vector<1x1x900xf32>
    %reshape3A_2807 = vector.shape_cast %get3A_2806 : vector<1x1x900xf32> to vector<1x900xf32>
    %eq3A_2808 = vector.broadcast %get3A_2475 : i32 to vector<1x900xi32>
    %eq3A_2809 = arith.cmpi eq, %iota3A, %eq3A_2808 : vector<1x900xi32>
    %jit3A_2810 = arith.constant 0.000000e+00 : f32
    %broadcast_in_dim3A_2811 = vector.broadcast %jit3A_2810 : f32 to vector<1x900xf32>
    %select_n3A_2812 = arith.select %eq3A_2809, %reshape3A_2807, %broadcast_in_dim3A_2811 : vector<1x900xi1>, vector<1x900xf32>
    %reduce_sum3A_2813 = vector.shape_cast %select_n3A_2812 : vector<1x900xf32> to vector<1x1x900xf32>
    %reduce_sum3A_2814 = arith.constant dense<0.000000e+00> : vector<1xf32>
    %reduce_sum3A_2815 = vector.multi_reduction <add>, %reduce_sum3A_2813, %reduce_sum3A_2814 [1, 2] : vector<1x1x900xf32> to vector<1xf32>
    %reduce_sum3A_2816 = vector.shape_cast %reduce_sum3A_2815 : vector<1xf32> to vector<1x1x1xf32>
    %reduce_sum3A_2817 = vector.extract %reduce_sum3A_2816[0, 0, 0] : f32 from vector<1x1x1xf32>
    %eq3A_2818 = arith.constant 10 : i32
    %eq3A_2819 = vector.broadcast %eq3A_2818 : i32 to vector<8x128xi32>
    %eq3A_2820 = arith.cmpi eq, %iota3A_24, %eq3A_2819 : vector<8x128xi32>
    %eq3A_2821 = arith.constant 4 : i32
    %eq3A_2822 = vector.broadcast %eq3A_2821 : i32 to vector<8x128xi32>
    %eq3A_2823 = arith.cmpi eq, %iota3A_25, %eq3A_2822 : vector<8x128xi32>
    %and3A_2824 = arith.andi %eq3A_2820, %eq3A_2823 : vector<8x128xi1>
    %broadcast_in_dim3A_2825 = vector.broadcast %reduce_sum3A_2817 : f32 to vector<8x128xf32>
    %select_n3A_2826 = arith.select %and3A_2824, %broadcast_in_dim3A_2825, %select_n3A_2802 : vector<8x128xi1>, vector<8x128xf32>
    %get3A_2827 = arith.index_cast %get3A_2538 : i32 to index
    %get3A_2828 = arith.constant 4 : index
    %get3A_2829 = arith.constant 0 : index
    %get3A_2830 = vector.load %arg1[%get3A_2827, %get3A_2828, %get3A_2829] : memref<81x8x900xf32, #tpu.memory_space<vmem>>, vector<1x1x900xf32>
    %reshape3A_2831 = vector.shape_cast %get3A_2830 : vector<1x1x900xf32> to vector<1x900xf32>
    %eq3A_2832 = vector.broadcast %get3A_2478 : i32 to vector<1x900xi32>
    %eq3A_2833 = arith.cmpi eq, %iota3A, %eq3A_2832 : vector<1x900xi32>
    %jit3A_2834 = arith.constant 0.000000e+00 : f32
    %broadcast_in_dim3A_2835 = vector.broadcast %jit3A_2834 : f32 to vector<1x900xf32>
    %select_n3A_2836 = arith.select %eq3A_2833, %reshape3A_2831, %broadcast_in_dim3A_2835 : vector<1x900xi1>, vector<1x900xf32>
    %reduce_sum3A_2837 = vector.shape_cast %select_n3A_2836 : vector<1x900xf32> to vector<1x1x900xf32>
    %reduce_sum3A_2838 = arith.constant dense<0.000000e+00> : vector<1xf32>
    %reduce_sum3A_2839 = vector.multi_reduction <add>, %reduce_sum3A_2837, %reduce_sum3A_2838 [1, 2] : vector<1x1x900xf32> to vector<1xf32>
    %reduce_sum3A_2840 = vector.shape_cast %reduce_sum3A_2839 : vector<1xf32> to vector<1x1x1xf32>
    %reduce_sum3A_2841 = vector.extract %reduce_sum3A_2840[0, 0, 0] : f32 from vector<1x1x1xf32>
    %eq3A_2842 = arith.constant 11 : i32
    %eq3A_2843 = vector.broadcast %eq3A_2842 : i32 to vector<8x128xi32>
    %eq3A_2844 = arith.cmpi eq, %iota3A_24, %eq3A_2843 : vector<8x128xi32>
    %eq3A_2845 = arith.constant 4 : i32
    %eq3A_2846 = vector.broadcast %eq3A_2845 : i32 to vector<8x128xi32>
    %eq3A_2847 = arith.cmpi eq, %iota3A_25, %eq3A_2846 : vector<8x128xi32>
    %and3A_2848 = arith.andi %eq3A_2844, %eq3A_2847 : vector<8x128xi1>
    %broadcast_in_dim3A_2849 = vector.broadcast %reduce_sum3A_2841 : f32 to vector<8x128xf32>
    %select_n3A_2850 = arith.select %and3A_2848, %broadcast_in_dim3A_2849, %select_n3A_2826 : vector<8x128xi1>, vector<8x128xf32>
    %get3A_2851 = arith.index_cast %get3A_2541 : i32 to index
    %get3A_2852 = arith.constant 4 : index
    %get3A_2853 = arith.constant 0 : index
    %get3A_2854 = vector.load %arg1[%get3A_2851, %get3A_2852, %get3A_2853] : memref<81x8x900xf32, #tpu.memory_space<vmem>>, vector<1x1x900xf32>
    %reshape3A_2855 = vector.shape_cast %get3A_2854 : vector<1x1x900xf32> to vector<1x900xf32>
    %eq3A_2856 = vector.broadcast %get3A_2481 : i32 to vector<1x900xi32>
    %eq3A_2857 = arith.cmpi eq, %iota3A, %eq3A_2856 : vector<1x900xi32>
    %jit3A_2858 = arith.constant 0.000000e+00 : f32
    %broadcast_in_dim3A_2859 = vector.broadcast %jit3A_2858 : f32 to vector<1x900xf32>
    %select_n3A_2860 = arith.select %eq3A_2857, %reshape3A_2855, %broadcast_in_dim3A_2859 : vector<1x900xi1>, vector<1x900xf32>
    %reduce_sum3A_2861 = vector.shape_cast %select_n3A_2860 : vector<1x900xf32> to vector<1x1x900xf32>
    %reduce_sum3A_2862 = arith.constant dense<0.000000e+00> : vector<1xf32>
    %reduce_sum3A_2863 = vector.multi_reduction <add>, %reduce_sum3A_2861, %reduce_sum3A_2862 [1, 2] : vector<1x1x900xf32> to vector<1xf32>
    %reduce_sum3A_2864 = vector.shape_cast %reduce_sum3A_2863 : vector<1xf32> to vector<1x1x1xf32>
    %reduce_sum3A_2865 = vector.extract %reduce_sum3A_2864[0, 0, 0] : f32 from vector<1x1x1xf32>
    %eq3A_2866 = arith.constant 12 : i32
    %eq3A_2867 = vector.broadcast %eq3A_2866 : i32 to vector<8x128xi32>
    %eq3A_2868 = arith.cmpi eq, %iota3A_24, %eq3A_2867 : vector<8x128xi32>
    %eq3A_2869 = arith.constant 4 : i32
    %eq3A_2870 = vector.broadcast %eq3A_2869 : i32 to vector<8x128xi32>
    %eq3A_2871 = arith.cmpi eq, %iota3A_25, %eq3A_2870 : vector<8x128xi32>
    %and3A_2872 = arith.andi %eq3A_2868, %eq3A_2871 : vector<8x128xi1>
    %broadcast_in_dim3A_2873 = vector.broadcast %reduce_sum3A_2865 : f32 to vector<8x128xf32>
    %select_n3A_2874 = arith.select %and3A_2872, %broadcast_in_dim3A_2873, %select_n3A_2850 : vector<8x128xi1>, vector<8x128xf32>
    %get3A_2875 = arith.index_cast %get3A_2544 : i32 to index
    %get3A_2876 = arith.constant 4 : index
    %get3A_2877 = arith.constant 0 : index
    %get3A_2878 = vector.load %arg1[%get3A_2875, %get3A_2876, %get3A_2877] : memref<81x8x900xf32, #tpu.memory_space<vmem>>, vector<1x1x900xf32>
    %reshape3A_2879 = vector.shape_cast %get3A_2878 : vector<1x1x900xf32> to vector<1x900xf32>
    %eq3A_2880 = vector.broadcast %get3A_2484 : i32 to vector<1x900xi32>
    %eq3A_2881 = arith.cmpi eq, %iota3A, %eq3A_2880 : vector<1x900xi32>
    %jit3A_2882 = arith.constant 0.000000e+00 : f32
    %broadcast_in_dim3A_2883 = vector.broadcast %jit3A_2882 : f32 to vector<1x900xf32>
    %select_n3A_2884 = arith.select %eq3A_2881, %reshape3A_2879, %broadcast_in_dim3A_2883 : vector<1x900xi1>, vector<1x900xf32>
    %reduce_sum3A_2885 = vector.shape_cast %select_n3A_2884 : vector<1x900xf32> to vector<1x1x900xf32>
    %reduce_sum3A_2886 = arith.constant dense<0.000000e+00> : vector<1xf32>
    %reduce_sum3A_2887 = vector.multi_reduction <add>, %reduce_sum3A_2885, %reduce_sum3A_2886 [1, 2] : vector<1x1x900xf32> to vector<1xf32>
    %reduce_sum3A_2888 = vector.shape_cast %reduce_sum3A_2887 : vector<1xf32> to vector<1x1x1xf32>
    %reduce_sum3A_2889 = vector.extract %reduce_sum3A_2888[0, 0, 0] : f32 from vector<1x1x1xf32>
    %eq3A_2890 = arith.constant 13 : i32
    %eq3A_2891 = vector.broadcast %eq3A_2890 : i32 to vector<8x128xi32>
    %eq3A_2892 = arith.cmpi eq, %iota3A_24, %eq3A_2891 : vector<8x128xi32>
    %eq3A_2893 = arith.constant 4 : i32
    %eq3A_2894 = vector.broadcast %eq3A_2893 : i32 to vector<8x128xi32>
    %eq3A_2895 = arith.cmpi eq, %iota3A_25, %eq3A_2894 : vector<8x128xi32>
    %and3A_2896 = arith.andi %eq3A_2892, %eq3A_2895 : vector<8x128xi1>
    %broadcast_in_dim3A_2897 = vector.broadcast %reduce_sum3A_2889 : f32 to vector<8x128xf32>
    %select_n3A_2898 = arith.select %and3A_2896, %broadcast_in_dim3A_2897, %select_n3A_2874 : vector<8x128xi1>, vector<8x128xf32>
    %get3A_2899 = arith.index_cast %get3A_2547 : i32 to index
    %get3A_2900 = arith.constant 4 : index
    %get3A_2901 = arith.constant 0 : index
    %get3A_2902 = vector.load %arg1[%get3A_2899, %get3A_2900, %get3A_2901] : memref<81x8x900xf32, #tpu.memory_space<vmem>>, vector<1x1x900xf32>
    %reshape3A_2903 = vector.shape_cast %get3A_2902 : vector<1x1x900xf32> to vector<1x900xf32>
    %eq3A_2904 = vector.broadcast %get3A_2487 : i32 to vector<1x900xi32>
    %eq3A_2905 = arith.cmpi eq, %iota3A, %eq3A_2904 : vector<1x900xi32>
    %jit3A_2906 = arith.constant 0.000000e+00 : f32
    %broadcast_in_dim3A_2907 = vector.broadcast %jit3A_2906 : f32 to vector<1x900xf32>
    %select_n3A_2908 = arith.select %eq3A_2905, %reshape3A_2903, %broadcast_in_dim3A_2907 : vector<1x900xi1>, vector<1x900xf32>
    %reduce_sum3A_2909 = vector.shape_cast %select_n3A_2908 : vector<1x900xf32> to vector<1x1x900xf32>
    %reduce_sum3A_2910 = arith.constant dense<0.000000e+00> : vector<1xf32>
    %reduce_sum3A_2911 = vector.multi_reduction <add>, %reduce_sum3A_2909, %reduce_sum3A_2910 [1, 2] : vector<1x1x900xf32> to vector<1xf32>
    %reduce_sum3A_2912 = vector.shape_cast %reduce_sum3A_2911 : vector<1xf32> to vector<1x1x1xf32>
    %reduce_sum3A_2913 = vector.extract %reduce_sum3A_2912[0, 0, 0] : f32 from vector<1x1x1xf32>
    %eq3A_2914 = arith.constant 14 : i32
    %eq3A_2915 = vector.broadcast %eq3A_2914 : i32 to vector<8x128xi32>
    %eq3A_2916 = arith.cmpi eq, %iota3A_24, %eq3A_2915 : vector<8x128xi32>
    %eq3A_2917 = arith.constant 4 : i32
    %eq3A_2918 = vector.broadcast %eq3A_2917 : i32 to vector<8x128xi32>
    %eq3A_2919 = arith.cmpi eq, %iota3A_25, %eq3A_2918 : vector<8x128xi32>
    %and3A_2920 = arith.andi %eq3A_2916, %eq3A_2919 : vector<8x128xi1>
    %broadcast_in_dim3A_2921 = vector.broadcast %reduce_sum3A_2913 : f32 to vector<8x128xf32>
    %select_n3A_2922 = arith.select %and3A_2920, %broadcast_in_dim3A_2921, %select_n3A_2898 : vector<8x128xi1>, vector<8x128xf32>
    %get3A_2923 = arith.index_cast %get3A_2550 : i32 to index
    %get3A_2924 = arith.constant 4 : index
    %get3A_2925 = arith.constant 0 : index
    %get3A_2926 = vector.load %arg1[%get3A_2923, %get3A_2924, %get3A_2925] : memref<81x8x900xf32, #tpu.memory_space<vmem>>, vector<1x1x900xf32>
    %reshape3A_2927 = vector.shape_cast %get3A_2926 : vector<1x1x900xf32> to vector<1x900xf32>
    %eq3A_2928 = vector.broadcast %get3A_2490 : i32 to vector<1x900xi32>
    %eq3A_2929 = arith.cmpi eq, %iota3A, %eq3A_2928 : vector<1x900xi32>
    %jit3A_2930 = arith.constant 0.000000e+00 : f32
    %broadcast_in_dim3A_2931 = vector.broadcast %jit3A_2930 : f32 to vector<1x900xf32>
    %select_n3A_2932 = arith.select %eq3A_2929, %reshape3A_2927, %broadcast_in_dim3A_2931 : vector<1x900xi1>, vector<1x900xf32>
    %reduce_sum3A_2933 = vector.shape_cast %select_n3A_2932 : vector<1x900xf32> to vector<1x1x900xf32>
    %reduce_sum3A_2934 = arith.constant dense<0.000000e+00> : vector<1xf32>
    %reduce_sum3A_2935 = vector.multi_reduction <add>, %reduce_sum3A_2933, %reduce_sum3A_2934 [1, 2] : vector<1x1x900xf32> to vector<1xf32>
    %reduce_sum3A_2936 = vector.shape_cast %reduce_sum3A_2935 : vector<1xf32> to vector<1x1x1xf32>
    %reduce_sum3A_2937 = vector.extract %reduce_sum3A_2936[0, 0, 0] : f32 from vector<1x1x1xf32>
    %eq3A_2938 = arith.constant 15 : i32
    %eq3A_2939 = vector.broadcast %eq3A_2938 : i32 to vector<8x128xi32>
    %eq3A_2940 = arith.cmpi eq, %iota3A_24, %eq3A_2939 : vector<8x128xi32>
    %eq3A_2941 = arith.constant 4 : i32
    %eq3A_2942 = vector.broadcast %eq3A_2941 : i32 to vector<8x128xi32>
    %eq3A_2943 = arith.cmpi eq, %iota3A_25, %eq3A_2942 : vector<8x128xi32>
    %and3A_2944 = arith.andi %eq3A_2940, %eq3A_2943 : vector<8x128xi1>
    %broadcast_in_dim3A_2945 = vector.broadcast %reduce_sum3A_2937 : f32 to vector<8x128xf32>
    %select_n3A_2946 = arith.select %and3A_2944, %broadcast_in_dim3A_2945, %select_n3A_2922 : vector<8x128xi1>, vector<8x128xf32>
    %get3A_2947 = arith.index_cast %get3A_2553 : i32 to index
    %get3A_2948 = arith.constant 4 : index
    %get3A_2949 = arith.constant 0 : index
    %get3A_2950 = vector.load %arg1[%get3A_2947, %get3A_2948, %get3A_2949] : memref<81x8x900xf32, #tpu.memory_space<vmem>>, vector<1x1x900xf32>
    %reshape3A_2951 = vector.shape_cast %get3A_2950 : vector<1x1x900xf32> to vector<1x900xf32>
    %eq3A_2952 = vector.broadcast %get3A_2493 : i32 to vector<1x900xi32>
    %eq3A_2953 = arith.cmpi eq, %iota3A, %eq3A_2952 : vector<1x900xi32>
    %jit3A_2954 = arith.constant 0.000000e+00 : f32
    %broadcast_in_dim3A_2955 = vector.broadcast %jit3A_2954 : f32 to vector<1x900xf32>
    %select_n3A_2956 = arith.select %eq3A_2953, %reshape3A_2951, %broadcast_in_dim3A_2955 : vector<1x900xi1>, vector<1x900xf32>
    %reduce_sum3A_2957 = vector.shape_cast %select_n3A_2956 : vector<1x900xf32> to vector<1x1x900xf32>
    %reduce_sum3A_2958 = arith.constant dense<0.000000e+00> : vector<1xf32>
    %reduce_sum3A_2959 = vector.multi_reduction <add>, %reduce_sum3A_2957, %reduce_sum3A_2958 [1, 2] : vector<1x1x900xf32> to vector<1xf32>
    %reduce_sum3A_2960 = vector.shape_cast %reduce_sum3A_2959 : vector<1xf32> to vector<1x1x1xf32>
    %reduce_sum3A_2961 = vector.extract %reduce_sum3A_2960[0, 0, 0] : f32 from vector<1x1x1xf32>
    %eq3A_2962 = arith.constant 16 : i32
    %eq3A_2963 = vector.broadcast %eq3A_2962 : i32 to vector<8x128xi32>
    %eq3A_2964 = arith.cmpi eq, %iota3A_24, %eq3A_2963 : vector<8x128xi32>
    %eq3A_2965 = arith.constant 4 : i32
    %eq3A_2966 = vector.broadcast %eq3A_2965 : i32 to vector<8x128xi32>
    %eq3A_2967 = arith.cmpi eq, %iota3A_25, %eq3A_2966 : vector<8x128xi32>
    %and3A_2968 = arith.andi %eq3A_2964, %eq3A_2967 : vector<8x128xi1>
    %broadcast_in_dim3A_2969 = vector.broadcast %reduce_sum3A_2961 : f32 to vector<8x128xf32>
    %select_n3A_2970 = arith.select %and3A_2968, %broadcast_in_dim3A_2969, %select_n3A_2946 : vector<8x128xi1>, vector<8x128xf32>
    %get3A_2971 = arith.index_cast %get3A_2556 : i32 to index
    %get3A_2972 = arith.constant 4 : index
    %get3A_2973 = arith.constant 0 : index
    %get3A_2974 = vector.load %arg1[%get3A_2971, %get3A_2972, %get3A_2973] : memref<81x8x900xf32, #tpu.memory_space<vmem>>, vector<1x1x900xf32>
    %reshape3A_2975 = vector.shape_cast %get3A_2974 : vector<1x1x900xf32> to vector<1x900xf32>
    %eq3A_2976 = vector.broadcast %get3A_2496 : i32 to vector<1x900xi32>
    %eq3A_2977 = arith.cmpi eq, %iota3A, %eq3A_2976 : vector<1x900xi32>
    %jit3A_2978 = arith.constant 0.000000e+00 : f32
    %broadcast_in_dim3A_2979 = vector.broadcast %jit3A_2978 : f32 to vector<1x900xf32>
    %select_n3A_2980 = arith.select %eq3A_2977, %reshape3A_2975, %broadcast_in_dim3A_2979 : vector<1x900xi1>, vector<1x900xf32>
    %reduce_sum3A_2981 = vector.shape_cast %select_n3A_2980 : vector<1x900xf32> to vector<1x1x900xf32>
    %reduce_sum3A_2982 = arith.constant dense<0.000000e+00> : vector<1xf32>
    %reduce_sum3A_2983 = vector.multi_reduction <add>, %reduce_sum3A_2981, %reduce_sum3A_2982 [1, 2] : vector<1x1x900xf32> to vector<1xf32>
    %reduce_sum3A_2984 = vector.shape_cast %reduce_sum3A_2983 : vector<1xf32> to vector<1x1x1xf32>
    %reduce_sum3A_2985 = vector.extract %reduce_sum3A_2984[0, 0, 0] : f32 from vector<1x1x1xf32>
    %eq3A_2986 = arith.constant 17 : i32
    %eq3A_2987 = vector.broadcast %eq3A_2986 : i32 to vector<8x128xi32>
    %eq3A_2988 = arith.cmpi eq, %iota3A_24, %eq3A_2987 : vector<8x128xi32>
    %eq3A_2989 = arith.constant 4 : i32
    %eq3A_2990 = vector.broadcast %eq3A_2989 : i32 to vector<8x128xi32>
    %eq3A_2991 = arith.cmpi eq, %iota3A_25, %eq3A_2990 : vector<8x128xi32>
    %and3A_2992 = arith.andi %eq3A_2988, %eq3A_2991 : vector<8x128xi1>
    %broadcast_in_dim3A_2993 = vector.broadcast %reduce_sum3A_2985 : f32 to vector<8x128xf32>
    %select_n3A_2994 = arith.select %and3A_2992, %broadcast_in_dim3A_2993, %select_n3A_2970 : vector<8x128xi1>, vector<8x128xf32>
    %get3A_2995 = arith.index_cast %get3A_2559 : i32 to index
    %get3A_2996 = arith.constant 4 : index
    %get3A_2997 = arith.constant 0 : index
    %get3A_2998 = vector.load %arg1[%get3A_2995, %get3A_2996, %get3A_2997] : memref<81x8x900xf32, #tpu.memory_space<vmem>>, vector<1x1x900xf32>
    %reshape3A_2999 = vector.shape_cast %get3A_2998 : vector<1x1x900xf32> to vector<1x900xf32>
    %eq3A_3000 = vector.broadcast %get3A_2499 : i32 to vector<1x900xi32>
    %eq3A_3001 = arith.cmpi eq, %iota3A, %eq3A_3000 : vector<1x900xi32>
    %jit3A_3002 = arith.constant 0.000000e+00 : f32
    %broadcast_in_dim3A_3003 = vector.broadcast %jit3A_3002 : f32 to vector<1x900xf32>
    %select_n3A_3004 = arith.select %eq3A_3001, %reshape3A_2999, %broadcast_in_dim3A_3003 : vector<1x900xi1>, vector<1x900xf32>
    %reduce_sum3A_3005 = vector.shape_cast %select_n3A_3004 : vector<1x900xf32> to vector<1x1x900xf32>
    %reduce_sum3A_3006 = arith.constant dense<0.000000e+00> : vector<1xf32>
    %reduce_sum3A_3007 = vector.multi_reduction <add>, %reduce_sum3A_3005, %reduce_sum3A_3006 [1, 2] : vector<1x1x900xf32> to vector<1xf32>
    %reduce_sum3A_3008 = vector.shape_cast %reduce_sum3A_3007 : vector<1xf32> to vector<1x1x1xf32>
    %reduce_sum3A_3009 = vector.extract %reduce_sum3A_3008[0, 0, 0] : f32 from vector<1x1x1xf32>
    %eq3A_3010 = arith.constant 18 : i32
    %eq3A_3011 = vector.broadcast %eq3A_3010 : i32 to vector<8x128xi32>
    %eq3A_3012 = arith.cmpi eq, %iota3A_24, %eq3A_3011 : vector<8x128xi32>
    %eq3A_3013 = arith.constant 4 : i32
    %eq3A_3014 = vector.broadcast %eq3A_3013 : i32 to vector<8x128xi32>
    %eq3A_3015 = arith.cmpi eq, %iota3A_25, %eq3A_3014 : vector<8x128xi32>
    %and3A_3016 = arith.andi %eq3A_3012, %eq3A_3015 : vector<8x128xi1>
    %broadcast_in_dim3A_3017 = vector.broadcast %reduce_sum3A_3009 : f32 to vector<8x128xf32>
    %select_n3A_3018 = arith.select %and3A_3016, %broadcast_in_dim3A_3017, %select_n3A_2994 : vector<8x128xi1>, vector<8x128xf32>
    %get3A_3019 = arith.index_cast %get3A_2562 : i32 to index
    %get3A_3020 = arith.constant 4 : index
    %get3A_3021 = arith.constant 0 : index
    %get3A_3022 = vector.load %arg1[%get3A_3019, %get3A_3020, %get3A_3021] : memref<81x8x900xf32, #tpu.memory_space<vmem>>, vector<1x1x900xf32>
    %reshape3A_3023 = vector.shape_cast %get3A_3022 : vector<1x1x900xf32> to vector<1x900xf32>
    %eq3A_3024 = vector.broadcast %get3A_2502 : i32 to vector<1x900xi32>
    %eq3A_3025 = arith.cmpi eq, %iota3A, %eq3A_3024 : vector<1x900xi32>
    %jit3A_3026 = arith.constant 0.000000e+00 : f32
    %broadcast_in_dim3A_3027 = vector.broadcast %jit3A_3026 : f32 to vector<1x900xf32>
    %select_n3A_3028 = arith.select %eq3A_3025, %reshape3A_3023, %broadcast_in_dim3A_3027 : vector<1x900xi1>, vector<1x900xf32>
    %reduce_sum3A_3029 = vector.shape_cast %select_n3A_3028 : vector<1x900xf32> to vector<1x1x900xf32>
    %reduce_sum3A_3030 = arith.constant dense<0.000000e+00> : vector<1xf32>
    %reduce_sum3A_3031 = vector.multi_reduction <add>, %reduce_sum3A_3029, %reduce_sum3A_3030 [1, 2] : vector<1x1x900xf32> to vector<1xf32>
    %reduce_sum3A_3032 = vector.shape_cast %reduce_sum3A_3031 : vector<1xf32> to vector<1x1x1xf32>
    %reduce_sum3A_3033 = vector.extract %reduce_sum3A_3032[0, 0, 0] : f32 from vector<1x1x1xf32>
    %eq3A_3034 = arith.constant 19 : i32
    %eq3A_3035 = vector.broadcast %eq3A_3034 : i32 to vector<8x128xi32>
    %eq3A_3036 = arith.cmpi eq, %iota3A_24, %eq3A_3035 : vector<8x128xi32>
    %eq3A_3037 = arith.constant 4 : i32
    %eq3A_3038 = vector.broadcast %eq3A_3037 : i32 to vector<8x128xi32>
    %eq3A_3039 = arith.cmpi eq, %iota3A_25, %eq3A_3038 : vector<8x128xi32>
    %and3A_3040 = arith.andi %eq3A_3036, %eq3A_3039 : vector<8x128xi1>
    %broadcast_in_dim3A_3041 = vector.broadcast %reduce_sum3A_3033 : f32 to vector<8x128xf32>
    %select_n3A_3042 = arith.select %and3A_3040, %broadcast_in_dim3A_3041, %select_n3A_3018 : vector<8x128xi1>, vector<8x128xf32>
    %mul3A_3043 = arith.constant 8 : i32
    %mul3A_3044 = arith.muli %arg0, %mul3A_3043 : i32
    %add3A_3045 = arith.constant 5 : i32
    %add3A_3046 = arith.addi %mul3A_3044, %add3A_3045 : i32
    %get3A_3047 = arith.constant 0 : index
    %get3A_3048 = arith.index_cast %add3A_3046 : i32 to index
    %get3A_3049 = memref.load %arg2[%get3A_3047, %get3A_3048] : memref<20x32xi32, #tpu.memory_space<smem>>
    %get3A_3050 = arith.constant 1 : index
    %get3A_3051 = arith.index_cast %add3A_3046 : i32 to index
    %get3A_3052 = memref.load %arg2[%get3A_3050, %get3A_3051] : memref<20x32xi32, #tpu.memory_space<smem>>
    %get3A_3053 = arith.constant 2 : index
    %get3A_3054 = arith.index_cast %add3A_3046 : i32 to index
    %get3A_3055 = memref.load %arg2[%get3A_3053, %get3A_3054] : memref<20x32xi32, #tpu.memory_space<smem>>
    %get3A_3056 = arith.constant 3 : index
    %get3A_3057 = arith.index_cast %add3A_3046 : i32 to index
    %get3A_3058 = memref.load %arg2[%get3A_3056, %get3A_3057] : memref<20x32xi32, #tpu.memory_space<smem>>
    %get3A_3059 = arith.constant 4 : index
    %get3A_3060 = arith.index_cast %add3A_3046 : i32 to index
    %get3A_3061 = memref.load %arg2[%get3A_3059, %get3A_3060] : memref<20x32xi32, #tpu.memory_space<smem>>
    %get3A_3062 = arith.constant 5 : index
    %get3A_3063 = arith.index_cast %add3A_3046 : i32 to index
    %get3A_3064 = memref.load %arg2[%get3A_3062, %get3A_3063] : memref<20x32xi32, #tpu.memory_space<smem>>
    %get3A_3065 = arith.constant 6 : index
    %get3A_3066 = arith.index_cast %add3A_3046 : i32 to index
    %get3A_3067 = memref.load %arg2[%get3A_3065, %get3A_3066] : memref<20x32xi32, #tpu.memory_space<smem>>
    %get3A_3068 = arith.constant 7 : index
    %get3A_3069 = arith.index_cast %add3A_3046 : i32 to index
    %get3A_3070 = memref.load %arg2[%get3A_3068, %get3A_3069] : memref<20x32xi32, #tpu.memory_space<smem>>
    %get3A_3071 = arith.constant 8 : index
    %get3A_3072 = arith.index_cast %add3A_3046 : i32 to index
    %get3A_3073 = memref.load %arg2[%get3A_3071, %get3A_3072] : memref<20x32xi32, #tpu.memory_space<smem>>
    %get3A_3074 = arith.constant 9 : index
    %get3A_3075 = arith.index_cast %add3A_3046 : i32 to index
    %get3A_3076 = memref.load %arg2[%get3A_3074, %get3A_3075] : memref<20x32xi32, #tpu.memory_space<smem>>
    %get3A_3077 = arith.constant 10 : index
    %get3A_3078 = arith.index_cast %add3A_3046 : i32 to index
    %get3A_3079 = memref.load %arg2[%get3A_3077, %get3A_3078] : memref<20x32xi32, #tpu.memory_space<smem>>
    %get3A_3080 = arith.constant 11 : index
    %get3A_3081 = arith.index_cast %add3A_3046 : i32 to index
    %get3A_3082 = memref.load %arg2[%get3A_3080, %get3A_3081] : memref<20x32xi32, #tpu.memory_space<smem>>
    %get3A_3083 = arith.constant 12 : index
    %get3A_3084 = arith.index_cast %add3A_3046 : i32 to index
    %get3A_3085 = memref.load %arg2[%get3A_3083, %get3A_3084] : memref<20x32xi32, #tpu.memory_space<smem>>
    %get3A_3086 = arith.constant 13 : index
    %get3A_3087 = arith.index_cast %add3A_3046 : i32 to index
    %get3A_3088 = memref.load %arg2[%get3A_3086, %get3A_3087] : memref<20x32xi32, #tpu.memory_space<smem>>
    %get3A_3089 = arith.constant 14 : index
    %get3A_3090 = arith.index_cast %add3A_3046 : i32 to index
    %get3A_3091 = memref.load %arg2[%get3A_3089, %get3A_3090] : memref<20x32xi32, #tpu.memory_space<smem>>
    %get3A_3092 = arith.constant 15 : index
    %get3A_3093 = arith.index_cast %add3A_3046 : i32 to index
    %get3A_3094 = memref.load %arg2[%get3A_3092, %get3A_3093] : memref<20x32xi32, #tpu.memory_space<smem>>
    %get3A_3095 = arith.constant 16 : index
    %get3A_3096 = arith.index_cast %add3A_3046 : i32 to index
    %get3A_3097 = memref.load %arg2[%get3A_3095, %get3A_3096] : memref<20x32xi32, #tpu.memory_space<smem>>
    %get3A_3098 = arith.constant 17 : index
    %get3A_3099 = arith.index_cast %add3A_3046 : i32 to index
    %get3A_3100 = memref.load %arg2[%get3A_3098, %get3A_3099] : memref<20x32xi32, #tpu.memory_space<smem>>
    %get3A_3101 = arith.constant 18 : index
    %get3A_3102 = arith.index_cast %add3A_3046 : i32 to index
    %get3A_3103 = memref.load %arg2[%get3A_3101, %get3A_3102] : memref<20x32xi32, #tpu.memory_space<smem>>
    %get3A_3104 = arith.constant 19 : index
    %get3A_3105 = arith.index_cast %add3A_3046 : i32 to index
    %get3A_3106 = memref.load %arg2[%get3A_3104, %get3A_3105] : memref<20x32xi32, #tpu.memory_space<smem>>
    %get3A_3107 = arith.constant 0 : index
    %get3A_3108 = arith.index_cast %add3A_3046 : i32 to index
    %get3A_3109 = memref.load %arg3[%get3A_3107, %get3A_3108] : memref<20x32xi32, #tpu.memory_space<smem>>
    %get3A_3110 = arith.constant 1 : index
    %get3A_3111 = arith.index_cast %add3A_3046 : i32 to index
    %get3A_3112 = memref.load %arg3[%get3A_3110, %get3A_3111] : memref<20x32xi32, #tpu.memory_space<smem>>
    %get3A_3113 = arith.constant 2 : index
    %get3A_3114 = arith.index_cast %add3A_3046 : i32 to index
    %get3A_3115 = memref.load %arg3[%get3A_3113, %get3A_3114] : memref<20x32xi32, #tpu.memory_space<smem>>
    %get3A_3116 = arith.constant 3 : index
    %get3A_3117 = arith.index_cast %add3A_3046 : i32 to index
    %get3A_3118 = memref.load %arg3[%get3A_3116, %get3A_3117] : memref<20x32xi32, #tpu.memory_space<smem>>
    %get3A_3119 = arith.constant 4 : index
    %get3A_3120 = arith.index_cast %add3A_3046 : i32 to index
    %get3A_3121 = memref.load %arg3[%get3A_3119, %get3A_3120] : memref<20x32xi32, #tpu.memory_space<smem>>
    %get3A_3122 = arith.constant 5 : index
    %get3A_3123 = arith.index_cast %add3A_3046 : i32 to index
    %get3A_3124 = memref.load %arg3[%get3A_3122, %get3A_3123] : memref<20x32xi32, #tpu.memory_space<smem>>
    %get3A_3125 = arith.constant 6 : index
    %get3A_3126 = arith.index_cast %add3A_3046 : i32 to index
    %get3A_3127 = memref.load %arg3[%get3A_3125, %get3A_3126] : memref<20x32xi32, #tpu.memory_space<smem>>
    %get3A_3128 = arith.constant 7 : index
    %get3A_3129 = arith.index_cast %add3A_3046 : i32 to index
    %get3A_3130 = memref.load %arg3[%get3A_3128, %get3A_3129] : memref<20x32xi32, #tpu.memory_space<smem>>
    %get3A_3131 = arith.constant 8 : index
    %get3A_3132 = arith.index_cast %add3A_3046 : i32 to index
    %get3A_3133 = memref.load %arg3[%get3A_3131, %get3A_3132] : memref<20x32xi32, #tpu.memory_space<smem>>
    %get3A_3134 = arith.constant 9 : index
    %get3A_3135 = arith.index_cast %add3A_3046 : i32 to index
    %get3A_3136 = memref.load %arg3[%get3A_3134, %get3A_3135] : memref<20x32xi32, #tpu.memory_space<smem>>
    %get3A_3137 = arith.constant 10 : index
    %get3A_3138 = arith.index_cast %add3A_3046 : i32 to index
    %get3A_3139 = memref.load %arg3[%get3A_3137, %get3A_3138] : memref<20x32xi32, #tpu.memory_space<smem>>
    %get3A_3140 = arith.constant 11 : index
    %get3A_3141 = arith.index_cast %add3A_3046 : i32 to index
    %get3A_3142 = memref.load %arg3[%get3A_3140, %get3A_3141] : memref<20x32xi32, #tpu.memory_space<smem>>
    %get3A_3143 = arith.constant 12 : index
    %get3A_3144 = arith.index_cast %add3A_3046 : i32 to index
    %get3A_3145 = memref.load %arg3[%get3A_3143, %get3A_3144] : memref<20x32xi32, #tpu.memory_space<smem>>
    %get3A_3146 = arith.constant 13 : index
    %get3A_3147 = arith.index_cast %add3A_3046 : i32 to index
    %get3A_3148 = memref.load %arg3[%get3A_3146, %get3A_3147] : memref<20x32xi32, #tpu.memory_space<smem>>
    %get3A_3149 = arith.constant 14 : index
    %get3A_3150 = arith.index_cast %add3A_3046 : i32 to index
    %get3A_3151 = memref.load %arg3[%get3A_3149, %get3A_3150] : memref<20x32xi32, #tpu.memory_space<smem>>
    %get3A_3152 = arith.constant 15 : index
    %get3A_3153 = arith.index_cast %add3A_3046 : i32 to index
    %get3A_3154 = memref.load %arg3[%get3A_3152, %get3A_3153] : memref<20x32xi32, #tpu.memory_space<smem>>
    %get3A_3155 = arith.constant 16 : index
    %get3A_3156 = arith.index_cast %add3A_3046 : i32 to index
    %get3A_3157 = memref.load %arg3[%get3A_3155, %get3A_3156] : memref<20x32xi32, #tpu.memory_space<smem>>
    %get3A_3158 = arith.constant 17 : index
    %get3A_3159 = arith.index_cast %add3A_3046 : i32 to index
    %get3A_3160 = memref.load %arg3[%get3A_3158, %get3A_3159] : memref<20x32xi32, #tpu.memory_space<smem>>
    %get3A_3161 = arith.constant 18 : index
    %get3A_3162 = arith.index_cast %add3A_3046 : i32 to index
    %get3A_3163 = memref.load %arg3[%get3A_3161, %get3A_3162] : memref<20x32xi32, #tpu.memory_space<smem>>
    %get3A_3164 = arith.constant 19 : index
    %get3A_3165 = arith.index_cast %add3A_3046 : i32 to index
    %get3A_3166 = memref.load %arg3[%get3A_3164, %get3A_3165] : memref<20x32xi32, #tpu.memory_space<smem>>
    %get3A_3167 = arith.index_cast %get3A_3109 : i32 to index
    %get3A_3168 = arith.constant 5 : index
    %get3A_3169 = arith.constant 0 : index
    %get3A_3170 = vector.load %arg1[%get3A_3167, %get3A_3168, %get3A_3169] : memref<81x8x900xf32, #tpu.memory_space<vmem>>, vector<1x1x900xf32>
    %reshape3A_3171 = vector.shape_cast %get3A_3170 : vector<1x1x900xf32> to vector<1x900xf32>
    %eq3A_3172 = vector.broadcast %get3A_3049 : i32 to vector<1x900xi32>
    %eq3A_3173 = arith.cmpi eq, %iota3A, %eq3A_3172 : vector<1x900xi32>
    %jit3A_3174 = arith.constant 0.000000e+00 : f32
    %broadcast_in_dim3A_3175 = vector.broadcast %jit3A_3174 : f32 to vector<1x900xf32>
    %select_n3A_3176 = arith.select %eq3A_3173, %reshape3A_3171, %broadcast_in_dim3A_3175 : vector<1x900xi1>, vector<1x900xf32>
    %reduce_sum3A_3177 = vector.shape_cast %select_n3A_3176 : vector<1x900xf32> to vector<1x1x900xf32>
    %reduce_sum3A_3178 = arith.constant dense<0.000000e+00> : vector<1xf32>
    %reduce_sum3A_3179 = vector.multi_reduction <add>, %reduce_sum3A_3177, %reduce_sum3A_3178 [1, 2] : vector<1x1x900xf32> to vector<1xf32>
    %reduce_sum3A_3180 = vector.shape_cast %reduce_sum3A_3179 : vector<1xf32> to vector<1x1x1xf32>
    %reduce_sum3A_3181 = vector.extract %reduce_sum3A_3180[0, 0, 0] : f32 from vector<1x1x1xf32>
    %eq3A_3182 = arith.constant 0 : i32
    %eq3A_3183 = vector.broadcast %eq3A_3182 : i32 to vector<8x128xi32>
    %eq3A_3184 = arith.cmpi eq, %iota3A_24, %eq3A_3183 : vector<8x128xi32>
    %eq3A_3185 = arith.constant 5 : i32
    %eq3A_3186 = vector.broadcast %eq3A_3185 : i32 to vector<8x128xi32>
    %eq3A_3187 = arith.cmpi eq, %iota3A_25, %eq3A_3186 : vector<8x128xi32>
    %and3A_3188 = arith.andi %eq3A_3184, %eq3A_3187 : vector<8x128xi1>
    %broadcast_in_dim3A_3189 = vector.broadcast %reduce_sum3A_3181 : f32 to vector<8x128xf32>
    %select_n3A_3190 = arith.select %and3A_3188, %broadcast_in_dim3A_3189, %select_n3A_3042 : vector<8x128xi1>, vector<8x128xf32>
    %get3A_3191 = arith.index_cast %get3A_3112 : i32 to index
    %get3A_3192 = arith.constant 5 : index
    %get3A_3193 = arith.constant 0 : index
    %get3A_3194 = vector.load %arg1[%get3A_3191, %get3A_3192, %get3A_3193] : memref<81x8x900xf32, #tpu.memory_space<vmem>>, vector<1x1x900xf32>
    %reshape3A_3195 = vector.shape_cast %get3A_3194 : vector<1x1x900xf32> to vector<1x900xf32>
    %eq3A_3196 = vector.broadcast %get3A_3052 : i32 to vector<1x900xi32>
    %eq3A_3197 = arith.cmpi eq, %iota3A, %eq3A_3196 : vector<1x900xi32>
    %jit3A_3198 = arith.constant 0.000000e+00 : f32
    %broadcast_in_dim3A_3199 = vector.broadcast %jit3A_3198 : f32 to vector<1x900xf32>
    %select_n3A_3200 = arith.select %eq3A_3197, %reshape3A_3195, %broadcast_in_dim3A_3199 : vector<1x900xi1>, vector<1x900xf32>
    %reduce_sum3A_3201 = vector.shape_cast %select_n3A_3200 : vector<1x900xf32> to vector<1x1x900xf32>
    %reduce_sum3A_3202 = arith.constant dense<0.000000e+00> : vector<1xf32>
    %reduce_sum3A_3203 = vector.multi_reduction <add>, %reduce_sum3A_3201, %reduce_sum3A_3202 [1, 2] : vector<1x1x900xf32> to vector<1xf32>
    %reduce_sum3A_3204 = vector.shape_cast %reduce_sum3A_3203 : vector<1xf32> to vector<1x1x1xf32>
    %reduce_sum3A_3205 = vector.extract %reduce_sum3A_3204[0, 0, 0] : f32 from vector<1x1x1xf32>
    %eq3A_3206 = arith.constant 1 : i32
    %eq3A_3207 = vector.broadcast %eq3A_3206 : i32 to vector<8x128xi32>
    %eq3A_3208 = arith.cmpi eq, %iota3A_24, %eq3A_3207 : vector<8x128xi32>
    %eq3A_3209 = arith.constant 5 : i32
    %eq3A_3210 = vector.broadcast %eq3A_3209 : i32 to vector<8x128xi32>
    %eq3A_3211 = arith.cmpi eq, %iota3A_25, %eq3A_3210 : vector<8x128xi32>
    %and3A_3212 = arith.andi %eq3A_3208, %eq3A_3211 : vector<8x128xi1>
    %broadcast_in_dim3A_3213 = vector.broadcast %reduce_sum3A_3205 : f32 to vector<8x128xf32>
    %select_n3A_3214 = arith.select %and3A_3212, %broadcast_in_dim3A_3213, %select_n3A_3190 : vector<8x128xi1>, vector<8x128xf32>
    %get3A_3215 = arith.index_cast %get3A_3115 : i32 to index
    %get3A_3216 = arith.constant 5 : index
    %get3A_3217 = arith.constant 0 : index
    %get3A_3218 = vector.load %arg1[%get3A_3215, %get3A_3216, %get3A_3217] : memref<81x8x900xf32, #tpu.memory_space<vmem>>, vector<1x1x900xf32>
    %reshape3A_3219 = vector.shape_cast %get3A_3218 : vector<1x1x900xf32> to vector<1x900xf32>
    %eq3A_3220 = vector.broadcast %get3A_3055 : i32 to vector<1x900xi32>
    %eq3A_3221 = arith.cmpi eq, %iota3A, %eq3A_3220 : vector<1x900xi32>
    %jit3A_3222 = arith.constant 0.000000e+00 : f32
    %broadcast_in_dim3A_3223 = vector.broadcast %jit3A_3222 : f32 to vector<1x900xf32>
    %select_n3A_3224 = arith.select %eq3A_3221, %reshape3A_3219, %broadcast_in_dim3A_3223 : vector<1x900xi1>, vector<1x900xf32>
    %reduce_sum3A_3225 = vector.shape_cast %select_n3A_3224 : vector<1x900xf32> to vector<1x1x900xf32>
    %reduce_sum3A_3226 = arith.constant dense<0.000000e+00> : vector<1xf32>
    %reduce_sum3A_3227 = vector.multi_reduction <add>, %reduce_sum3A_3225, %reduce_sum3A_3226 [1, 2] : vector<1x1x900xf32> to vector<1xf32>
    %reduce_sum3A_3228 = vector.shape_cast %reduce_sum3A_3227 : vector<1xf32> to vector<1x1x1xf32>
    %reduce_sum3A_3229 = vector.extract %reduce_sum3A_3228[0, 0, 0] : f32 from vector<1x1x1xf32>
    %eq3A_3230 = arith.constant 2 : i32
    %eq3A_3231 = vector.broadcast %eq3A_3230 : i32 to vector<8x128xi32>
    %eq3A_3232 = arith.cmpi eq, %iota3A_24, %eq3A_3231 : vector<8x128xi32>
    %eq3A_3233 = arith.constant 5 : i32
    %eq3A_3234 = vector.broadcast %eq3A_3233 : i32 to vector<8x128xi32>
    %eq3A_3235 = arith.cmpi eq, %iota3A_25, %eq3A_3234 : vector<8x128xi32>
    %and3A_3236 = arith.andi %eq3A_3232, %eq3A_3235 : vector<8x128xi1>
    %broadcast_in_dim3A_3237 = vector.broadcast %reduce_sum3A_3229 : f32 to vector<8x128xf32>
    %select_n3A_3238 = arith.select %and3A_3236, %broadcast_in_dim3A_3237, %select_n3A_3214 : vector<8x128xi1>, vector<8x128xf32>
    %get3A_3239 = arith.index_cast %get3A_3118 : i32 to index
    %get3A_3240 = arith.constant 5 : index
    %get3A_3241 = arith.constant 0 : index
    %get3A_3242 = vector.load %arg1[%get3A_3239, %get3A_3240, %get3A_3241] : memref<81x8x900xf32, #tpu.memory_space<vmem>>, vector<1x1x900xf32>
    %reshape3A_3243 = vector.shape_cast %get3A_3242 : vector<1x1x900xf32> to vector<1x900xf32>
    %eq3A_3244 = vector.broadcast %get3A_3058 : i32 to vector<1x900xi32>
    %eq3A_3245 = arith.cmpi eq, %iota3A, %eq3A_3244 : vector<1x900xi32>
    %jit3A_3246 = arith.constant 0.000000e+00 : f32
    %broadcast_in_dim3A_3247 = vector.broadcast %jit3A_3246 : f32 to vector<1x900xf32>
    %select_n3A_3248 = arith.select %eq3A_3245, %reshape3A_3243, %broadcast_in_dim3A_3247 : vector<1x900xi1>, vector<1x900xf32>
    %reduce_sum3A_3249 = vector.shape_cast %select_n3A_3248 : vector<1x900xf32> to vector<1x1x900xf32>
    %reduce_sum3A_3250 = arith.constant dense<0.000000e+00> : vector<1xf32>
    %reduce_sum3A_3251 = vector.multi_reduction <add>, %reduce_sum3A_3249, %reduce_sum3A_3250 [1, 2] : vector<1x1x900xf32> to vector<1xf32>
    %reduce_sum3A_3252 = vector.shape_cast %reduce_sum3A_3251 : vector<1xf32> to vector<1x1x1xf32>
    %reduce_sum3A_3253 = vector.extract %reduce_sum3A_3252[0, 0, 0] : f32 from vector<1x1x1xf32>
    %eq3A_3254 = arith.constant 3 : i32
    %eq3A_3255 = vector.broadcast %eq3A_3254 : i32 to vector<8x128xi32>
    %eq3A_3256 = arith.cmpi eq, %iota3A_24, %eq3A_3255 : vector<8x128xi32>
    %eq3A_3257 = arith.constant 5 : i32
    %eq3A_3258 = vector.broadcast %eq3A_3257 : i32 to vector<8x128xi32>
    %eq3A_3259 = arith.cmpi eq, %iota3A_25, %eq3A_3258 : vector<8x128xi32>
    %and3A_3260 = arith.andi %eq3A_3256, %eq3A_3259 : vector<8x128xi1>
    %broadcast_in_dim3A_3261 = vector.broadcast %reduce_sum3A_3253 : f32 to vector<8x128xf32>
    %select_n3A_3262 = arith.select %and3A_3260, %broadcast_in_dim3A_3261, %select_n3A_3238 : vector<8x128xi1>, vector<8x128xf32>
    %get3A_3263 = arith.index_cast %get3A_3121 : i32 to index
    %get3A_3264 = arith.constant 5 : index
    %get3A_3265 = arith.constant 0 : index
    %get3A_3266 = vector.load %arg1[%get3A_3263, %get3A_3264, %get3A_3265] : memref<81x8x900xf32, #tpu.memory_space<vmem>>, vector<1x1x900xf32>
    %reshape3A_3267 = vector.shape_cast %get3A_3266 : vector<1x1x900xf32> to vector<1x900xf32>
    %eq3A_3268 = vector.broadcast %get3A_3061 : i32 to vector<1x900xi32>
    %eq3A_3269 = arith.cmpi eq, %iota3A, %eq3A_3268 : vector<1x900xi32>
    %jit3A_3270 = arith.constant 0.000000e+00 : f32
    %broadcast_in_dim3A_3271 = vector.broadcast %jit3A_3270 : f32 to vector<1x900xf32>
    %select_n3A_3272 = arith.select %eq3A_3269, %reshape3A_3267, %broadcast_in_dim3A_3271 : vector<1x900xi1>, vector<1x900xf32>
    %reduce_sum3A_3273 = vector.shape_cast %select_n3A_3272 : vector<1x900xf32> to vector<1x1x900xf32>
    %reduce_sum3A_3274 = arith.constant dense<0.000000e+00> : vector<1xf32>
    %reduce_sum3A_3275 = vector.multi_reduction <add>, %reduce_sum3A_3273, %reduce_sum3A_3274 [1, 2] : vector<1x1x900xf32> to vector<1xf32>
    %reduce_sum3A_3276 = vector.shape_cast %reduce_sum3A_3275 : vector<1xf32> to vector<1x1x1xf32>
    %reduce_sum3A_3277 = vector.extract %reduce_sum3A_3276[0, 0, 0] : f32 from vector<1x1x1xf32>
    %eq3A_3278 = arith.constant 4 : i32
    %eq3A_3279 = vector.broadcast %eq3A_3278 : i32 to vector<8x128xi32>
    %eq3A_3280 = arith.cmpi eq, %iota3A_24, %eq3A_3279 : vector<8x128xi32>
    %eq3A_3281 = arith.constant 5 : i32
    %eq3A_3282 = vector.broadcast %eq3A_3281 : i32 to vector<8x128xi32>
    %eq3A_3283 = arith.cmpi eq, %iota3A_25, %eq3A_3282 : vector<8x128xi32>
    %and3A_3284 = arith.andi %eq3A_3280, %eq3A_3283 : vector<8x128xi1>
    %broadcast_in_dim3A_3285 = vector.broadcast %reduce_sum3A_3277 : f32 to vector<8x128xf32>
    %select_n3A_3286 = arith.select %and3A_3284, %broadcast_in_dim3A_3285, %select_n3A_3262 : vector<8x128xi1>, vector<8x128xf32>
    %get3A_3287 = arith.index_cast %get3A_3124 : i32 to index
    %get3A_3288 = arith.constant 5 : index
    %get3A_3289 = arith.constant 0 : index
    %get3A_3290 = vector.load %arg1[%get3A_3287, %get3A_3288, %get3A_3289] : memref<81x8x900xf32, #tpu.memory_space<vmem>>, vector<1x1x900xf32>
    %reshape3A_3291 = vector.shape_cast %get3A_3290 : vector<1x1x900xf32> to vector<1x900xf32>
    %eq3A_3292 = vector.broadcast %get3A_3064 : i32 to vector<1x900xi32>
    %eq3A_3293 = arith.cmpi eq, %iota3A, %eq3A_3292 : vector<1x900xi32>
    %jit3A_3294 = arith.constant 0.000000e+00 : f32
    %broadcast_in_dim3A_3295 = vector.broadcast %jit3A_3294 : f32 to vector<1x900xf32>
    %select_n3A_3296 = arith.select %eq3A_3293, %reshape3A_3291, %broadcast_in_dim3A_3295 : vector<1x900xi1>, vector<1x900xf32>
    %reduce_sum3A_3297 = vector.shape_cast %select_n3A_3296 : vector<1x900xf32> to vector<1x1x900xf32>
    %reduce_sum3A_3298 = arith.constant dense<0.000000e+00> : vector<1xf32>
    %reduce_sum3A_3299 = vector.multi_reduction <add>, %reduce_sum3A_3297, %reduce_sum3A_3298 [1, 2] : vector<1x1x900xf32> to vector<1xf32>
    %reduce_sum3A_3300 = vector.shape_cast %reduce_sum3A_3299 : vector<1xf32> to vector<1x1x1xf32>
    %reduce_sum3A_3301 = vector.extract %reduce_sum3A_3300[0, 0, 0] : f32 from vector<1x1x1xf32>
    %eq3A_3302 = arith.constant 5 : i32
    %eq3A_3303 = vector.broadcast %eq3A_3302 : i32 to vector<8x128xi32>
    %eq3A_3304 = arith.cmpi eq, %iota3A_24, %eq3A_3303 : vector<8x128xi32>
    %eq3A_3305 = arith.constant 5 : i32
    %eq3A_3306 = vector.broadcast %eq3A_3305 : i32 to vector<8x128xi32>
    %eq3A_3307 = arith.cmpi eq, %iota3A_25, %eq3A_3306 : vector<8x128xi32>
    %and3A_3308 = arith.andi %eq3A_3304, %eq3A_3307 : vector<8x128xi1>
    %broadcast_in_dim3A_3309 = vector.broadcast %reduce_sum3A_3301 : f32 to vector<8x128xf32>
    %select_n3A_3310 = arith.select %and3A_3308, %broadcast_in_dim3A_3309, %select_n3A_3286 : vector<8x128xi1>, vector<8x128xf32>
    %get3A_3311 = arith.index_cast %get3A_3127 : i32 to index
    %get3A_3312 = arith.constant 5 : index
    %get3A_3313 = arith.constant 0 : index
    %get3A_3314 = vector.load %arg1[%get3A_3311, %get3A_3312, %get3A_3313] : memref<81x8x900xf32, #tpu.memory_space<vmem>>, vector<1x1x900xf32>
    %reshape3A_3315 = vector.shape_cast %get3A_3314 : vector<1x1x900xf32> to vector<1x900xf32>
    %eq3A_3316 = vector.broadcast %get3A_3067 : i32 to vector<1x900xi32>
    %eq3A_3317 = arith.cmpi eq, %iota3A, %eq3A_3316 : vector<1x900xi32>
    %jit3A_3318 = arith.constant 0.000000e+00 : f32
    %broadcast_in_dim3A_3319 = vector.broadcast %jit3A_3318 : f32 to vector<1x900xf32>
    %select_n3A_3320 = arith.select %eq3A_3317, %reshape3A_3315, %broadcast_in_dim3A_3319 : vector<1x900xi1>, vector<1x900xf32>
    %reduce_sum3A_3321 = vector.shape_cast %select_n3A_3320 : vector<1x900xf32> to vector<1x1x900xf32>
    %reduce_sum3A_3322 = arith.constant dense<0.000000e+00> : vector<1xf32>
    %reduce_sum3A_3323 = vector.multi_reduction <add>, %reduce_sum3A_3321, %reduce_sum3A_3322 [1, 2] : vector<1x1x900xf32> to vector<1xf32>
    %reduce_sum3A_3324 = vector.shape_cast %reduce_sum3A_3323 : vector<1xf32> to vector<1x1x1xf32>
    %reduce_sum3A_3325 = vector.extract %reduce_sum3A_3324[0, 0, 0] : f32 from vector<1x1x1xf32>
    %eq3A_3326 = arith.constant 6 : i32
    %eq3A_3327 = vector.broadcast %eq3A_3326 : i32 to vector<8x128xi32>
    %eq3A_3328 = arith.cmpi eq, %iota3A_24, %eq3A_3327 : vector<8x128xi32>
    %eq3A_3329 = arith.constant 5 : i32
    %eq3A_3330 = vector.broadcast %eq3A_3329 : i32 to vector<8x128xi32>
    %eq3A_3331 = arith.cmpi eq, %iota3A_25, %eq3A_3330 : vector<8x128xi32>
    %and3A_3332 = arith.andi %eq3A_3328, %eq3A_3331 : vector<8x128xi1>
    %broadcast_in_dim3A_3333 = vector.broadcast %reduce_sum3A_3325 : f32 to vector<8x128xf32>
    %select_n3A_3334 = arith.select %and3A_3332, %broadcast_in_dim3A_3333, %select_n3A_3310 : vector<8x128xi1>, vector<8x128xf32>
    %get3A_3335 = arith.index_cast %get3A_3130 : i32 to index
    %get3A_3336 = arith.constant 5 : index
    %get3A_3337 = arith.constant 0 : index
    %get3A_3338 = vector.load %arg1[%get3A_3335, %get3A_3336, %get3A_3337] : memref<81x8x900xf32, #tpu.memory_space<vmem>>, vector<1x1x900xf32>
    %reshape3A_3339 = vector.shape_cast %get3A_3338 : vector<1x1x900xf32> to vector<1x900xf32>
    %eq3A_3340 = vector.broadcast %get3A_3070 : i32 to vector<1x900xi32>
    %eq3A_3341 = arith.cmpi eq, %iota3A, %eq3A_3340 : vector<1x900xi32>
    %jit3A_3342 = arith.constant 0.000000e+00 : f32
    %broadcast_in_dim3A_3343 = vector.broadcast %jit3A_3342 : f32 to vector<1x900xf32>
    %select_n3A_3344 = arith.select %eq3A_3341, %reshape3A_3339, %broadcast_in_dim3A_3343 : vector<1x900xi1>, vector<1x900xf32>
    %reduce_sum3A_3345 = vector.shape_cast %select_n3A_3344 : vector<1x900xf32> to vector<1x1x900xf32>
    %reduce_sum3A_3346 = arith.constant dense<0.000000e+00> : vector<1xf32>
    %reduce_sum3A_3347 = vector.multi_reduction <add>, %reduce_sum3A_3345, %reduce_sum3A_3346 [1, 2] : vector<1x1x900xf32> to vector<1xf32>
    %reduce_sum3A_3348 = vector.shape_cast %reduce_sum3A_3347 : vector<1xf32> to vector<1x1x1xf32>
    %reduce_sum3A_3349 = vector.extract %reduce_sum3A_3348[0, 0, 0] : f32 from vector<1x1x1xf32>
    %eq3A_3350 = arith.constant 7 : i32
    %eq3A_3351 = vector.broadcast %eq3A_3350 : i32 to vector<8x128xi32>
    %eq3A_3352 = arith.cmpi eq, %iota3A_24, %eq3A_3351 : vector<8x128xi32>
    %eq3A_3353 = arith.constant 5 : i32
    %eq3A_3354 = vector.broadcast %eq3A_3353 : i32 to vector<8x128xi32>
    %eq3A_3355 = arith.cmpi eq, %iota3A_25, %eq3A_3354 : vector<8x128xi32>
    %and3A_3356 = arith.andi %eq3A_3352, %eq3A_3355 : vector<8x128xi1>
    %broadcast_in_dim3A_3357 = vector.broadcast %reduce_sum3A_3349 : f32 to vector<8x128xf32>
    %select_n3A_3358 = arith.select %and3A_3356, %broadcast_in_dim3A_3357, %select_n3A_3334 : vector<8x128xi1>, vector<8x128xf32>
    %get3A_3359 = arith.index_cast %get3A_3133 : i32 to index
    %get3A_3360 = arith.constant 5 : index
    %get3A_3361 = arith.constant 0 : index
    %get3A_3362 = vector.load %arg1[%get3A_3359, %get3A_3360, %get3A_3361] : memref<81x8x900xf32, #tpu.memory_space<vmem>>, vector<1x1x900xf32>
    %reshape3A_3363 = vector.shape_cast %get3A_3362 : vector<1x1x900xf32> to vector<1x900xf32>
    %eq3A_3364 = vector.broadcast %get3A_3073 : i32 to vector<1x900xi32>
    %eq3A_3365 = arith.cmpi eq, %iota3A, %eq3A_3364 : vector<1x900xi32>
    %jit3A_3366 = arith.constant 0.000000e+00 : f32
    %broadcast_in_dim3A_3367 = vector.broadcast %jit3A_3366 : f32 to vector<1x900xf32>
    %select_n3A_3368 = arith.select %eq3A_3365, %reshape3A_3363, %broadcast_in_dim3A_3367 : vector<1x900xi1>, vector<1x900xf32>
    %reduce_sum3A_3369 = vector.shape_cast %select_n3A_3368 : vector<1x900xf32> to vector<1x1x900xf32>
    %reduce_sum3A_3370 = arith.constant dense<0.000000e+00> : vector<1xf32>
    %reduce_sum3A_3371 = vector.multi_reduction <add>, %reduce_sum3A_3369, %reduce_sum3A_3370 [1, 2] : vector<1x1x900xf32> to vector<1xf32>
    %reduce_sum3A_3372 = vector.shape_cast %reduce_sum3A_3371 : vector<1xf32> to vector<1x1x1xf32>
    %reduce_sum3A_3373 = vector.extract %reduce_sum3A_3372[0, 0, 0] : f32 from vector<1x1x1xf32>
    %eq3A_3374 = arith.constant 8 : i32
    %eq3A_3375 = vector.broadcast %eq3A_3374 : i32 to vector<8x128xi32>
    %eq3A_3376 = arith.cmpi eq, %iota3A_24, %eq3A_3375 : vector<8x128xi32>
    %eq3A_3377 = arith.constant 5 : i32
    %eq3A_3378 = vector.broadcast %eq3A_3377 : i32 to vector<8x128xi32>
    %eq3A_3379 = arith.cmpi eq, %iota3A_25, %eq3A_3378 : vector<8x128xi32>
    %and3A_3380 = arith.andi %eq3A_3376, %eq3A_3379 : vector<8x128xi1>
    %broadcast_in_dim3A_3381 = vector.broadcast %reduce_sum3A_3373 : f32 to vector<8x128xf32>
    %select_n3A_3382 = arith.select %and3A_3380, %broadcast_in_dim3A_3381, %select_n3A_3358 : vector<8x128xi1>, vector<8x128xf32>
    %get3A_3383 = arith.index_cast %get3A_3136 : i32 to index
    %get3A_3384 = arith.constant 5 : index
    %get3A_3385 = arith.constant 0 : index
    %get3A_3386 = vector.load %arg1[%get3A_3383, %get3A_3384, %get3A_3385] : memref<81x8x900xf32, #tpu.memory_space<vmem>>, vector<1x1x900xf32>
    %reshape3A_3387 = vector.shape_cast %get3A_3386 : vector<1x1x900xf32> to vector<1x900xf32>
    %eq3A_3388 = vector.broadcast %get3A_3076 : i32 to vector<1x900xi32>
    %eq3A_3389 = arith.cmpi eq, %iota3A, %eq3A_3388 : vector<1x900xi32>
    %jit3A_3390 = arith.constant 0.000000e+00 : f32
    %broadcast_in_dim3A_3391 = vector.broadcast %jit3A_3390 : f32 to vector<1x900xf32>
    %select_n3A_3392 = arith.select %eq3A_3389, %reshape3A_3387, %broadcast_in_dim3A_3391 : vector<1x900xi1>, vector<1x900xf32>
    %reduce_sum3A_3393 = vector.shape_cast %select_n3A_3392 : vector<1x900xf32> to vector<1x1x900xf32>
    %reduce_sum3A_3394 = arith.constant dense<0.000000e+00> : vector<1xf32>
    %reduce_sum3A_3395 = vector.multi_reduction <add>, %reduce_sum3A_3393, %reduce_sum3A_3394 [1, 2] : vector<1x1x900xf32> to vector<1xf32>
    %reduce_sum3A_3396 = vector.shape_cast %reduce_sum3A_3395 : vector<1xf32> to vector<1x1x1xf32>
    %reduce_sum3A_3397 = vector.extract %reduce_sum3A_3396[0, 0, 0] : f32 from vector<1x1x1xf32>
    %eq3A_3398 = arith.constant 9 : i32
    %eq3A_3399 = vector.broadcast %eq3A_3398 : i32 to vector<8x128xi32>
    %eq3A_3400 = arith.cmpi eq, %iota3A_24, %eq3A_3399 : vector<8x128xi32>
    %eq3A_3401 = arith.constant 5 : i32
    %eq3A_3402 = vector.broadcast %eq3A_3401 : i32 to vector<8x128xi32>
    %eq3A_3403 = arith.cmpi eq, %iota3A_25, %eq3A_3402 : vector<8x128xi32>
    %and3A_3404 = arith.andi %eq3A_3400, %eq3A_3403 : vector<8x128xi1>
    %broadcast_in_dim3A_3405 = vector.broadcast %reduce_sum3A_3397 : f32 to vector<8x128xf32>
    %select_n3A_3406 = arith.select %and3A_3404, %broadcast_in_dim3A_3405, %select_n3A_3382 : vector<8x128xi1>, vector<8x128xf32>
    %get3A_3407 = arith.index_cast %get3A_3139 : i32 to index
    %get3A_3408 = arith.constant 5 : index
    %get3A_3409 = arith.constant 0 : index
    %get3A_3410 = vector.load %arg1[%get3A_3407, %get3A_3408, %get3A_3409] : memref<81x8x900xf32, #tpu.memory_space<vmem>>, vector<1x1x900xf32>
    %reshape3A_3411 = vector.shape_cast %get3A_3410 : vector<1x1x900xf32> to vector<1x900xf32>
    %eq3A_3412 = vector.broadcast %get3A_3079 : i32 to vector<1x900xi32>
    %eq3A_3413 = arith.cmpi eq, %iota3A, %eq3A_3412 : vector<1x900xi32>
    %jit3A_3414 = arith.constant 0.000000e+00 : f32
    %broadcast_in_dim3A_3415 = vector.broadcast %jit3A_3414 : f32 to vector<1x900xf32>
    %select_n3A_3416 = arith.select %eq3A_3413, %reshape3A_3411, %broadcast_in_dim3A_3415 : vector<1x900xi1>, vector<1x900xf32>
    %reduce_sum3A_3417 = vector.shape_cast %select_n3A_3416 : vector<1x900xf32> to vector<1x1x900xf32>
    %reduce_sum3A_3418 = arith.constant dense<0.000000e+00> : vector<1xf32>
    %reduce_sum3A_3419 = vector.multi_reduction <add>, %reduce_sum3A_3417, %reduce_sum3A_3418 [1, 2] : vector<1x1x900xf32> to vector<1xf32>
    %reduce_sum3A_3420 = vector.shape_cast %reduce_sum3A_3419 : vector<1xf32> to vector<1x1x1xf32>
    %reduce_sum3A_3421 = vector.extract %reduce_sum3A_3420[0, 0, 0] : f32 from vector<1x1x1xf32>
    %eq3A_3422 = arith.constant 10 : i32
    %eq3A_3423 = vector.broadcast %eq3A_3422 : i32 to vector<8x128xi32>
    %eq3A_3424 = arith.cmpi eq, %iota3A_24, %eq3A_3423 : vector<8x128xi32>
    %eq3A_3425 = arith.constant 5 : i32
    %eq3A_3426 = vector.broadcast %eq3A_3425 : i32 to vector<8x128xi32>
    %eq3A_3427 = arith.cmpi eq, %iota3A_25, %eq3A_3426 : vector<8x128xi32>
    %and3A_3428 = arith.andi %eq3A_3424, %eq3A_3427 : vector<8x128xi1>
    %broadcast_in_dim3A_3429 = vector.broadcast %reduce_sum3A_3421 : f32 to vector<8x128xf32>
    %select_n3A_3430 = arith.select %and3A_3428, %broadcast_in_dim3A_3429, %select_n3A_3406 : vector<8x128xi1>, vector<8x128xf32>
    %get3A_3431 = arith.index_cast %get3A_3142 : i32 to index
    %get3A_3432 = arith.constant 5 : index
    %get3A_3433 = arith.constant 0 : index
    %get3A_3434 = vector.load %arg1[%get3A_3431, %get3A_3432, %get3A_3433] : memref<81x8x900xf32, #tpu.memory_space<vmem>>, vector<1x1x900xf32>
    %reshape3A_3435 = vector.shape_cast %get3A_3434 : vector<1x1x900xf32> to vector<1x900xf32>
    %eq3A_3436 = vector.broadcast %get3A_3082 : i32 to vector<1x900xi32>
    %eq3A_3437 = arith.cmpi eq, %iota3A, %eq3A_3436 : vector<1x900xi32>
    %jit3A_3438 = arith.constant 0.000000e+00 : f32
    %broadcast_in_dim3A_3439 = vector.broadcast %jit3A_3438 : f32 to vector<1x900xf32>
    %select_n3A_3440 = arith.select %eq3A_3437, %reshape3A_3435, %broadcast_in_dim3A_3439 : vector<1x900xi1>, vector<1x900xf32>
    %reduce_sum3A_3441 = vector.shape_cast %select_n3A_3440 : vector<1x900xf32> to vector<1x1x900xf32>
    %reduce_sum3A_3442 = arith.constant dense<0.000000e+00> : vector<1xf32>
    %reduce_sum3A_3443 = vector.multi_reduction <add>, %reduce_sum3A_3441, %reduce_sum3A_3442 [1, 2] : vector<1x1x900xf32> to vector<1xf32>
    %reduce_sum3A_3444 = vector.shape_cast %reduce_sum3A_3443 : vector<1xf32> to vector<1x1x1xf32>
    %reduce_sum3A_3445 = vector.extract %reduce_sum3A_3444[0, 0, 0] : f32 from vector<1x1x1xf32>
    %eq3A_3446 = arith.constant 11 : i32
    %eq3A_3447 = vector.broadcast %eq3A_3446 : i32 to vector<8x128xi32>
    %eq3A_3448 = arith.cmpi eq, %iota3A_24, %eq3A_3447 : vector<8x128xi32>
    %eq3A_3449 = arith.constant 5 : i32
    %eq3A_3450 = vector.broadcast %eq3A_3449 : i32 to vector<8x128xi32>
    %eq3A_3451 = arith.cmpi eq, %iota3A_25, %eq3A_3450 : vector<8x128xi32>
    %and3A_3452 = arith.andi %eq3A_3448, %eq3A_3451 : vector<8x128xi1>
    %broadcast_in_dim3A_3453 = vector.broadcast %reduce_sum3A_3445 : f32 to vector<8x128xf32>
    %select_n3A_3454 = arith.select %and3A_3452, %broadcast_in_dim3A_3453, %select_n3A_3430 : vector<8x128xi1>, vector<8x128xf32>
    %get3A_3455 = arith.index_cast %get3A_3145 : i32 to index
    %get3A_3456 = arith.constant 5 : index
    %get3A_3457 = arith.constant 0 : index
    %get3A_3458 = vector.load %arg1[%get3A_3455, %get3A_3456, %get3A_3457] : memref<81x8x900xf32, #tpu.memory_space<vmem>>, vector<1x1x900xf32>
    %reshape3A_3459 = vector.shape_cast %get3A_3458 : vector<1x1x900xf32> to vector<1x900xf32>
    %eq3A_3460 = vector.broadcast %get3A_3085 : i32 to vector<1x900xi32>
    %eq3A_3461 = arith.cmpi eq, %iota3A, %eq3A_3460 : vector<1x900xi32>
    %jit3A_3462 = arith.constant 0.000000e+00 : f32
    %broadcast_in_dim3A_3463 = vector.broadcast %jit3A_3462 : f32 to vector<1x900xf32>
    %select_n3A_3464 = arith.select %eq3A_3461, %reshape3A_3459, %broadcast_in_dim3A_3463 : vector<1x900xi1>, vector<1x900xf32>
    %reduce_sum3A_3465 = vector.shape_cast %select_n3A_3464 : vector<1x900xf32> to vector<1x1x900xf32>
    %reduce_sum3A_3466 = arith.constant dense<0.000000e+00> : vector<1xf32>
    %reduce_sum3A_3467 = vector.multi_reduction <add>, %reduce_sum3A_3465, %reduce_sum3A_3466 [1, 2] : vector<1x1x900xf32> to vector<1xf32>
    %reduce_sum3A_3468 = vector.shape_cast %reduce_sum3A_3467 : vector<1xf32> to vector<1x1x1xf32>
    %reduce_sum3A_3469 = vector.extract %reduce_sum3A_3468[0, 0, 0] : f32 from vector<1x1x1xf32>
    %eq3A_3470 = arith.constant 12 : i32
    %eq3A_3471 = vector.broadcast %eq3A_3470 : i32 to vector<8x128xi32>
    %eq3A_3472 = arith.cmpi eq, %iota3A_24, %eq3A_3471 : vector<8x128xi32>
    %eq3A_3473 = arith.constant 5 : i32
    %eq3A_3474 = vector.broadcast %eq3A_3473 : i32 to vector<8x128xi32>
    %eq3A_3475 = arith.cmpi eq, %iota3A_25, %eq3A_3474 : vector<8x128xi32>
    %and3A_3476 = arith.andi %eq3A_3472, %eq3A_3475 : vector<8x128xi1>
    %broadcast_in_dim3A_3477 = vector.broadcast %reduce_sum3A_3469 : f32 to vector<8x128xf32>
    %select_n3A_3478 = arith.select %and3A_3476, %broadcast_in_dim3A_3477, %select_n3A_3454 : vector<8x128xi1>, vector<8x128xf32>
    %get3A_3479 = arith.index_cast %get3A_3148 : i32 to index
    %get3A_3480 = arith.constant 5 : index
    %get3A_3481 = arith.constant 0 : index
    %get3A_3482 = vector.load %arg1[%get3A_3479, %get3A_3480, %get3A_3481] : memref<81x8x900xf32, #tpu.memory_space<vmem>>, vector<1x1x900xf32>
    %reshape3A_3483 = vector.shape_cast %get3A_3482 : vector<1x1x900xf32> to vector<1x900xf32>
    %eq3A_3484 = vector.broadcast %get3A_3088 : i32 to vector<1x900xi32>
    %eq3A_3485 = arith.cmpi eq, %iota3A, %eq3A_3484 : vector<1x900xi32>
    %jit3A_3486 = arith.constant 0.000000e+00 : f32
    %broadcast_in_dim3A_3487 = vector.broadcast %jit3A_3486 : f32 to vector<1x900xf32>
    %select_n3A_3488 = arith.select %eq3A_3485, %reshape3A_3483, %broadcast_in_dim3A_3487 : vector<1x900xi1>, vector<1x900xf32>
    %reduce_sum3A_3489 = vector.shape_cast %select_n3A_3488 : vector<1x900xf32> to vector<1x1x900xf32>
    %reduce_sum3A_3490 = arith.constant dense<0.000000e+00> : vector<1xf32>
    %reduce_sum3A_3491 = vector.multi_reduction <add>, %reduce_sum3A_3489, %reduce_sum3A_3490 [1, 2] : vector<1x1x900xf32> to vector<1xf32>
    %reduce_sum3A_3492 = vector.shape_cast %reduce_sum3A_3491 : vector<1xf32> to vector<1x1x1xf32>
    %reduce_sum3A_3493 = vector.extract %reduce_sum3A_3492[0, 0, 0] : f32 from vector<1x1x1xf32>
    %eq3A_3494 = arith.constant 13 : i32
    %eq3A_3495 = vector.broadcast %eq3A_3494 : i32 to vector<8x128xi32>
    %eq3A_3496 = arith.cmpi eq, %iota3A_24, %eq3A_3495 : vector<8x128xi32>
    %eq3A_3497 = arith.constant 5 : i32
    %eq3A_3498 = vector.broadcast %eq3A_3497 : i32 to vector<8x128xi32>
    %eq3A_3499 = arith.cmpi eq, %iota3A_25, %eq3A_3498 : vector<8x128xi32>
    %and3A_3500 = arith.andi %eq3A_3496, %eq3A_3499 : vector<8x128xi1>
    %broadcast_in_dim3A_3501 = vector.broadcast %reduce_sum3A_3493 : f32 to vector<8x128xf32>
    %select_n3A_3502 = arith.select %and3A_3500, %broadcast_in_dim3A_3501, %select_n3A_3478 : vector<8x128xi1>, vector<8x128xf32>
    %get3A_3503 = arith.index_cast %get3A_3151 : i32 to index
    %get3A_3504 = arith.constant 5 : index
    %get3A_3505 = arith.constant 0 : index
    %get3A_3506 = vector.load %arg1[%get3A_3503, %get3A_3504, %get3A_3505] : memref<81x8x900xf32, #tpu.memory_space<vmem>>, vector<1x1x900xf32>
    %reshape3A_3507 = vector.shape_cast %get3A_3506 : vector<1x1x900xf32> to vector<1x900xf32>
    %eq3A_3508 = vector.broadcast %get3A_3091 : i32 to vector<1x900xi32>
    %eq3A_3509 = arith.cmpi eq, %iota3A, %eq3A_3508 : vector<1x900xi32>
    %jit3A_3510 = arith.constant 0.000000e+00 : f32
    %broadcast_in_dim3A_3511 = vector.broadcast %jit3A_3510 : f32 to vector<1x900xf32>
    %select_n3A_3512 = arith.select %eq3A_3509, %reshape3A_3507, %broadcast_in_dim3A_3511 : vector<1x900xi1>, vector<1x900xf32>
    %reduce_sum3A_3513 = vector.shape_cast %select_n3A_3512 : vector<1x900xf32> to vector<1x1x900xf32>
    %reduce_sum3A_3514 = arith.constant dense<0.000000e+00> : vector<1xf32>
    %reduce_sum3A_3515 = vector.multi_reduction <add>, %reduce_sum3A_3513, %reduce_sum3A_3514 [1, 2] : vector<1x1x900xf32> to vector<1xf32>
    %reduce_sum3A_3516 = vector.shape_cast %reduce_sum3A_3515 : vector<1xf32> to vector<1x1x1xf32>
    %reduce_sum3A_3517 = vector.extract %reduce_sum3A_3516[0, 0, 0] : f32 from vector<1x1x1xf32>
    %eq3A_3518 = arith.constant 14 : i32
    %eq3A_3519 = vector.broadcast %eq3A_3518 : i32 to vector<8x128xi32>
    %eq3A_3520 = arith.cmpi eq, %iota3A_24, %eq3A_3519 : vector<8x128xi32>
    %eq3A_3521 = arith.constant 5 : i32
    %eq3A_3522 = vector.broadcast %eq3A_3521 : i32 to vector<8x128xi32>
    %eq3A_3523 = arith.cmpi eq, %iota3A_25, %eq3A_3522 : vector<8x128xi32>
    %and3A_3524 = arith.andi %eq3A_3520, %eq3A_3523 : vector<8x128xi1>
    %broadcast_in_dim3A_3525 = vector.broadcast %reduce_sum3A_3517 : f32 to vector<8x128xf32>
    %select_n3A_3526 = arith.select %and3A_3524, %broadcast_in_dim3A_3525, %select_n3A_3502 : vector<8x128xi1>, vector<8x128xf32>
    %get3A_3527 = arith.index_cast %get3A_3154 : i32 to index
    %get3A_3528 = arith.constant 5 : index
    %get3A_3529 = arith.constant 0 : index
    %get3A_3530 = vector.load %arg1[%get3A_3527, %get3A_3528, %get3A_3529] : memref<81x8x900xf32, #tpu.memory_space<vmem>>, vector<1x1x900xf32>
    %reshape3A_3531 = vector.shape_cast %get3A_3530 : vector<1x1x900xf32> to vector<1x900xf32>
    %eq3A_3532 = vector.broadcast %get3A_3094 : i32 to vector<1x900xi32>
    %eq3A_3533 = arith.cmpi eq, %iota3A, %eq3A_3532 : vector<1x900xi32>
    %jit3A_3534 = arith.constant 0.000000e+00 : f32
    %broadcast_in_dim3A_3535 = vector.broadcast %jit3A_3534 : f32 to vector<1x900xf32>
    %select_n3A_3536 = arith.select %eq3A_3533, %reshape3A_3531, %broadcast_in_dim3A_3535 : vector<1x900xi1>, vector<1x900xf32>
    %reduce_sum3A_3537 = vector.shape_cast %select_n3A_3536 : vector<1x900xf32> to vector<1x1x900xf32>
    %reduce_sum3A_3538 = arith.constant dense<0.000000e+00> : vector<1xf32>
    %reduce_sum3A_3539 = vector.multi_reduction <add>, %reduce_sum3A_3537, %reduce_sum3A_3538 [1, 2] : vector<1x1x900xf32> to vector<1xf32>
    %reduce_sum3A_3540 = vector.shape_cast %reduce_sum3A_3539 : vector<1xf32> to vector<1x1x1xf32>
    %reduce_sum3A_3541 = vector.extract %reduce_sum3A_3540[0, 0, 0] : f32 from vector<1x1x1xf32>
    %eq3A_3542 = arith.constant 15 : i32
    %eq3A_3543 = vector.broadcast %eq3A_3542 : i32 to vector<8x128xi32>
    %eq3A_3544 = arith.cmpi eq, %iota3A_24, %eq3A_3543 : vector<8x128xi32>
    %eq3A_3545 = arith.constant 5 : i32
    %eq3A_3546 = vector.broadcast %eq3A_3545 : i32 to vector<8x128xi32>
    %eq3A_3547 = arith.cmpi eq, %iota3A_25, %eq3A_3546 : vector<8x128xi32>
    %and3A_3548 = arith.andi %eq3A_3544, %eq3A_3547 : vector<8x128xi1>
    %broadcast_in_dim3A_3549 = vector.broadcast %reduce_sum3A_3541 : f32 to vector<8x128xf32>
    %select_n3A_3550 = arith.select %and3A_3548, %broadcast_in_dim3A_3549, %select_n3A_3526 : vector<8x128xi1>, vector<8x128xf32>
    %get3A_3551 = arith.index_cast %get3A_3157 : i32 to index
    %get3A_3552 = arith.constant 5 : index
    %get3A_3553 = arith.constant 0 : index
    %get3A_3554 = vector.load %arg1[%get3A_3551, %get3A_3552, %get3A_3553] : memref<81x8x900xf32, #tpu.memory_space<vmem>>, vector<1x1x900xf32>
    %reshape3A_3555 = vector.shape_cast %get3A_3554 : vector<1x1x900xf32> to vector<1x900xf32>
    %eq3A_3556 = vector.broadcast %get3A_3097 : i32 to vector<1x900xi32>
    %eq3A_3557 = arith.cmpi eq, %iota3A, %eq3A_3556 : vector<1x900xi32>
    %jit3A_3558 = arith.constant 0.000000e+00 : f32
    %broadcast_in_dim3A_3559 = vector.broadcast %jit3A_3558 : f32 to vector<1x900xf32>
    %select_n3A_3560 = arith.select %eq3A_3557, %reshape3A_3555, %broadcast_in_dim3A_3559 : vector<1x900xi1>, vector<1x900xf32>
    %reduce_sum3A_3561 = vector.shape_cast %select_n3A_3560 : vector<1x900xf32> to vector<1x1x900xf32>
    %reduce_sum3A_3562 = arith.constant dense<0.000000e+00> : vector<1xf32>
    %reduce_sum3A_3563 = vector.multi_reduction <add>, %reduce_sum3A_3561, %reduce_sum3A_3562 [1, 2] : vector<1x1x900xf32> to vector<1xf32>
    %reduce_sum3A_3564 = vector.shape_cast %reduce_sum3A_3563 : vector<1xf32> to vector<1x1x1xf32>
    %reduce_sum3A_3565 = vector.extract %reduce_sum3A_3564[0, 0, 0] : f32 from vector<1x1x1xf32>
    %eq3A_3566 = arith.constant 16 : i32
    %eq3A_3567 = vector.broadcast %eq3A_3566 : i32 to vector<8x128xi32>
    %eq3A_3568 = arith.cmpi eq, %iota3A_24, %eq3A_3567 : vector<8x128xi32>
    %eq3A_3569 = arith.constant 5 : i32
    %eq3A_3570 = vector.broadcast %eq3A_3569 : i32 to vector<8x128xi32>
    %eq3A_3571 = arith.cmpi eq, %iota3A_25, %eq3A_3570 : vector<8x128xi32>
    %and3A_3572 = arith.andi %eq3A_3568, %eq3A_3571 : vector<8x128xi1>
    %broadcast_in_dim3A_3573 = vector.broadcast %reduce_sum3A_3565 : f32 to vector<8x128xf32>
    %select_n3A_3574 = arith.select %and3A_3572, %broadcast_in_dim3A_3573, %select_n3A_3550 : vector<8x128xi1>, vector<8x128xf32>
    %get3A_3575 = arith.index_cast %get3A_3160 : i32 to index
    %get3A_3576 = arith.constant 5 : index
    %get3A_3577 = arith.constant 0 : index
    %get3A_3578 = vector.load %arg1[%get3A_3575, %get3A_3576, %get3A_3577] : memref<81x8x900xf32, #tpu.memory_space<vmem>>, vector<1x1x900xf32>
    %reshape3A_3579 = vector.shape_cast %get3A_3578 : vector<1x1x900xf32> to vector<1x900xf32>
    %eq3A_3580 = vector.broadcast %get3A_3100 : i32 to vector<1x900xi32>
    %eq3A_3581 = arith.cmpi eq, %iota3A, %eq3A_3580 : vector<1x900xi32>
    %jit3A_3582 = arith.constant 0.000000e+00 : f32
    %broadcast_in_dim3A_3583 = vector.broadcast %jit3A_3582 : f32 to vector<1x900xf32>
    %select_n3A_3584 = arith.select %eq3A_3581, %reshape3A_3579, %broadcast_in_dim3A_3583 : vector<1x900xi1>, vector<1x900xf32>
    %reduce_sum3A_3585 = vector.shape_cast %select_n3A_3584 : vector<1x900xf32> to vector<1x1x900xf32>
    %reduce_sum3A_3586 = arith.constant dense<0.000000e+00> : vector<1xf32>
    %reduce_sum3A_3587 = vector.multi_reduction <add>, %reduce_sum3A_3585, %reduce_sum3A_3586 [1, 2] : vector<1x1x900xf32> to vector<1xf32>
    %reduce_sum3A_3588 = vector.shape_cast %reduce_sum3A_3587 : vector<1xf32> to vector<1x1x1xf32>
    %reduce_sum3A_3589 = vector.extract %reduce_sum3A_3588[0, 0, 0] : f32 from vector<1x1x1xf32>
    %eq3A_3590 = arith.constant 17 : i32
    %eq3A_3591 = vector.broadcast %eq3A_3590 : i32 to vector<8x128xi32>
    %eq3A_3592 = arith.cmpi eq, %iota3A_24, %eq3A_3591 : vector<8x128xi32>
    %eq3A_3593 = arith.constant 5 : i32
    %eq3A_3594 = vector.broadcast %eq3A_3593 : i32 to vector<8x128xi32>
    %eq3A_3595 = arith.cmpi eq, %iota3A_25, %eq3A_3594 : vector<8x128xi32>
    %and3A_3596 = arith.andi %eq3A_3592, %eq3A_3595 : vector<8x128xi1>
    %broadcast_in_dim3A_3597 = vector.broadcast %reduce_sum3A_3589 : f32 to vector<8x128xf32>
    %select_n3A_3598 = arith.select %and3A_3596, %broadcast_in_dim3A_3597, %select_n3A_3574 : vector<8x128xi1>, vector<8x128xf32>
    %get3A_3599 = arith.index_cast %get3A_3163 : i32 to index
    %get3A_3600 = arith.constant 5 : index
    %get3A_3601 = arith.constant 0 : index
    %get3A_3602 = vector.load %arg1[%get3A_3599, %get3A_3600, %get3A_3601] : memref<81x8x900xf32, #tpu.memory_space<vmem>>, vector<1x1x900xf32>
    %reshape3A_3603 = vector.shape_cast %get3A_3602 : vector<1x1x900xf32> to vector<1x900xf32>
    %eq3A_3604 = vector.broadcast %get3A_3103 : i32 to vector<1x900xi32>
    %eq3A_3605 = arith.cmpi eq, %iota3A, %eq3A_3604 : vector<1x900xi32>
    %jit3A_3606 = arith.constant 0.000000e+00 : f32
    %broadcast_in_dim3A_3607 = vector.broadcast %jit3A_3606 : f32 to vector<1x900xf32>
    %select_n3A_3608 = arith.select %eq3A_3605, %reshape3A_3603, %broadcast_in_dim3A_3607 : vector<1x900xi1>, vector<1x900xf32>
    %reduce_sum3A_3609 = vector.shape_cast %select_n3A_3608 : vector<1x900xf32> to vector<1x1x900xf32>
    %reduce_sum3A_3610 = arith.constant dense<0.000000e+00> : vector<1xf32>
    %reduce_sum3A_3611 = vector.multi_reduction <add>, %reduce_sum3A_3609, %reduce_sum3A_3610 [1, 2] : vector<1x1x900xf32> to vector<1xf32>
    %reduce_sum3A_3612 = vector.shape_cast %reduce_sum3A_3611 : vector<1xf32> to vector<1x1x1xf32>
    %reduce_sum3A_3613 = vector.extract %reduce_sum3A_3612[0, 0, 0] : f32 from vector<1x1x1xf32>
    %eq3A_3614 = arith.constant 18 : i32
    %eq3A_3615 = vector.broadcast %eq3A_3614 : i32 to vector<8x128xi32>
    %eq3A_3616 = arith.cmpi eq, %iota3A_24, %eq3A_3615 : vector<8x128xi32>
    %eq3A_3617 = arith.constant 5 : i32
    %eq3A_3618 = vector.broadcast %eq3A_3617 : i32 to vector<8x128xi32>
    %eq3A_3619 = arith.cmpi eq, %iota3A_25, %eq3A_3618 : vector<8x128xi32>
    %and3A_3620 = arith.andi %eq3A_3616, %eq3A_3619 : vector<8x128xi1>
    %broadcast_in_dim3A_3621 = vector.broadcast %reduce_sum3A_3613 : f32 to vector<8x128xf32>
    %select_n3A_3622 = arith.select %and3A_3620, %broadcast_in_dim3A_3621, %select_n3A_3598 : vector<8x128xi1>, vector<8x128xf32>
    %get3A_3623 = arith.index_cast %get3A_3166 : i32 to index
    %get3A_3624 = arith.constant 5 : index
    %get3A_3625 = arith.constant 0 : index
    %get3A_3626 = vector.load %arg1[%get3A_3623, %get3A_3624, %get3A_3625] : memref<81x8x900xf32, #tpu.memory_space<vmem>>, vector<1x1x900xf32>
    %reshape3A_3627 = vector.shape_cast %get3A_3626 : vector<1x1x900xf32> to vector<1x900xf32>
    %eq3A_3628 = vector.broadcast %get3A_3106 : i32 to vector<1x900xi32>
    %eq3A_3629 = arith.cmpi eq, %iota3A, %eq3A_3628 : vector<1x900xi32>
    %jit3A_3630 = arith.constant 0.000000e+00 : f32
    %broadcast_in_dim3A_3631 = vector.broadcast %jit3A_3630 : f32 to vector<1x900xf32>
    %select_n3A_3632 = arith.select %eq3A_3629, %reshape3A_3627, %broadcast_in_dim3A_3631 : vector<1x900xi1>, vector<1x900xf32>
    %reduce_sum3A_3633 = vector.shape_cast %select_n3A_3632 : vector<1x900xf32> to vector<1x1x900xf32>
    %reduce_sum3A_3634 = arith.constant dense<0.000000e+00> : vector<1xf32>
    %reduce_sum3A_3635 = vector.multi_reduction <add>, %reduce_sum3A_3633, %reduce_sum3A_3634 [1, 2] : vector<1x1x900xf32> to vector<1xf32>
    %reduce_sum3A_3636 = vector.shape_cast %reduce_sum3A_3635 : vector<1xf32> to vector<1x1x1xf32>
    %reduce_sum3A_3637 = vector.extract %reduce_sum3A_3636[0, 0, 0] : f32 from vector<1x1x1xf32>
    %eq3A_3638 = arith.constant 19 : i32
    %eq3A_3639 = vector.broadcast %eq3A_3638 : i32 to vector<8x128xi32>
    %eq3A_3640 = arith.cmpi eq, %iota3A_24, %eq3A_3639 : vector<8x128xi32>
    %eq3A_3641 = arith.constant 5 : i32
    %eq3A_3642 = vector.broadcast %eq3A_3641 : i32 to vector<8x128xi32>
    %eq3A_3643 = arith.cmpi eq, %iota3A_25, %eq3A_3642 : vector<8x128xi32>
    %and3A_3644 = arith.andi %eq3A_3640, %eq3A_3643 : vector<8x128xi1>
    %broadcast_in_dim3A_3645 = vector.broadcast %reduce_sum3A_3637 : f32 to vector<8x128xf32>
    %select_n3A_3646 = arith.select %and3A_3644, %broadcast_in_dim3A_3645, %select_n3A_3622 : vector<8x128xi1>, vector<8x128xf32>
    %mul3A_3647 = arith.constant 8 : i32
    %mul3A_3648 = arith.muli %arg0, %mul3A_3647 : i32
    %add3A_3649 = arith.constant 6 : i32
    %add3A_3650 = arith.addi %mul3A_3648, %add3A_3649 : i32
    %get3A_3651 = arith.constant 0 : index
    %get3A_3652 = arith.index_cast %add3A_3650 : i32 to index
    %get3A_3653 = memref.load %arg2[%get3A_3651, %get3A_3652] : memref<20x32xi32, #tpu.memory_space<smem>>
    %get3A_3654 = arith.constant 1 : index
    %get3A_3655 = arith.index_cast %add3A_3650 : i32 to index
    %get3A_3656 = memref.load %arg2[%get3A_3654, %get3A_3655] : memref<20x32xi32, #tpu.memory_space<smem>>
    %get3A_3657 = arith.constant 2 : index
    %get3A_3658 = arith.index_cast %add3A_3650 : i32 to index
    %get3A_3659 = memref.load %arg2[%get3A_3657, %get3A_3658] : memref<20x32xi32, #tpu.memory_space<smem>>
    %get3A_3660 = arith.constant 3 : index
    %get3A_3661 = arith.index_cast %add3A_3650 : i32 to index
    %get3A_3662 = memref.load %arg2[%get3A_3660, %get3A_3661] : memref<20x32xi32, #tpu.memory_space<smem>>
    %get3A_3663 = arith.constant 4 : index
    %get3A_3664 = arith.index_cast %add3A_3650 : i32 to index
    %get3A_3665 = memref.load %arg2[%get3A_3663, %get3A_3664] : memref<20x32xi32, #tpu.memory_space<smem>>
    %get3A_3666 = arith.constant 5 : index
    %get3A_3667 = arith.index_cast %add3A_3650 : i32 to index
    %get3A_3668 = memref.load %arg2[%get3A_3666, %get3A_3667] : memref<20x32xi32, #tpu.memory_space<smem>>
    %get3A_3669 = arith.constant 6 : index
    %get3A_3670 = arith.index_cast %add3A_3650 : i32 to index
    %get3A_3671 = memref.load %arg2[%get3A_3669, %get3A_3670] : memref<20x32xi32, #tpu.memory_space<smem>>
    %get3A_3672 = arith.constant 7 : index
    %get3A_3673 = arith.index_cast %add3A_3650 : i32 to index
    %get3A_3674 = memref.load %arg2[%get3A_3672, %get3A_3673] : memref<20x32xi32, #tpu.memory_space<smem>>
    %get3A_3675 = arith.constant 8 : index
    %get3A_3676 = arith.index_cast %add3A_3650 : i32 to index
    %get3A_3677 = memref.load %arg2[%get3A_3675, %get3A_3676] : memref<20x32xi32, #tpu.memory_space<smem>>
    %get3A_3678 = arith.constant 9 : index
    %get3A_3679 = arith.index_cast %add3A_3650 : i32 to index
    %get3A_3680 = memref.load %arg2[%get3A_3678, %get3A_3679] : memref<20x32xi32, #tpu.memory_space<smem>>
    %get3A_3681 = arith.constant 10 : index
    %get3A_3682 = arith.index_cast %add3A_3650 : i32 to index
    %get3A_3683 = memref.load %arg2[%get3A_3681, %get3A_3682] : memref<20x32xi32, #tpu.memory_space<smem>>
    %get3A_3684 = arith.constant 11 : index
    %get3A_3685 = arith.index_cast %add3A_3650 : i32 to index
    %get3A_3686 = memref.load %arg2[%get3A_3684, %get3A_3685] : memref<20x32xi32, #tpu.memory_space<smem>>
    %get3A_3687 = arith.constant 12 : index
    %get3A_3688 = arith.index_cast %add3A_3650 : i32 to index
    %get3A_3689 = memref.load %arg2[%get3A_3687, %get3A_3688] : memref<20x32xi32, #tpu.memory_space<smem>>
    %get3A_3690 = arith.constant 13 : index
    %get3A_3691 = arith.index_cast %add3A_3650 : i32 to index
    %get3A_3692 = memref.load %arg2[%get3A_3690, %get3A_3691] : memref<20x32xi32, #tpu.memory_space<smem>>
    %get3A_3693 = arith.constant 14 : index
    %get3A_3694 = arith.index_cast %add3A_3650 : i32 to index
    %get3A_3695 = memref.load %arg2[%get3A_3693, %get3A_3694] : memref<20x32xi32, #tpu.memory_space<smem>>
    %get3A_3696 = arith.constant 15 : index
    %get3A_3697 = arith.index_cast %add3A_3650 : i32 to index
    %get3A_3698 = memref.load %arg2[%get3A_3696, %get3A_3697] : memref<20x32xi32, #tpu.memory_space<smem>>
    %get3A_3699 = arith.constant 16 : index
    %get3A_3700 = arith.index_cast %add3A_3650 : i32 to index
    %get3A_3701 = memref.load %arg2[%get3A_3699, %get3A_3700] : memref<20x32xi32, #tpu.memory_space<smem>>
    %get3A_3702 = arith.constant 17 : index
    %get3A_3703 = arith.index_cast %add3A_3650 : i32 to index
    %get3A_3704 = memref.load %arg2[%get3A_3702, %get3A_3703] : memref<20x32xi32, #tpu.memory_space<smem>>
    %get3A_3705 = arith.constant 18 : index
    %get3A_3706 = arith.index_cast %add3A_3650 : i32 to index
    %get3A_3707 = memref.load %arg2[%get3A_3705, %get3A_3706] : memref<20x32xi32, #tpu.memory_space<smem>>
    %get3A_3708 = arith.constant 19 : index
    %get3A_3709 = arith.index_cast %add3A_3650 : i32 to index
    %get3A_3710 = memref.load %arg2[%get3A_3708, %get3A_3709] : memref<20x32xi32, #tpu.memory_space<smem>>
    %get3A_3711 = arith.constant 0 : index
    %get3A_3712 = arith.index_cast %add3A_3650 : i32 to index
    %get3A_3713 = memref.load %arg3[%get3A_3711, %get3A_3712] : memref<20x32xi32, #tpu.memory_space<smem>>
    %get3A_3714 = arith.constant 1 : index
    %get3A_3715 = arith.index_cast %add3A_3650 : i32 to index
    %get3A_3716 = memref.load %arg3[%get3A_3714, %get3A_3715] : memref<20x32xi32, #tpu.memory_space<smem>>
    %get3A_3717 = arith.constant 2 : index
    %get3A_3718 = arith.index_cast %add3A_3650 : i32 to index
    %get3A_3719 = memref.load %arg3[%get3A_3717, %get3A_3718] : memref<20x32xi32, #tpu.memory_space<smem>>
    %get3A_3720 = arith.constant 3 : index
    %get3A_3721 = arith.index_cast %add3A_3650 : i32 to index
    %get3A_3722 = memref.load %arg3[%get3A_3720, %get3A_3721] : memref<20x32xi32, #tpu.memory_space<smem>>
    %get3A_3723 = arith.constant 4 : index
    %get3A_3724 = arith.index_cast %add3A_3650 : i32 to index
    %get3A_3725 = memref.load %arg3[%get3A_3723, %get3A_3724] : memref<20x32xi32, #tpu.memory_space<smem>>
    %get3A_3726 = arith.constant 5 : index
    %get3A_3727 = arith.index_cast %add3A_3650 : i32 to index
    %get3A_3728 = memref.load %arg3[%get3A_3726, %get3A_3727] : memref<20x32xi32, #tpu.memory_space<smem>>
    %get3A_3729 = arith.constant 6 : index
    %get3A_3730 = arith.index_cast %add3A_3650 : i32 to index
    %get3A_3731 = memref.load %arg3[%get3A_3729, %get3A_3730] : memref<20x32xi32, #tpu.memory_space<smem>>
    %get3A_3732 = arith.constant 7 : index
    %get3A_3733 = arith.index_cast %add3A_3650 : i32 to index
    %get3A_3734 = memref.load %arg3[%get3A_3732, %get3A_3733] : memref<20x32xi32, #tpu.memory_space<smem>>
    %get3A_3735 = arith.constant 8 : index
    %get3A_3736 = arith.index_cast %add3A_3650 : i32 to index
    %get3A_3737 = memref.load %arg3[%get3A_3735, %get3A_3736] : memref<20x32xi32, #tpu.memory_space<smem>>
    %get3A_3738 = arith.constant 9 : index
    %get3A_3739 = arith.index_cast %add3A_3650 : i32 to index
    %get3A_3740 = memref.load %arg3[%get3A_3738, %get3A_3739] : memref<20x32xi32, #tpu.memory_space<smem>>
    %get3A_3741 = arith.constant 10 : index
    %get3A_3742 = arith.index_cast %add3A_3650 : i32 to index
    %get3A_3743 = memref.load %arg3[%get3A_3741, %get3A_3742] : memref<20x32xi32, #tpu.memory_space<smem>>
    %get3A_3744 = arith.constant 11 : index
    %get3A_3745 = arith.index_cast %add3A_3650 : i32 to index
    %get3A_3746 = memref.load %arg3[%get3A_3744, %get3A_3745] : memref<20x32xi32, #tpu.memory_space<smem>>
    %get3A_3747 = arith.constant 12 : index
    %get3A_3748 = arith.index_cast %add3A_3650 : i32 to index
    %get3A_3749 = memref.load %arg3[%get3A_3747, %get3A_3748] : memref<20x32xi32, #tpu.memory_space<smem>>
    %get3A_3750 = arith.constant 13 : index
    %get3A_3751 = arith.index_cast %add3A_3650 : i32 to index
    %get3A_3752 = memref.load %arg3[%get3A_3750, %get3A_3751] : memref<20x32xi32, #tpu.memory_space<smem>>
    %get3A_3753 = arith.constant 14 : index
    %get3A_3754 = arith.index_cast %add3A_3650 : i32 to index
    %get3A_3755 = memref.load %arg3[%get3A_3753, %get3A_3754] : memref<20x32xi32, #tpu.memory_space<smem>>
    %get3A_3756 = arith.constant 15 : index
    %get3A_3757 = arith.index_cast %add3A_3650 : i32 to index
    %get3A_3758 = memref.load %arg3[%get3A_3756, %get3A_3757] : memref<20x32xi32, #tpu.memory_space<smem>>
    %get3A_3759 = arith.constant 16 : index
    %get3A_3760 = arith.index_cast %add3A_3650 : i32 to index
    %get3A_3761 = memref.load %arg3[%get3A_3759, %get3A_3760] : memref<20x32xi32, #tpu.memory_space<smem>>
    %get3A_3762 = arith.constant 17 : index
    %get3A_3763 = arith.index_cast %add3A_3650 : i32 to index
    %get3A_3764 = memref.load %arg3[%get3A_3762, %get3A_3763] : memref<20x32xi32, #tpu.memory_space<smem>>
    %get3A_3765 = arith.constant 18 : index
    %get3A_3766 = arith.index_cast %add3A_3650 : i32 to index
    %get3A_3767 = memref.load %arg3[%get3A_3765, %get3A_3766] : memref<20x32xi32, #tpu.memory_space<smem>>
    %get3A_3768 = arith.constant 19 : index
    %get3A_3769 = arith.index_cast %add3A_3650 : i32 to index
    %get3A_3770 = memref.load %arg3[%get3A_3768, %get3A_3769] : memref<20x32xi32, #tpu.memory_space<smem>>
    %get3A_3771 = arith.index_cast %get3A_3713 : i32 to index
    %get3A_3772 = arith.constant 6 : index
    %get3A_3773 = arith.constant 0 : index
    %get3A_3774 = vector.load %arg1[%get3A_3771, %get3A_3772, %get3A_3773] : memref<81x8x900xf32, #tpu.memory_space<vmem>>, vector<1x1x900xf32>
    %reshape3A_3775 = vector.shape_cast %get3A_3774 : vector<1x1x900xf32> to vector<1x900xf32>
    %eq3A_3776 = vector.broadcast %get3A_3653 : i32 to vector<1x900xi32>
    %eq3A_3777 = arith.cmpi eq, %iota3A, %eq3A_3776 : vector<1x900xi32>
    %jit3A_3778 = arith.constant 0.000000e+00 : f32
    %broadcast_in_dim3A_3779 = vector.broadcast %jit3A_3778 : f32 to vector<1x900xf32>
    %select_n3A_3780 = arith.select %eq3A_3777, %reshape3A_3775, %broadcast_in_dim3A_3779 : vector<1x900xi1>, vector<1x900xf32>
    %reduce_sum3A_3781 = vector.shape_cast %select_n3A_3780 : vector<1x900xf32> to vector<1x1x900xf32>
    %reduce_sum3A_3782 = arith.constant dense<0.000000e+00> : vector<1xf32>
    %reduce_sum3A_3783 = vector.multi_reduction <add>, %reduce_sum3A_3781, %reduce_sum3A_3782 [1, 2] : vector<1x1x900xf32> to vector<1xf32>
    %reduce_sum3A_3784 = vector.shape_cast %reduce_sum3A_3783 : vector<1xf32> to vector<1x1x1xf32>
    %reduce_sum3A_3785 = vector.extract %reduce_sum3A_3784[0, 0, 0] : f32 from vector<1x1x1xf32>
    %eq3A_3786 = arith.constant 0 : i32
    %eq3A_3787 = vector.broadcast %eq3A_3786 : i32 to vector<8x128xi32>
    %eq3A_3788 = arith.cmpi eq, %iota3A_24, %eq3A_3787 : vector<8x128xi32>
    %eq3A_3789 = arith.constant 6 : i32
    %eq3A_3790 = vector.broadcast %eq3A_3789 : i32 to vector<8x128xi32>
    %eq3A_3791 = arith.cmpi eq, %iota3A_25, %eq3A_3790 : vector<8x128xi32>
    %and3A_3792 = arith.andi %eq3A_3788, %eq3A_3791 : vector<8x128xi1>
    %broadcast_in_dim3A_3793 = vector.broadcast %reduce_sum3A_3785 : f32 to vector<8x128xf32>
    %select_n3A_3794 = arith.select %and3A_3792, %broadcast_in_dim3A_3793, %select_n3A_3646 : vector<8x128xi1>, vector<8x128xf32>
    %get3A_3795 = arith.index_cast %get3A_3716 : i32 to index
    %get3A_3796 = arith.constant 6 : index
    %get3A_3797 = arith.constant 0 : index
    %get3A_3798 = vector.load %arg1[%get3A_3795, %get3A_3796, %get3A_3797] : memref<81x8x900xf32, #tpu.memory_space<vmem>>, vector<1x1x900xf32>
    %reshape3A_3799 = vector.shape_cast %get3A_3798 : vector<1x1x900xf32> to vector<1x900xf32>
    %eq3A_3800 = vector.broadcast %get3A_3656 : i32 to vector<1x900xi32>
    %eq3A_3801 = arith.cmpi eq, %iota3A, %eq3A_3800 : vector<1x900xi32>
    %jit3A_3802 = arith.constant 0.000000e+00 : f32
    %broadcast_in_dim3A_3803 = vector.broadcast %jit3A_3802 : f32 to vector<1x900xf32>
    %select_n3A_3804 = arith.select %eq3A_3801, %reshape3A_3799, %broadcast_in_dim3A_3803 : vector<1x900xi1>, vector<1x900xf32>
    %reduce_sum3A_3805 = vector.shape_cast %select_n3A_3804 : vector<1x900xf32> to vector<1x1x900xf32>
    %reduce_sum3A_3806 = arith.constant dense<0.000000e+00> : vector<1xf32>
    %reduce_sum3A_3807 = vector.multi_reduction <add>, %reduce_sum3A_3805, %reduce_sum3A_3806 [1, 2] : vector<1x1x900xf32> to vector<1xf32>
    %reduce_sum3A_3808 = vector.shape_cast %reduce_sum3A_3807 : vector<1xf32> to vector<1x1x1xf32>
    %reduce_sum3A_3809 = vector.extract %reduce_sum3A_3808[0, 0, 0] : f32 from vector<1x1x1xf32>
    %eq3A_3810 = arith.constant 1 : i32
    %eq3A_3811 = vector.broadcast %eq3A_3810 : i32 to vector<8x128xi32>
    %eq3A_3812 = arith.cmpi eq, %iota3A_24, %eq3A_3811 : vector<8x128xi32>
    %eq3A_3813 = arith.constant 6 : i32
    %eq3A_3814 = vector.broadcast %eq3A_3813 : i32 to vector<8x128xi32>
    %eq3A_3815 = arith.cmpi eq, %iota3A_25, %eq3A_3814 : vector<8x128xi32>
    %and3A_3816 = arith.andi %eq3A_3812, %eq3A_3815 : vector<8x128xi1>
    %broadcast_in_dim3A_3817 = vector.broadcast %reduce_sum3A_3809 : f32 to vector<8x128xf32>
    %select_n3A_3818 = arith.select %and3A_3816, %broadcast_in_dim3A_3817, %select_n3A_3794 : vector<8x128xi1>, vector<8x128xf32>
    %get3A_3819 = arith.index_cast %get3A_3719 : i32 to index
    %get3A_3820 = arith.constant 6 : index
    %get3A_3821 = arith.constant 0 : index
    %get3A_3822 = vector.load %arg1[%get3A_3819, %get3A_3820, %get3A_3821] : memref<81x8x900xf32, #tpu.memory_space<vmem>>, vector<1x1x900xf32>
    %reshape3A_3823 = vector.shape_cast %get3A_3822 : vector<1x1x900xf32> to vector<1x900xf32>
    %eq3A_3824 = vector.broadcast %get3A_3659 : i32 to vector<1x900xi32>
    %eq3A_3825 = arith.cmpi eq, %iota3A, %eq3A_3824 : vector<1x900xi32>
    %jit3A_3826 = arith.constant 0.000000e+00 : f32
    %broadcast_in_dim3A_3827 = vector.broadcast %jit3A_3826 : f32 to vector<1x900xf32>
    %select_n3A_3828 = arith.select %eq3A_3825, %reshape3A_3823, %broadcast_in_dim3A_3827 : vector<1x900xi1>, vector<1x900xf32>
    %reduce_sum3A_3829 = vector.shape_cast %select_n3A_3828 : vector<1x900xf32> to vector<1x1x900xf32>
    %reduce_sum3A_3830 = arith.constant dense<0.000000e+00> : vector<1xf32>
    %reduce_sum3A_3831 = vector.multi_reduction <add>, %reduce_sum3A_3829, %reduce_sum3A_3830 [1, 2] : vector<1x1x900xf32> to vector<1xf32>
    %reduce_sum3A_3832 = vector.shape_cast %reduce_sum3A_3831 : vector<1xf32> to vector<1x1x1xf32>
    %reduce_sum3A_3833 = vector.extract %reduce_sum3A_3832[0, 0, 0] : f32 from vector<1x1x1xf32>
    %eq3A_3834 = arith.constant 2 : i32
    %eq3A_3835 = vector.broadcast %eq3A_3834 : i32 to vector<8x128xi32>
    %eq3A_3836 = arith.cmpi eq, %iota3A_24, %eq3A_3835 : vector<8x128xi32>
    %eq3A_3837 = arith.constant 6 : i32
    %eq3A_3838 = vector.broadcast %eq3A_3837 : i32 to vector<8x128xi32>
    %eq3A_3839 = arith.cmpi eq, %iota3A_25, %eq3A_3838 : vector<8x128xi32>
    %and3A_3840 = arith.andi %eq3A_3836, %eq3A_3839 : vector<8x128xi1>
    %broadcast_in_dim3A_3841 = vector.broadcast %reduce_sum3A_3833 : f32 to vector<8x128xf32>
    %select_n3A_3842 = arith.select %and3A_3840, %broadcast_in_dim3A_3841, %select_n3A_3818 : vector<8x128xi1>, vector<8x128xf32>
    %get3A_3843 = arith.index_cast %get3A_3722 : i32 to index
    %get3A_3844 = arith.constant 6 : index
    %get3A_3845 = arith.constant 0 : index
    %get3A_3846 = vector.load %arg1[%get3A_3843, %get3A_3844, %get3A_3845] : memref<81x8x900xf32, #tpu.memory_space<vmem>>, vector<1x1x900xf32>
    %reshape3A_3847 = vector.shape_cast %get3A_3846 : vector<1x1x900xf32> to vector<1x900xf32>
    %eq3A_3848 = vector.broadcast %get3A_3662 : i32 to vector<1x900xi32>
    %eq3A_3849 = arith.cmpi eq, %iota3A, %eq3A_3848 : vector<1x900xi32>
    %jit3A_3850 = arith.constant 0.000000e+00 : f32
    %broadcast_in_dim3A_3851 = vector.broadcast %jit3A_3850 : f32 to vector<1x900xf32>
    %select_n3A_3852 = arith.select %eq3A_3849, %reshape3A_3847, %broadcast_in_dim3A_3851 : vector<1x900xi1>, vector<1x900xf32>
    %reduce_sum3A_3853 = vector.shape_cast %select_n3A_3852 : vector<1x900xf32> to vector<1x1x900xf32>
    %reduce_sum3A_3854 = arith.constant dense<0.000000e+00> : vector<1xf32>
    %reduce_sum3A_3855 = vector.multi_reduction <add>, %reduce_sum3A_3853, %reduce_sum3A_3854 [1, 2] : vector<1x1x900xf32> to vector<1xf32>
    %reduce_sum3A_3856 = vector.shape_cast %reduce_sum3A_3855 : vector<1xf32> to vector<1x1x1xf32>
    %reduce_sum3A_3857 = vector.extract %reduce_sum3A_3856[0, 0, 0] : f32 from vector<1x1x1xf32>
    %eq3A_3858 = arith.constant 3 : i32
    %eq3A_3859 = vector.broadcast %eq3A_3858 : i32 to vector<8x128xi32>
    %eq3A_3860 = arith.cmpi eq, %iota3A_24, %eq3A_3859 : vector<8x128xi32>
    %eq3A_3861 = arith.constant 6 : i32
    %eq3A_3862 = vector.broadcast %eq3A_3861 : i32 to vector<8x128xi32>
    %eq3A_3863 = arith.cmpi eq, %iota3A_25, %eq3A_3862 : vector<8x128xi32>
    %and3A_3864 = arith.andi %eq3A_3860, %eq3A_3863 : vector<8x128xi1>
    %broadcast_in_dim3A_3865 = vector.broadcast %reduce_sum3A_3857 : f32 to vector<8x128xf32>
    %select_n3A_3866 = arith.select %and3A_3864, %broadcast_in_dim3A_3865, %select_n3A_3842 : vector<8x128xi1>, vector<8x128xf32>
    %get3A_3867 = arith.index_cast %get3A_3725 : i32 to index
    %get3A_3868 = arith.constant 6 : index
    %get3A_3869 = arith.constant 0 : index
    %get3A_3870 = vector.load %arg1[%get3A_3867, %get3A_3868, %get3A_3869] : memref<81x8x900xf32, #tpu.memory_space<vmem>>, vector<1x1x900xf32>
    %reshape3A_3871 = vector.shape_cast %get3A_3870 : vector<1x1x900xf32> to vector<1x900xf32>
    %eq3A_3872 = vector.broadcast %get3A_3665 : i32 to vector<1x900xi32>
    %eq3A_3873 = arith.cmpi eq, %iota3A, %eq3A_3872 : vector<1x900xi32>
    %jit3A_3874 = arith.constant 0.000000e+00 : f32
    %broadcast_in_dim3A_3875 = vector.broadcast %jit3A_3874 : f32 to vector<1x900xf32>
    %select_n3A_3876 = arith.select %eq3A_3873, %reshape3A_3871, %broadcast_in_dim3A_3875 : vector<1x900xi1>, vector<1x900xf32>
    %reduce_sum3A_3877 = vector.shape_cast %select_n3A_3876 : vector<1x900xf32> to vector<1x1x900xf32>
    %reduce_sum3A_3878 = arith.constant dense<0.000000e+00> : vector<1xf32>
    %reduce_sum3A_3879 = vector.multi_reduction <add>, %reduce_sum3A_3877, %reduce_sum3A_3878 [1, 2] : vector<1x1x900xf32> to vector<1xf32>
    %reduce_sum3A_3880 = vector.shape_cast %reduce_sum3A_3879 : vector<1xf32> to vector<1x1x1xf32>
    %reduce_sum3A_3881 = vector.extract %reduce_sum3A_3880[0, 0, 0] : f32 from vector<1x1x1xf32>
    %eq3A_3882 = arith.constant 4 : i32
    %eq3A_3883 = vector.broadcast %eq3A_3882 : i32 to vector<8x128xi32>
    %eq3A_3884 = arith.cmpi eq, %iota3A_24, %eq3A_3883 : vector<8x128xi32>
    %eq3A_3885 = arith.constant 6 : i32
    %eq3A_3886 = vector.broadcast %eq3A_3885 : i32 to vector<8x128xi32>
    %eq3A_3887 = arith.cmpi eq, %iota3A_25, %eq3A_3886 : vector<8x128xi32>
    %and3A_3888 = arith.andi %eq3A_3884, %eq3A_3887 : vector<8x128xi1>
    %broadcast_in_dim3A_3889 = vector.broadcast %reduce_sum3A_3881 : f32 to vector<8x128xf32>
    %select_n3A_3890 = arith.select %and3A_3888, %broadcast_in_dim3A_3889, %select_n3A_3866 : vector<8x128xi1>, vector<8x128xf32>
    %get3A_3891 = arith.index_cast %get3A_3728 : i32 to index
    %get3A_3892 = arith.constant 6 : index
    %get3A_3893 = arith.constant 0 : index
    %get3A_3894 = vector.load %arg1[%get3A_3891, %get3A_3892, %get3A_3893] : memref<81x8x900xf32, #tpu.memory_space<vmem>>, vector<1x1x900xf32>
    %reshape3A_3895 = vector.shape_cast %get3A_3894 : vector<1x1x900xf32> to vector<1x900xf32>
    %eq3A_3896 = vector.broadcast %get3A_3668 : i32 to vector<1x900xi32>
    %eq3A_3897 = arith.cmpi eq, %iota3A, %eq3A_3896 : vector<1x900xi32>
    %jit3A_3898 = arith.constant 0.000000e+00 : f32
    %broadcast_in_dim3A_3899 = vector.broadcast %jit3A_3898 : f32 to vector<1x900xf32>
    %select_n3A_3900 = arith.select %eq3A_3897, %reshape3A_3895, %broadcast_in_dim3A_3899 : vector<1x900xi1>, vector<1x900xf32>
    %reduce_sum3A_3901 = vector.shape_cast %select_n3A_3900 : vector<1x900xf32> to vector<1x1x900xf32>
    %reduce_sum3A_3902 = arith.constant dense<0.000000e+00> : vector<1xf32>
    %reduce_sum3A_3903 = vector.multi_reduction <add>, %reduce_sum3A_3901, %reduce_sum3A_3902 [1, 2] : vector<1x1x900xf32> to vector<1xf32>
    %reduce_sum3A_3904 = vector.shape_cast %reduce_sum3A_3903 : vector<1xf32> to vector<1x1x1xf32>
    %reduce_sum3A_3905 = vector.extract %reduce_sum3A_3904[0, 0, 0] : f32 from vector<1x1x1xf32>
    %eq3A_3906 = arith.constant 5 : i32
    %eq3A_3907 = vector.broadcast %eq3A_3906 : i32 to vector<8x128xi32>
    %eq3A_3908 = arith.cmpi eq, %iota3A_24, %eq3A_3907 : vector<8x128xi32>
    %eq3A_3909 = arith.constant 6 : i32
    %eq3A_3910 = vector.broadcast %eq3A_3909 : i32 to vector<8x128xi32>
    %eq3A_3911 = arith.cmpi eq, %iota3A_25, %eq3A_3910 : vector<8x128xi32>
    %and3A_3912 = arith.andi %eq3A_3908, %eq3A_3911 : vector<8x128xi1>
    %broadcast_in_dim3A_3913 = vector.broadcast %reduce_sum3A_3905 : f32 to vector<8x128xf32>
    %select_n3A_3914 = arith.select %and3A_3912, %broadcast_in_dim3A_3913, %select_n3A_3890 : vector<8x128xi1>, vector<8x128xf32>
    %get3A_3915 = arith.index_cast %get3A_3731 : i32 to index
    %get3A_3916 = arith.constant 6 : index
    %get3A_3917 = arith.constant 0 : index
    %get3A_3918 = vector.load %arg1[%get3A_3915, %get3A_3916, %get3A_3917] : memref<81x8x900xf32, #tpu.memory_space<vmem>>, vector<1x1x900xf32>
    %reshape3A_3919 = vector.shape_cast %get3A_3918 : vector<1x1x900xf32> to vector<1x900xf32>
    %eq3A_3920 = vector.broadcast %get3A_3671 : i32 to vector<1x900xi32>
    %eq3A_3921 = arith.cmpi eq, %iota3A, %eq3A_3920 : vector<1x900xi32>
    %jit3A_3922 = arith.constant 0.000000e+00 : f32
    %broadcast_in_dim3A_3923 = vector.broadcast %jit3A_3922 : f32 to vector<1x900xf32>
    %select_n3A_3924 = arith.select %eq3A_3921, %reshape3A_3919, %broadcast_in_dim3A_3923 : vector<1x900xi1>, vector<1x900xf32>
    %reduce_sum3A_3925 = vector.shape_cast %select_n3A_3924 : vector<1x900xf32> to vector<1x1x900xf32>
    %reduce_sum3A_3926 = arith.constant dense<0.000000e+00> : vector<1xf32>
    %reduce_sum3A_3927 = vector.multi_reduction <add>, %reduce_sum3A_3925, %reduce_sum3A_3926 [1, 2] : vector<1x1x900xf32> to vector<1xf32>
    %reduce_sum3A_3928 = vector.shape_cast %reduce_sum3A_3927 : vector<1xf32> to vector<1x1x1xf32>
    %reduce_sum3A_3929 = vector.extract %reduce_sum3A_3928[0, 0, 0] : f32 from vector<1x1x1xf32>
    %eq3A_3930 = arith.constant 6 : i32
    %eq3A_3931 = vector.broadcast %eq3A_3930 : i32 to vector<8x128xi32>
    %eq3A_3932 = arith.cmpi eq, %iota3A_24, %eq3A_3931 : vector<8x128xi32>
    %eq3A_3933 = arith.constant 6 : i32
    %eq3A_3934 = vector.broadcast %eq3A_3933 : i32 to vector<8x128xi32>
    %eq3A_3935 = arith.cmpi eq, %iota3A_25, %eq3A_3934 : vector<8x128xi32>
    %and3A_3936 = arith.andi %eq3A_3932, %eq3A_3935 : vector<8x128xi1>
    %broadcast_in_dim3A_3937 = vector.broadcast %reduce_sum3A_3929 : f32 to vector<8x128xf32>
    %select_n3A_3938 = arith.select %and3A_3936, %broadcast_in_dim3A_3937, %select_n3A_3914 : vector<8x128xi1>, vector<8x128xf32>
    %get3A_3939 = arith.index_cast %get3A_3734 : i32 to index
    %get3A_3940 = arith.constant 6 : index
    %get3A_3941 = arith.constant 0 : index
    %get3A_3942 = vector.load %arg1[%get3A_3939, %get3A_3940, %get3A_3941] : memref<81x8x900xf32, #tpu.memory_space<vmem>>, vector<1x1x900xf32>
    %reshape3A_3943 = vector.shape_cast %get3A_3942 : vector<1x1x900xf32> to vector<1x900xf32>
    %eq3A_3944 = vector.broadcast %get3A_3674 : i32 to vector<1x900xi32>
    %eq3A_3945 = arith.cmpi eq, %iota3A, %eq3A_3944 : vector<1x900xi32>
    %jit3A_3946 = arith.constant 0.000000e+00 : f32
    %broadcast_in_dim3A_3947 = vector.broadcast %jit3A_3946 : f32 to vector<1x900xf32>
    %select_n3A_3948 = arith.select %eq3A_3945, %reshape3A_3943, %broadcast_in_dim3A_3947 : vector<1x900xi1>, vector<1x900xf32>
    %reduce_sum3A_3949 = vector.shape_cast %select_n3A_3948 : vector<1x900xf32> to vector<1x1x900xf32>
    %reduce_sum3A_3950 = arith.constant dense<0.000000e+00> : vector<1xf32>
    %reduce_sum3A_3951 = vector.multi_reduction <add>, %reduce_sum3A_3949, %reduce_sum3A_3950 [1, 2] : vector<1x1x900xf32> to vector<1xf32>
    %reduce_sum3A_3952 = vector.shape_cast %reduce_sum3A_3951 : vector<1xf32> to vector<1x1x1xf32>
    %reduce_sum3A_3953 = vector.extract %reduce_sum3A_3952[0, 0, 0] : f32 from vector<1x1x1xf32>
    %eq3A_3954 = arith.constant 7 : i32
    %eq3A_3955 = vector.broadcast %eq3A_3954 : i32 to vector<8x128xi32>
    %eq3A_3956 = arith.cmpi eq, %iota3A_24, %eq3A_3955 : vector<8x128xi32>
    %eq3A_3957 = arith.constant 6 : i32
    %eq3A_3958 = vector.broadcast %eq3A_3957 : i32 to vector<8x128xi32>
    %eq3A_3959 = arith.cmpi eq, %iota3A_25, %eq3A_3958 : vector<8x128xi32>
    %and3A_3960 = arith.andi %eq3A_3956, %eq3A_3959 : vector<8x128xi1>
    %broadcast_in_dim3A_3961 = vector.broadcast %reduce_sum3A_3953 : f32 to vector<8x128xf32>
    %select_n3A_3962 = arith.select %and3A_3960, %broadcast_in_dim3A_3961, %select_n3A_3938 : vector<8x128xi1>, vector<8x128xf32>
    %get3A_3963 = arith.index_cast %get3A_3737 : i32 to index
    %get3A_3964 = arith.constant 6 : index
    %get3A_3965 = arith.constant 0 : index
    %get3A_3966 = vector.load %arg1[%get3A_3963, %get3A_3964, %get3A_3965] : memref<81x8x900xf32, #tpu.memory_space<vmem>>, vector<1x1x900xf32>
    %reshape3A_3967 = vector.shape_cast %get3A_3966 : vector<1x1x900xf32> to vector<1x900xf32>
    %eq3A_3968 = vector.broadcast %get3A_3677 : i32 to vector<1x900xi32>
    %eq3A_3969 = arith.cmpi eq, %iota3A, %eq3A_3968 : vector<1x900xi32>
    %jit3A_3970 = arith.constant 0.000000e+00 : f32
    %broadcast_in_dim3A_3971 = vector.broadcast %jit3A_3970 : f32 to vector<1x900xf32>
    %select_n3A_3972 = arith.select %eq3A_3969, %reshape3A_3967, %broadcast_in_dim3A_3971 : vector<1x900xi1>, vector<1x900xf32>
    %reduce_sum3A_3973 = vector.shape_cast %select_n3A_3972 : vector<1x900xf32> to vector<1x1x900xf32>
    %reduce_sum3A_3974 = arith.constant dense<0.000000e+00> : vector<1xf32>
    %reduce_sum3A_3975 = vector.multi_reduction <add>, %reduce_sum3A_3973, %reduce_sum3A_3974 [1, 2] : vector<1x1x900xf32> to vector<1xf32>
    %reduce_sum3A_3976 = vector.shape_cast %reduce_sum3A_3975 : vector<1xf32> to vector<1x1x1xf32>
    %reduce_sum3A_3977 = vector.extract %reduce_sum3A_3976[0, 0, 0] : f32 from vector<1x1x1xf32>
    %eq3A_3978 = arith.constant 8 : i32
    %eq3A_3979 = vector.broadcast %eq3A_3978 : i32 to vector<8x128xi32>
    %eq3A_3980 = arith.cmpi eq, %iota3A_24, %eq3A_3979 : vector<8x128xi32>
    %eq3A_3981 = arith.constant 6 : i32
    %eq3A_3982 = vector.broadcast %eq3A_3981 : i32 to vector<8x128xi32>
    %eq3A_3983 = arith.cmpi eq, %iota3A_25, %eq3A_3982 : vector<8x128xi32>
    %and3A_3984 = arith.andi %eq3A_3980, %eq3A_3983 : vector<8x128xi1>
    %broadcast_in_dim3A_3985 = vector.broadcast %reduce_sum3A_3977 : f32 to vector<8x128xf32>
    %select_n3A_3986 = arith.select %and3A_3984, %broadcast_in_dim3A_3985, %select_n3A_3962 : vector<8x128xi1>, vector<8x128xf32>
    %get3A_3987 = arith.index_cast %get3A_3740 : i32 to index
    %get3A_3988 = arith.constant 6 : index
    %get3A_3989 = arith.constant 0 : index
    %get3A_3990 = vector.load %arg1[%get3A_3987, %get3A_3988, %get3A_3989] : memref<81x8x900xf32, #tpu.memory_space<vmem>>, vector<1x1x900xf32>
    %reshape3A_3991 = vector.shape_cast %get3A_3990 : vector<1x1x900xf32> to vector<1x900xf32>
    %eq3A_3992 = vector.broadcast %get3A_3680 : i32 to vector<1x900xi32>
    %eq3A_3993 = arith.cmpi eq, %iota3A, %eq3A_3992 : vector<1x900xi32>
    %jit3A_3994 = arith.constant 0.000000e+00 : f32
    %broadcast_in_dim3A_3995 = vector.broadcast %jit3A_3994 : f32 to vector<1x900xf32>
    %select_n3A_3996 = arith.select %eq3A_3993, %reshape3A_3991, %broadcast_in_dim3A_3995 : vector<1x900xi1>, vector<1x900xf32>
    %reduce_sum3A_3997 = vector.shape_cast %select_n3A_3996 : vector<1x900xf32> to vector<1x1x900xf32>
    %reduce_sum3A_3998 = arith.constant dense<0.000000e+00> : vector<1xf32>
    %reduce_sum3A_3999 = vector.multi_reduction <add>, %reduce_sum3A_3997, %reduce_sum3A_3998 [1, 2] : vector<1x1x900xf32> to vector<1xf32>
    %reduce_sum3A_4000 = vector.shape_cast %reduce_sum3A_3999 : vector<1xf32> to vector<1x1x1xf32>
    %reduce_sum3A_4001 = vector.extract %reduce_sum3A_4000[0, 0, 0] : f32 from vector<1x1x1xf32>
    %eq3A_4002 = arith.constant 9 : i32
    %eq3A_4003 = vector.broadcast %eq3A_4002 : i32 to vector<8x128xi32>
    %eq3A_4004 = arith.cmpi eq, %iota3A_24, %eq3A_4003 : vector<8x128xi32>
    %eq3A_4005 = arith.constant 6 : i32
    %eq3A_4006 = vector.broadcast %eq3A_4005 : i32 to vector<8x128xi32>
    %eq3A_4007 = arith.cmpi eq, %iota3A_25, %eq3A_4006 : vector<8x128xi32>
    %and3A_4008 = arith.andi %eq3A_4004, %eq3A_4007 : vector<8x128xi1>
    %broadcast_in_dim3A_4009 = vector.broadcast %reduce_sum3A_4001 : f32 to vector<8x128xf32>
    %select_n3A_4010 = arith.select %and3A_4008, %broadcast_in_dim3A_4009, %select_n3A_3986 : vector<8x128xi1>, vector<8x128xf32>
    %get3A_4011 = arith.index_cast %get3A_3743 : i32 to index
    %get3A_4012 = arith.constant 6 : index
    %get3A_4013 = arith.constant 0 : index
    %get3A_4014 = vector.load %arg1[%get3A_4011, %get3A_4012, %get3A_4013] : memref<81x8x900xf32, #tpu.memory_space<vmem>>, vector<1x1x900xf32>
    %reshape3A_4015 = vector.shape_cast %get3A_4014 : vector<1x1x900xf32> to vector<1x900xf32>
    %eq3A_4016 = vector.broadcast %get3A_3683 : i32 to vector<1x900xi32>
    %eq3A_4017 = arith.cmpi eq, %iota3A, %eq3A_4016 : vector<1x900xi32>
    %jit3A_4018 = arith.constant 0.000000e+00 : f32
    %broadcast_in_dim3A_4019 = vector.broadcast %jit3A_4018 : f32 to vector<1x900xf32>
    %select_n3A_4020 = arith.select %eq3A_4017, %reshape3A_4015, %broadcast_in_dim3A_4019 : vector<1x900xi1>, vector<1x900xf32>
    %reduce_sum3A_4021 = vector.shape_cast %select_n3A_4020 : vector<1x900xf32> to vector<1x1x900xf32>
    %reduce_sum3A_4022 = arith.constant dense<0.000000e+00> : vector<1xf32>
    %reduce_sum3A_4023 = vector.multi_reduction <add>, %reduce_sum3A_4021, %reduce_sum3A_4022 [1, 2] : vector<1x1x900xf32> to vector<1xf32>
    %reduce_sum3A_4024 = vector.shape_cast %reduce_sum3A_4023 : vector<1xf32> to vector<1x1x1xf32>
    %reduce_sum3A_4025 = vector.extract %reduce_sum3A_4024[0, 0, 0] : f32 from vector<1x1x1xf32>
    %eq3A_4026 = arith.constant 10 : i32
    %eq3A_4027 = vector.broadcast %eq3A_4026 : i32 to vector<8x128xi32>
    %eq3A_4028 = arith.cmpi eq, %iota3A_24, %eq3A_4027 : vector<8x128xi32>
    %eq3A_4029 = arith.constant 6 : i32
    %eq3A_4030 = vector.broadcast %eq3A_4029 : i32 to vector<8x128xi32>
    %eq3A_4031 = arith.cmpi eq, %iota3A_25, %eq3A_4030 : vector<8x128xi32>
    %and3A_4032 = arith.andi %eq3A_4028, %eq3A_4031 : vector<8x128xi1>
    %broadcast_in_dim3A_4033 = vector.broadcast %reduce_sum3A_4025 : f32 to vector<8x128xf32>
    %select_n3A_4034 = arith.select %and3A_4032, %broadcast_in_dim3A_4033, %select_n3A_4010 : vector<8x128xi1>, vector<8x128xf32>
    %get3A_4035 = arith.index_cast %get3A_3746 : i32 to index
    %get3A_4036 = arith.constant 6 : index
    %get3A_4037 = arith.constant 0 : index
    %get3A_4038 = vector.load %arg1[%get3A_4035, %get3A_4036, %get3A_4037] : memref<81x8x900xf32, #tpu.memory_space<vmem>>, vector<1x1x900xf32>
    %reshape3A_4039 = vector.shape_cast %get3A_4038 : vector<1x1x900xf32> to vector<1x900xf32>
    %eq3A_4040 = vector.broadcast %get3A_3686 : i32 to vector<1x900xi32>
    %eq3A_4041 = arith.cmpi eq, %iota3A, %eq3A_4040 : vector<1x900xi32>
    %jit3A_4042 = arith.constant 0.000000e+00 : f32
    %broadcast_in_dim3A_4043 = vector.broadcast %jit3A_4042 : f32 to vector<1x900xf32>
    %select_n3A_4044 = arith.select %eq3A_4041, %reshape3A_4039, %broadcast_in_dim3A_4043 : vector<1x900xi1>, vector<1x900xf32>
    %reduce_sum3A_4045 = vector.shape_cast %select_n3A_4044 : vector<1x900xf32> to vector<1x1x900xf32>
    %reduce_sum3A_4046 = arith.constant dense<0.000000e+00> : vector<1xf32>
    %reduce_sum3A_4047 = vector.multi_reduction <add>, %reduce_sum3A_4045, %reduce_sum3A_4046 [1, 2] : vector<1x1x900xf32> to vector<1xf32>
    %reduce_sum3A_4048 = vector.shape_cast %reduce_sum3A_4047 : vector<1xf32> to vector<1x1x1xf32>
    %reduce_sum3A_4049 = vector.extract %reduce_sum3A_4048[0, 0, 0] : f32 from vector<1x1x1xf32>
    %eq3A_4050 = arith.constant 11 : i32
    %eq3A_4051 = vector.broadcast %eq3A_4050 : i32 to vector<8x128xi32>
    %eq3A_4052 = arith.cmpi eq, %iota3A_24, %eq3A_4051 : vector<8x128xi32>
    %eq3A_4053 = arith.constant 6 : i32
    %eq3A_4054 = vector.broadcast %eq3A_4053 : i32 to vector<8x128xi32>
    %eq3A_4055 = arith.cmpi eq, %iota3A_25, %eq3A_4054 : vector<8x128xi32>
    %and3A_4056 = arith.andi %eq3A_4052, %eq3A_4055 : vector<8x128xi1>
    %broadcast_in_dim3A_4057 = vector.broadcast %reduce_sum3A_4049 : f32 to vector<8x128xf32>
    %select_n3A_4058 = arith.select %and3A_4056, %broadcast_in_dim3A_4057, %select_n3A_4034 : vector<8x128xi1>, vector<8x128xf32>
    %get3A_4059 = arith.index_cast %get3A_3749 : i32 to index
    %get3A_4060 = arith.constant 6 : index
    %get3A_4061 = arith.constant 0 : index
    %get3A_4062 = vector.load %arg1[%get3A_4059, %get3A_4060, %get3A_4061] : memref<81x8x900xf32, #tpu.memory_space<vmem>>, vector<1x1x900xf32>
    %reshape3A_4063 = vector.shape_cast %get3A_4062 : vector<1x1x900xf32> to vector<1x900xf32>
    %eq3A_4064 = vector.broadcast %get3A_3689 : i32 to vector<1x900xi32>
    %eq3A_4065 = arith.cmpi eq, %iota3A, %eq3A_4064 : vector<1x900xi32>
    %jit3A_4066 = arith.constant 0.000000e+00 : f32
    %broadcast_in_dim3A_4067 = vector.broadcast %jit3A_4066 : f32 to vector<1x900xf32>
    %select_n3A_4068 = arith.select %eq3A_4065, %reshape3A_4063, %broadcast_in_dim3A_4067 : vector<1x900xi1>, vector<1x900xf32>
    %reduce_sum3A_4069 = vector.shape_cast %select_n3A_4068 : vector<1x900xf32> to vector<1x1x900xf32>
    %reduce_sum3A_4070 = arith.constant dense<0.000000e+00> : vector<1xf32>
    %reduce_sum3A_4071 = vector.multi_reduction <add>, %reduce_sum3A_4069, %reduce_sum3A_4070 [1, 2] : vector<1x1x900xf32> to vector<1xf32>
    %reduce_sum3A_4072 = vector.shape_cast %reduce_sum3A_4071 : vector<1xf32> to vector<1x1x1xf32>
    %reduce_sum3A_4073 = vector.extract %reduce_sum3A_4072[0, 0, 0] : f32 from vector<1x1x1xf32>
    %eq3A_4074 = arith.constant 12 : i32
    %eq3A_4075 = vector.broadcast %eq3A_4074 : i32 to vector<8x128xi32>
    %eq3A_4076 = arith.cmpi eq, %iota3A_24, %eq3A_4075 : vector<8x128xi32>
    %eq3A_4077 = arith.constant 6 : i32
    %eq3A_4078 = vector.broadcast %eq3A_4077 : i32 to vector<8x128xi32>
    %eq3A_4079 = arith.cmpi eq, %iota3A_25, %eq3A_4078 : vector<8x128xi32>
    %and3A_4080 = arith.andi %eq3A_4076, %eq3A_4079 : vector<8x128xi1>
    %broadcast_in_dim3A_4081 = vector.broadcast %reduce_sum3A_4073 : f32 to vector<8x128xf32>
    %select_n3A_4082 = arith.select %and3A_4080, %broadcast_in_dim3A_4081, %select_n3A_4058 : vector<8x128xi1>, vector<8x128xf32>
    %get3A_4083 = arith.index_cast %get3A_3752 : i32 to index
    %get3A_4084 = arith.constant 6 : index
    %get3A_4085 = arith.constant 0 : index
    %get3A_4086 = vector.load %arg1[%get3A_4083, %get3A_4084, %get3A_4085] : memref<81x8x900xf32, #tpu.memory_space<vmem>>, vector<1x1x900xf32>
    %reshape3A_4087 = vector.shape_cast %get3A_4086 : vector<1x1x900xf32> to vector<1x900xf32>
    %eq3A_4088 = vector.broadcast %get3A_3692 : i32 to vector<1x900xi32>
    %eq3A_4089 = arith.cmpi eq, %iota3A, %eq3A_4088 : vector<1x900xi32>
    %jit3A_4090 = arith.constant 0.000000e+00 : f32
    %broadcast_in_dim3A_4091 = vector.broadcast %jit3A_4090 : f32 to vector<1x900xf32>
    %select_n3A_4092 = arith.select %eq3A_4089, %reshape3A_4087, %broadcast_in_dim3A_4091 : vector<1x900xi1>, vector<1x900xf32>
    %reduce_sum3A_4093 = vector.shape_cast %select_n3A_4092 : vector<1x900xf32> to vector<1x1x900xf32>
    %reduce_sum3A_4094 = arith.constant dense<0.000000e+00> : vector<1xf32>
    %reduce_sum3A_4095 = vector.multi_reduction <add>, %reduce_sum3A_4093, %reduce_sum3A_4094 [1, 2] : vector<1x1x900xf32> to vector<1xf32>
    %reduce_sum3A_4096 = vector.shape_cast %reduce_sum3A_4095 : vector<1xf32> to vector<1x1x1xf32>
    %reduce_sum3A_4097 = vector.extract %reduce_sum3A_4096[0, 0, 0] : f32 from vector<1x1x1xf32>
    %eq3A_4098 = arith.constant 13 : i32
    %eq3A_4099 = vector.broadcast %eq3A_4098 : i32 to vector<8x128xi32>
    %eq3A_4100 = arith.cmpi eq, %iota3A_24, %eq3A_4099 : vector<8x128xi32>
    %eq3A_4101 = arith.constant 6 : i32
    %eq3A_4102 = vector.broadcast %eq3A_4101 : i32 to vector<8x128xi32>
    %eq3A_4103 = arith.cmpi eq, %iota3A_25, %eq3A_4102 : vector<8x128xi32>
    %and3A_4104 = arith.andi %eq3A_4100, %eq3A_4103 : vector<8x128xi1>
    %broadcast_in_dim3A_4105 = vector.broadcast %reduce_sum3A_4097 : f32 to vector<8x128xf32>
    %select_n3A_4106 = arith.select %and3A_4104, %broadcast_in_dim3A_4105, %select_n3A_4082 : vector<8x128xi1>, vector<8x128xf32>
    %get3A_4107 = arith.index_cast %get3A_3755 : i32 to index
    %get3A_4108 = arith.constant 6 : index
    %get3A_4109 = arith.constant 0 : index
    %get3A_4110 = vector.load %arg1[%get3A_4107, %get3A_4108, %get3A_4109] : memref<81x8x900xf32, #tpu.memory_space<vmem>>, vector<1x1x900xf32>
    %reshape3A_4111 = vector.shape_cast %get3A_4110 : vector<1x1x900xf32> to vector<1x900xf32>
    %eq3A_4112 = vector.broadcast %get3A_3695 : i32 to vector<1x900xi32>
    %eq3A_4113 = arith.cmpi eq, %iota3A, %eq3A_4112 : vector<1x900xi32>
    %jit3A_4114 = arith.constant 0.000000e+00 : f32
    %broadcast_in_dim3A_4115 = vector.broadcast %jit3A_4114 : f32 to vector<1x900xf32>
    %select_n3A_4116 = arith.select %eq3A_4113, %reshape3A_4111, %broadcast_in_dim3A_4115 : vector<1x900xi1>, vector<1x900xf32>
    %reduce_sum3A_4117 = vector.shape_cast %select_n3A_4116 : vector<1x900xf32> to vector<1x1x900xf32>
    %reduce_sum3A_4118 = arith.constant dense<0.000000e+00> : vector<1xf32>
    %reduce_sum3A_4119 = vector.multi_reduction <add>, %reduce_sum3A_4117, %reduce_sum3A_4118 [1, 2] : vector<1x1x900xf32> to vector<1xf32>
    %reduce_sum3A_4120 = vector.shape_cast %reduce_sum3A_4119 : vector<1xf32> to vector<1x1x1xf32>
    %reduce_sum3A_4121 = vector.extract %reduce_sum3A_4120[0, 0, 0] : f32 from vector<1x1x1xf32>
    %eq3A_4122 = arith.constant 14 : i32
    %eq3A_4123 = vector.broadcast %eq3A_4122 : i32 to vector<8x128xi32>
    %eq3A_4124 = arith.cmpi eq, %iota3A_24, %eq3A_4123 : vector<8x128xi32>
    %eq3A_4125 = arith.constant 6 : i32
    %eq3A_4126 = vector.broadcast %eq3A_4125 : i32 to vector<8x128xi32>
    %eq3A_4127 = arith.cmpi eq, %iota3A_25, %eq3A_4126 : vector<8x128xi32>
    %and3A_4128 = arith.andi %eq3A_4124, %eq3A_4127 : vector<8x128xi1>
    %broadcast_in_dim3A_4129 = vector.broadcast %reduce_sum3A_4121 : f32 to vector<8x128xf32>
    %select_n3A_4130 = arith.select %and3A_4128, %broadcast_in_dim3A_4129, %select_n3A_4106 : vector<8x128xi1>, vector<8x128xf32>
    %get3A_4131 = arith.index_cast %get3A_3758 : i32 to index
    %get3A_4132 = arith.constant 6 : index
    %get3A_4133 = arith.constant 0 : index
    %get3A_4134 = vector.load %arg1[%get3A_4131, %get3A_4132, %get3A_4133] : memref<81x8x900xf32, #tpu.memory_space<vmem>>, vector<1x1x900xf32>
    %reshape3A_4135 = vector.shape_cast %get3A_4134 : vector<1x1x900xf32> to vector<1x900xf32>
    %eq3A_4136 = vector.broadcast %get3A_3698 : i32 to vector<1x900xi32>
    %eq3A_4137 = arith.cmpi eq, %iota3A, %eq3A_4136 : vector<1x900xi32>
    %jit3A_4138 = arith.constant 0.000000e+00 : f32
    %broadcast_in_dim3A_4139 = vector.broadcast %jit3A_4138 : f32 to vector<1x900xf32>
    %select_n3A_4140 = arith.select %eq3A_4137, %reshape3A_4135, %broadcast_in_dim3A_4139 : vector<1x900xi1>, vector<1x900xf32>
    %reduce_sum3A_4141 = vector.shape_cast %select_n3A_4140 : vector<1x900xf32> to vector<1x1x900xf32>
    %reduce_sum3A_4142 = arith.constant dense<0.000000e+00> : vector<1xf32>
    %reduce_sum3A_4143 = vector.multi_reduction <add>, %reduce_sum3A_4141, %reduce_sum3A_4142 [1, 2] : vector<1x1x900xf32> to vector<1xf32>
    %reduce_sum3A_4144 = vector.shape_cast %reduce_sum3A_4143 : vector<1xf32> to vector<1x1x1xf32>
    %reduce_sum3A_4145 = vector.extract %reduce_sum3A_4144[0, 0, 0] : f32 from vector<1x1x1xf32>
    %eq3A_4146 = arith.constant 15 : i32
    %eq3A_4147 = vector.broadcast %eq3A_4146 : i32 to vector<8x128xi32>
    %eq3A_4148 = arith.cmpi eq, %iota3A_24, %eq3A_4147 : vector<8x128xi32>
    %eq3A_4149 = arith.constant 6 : i32
    %eq3A_4150 = vector.broadcast %eq3A_4149 : i32 to vector<8x128xi32>
    %eq3A_4151 = arith.cmpi eq, %iota3A_25, %eq3A_4150 : vector<8x128xi32>
    %and3A_4152 = arith.andi %eq3A_4148, %eq3A_4151 : vector<8x128xi1>
    %broadcast_in_dim3A_4153 = vector.broadcast %reduce_sum3A_4145 : f32 to vector<8x128xf32>
    %select_n3A_4154 = arith.select %and3A_4152, %broadcast_in_dim3A_4153, %select_n3A_4130 : vector<8x128xi1>, vector<8x128xf32>
    %get3A_4155 = arith.index_cast %get3A_3761 : i32 to index
    %get3A_4156 = arith.constant 6 : index
    %get3A_4157 = arith.constant 0 : index
    %get3A_4158 = vector.load %arg1[%get3A_4155, %get3A_4156, %get3A_4157] : memref<81x8x900xf32, #tpu.memory_space<vmem>>, vector<1x1x900xf32>
    %reshape3A_4159 = vector.shape_cast %get3A_4158 : vector<1x1x900xf32> to vector<1x900xf32>
    %eq3A_4160 = vector.broadcast %get3A_3701 : i32 to vector<1x900xi32>
    %eq3A_4161 = arith.cmpi eq, %iota3A, %eq3A_4160 : vector<1x900xi32>
    %jit3A_4162 = arith.constant 0.000000e+00 : f32
    %broadcast_in_dim3A_4163 = vector.broadcast %jit3A_4162 : f32 to vector<1x900xf32>
    %select_n3A_4164 = arith.select %eq3A_4161, %reshape3A_4159, %broadcast_in_dim3A_4163 : vector<1x900xi1>, vector<1x900xf32>
    %reduce_sum3A_4165 = vector.shape_cast %select_n3A_4164 : vector<1x900xf32> to vector<1x1x900xf32>
    %reduce_sum3A_4166 = arith.constant dense<0.000000e+00> : vector<1xf32>
    %reduce_sum3A_4167 = vector.multi_reduction <add>, %reduce_sum3A_4165, %reduce_sum3A_4166 [1, 2] : vector<1x1x900xf32> to vector<1xf32>
    %reduce_sum3A_4168 = vector.shape_cast %reduce_sum3A_4167 : vector<1xf32> to vector<1x1x1xf32>
    %reduce_sum3A_4169 = vector.extract %reduce_sum3A_4168[0, 0, 0] : f32 from vector<1x1x1xf32>
    %eq3A_4170 = arith.constant 16 : i32
    %eq3A_4171 = vector.broadcast %eq3A_4170 : i32 to vector<8x128xi32>
    %eq3A_4172 = arith.cmpi eq, %iota3A_24, %eq3A_4171 : vector<8x128xi32>
    %eq3A_4173 = arith.constant 6 : i32
    %eq3A_4174 = vector.broadcast %eq3A_4173 : i32 to vector<8x128xi32>
    %eq3A_4175 = arith.cmpi eq, %iota3A_25, %eq3A_4174 : vector<8x128xi32>
    %and3A_4176 = arith.andi %eq3A_4172, %eq3A_4175 : vector<8x128xi1>
    %broadcast_in_dim3A_4177 = vector.broadcast %reduce_sum3A_4169 : f32 to vector<8x128xf32>
    %select_n3A_4178 = arith.select %and3A_4176, %broadcast_in_dim3A_4177, %select_n3A_4154 : vector<8x128xi1>, vector<8x128xf32>
    %get3A_4179 = arith.index_cast %get3A_3764 : i32 to index
    %get3A_4180 = arith.constant 6 : index
    %get3A_4181 = arith.constant 0 : index
    %get3A_4182 = vector.load %arg1[%get3A_4179, %get3A_4180, %get3A_4181] : memref<81x8x900xf32, #tpu.memory_space<vmem>>, vector<1x1x900xf32>
    %reshape3A_4183 = vector.shape_cast %get3A_4182 : vector<1x1x900xf32> to vector<1x900xf32>
    %eq3A_4184 = vector.broadcast %get3A_3704 : i32 to vector<1x900xi32>
    %eq3A_4185 = arith.cmpi eq, %iota3A, %eq3A_4184 : vector<1x900xi32>
    %jit3A_4186 = arith.constant 0.000000e+00 : f32
    %broadcast_in_dim3A_4187 = vector.broadcast %jit3A_4186 : f32 to vector<1x900xf32>
    %select_n3A_4188 = arith.select %eq3A_4185, %reshape3A_4183, %broadcast_in_dim3A_4187 : vector<1x900xi1>, vector<1x900xf32>
    %reduce_sum3A_4189 = vector.shape_cast %select_n3A_4188 : vector<1x900xf32> to vector<1x1x900xf32>
    %reduce_sum3A_4190 = arith.constant dense<0.000000e+00> : vector<1xf32>
    %reduce_sum3A_4191 = vector.multi_reduction <add>, %reduce_sum3A_4189, %reduce_sum3A_4190 [1, 2] : vector<1x1x900xf32> to vector<1xf32>
    %reduce_sum3A_4192 = vector.shape_cast %reduce_sum3A_4191 : vector<1xf32> to vector<1x1x1xf32>
    %reduce_sum3A_4193 = vector.extract %reduce_sum3A_4192[0, 0, 0] : f32 from vector<1x1x1xf32>
    %eq3A_4194 = arith.constant 17 : i32
    %eq3A_4195 = vector.broadcast %eq3A_4194 : i32 to vector<8x128xi32>
    %eq3A_4196 = arith.cmpi eq, %iota3A_24, %eq3A_4195 : vector<8x128xi32>
    %eq3A_4197 = arith.constant 6 : i32
    %eq3A_4198 = vector.broadcast %eq3A_4197 : i32 to vector<8x128xi32>
    %eq3A_4199 = arith.cmpi eq, %iota3A_25, %eq3A_4198 : vector<8x128xi32>
    %and3A_4200 = arith.andi %eq3A_4196, %eq3A_4199 : vector<8x128xi1>
    %broadcast_in_dim3A_4201 = vector.broadcast %reduce_sum3A_4193 : f32 to vector<8x128xf32>
    %select_n3A_4202 = arith.select %and3A_4200, %broadcast_in_dim3A_4201, %select_n3A_4178 : vector<8x128xi1>, vector<8x128xf32>
    %get3A_4203 = arith.index_cast %get3A_3767 : i32 to index
    %get3A_4204 = arith.constant 6 : index
    %get3A_4205 = arith.constant 0 : index
    %get3A_4206 = vector.load %arg1[%get3A_4203, %get3A_4204, %get3A_4205] : memref<81x8x900xf32, #tpu.memory_space<vmem>>, vector<1x1x900xf32>
    %reshape3A_4207 = vector.shape_cast %get3A_4206 : vector<1x1x900xf32> to vector<1x900xf32>
    %eq3A_4208 = vector.broadcast %get3A_3707 : i32 to vector<1x900xi32>
    %eq3A_4209 = arith.cmpi eq, %iota3A, %eq3A_4208 : vector<1x900xi32>
    %jit3A_4210 = arith.constant 0.000000e+00 : f32
    %broadcast_in_dim3A_4211 = vector.broadcast %jit3A_4210 : f32 to vector<1x900xf32>
    %select_n3A_4212 = arith.select %eq3A_4209, %reshape3A_4207, %broadcast_in_dim3A_4211 : vector<1x900xi1>, vector<1x900xf32>
    %reduce_sum3A_4213 = vector.shape_cast %select_n3A_4212 : vector<1x900xf32> to vector<1x1x900xf32>
    %reduce_sum3A_4214 = arith.constant dense<0.000000e+00> : vector<1xf32>
    %reduce_sum3A_4215 = vector.multi_reduction <add>, %reduce_sum3A_4213, %reduce_sum3A_4214 [1, 2] : vector<1x1x900xf32> to vector<1xf32>
    %reduce_sum3A_4216 = vector.shape_cast %reduce_sum3A_4215 : vector<1xf32> to vector<1x1x1xf32>
    %reduce_sum3A_4217 = vector.extract %reduce_sum3A_4216[0, 0, 0] : f32 from vector<1x1x1xf32>
    %eq3A_4218 = arith.constant 18 : i32
    %eq3A_4219 = vector.broadcast %eq3A_4218 : i32 to vector<8x128xi32>
    %eq3A_4220 = arith.cmpi eq, %iota3A_24, %eq3A_4219 : vector<8x128xi32>
    %eq3A_4221 = arith.constant 6 : i32
    %eq3A_4222 = vector.broadcast %eq3A_4221 : i32 to vector<8x128xi32>
    %eq3A_4223 = arith.cmpi eq, %iota3A_25, %eq3A_4222 : vector<8x128xi32>
    %and3A_4224 = arith.andi %eq3A_4220, %eq3A_4223 : vector<8x128xi1>
    %broadcast_in_dim3A_4225 = vector.broadcast %reduce_sum3A_4217 : f32 to vector<8x128xf32>
    %select_n3A_4226 = arith.select %and3A_4224, %broadcast_in_dim3A_4225, %select_n3A_4202 : vector<8x128xi1>, vector<8x128xf32>
    %get3A_4227 = arith.index_cast %get3A_3770 : i32 to index
    %get3A_4228 = arith.constant 6 : index
    %get3A_4229 = arith.constant 0 : index
    %get3A_4230 = vector.load %arg1[%get3A_4227, %get3A_4228, %get3A_4229] : memref<81x8x900xf32, #tpu.memory_space<vmem>>, vector<1x1x900xf32>
    %reshape3A_4231 = vector.shape_cast %get3A_4230 : vector<1x1x900xf32> to vector<1x900xf32>
    %eq3A_4232 = vector.broadcast %get3A_3710 : i32 to vector<1x900xi32>
    %eq3A_4233 = arith.cmpi eq, %iota3A, %eq3A_4232 : vector<1x900xi32>
    %jit3A_4234 = arith.constant 0.000000e+00 : f32
    %broadcast_in_dim3A_4235 = vector.broadcast %jit3A_4234 : f32 to vector<1x900xf32>
    %select_n3A_4236 = arith.select %eq3A_4233, %reshape3A_4231, %broadcast_in_dim3A_4235 : vector<1x900xi1>, vector<1x900xf32>
    %reduce_sum3A_4237 = vector.shape_cast %select_n3A_4236 : vector<1x900xf32> to vector<1x1x900xf32>
    %reduce_sum3A_4238 = arith.constant dense<0.000000e+00> : vector<1xf32>
    %reduce_sum3A_4239 = vector.multi_reduction <add>, %reduce_sum3A_4237, %reduce_sum3A_4238 [1, 2] : vector<1x1x900xf32> to vector<1xf32>
    %reduce_sum3A_4240 = vector.shape_cast %reduce_sum3A_4239 : vector<1xf32> to vector<1x1x1xf32>
    %reduce_sum3A_4241 = vector.extract %reduce_sum3A_4240[0, 0, 0] : f32 from vector<1x1x1xf32>
    %eq3A_4242 = arith.constant 19 : i32
    %eq3A_4243 = vector.broadcast %eq3A_4242 : i32 to vector<8x128xi32>
    %eq3A_4244 = arith.cmpi eq, %iota3A_24, %eq3A_4243 : vector<8x128xi32>
    %eq3A_4245 = arith.constant 6 : i32
    %eq3A_4246 = vector.broadcast %eq3A_4245 : i32 to vector<8x128xi32>
    %eq3A_4247 = arith.cmpi eq, %iota3A_25, %eq3A_4246 : vector<8x128xi32>
    %and3A_4248 = arith.andi %eq3A_4244, %eq3A_4247 : vector<8x128xi1>
    %broadcast_in_dim3A_4249 = vector.broadcast %reduce_sum3A_4241 : f32 to vector<8x128xf32>
    %select_n3A_4250 = arith.select %and3A_4248, %broadcast_in_dim3A_4249, %select_n3A_4226 : vector<8x128xi1>, vector<8x128xf32>
    %mul3A_4251 = arith.constant 8 : i32
    %mul3A_4252 = arith.muli %arg0, %mul3A_4251 : i32
    %add3A_4253 = arith.constant 7 : i32
    %add3A_4254 = arith.addi %mul3A_4252, %add3A_4253 : i32
    %get3A_4255 = arith.constant 0 : index
    %get3A_4256 = arith.index_cast %add3A_4254 : i32 to index
    %get3A_4257 = memref.load %arg2[%get3A_4255, %get3A_4256] : memref<20x32xi32, #tpu.memory_space<smem>>
    %get3A_4258 = arith.constant 1 : index
    %get3A_4259 = arith.index_cast %add3A_4254 : i32 to index
    %get3A_4260 = memref.load %arg2[%get3A_4258, %get3A_4259] : memref<20x32xi32, #tpu.memory_space<smem>>
    %get3A_4261 = arith.constant 2 : index
    %get3A_4262 = arith.index_cast %add3A_4254 : i32 to index
    %get3A_4263 = memref.load %arg2[%get3A_4261, %get3A_4262] : memref<20x32xi32, #tpu.memory_space<smem>>
    %get3A_4264 = arith.constant 3 : index
    %get3A_4265 = arith.index_cast %add3A_4254 : i32 to index
    %get3A_4266 = memref.load %arg2[%get3A_4264, %get3A_4265] : memref<20x32xi32, #tpu.memory_space<smem>>
    %get3A_4267 = arith.constant 4 : index
    %get3A_4268 = arith.index_cast %add3A_4254 : i32 to index
    %get3A_4269 = memref.load %arg2[%get3A_4267, %get3A_4268] : memref<20x32xi32, #tpu.memory_space<smem>>
    %get3A_4270 = arith.constant 5 : index
    %get3A_4271 = arith.index_cast %add3A_4254 : i32 to index
    %get3A_4272 = memref.load %arg2[%get3A_4270, %get3A_4271] : memref<20x32xi32, #tpu.memory_space<smem>>
    %get3A_4273 = arith.constant 6 : index
    %get3A_4274 = arith.index_cast %add3A_4254 : i32 to index
    %get3A_4275 = memref.load %arg2[%get3A_4273, %get3A_4274] : memref<20x32xi32, #tpu.memory_space<smem>>
    %get3A_4276 = arith.constant 7 : index
    %get3A_4277 = arith.index_cast %add3A_4254 : i32 to index
    %get3A_4278 = memref.load %arg2[%get3A_4276, %get3A_4277] : memref<20x32xi32, #tpu.memory_space<smem>>
    %get3A_4279 = arith.constant 8 : index
    %get3A_4280 = arith.index_cast %add3A_4254 : i32 to index
    %get3A_4281 = memref.load %arg2[%get3A_4279, %get3A_4280] : memref<20x32xi32, #tpu.memory_space<smem>>
    %get3A_4282 = arith.constant 9 : index
    %get3A_4283 = arith.index_cast %add3A_4254 : i32 to index
    %get3A_4284 = memref.load %arg2[%get3A_4282, %get3A_4283] : memref<20x32xi32, #tpu.memory_space<smem>>
    %get3A_4285 = arith.constant 10 : index
    %get3A_4286 = arith.index_cast %add3A_4254 : i32 to index
    %get3A_4287 = memref.load %arg2[%get3A_4285, %get3A_4286] : memref<20x32xi32, #tpu.memory_space<smem>>
    %get3A_4288 = arith.constant 11 : index
    %get3A_4289 = arith.index_cast %add3A_4254 : i32 to index
    %get3A_4290 = memref.load %arg2[%get3A_4288, %get3A_4289] : memref<20x32xi32, #tpu.memory_space<smem>>
    %get3A_4291 = arith.constant 12 : index
    %get3A_4292 = arith.index_cast %add3A_4254 : i32 to index
    %get3A_4293 = memref.load %arg2[%get3A_4291, %get3A_4292] : memref<20x32xi32, #tpu.memory_space<smem>>
    %get3A_4294 = arith.constant 13 : index
    %get3A_4295 = arith.index_cast %add3A_4254 : i32 to index
    %get3A_4296 = memref.load %arg2[%get3A_4294, %get3A_4295] : memref<20x32xi32, #tpu.memory_space<smem>>
    %get3A_4297 = arith.constant 14 : index
    %get3A_4298 = arith.index_cast %add3A_4254 : i32 to index
    %get3A_4299 = memref.load %arg2[%get3A_4297, %get3A_4298] : memref<20x32xi32, #tpu.memory_space<smem>>
    %get3A_4300 = arith.constant 15 : index
    %get3A_4301 = arith.index_cast %add3A_4254 : i32 to index
    %get3A_4302 = memref.load %arg2[%get3A_4300, %get3A_4301] : memref<20x32xi32, #tpu.memory_space<smem>>
    %get3A_4303 = arith.constant 16 : index
    %get3A_4304 = arith.index_cast %add3A_4254 : i32 to index
    %get3A_4305 = memref.load %arg2[%get3A_4303, %get3A_4304] : memref<20x32xi32, #tpu.memory_space<smem>>
    %get3A_4306 = arith.constant 17 : index
    %get3A_4307 = arith.index_cast %add3A_4254 : i32 to index
    %get3A_4308 = memref.load %arg2[%get3A_4306, %get3A_4307] : memref<20x32xi32, #tpu.memory_space<smem>>
    %get3A_4309 = arith.constant 18 : index
    %get3A_4310 = arith.index_cast %add3A_4254 : i32 to index
    %get3A_4311 = memref.load %arg2[%get3A_4309, %get3A_4310] : memref<20x32xi32, #tpu.memory_space<smem>>
    %get3A_4312 = arith.constant 19 : index
    %get3A_4313 = arith.index_cast %add3A_4254 : i32 to index
    %get3A_4314 = memref.load %arg2[%get3A_4312, %get3A_4313] : memref<20x32xi32, #tpu.memory_space<smem>>
    %get3A_4315 = arith.constant 0 : index
    %get3A_4316 = arith.index_cast %add3A_4254 : i32 to index
    %get3A_4317 = memref.load %arg3[%get3A_4315, %get3A_4316] : memref<20x32xi32, #tpu.memory_space<smem>>
    %get3A_4318 = arith.constant 1 : index
    %get3A_4319 = arith.index_cast %add3A_4254 : i32 to index
    %get3A_4320 = memref.load %arg3[%get3A_4318, %get3A_4319] : memref<20x32xi32, #tpu.memory_space<smem>>
    %get3A_4321 = arith.constant 2 : index
    %get3A_4322 = arith.index_cast %add3A_4254 : i32 to index
    %get3A_4323 = memref.load %arg3[%get3A_4321, %get3A_4322] : memref<20x32xi32, #tpu.memory_space<smem>>
    %get3A_4324 = arith.constant 3 : index
    %get3A_4325 = arith.index_cast %add3A_4254 : i32 to index
    %get3A_4326 = memref.load %arg3[%get3A_4324, %get3A_4325] : memref<20x32xi32, #tpu.memory_space<smem>>
    %get3A_4327 = arith.constant 4 : index
    %get3A_4328 = arith.index_cast %add3A_4254 : i32 to index
    %get3A_4329 = memref.load %arg3[%get3A_4327, %get3A_4328] : memref<20x32xi32, #tpu.memory_space<smem>>
    %get3A_4330 = arith.constant 5 : index
    %get3A_4331 = arith.index_cast %add3A_4254 : i32 to index
    %get3A_4332 = memref.load %arg3[%get3A_4330, %get3A_4331] : memref<20x32xi32, #tpu.memory_space<smem>>
    %get3A_4333 = arith.constant 6 : index
    %get3A_4334 = arith.index_cast %add3A_4254 : i32 to index
    %get3A_4335 = memref.load %arg3[%get3A_4333, %get3A_4334] : memref<20x32xi32, #tpu.memory_space<smem>>
    %get3A_4336 = arith.constant 7 : index
    %get3A_4337 = arith.index_cast %add3A_4254 : i32 to index
    %get3A_4338 = memref.load %arg3[%get3A_4336, %get3A_4337] : memref<20x32xi32, #tpu.memory_space<smem>>
    %get3A_4339 = arith.constant 8 : index
    %get3A_4340 = arith.index_cast %add3A_4254 : i32 to index
    %get3A_4341 = memref.load %arg3[%get3A_4339, %get3A_4340] : memref<20x32xi32, #tpu.memory_space<smem>>
    %get3A_4342 = arith.constant 9 : index
    %get3A_4343 = arith.index_cast %add3A_4254 : i32 to index
    %get3A_4344 = memref.load %arg3[%get3A_4342, %get3A_4343] : memref<20x32xi32, #tpu.memory_space<smem>>
    %get3A_4345 = arith.constant 10 : index
    %get3A_4346 = arith.index_cast %add3A_4254 : i32 to index
    %get3A_4347 = memref.load %arg3[%get3A_4345, %get3A_4346] : memref<20x32xi32, #tpu.memory_space<smem>>
    %get3A_4348 = arith.constant 11 : index
    %get3A_4349 = arith.index_cast %add3A_4254 : i32 to index
    %get3A_4350 = memref.load %arg3[%get3A_4348, %get3A_4349] : memref<20x32xi32, #tpu.memory_space<smem>>
    %get3A_4351 = arith.constant 12 : index
    %get3A_4352 = arith.index_cast %add3A_4254 : i32 to index
    %get3A_4353 = memref.load %arg3[%get3A_4351, %get3A_4352] : memref<20x32xi32, #tpu.memory_space<smem>>
    %get3A_4354 = arith.constant 13 : index
    %get3A_4355 = arith.index_cast %add3A_4254 : i32 to index
    %get3A_4356 = memref.load %arg3[%get3A_4354, %get3A_4355] : memref<20x32xi32, #tpu.memory_space<smem>>
    %get3A_4357 = arith.constant 14 : index
    %get3A_4358 = arith.index_cast %add3A_4254 : i32 to index
    %get3A_4359 = memref.load %arg3[%get3A_4357, %get3A_4358] : memref<20x32xi32, #tpu.memory_space<smem>>
    %get3A_4360 = arith.constant 15 : index
    %get3A_4361 = arith.index_cast %add3A_4254 : i32 to index
    %get3A_4362 = memref.load %arg3[%get3A_4360, %get3A_4361] : memref<20x32xi32, #tpu.memory_space<smem>>
    %get3A_4363 = arith.constant 16 : index
    %get3A_4364 = arith.index_cast %add3A_4254 : i32 to index
    %get3A_4365 = memref.load %arg3[%get3A_4363, %get3A_4364] : memref<20x32xi32, #tpu.memory_space<smem>>
    %get3A_4366 = arith.constant 17 : index
    %get3A_4367 = arith.index_cast %add3A_4254 : i32 to index
    %get3A_4368 = memref.load %arg3[%get3A_4366, %get3A_4367] : memref<20x32xi32, #tpu.memory_space<smem>>
    %get3A_4369 = arith.constant 18 : index
    %get3A_4370 = arith.index_cast %add3A_4254 : i32 to index
    %get3A_4371 = memref.load %arg3[%get3A_4369, %get3A_4370] : memref<20x32xi32, #tpu.memory_space<smem>>
    %get3A_4372 = arith.constant 19 : index
    %get3A_4373 = arith.index_cast %add3A_4254 : i32 to index
    %get3A_4374 = memref.load %arg3[%get3A_4372, %get3A_4373] : memref<20x32xi32, #tpu.memory_space<smem>>
    %get3A_4375 = arith.index_cast %get3A_4317 : i32 to index
    %get3A_4376 = arith.constant 7 : index
    %get3A_4377 = arith.constant 0 : index
    %get3A_4378 = vector.load %arg1[%get3A_4375, %get3A_4376, %get3A_4377] : memref<81x8x900xf32, #tpu.memory_space<vmem>>, vector<1x1x900xf32>
    %reshape3A_4379 = vector.shape_cast %get3A_4378 : vector<1x1x900xf32> to vector<1x900xf32>
    %eq3A_4380 = vector.broadcast %get3A_4257 : i32 to vector<1x900xi32>
    %eq3A_4381 = arith.cmpi eq, %iota3A, %eq3A_4380 : vector<1x900xi32>
    %jit3A_4382 = arith.constant 0.000000e+00 : f32
    %broadcast_in_dim3A_4383 = vector.broadcast %jit3A_4382 : f32 to vector<1x900xf32>
    %select_n3A_4384 = arith.select %eq3A_4381, %reshape3A_4379, %broadcast_in_dim3A_4383 : vector<1x900xi1>, vector<1x900xf32>
    %reduce_sum3A_4385 = vector.shape_cast %select_n3A_4384 : vector<1x900xf32> to vector<1x1x900xf32>
    %reduce_sum3A_4386 = arith.constant dense<0.000000e+00> : vector<1xf32>
    %reduce_sum3A_4387 = vector.multi_reduction <add>, %reduce_sum3A_4385, %reduce_sum3A_4386 [1, 2] : vector<1x1x900xf32> to vector<1xf32>
    %reduce_sum3A_4388 = vector.shape_cast %reduce_sum3A_4387 : vector<1xf32> to vector<1x1x1xf32>
    %reduce_sum3A_4389 = vector.extract %reduce_sum3A_4388[0, 0, 0] : f32 from vector<1x1x1xf32>
    %eq3A_4390 = arith.constant 0 : i32
    %eq3A_4391 = vector.broadcast %eq3A_4390 : i32 to vector<8x128xi32>
    %eq3A_4392 = arith.cmpi eq, %iota3A_24, %eq3A_4391 : vector<8x128xi32>
    %eq3A_4393 = arith.constant 7 : i32
    %eq3A_4394 = vector.broadcast %eq3A_4393 : i32 to vector<8x128xi32>
    %eq3A_4395 = arith.cmpi eq, %iota3A_25, %eq3A_4394 : vector<8x128xi32>
    %and3A_4396 = arith.andi %eq3A_4392, %eq3A_4395 : vector<8x128xi1>
    %broadcast_in_dim3A_4397 = vector.broadcast %reduce_sum3A_4389 : f32 to vector<8x128xf32>
    %select_n3A_4398 = arith.select %and3A_4396, %broadcast_in_dim3A_4397, %select_n3A_4250 : vector<8x128xi1>, vector<8x128xf32>
    %get3A_4399 = arith.index_cast %get3A_4320 : i32 to index
    %get3A_4400 = arith.constant 7 : index
    %get3A_4401 = arith.constant 0 : index
    %get3A_4402 = vector.load %arg1[%get3A_4399, %get3A_4400, %get3A_4401] : memref<81x8x900xf32, #tpu.memory_space<vmem>>, vector<1x1x900xf32>
    %reshape3A_4403 = vector.shape_cast %get3A_4402 : vector<1x1x900xf32> to vector<1x900xf32>
    %eq3A_4404 = vector.broadcast %get3A_4260 : i32 to vector<1x900xi32>
    %eq3A_4405 = arith.cmpi eq, %iota3A, %eq3A_4404 : vector<1x900xi32>
    %jit3A_4406 = arith.constant 0.000000e+00 : f32
    %broadcast_in_dim3A_4407 = vector.broadcast %jit3A_4406 : f32 to vector<1x900xf32>
    %select_n3A_4408 = arith.select %eq3A_4405, %reshape3A_4403, %broadcast_in_dim3A_4407 : vector<1x900xi1>, vector<1x900xf32>
    %reduce_sum3A_4409 = vector.shape_cast %select_n3A_4408 : vector<1x900xf32> to vector<1x1x900xf32>
    %reduce_sum3A_4410 = arith.constant dense<0.000000e+00> : vector<1xf32>
    %reduce_sum3A_4411 = vector.multi_reduction <add>, %reduce_sum3A_4409, %reduce_sum3A_4410 [1, 2] : vector<1x1x900xf32> to vector<1xf32>
    %reduce_sum3A_4412 = vector.shape_cast %reduce_sum3A_4411 : vector<1xf32> to vector<1x1x1xf32>
    %reduce_sum3A_4413 = vector.extract %reduce_sum3A_4412[0, 0, 0] : f32 from vector<1x1x1xf32>
    %eq3A_4414 = arith.constant 1 : i32
    %eq3A_4415 = vector.broadcast %eq3A_4414 : i32 to vector<8x128xi32>
    %eq3A_4416 = arith.cmpi eq, %iota3A_24, %eq3A_4415 : vector<8x128xi32>
    %eq3A_4417 = arith.constant 7 : i32
    %eq3A_4418 = vector.broadcast %eq3A_4417 : i32 to vector<8x128xi32>
    %eq3A_4419 = arith.cmpi eq, %iota3A_25, %eq3A_4418 : vector<8x128xi32>
    %and3A_4420 = arith.andi %eq3A_4416, %eq3A_4419 : vector<8x128xi1>
    %broadcast_in_dim3A_4421 = vector.broadcast %reduce_sum3A_4413 : f32 to vector<8x128xf32>
    %select_n3A_4422 = arith.select %and3A_4420, %broadcast_in_dim3A_4421, %select_n3A_4398 : vector<8x128xi1>, vector<8x128xf32>
    %get3A_4423 = arith.index_cast %get3A_4323 : i32 to index
    %get3A_4424 = arith.constant 7 : index
    %get3A_4425 = arith.constant 0 : index
    %get3A_4426 = vector.load %arg1[%get3A_4423, %get3A_4424, %get3A_4425] : memref<81x8x900xf32, #tpu.memory_space<vmem>>, vector<1x1x900xf32>
    %reshape3A_4427 = vector.shape_cast %get3A_4426 : vector<1x1x900xf32> to vector<1x900xf32>
    %eq3A_4428 = vector.broadcast %get3A_4263 : i32 to vector<1x900xi32>
    %eq3A_4429 = arith.cmpi eq, %iota3A, %eq3A_4428 : vector<1x900xi32>
    %jit3A_4430 = arith.constant 0.000000e+00 : f32
    %broadcast_in_dim3A_4431 = vector.broadcast %jit3A_4430 : f32 to vector<1x900xf32>
    %select_n3A_4432 = arith.select %eq3A_4429, %reshape3A_4427, %broadcast_in_dim3A_4431 : vector<1x900xi1>, vector<1x900xf32>
    %reduce_sum3A_4433 = vector.shape_cast %select_n3A_4432 : vector<1x900xf32> to vector<1x1x900xf32>
    %reduce_sum3A_4434 = arith.constant dense<0.000000e+00> : vector<1xf32>
    %reduce_sum3A_4435 = vector.multi_reduction <add>, %reduce_sum3A_4433, %reduce_sum3A_4434 [1, 2] : vector<1x1x900xf32> to vector<1xf32>
    %reduce_sum3A_4436 = vector.shape_cast %reduce_sum3A_4435 : vector<1xf32> to vector<1x1x1xf32>
    %reduce_sum3A_4437 = vector.extract %reduce_sum3A_4436[0, 0, 0] : f32 from vector<1x1x1xf32>
    %eq3A_4438 = arith.constant 2 : i32
    %eq3A_4439 = vector.broadcast %eq3A_4438 : i32 to vector<8x128xi32>
    %eq3A_4440 = arith.cmpi eq, %iota3A_24, %eq3A_4439 : vector<8x128xi32>
    %eq3A_4441 = arith.constant 7 : i32
    %eq3A_4442 = vector.broadcast %eq3A_4441 : i32 to vector<8x128xi32>
    %eq3A_4443 = arith.cmpi eq, %iota3A_25, %eq3A_4442 : vector<8x128xi32>
    %and3A_4444 = arith.andi %eq3A_4440, %eq3A_4443 : vector<8x128xi1>
    %broadcast_in_dim3A_4445 = vector.broadcast %reduce_sum3A_4437 : f32 to vector<8x128xf32>
    %select_n3A_4446 = arith.select %and3A_4444, %broadcast_in_dim3A_4445, %select_n3A_4422 : vector<8x128xi1>, vector<8x128xf32>
    %get3A_4447 = arith.index_cast %get3A_4326 : i32 to index
    %get3A_4448 = arith.constant 7 : index
    %get3A_4449 = arith.constant 0 : index
    %get3A_4450 = vector.load %arg1[%get3A_4447, %get3A_4448, %get3A_4449] : memref<81x8x900xf32, #tpu.memory_space<vmem>>, vector<1x1x900xf32>
    %reshape3A_4451 = vector.shape_cast %get3A_4450 : vector<1x1x900xf32> to vector<1x900xf32>
    %eq3A_4452 = vector.broadcast %get3A_4266 : i32 to vector<1x900xi32>
    %eq3A_4453 = arith.cmpi eq, %iota3A, %eq3A_4452 : vector<1x900xi32>
    %jit3A_4454 = arith.constant 0.000000e+00 : f32
    %broadcast_in_dim3A_4455 = vector.broadcast %jit3A_4454 : f32 to vector<1x900xf32>
    %select_n3A_4456 = arith.select %eq3A_4453, %reshape3A_4451, %broadcast_in_dim3A_4455 : vector<1x900xi1>, vector<1x900xf32>
    %reduce_sum3A_4457 = vector.shape_cast %select_n3A_4456 : vector<1x900xf32> to vector<1x1x900xf32>
    %reduce_sum3A_4458 = arith.constant dense<0.000000e+00> : vector<1xf32>
    %reduce_sum3A_4459 = vector.multi_reduction <add>, %reduce_sum3A_4457, %reduce_sum3A_4458 [1, 2] : vector<1x1x900xf32> to vector<1xf32>
    %reduce_sum3A_4460 = vector.shape_cast %reduce_sum3A_4459 : vector<1xf32> to vector<1x1x1xf32>
    %reduce_sum3A_4461 = vector.extract %reduce_sum3A_4460[0, 0, 0] : f32 from vector<1x1x1xf32>
    %eq3A_4462 = arith.constant 3 : i32
    %eq3A_4463 = vector.broadcast %eq3A_4462 : i32 to vector<8x128xi32>
    %eq3A_4464 = arith.cmpi eq, %iota3A_24, %eq3A_4463 : vector<8x128xi32>
    %eq3A_4465 = arith.constant 7 : i32
    %eq3A_4466 = vector.broadcast %eq3A_4465 : i32 to vector<8x128xi32>
    %eq3A_4467 = arith.cmpi eq, %iota3A_25, %eq3A_4466 : vector<8x128xi32>
    %and3A_4468 = arith.andi %eq3A_4464, %eq3A_4467 : vector<8x128xi1>
    %broadcast_in_dim3A_4469 = vector.broadcast %reduce_sum3A_4461 : f32 to vector<8x128xf32>
    %select_n3A_4470 = arith.select %and3A_4468, %broadcast_in_dim3A_4469, %select_n3A_4446 : vector<8x128xi1>, vector<8x128xf32>
    %get3A_4471 = arith.index_cast %get3A_4329 : i32 to index
    %get3A_4472 = arith.constant 7 : index
    %get3A_4473 = arith.constant 0 : index
    %get3A_4474 = vector.load %arg1[%get3A_4471, %get3A_4472, %get3A_4473] : memref<81x8x900xf32, #tpu.memory_space<vmem>>, vector<1x1x900xf32>
    %reshape3A_4475 = vector.shape_cast %get3A_4474 : vector<1x1x900xf32> to vector<1x900xf32>
    %eq3A_4476 = vector.broadcast %get3A_4269 : i32 to vector<1x900xi32>
    %eq3A_4477 = arith.cmpi eq, %iota3A, %eq3A_4476 : vector<1x900xi32>
    %jit3A_4478 = arith.constant 0.000000e+00 : f32
    %broadcast_in_dim3A_4479 = vector.broadcast %jit3A_4478 : f32 to vector<1x900xf32>
    %select_n3A_4480 = arith.select %eq3A_4477, %reshape3A_4475, %broadcast_in_dim3A_4479 : vector<1x900xi1>, vector<1x900xf32>
    %reduce_sum3A_4481 = vector.shape_cast %select_n3A_4480 : vector<1x900xf32> to vector<1x1x900xf32>
    %reduce_sum3A_4482 = arith.constant dense<0.000000e+00> : vector<1xf32>
    %reduce_sum3A_4483 = vector.multi_reduction <add>, %reduce_sum3A_4481, %reduce_sum3A_4482 [1, 2] : vector<1x1x900xf32> to vector<1xf32>
    %reduce_sum3A_4484 = vector.shape_cast %reduce_sum3A_4483 : vector<1xf32> to vector<1x1x1xf32>
    %reduce_sum3A_4485 = vector.extract %reduce_sum3A_4484[0, 0, 0] : f32 from vector<1x1x1xf32>
    %eq3A_4486 = arith.constant 4 : i32
    %eq3A_4487 = vector.broadcast %eq3A_4486 : i32 to vector<8x128xi32>
    %eq3A_4488 = arith.cmpi eq, %iota3A_24, %eq3A_4487 : vector<8x128xi32>
    %eq3A_4489 = arith.constant 7 : i32
    %eq3A_4490 = vector.broadcast %eq3A_4489 : i32 to vector<8x128xi32>
    %eq3A_4491 = arith.cmpi eq, %iota3A_25, %eq3A_4490 : vector<8x128xi32>
    %and3A_4492 = arith.andi %eq3A_4488, %eq3A_4491 : vector<8x128xi1>
    %broadcast_in_dim3A_4493 = vector.broadcast %reduce_sum3A_4485 : f32 to vector<8x128xf32>
    %select_n3A_4494 = arith.select %and3A_4492, %broadcast_in_dim3A_4493, %select_n3A_4470 : vector<8x128xi1>, vector<8x128xf32>
    %get3A_4495 = arith.index_cast %get3A_4332 : i32 to index
    %get3A_4496 = arith.constant 7 : index
    %get3A_4497 = arith.constant 0 : index
    %get3A_4498 = vector.load %arg1[%get3A_4495, %get3A_4496, %get3A_4497] : memref<81x8x900xf32, #tpu.memory_space<vmem>>, vector<1x1x900xf32>
    %reshape3A_4499 = vector.shape_cast %get3A_4498 : vector<1x1x900xf32> to vector<1x900xf32>
    %eq3A_4500 = vector.broadcast %get3A_4272 : i32 to vector<1x900xi32>
    %eq3A_4501 = arith.cmpi eq, %iota3A, %eq3A_4500 : vector<1x900xi32>
    %jit3A_4502 = arith.constant 0.000000e+00 : f32
    %broadcast_in_dim3A_4503 = vector.broadcast %jit3A_4502 : f32 to vector<1x900xf32>
    %select_n3A_4504 = arith.select %eq3A_4501, %reshape3A_4499, %broadcast_in_dim3A_4503 : vector<1x900xi1>, vector<1x900xf32>
    %reduce_sum3A_4505 = vector.shape_cast %select_n3A_4504 : vector<1x900xf32> to vector<1x1x900xf32>
    %reduce_sum3A_4506 = arith.constant dense<0.000000e+00> : vector<1xf32>
    %reduce_sum3A_4507 = vector.multi_reduction <add>, %reduce_sum3A_4505, %reduce_sum3A_4506 [1, 2] : vector<1x1x900xf32> to vector<1xf32>
    %reduce_sum3A_4508 = vector.shape_cast %reduce_sum3A_4507 : vector<1xf32> to vector<1x1x1xf32>
    %reduce_sum3A_4509 = vector.extract %reduce_sum3A_4508[0, 0, 0] : f32 from vector<1x1x1xf32>
    %eq3A_4510 = arith.constant 5 : i32
    %eq3A_4511 = vector.broadcast %eq3A_4510 : i32 to vector<8x128xi32>
    %eq3A_4512 = arith.cmpi eq, %iota3A_24, %eq3A_4511 : vector<8x128xi32>
    %eq3A_4513 = arith.constant 7 : i32
    %eq3A_4514 = vector.broadcast %eq3A_4513 : i32 to vector<8x128xi32>
    %eq3A_4515 = arith.cmpi eq, %iota3A_25, %eq3A_4514 : vector<8x128xi32>
    %and3A_4516 = arith.andi %eq3A_4512, %eq3A_4515 : vector<8x128xi1>
    %broadcast_in_dim3A_4517 = vector.broadcast %reduce_sum3A_4509 : f32 to vector<8x128xf32>
    %select_n3A_4518 = arith.select %and3A_4516, %broadcast_in_dim3A_4517, %select_n3A_4494 : vector<8x128xi1>, vector<8x128xf32>
    %get3A_4519 = arith.index_cast %get3A_4335 : i32 to index
    %get3A_4520 = arith.constant 7 : index
    %get3A_4521 = arith.constant 0 : index
    %get3A_4522 = vector.load %arg1[%get3A_4519, %get3A_4520, %get3A_4521] : memref<81x8x900xf32, #tpu.memory_space<vmem>>, vector<1x1x900xf32>
    %reshape3A_4523 = vector.shape_cast %get3A_4522 : vector<1x1x900xf32> to vector<1x900xf32>
    %eq3A_4524 = vector.broadcast %get3A_4275 : i32 to vector<1x900xi32>
    %eq3A_4525 = arith.cmpi eq, %iota3A, %eq3A_4524 : vector<1x900xi32>
    %jit3A_4526 = arith.constant 0.000000e+00 : f32
    %broadcast_in_dim3A_4527 = vector.broadcast %jit3A_4526 : f32 to vector<1x900xf32>
    %select_n3A_4528 = arith.select %eq3A_4525, %reshape3A_4523, %broadcast_in_dim3A_4527 : vector<1x900xi1>, vector<1x900xf32>
    %reduce_sum3A_4529 = vector.shape_cast %select_n3A_4528 : vector<1x900xf32> to vector<1x1x900xf32>
    %reduce_sum3A_4530 = arith.constant dense<0.000000e+00> : vector<1xf32>
    %reduce_sum3A_4531 = vector.multi_reduction <add>, %reduce_sum3A_4529, %reduce_sum3A_4530 [1, 2] : vector<1x1x900xf32> to vector<1xf32>
    %reduce_sum3A_4532 = vector.shape_cast %reduce_sum3A_4531 : vector<1xf32> to vector<1x1x1xf32>
    %reduce_sum3A_4533 = vector.extract %reduce_sum3A_4532[0, 0, 0] : f32 from vector<1x1x1xf32>
    %eq3A_4534 = arith.constant 6 : i32
    %eq3A_4535 = vector.broadcast %eq3A_4534 : i32 to vector<8x128xi32>
    %eq3A_4536 = arith.cmpi eq, %iota3A_24, %eq3A_4535 : vector<8x128xi32>
    %eq3A_4537 = arith.constant 7 : i32
    %eq3A_4538 = vector.broadcast %eq3A_4537 : i32 to vector<8x128xi32>
    %eq3A_4539 = arith.cmpi eq, %iota3A_25, %eq3A_4538 : vector<8x128xi32>
    %and3A_4540 = arith.andi %eq3A_4536, %eq3A_4539 : vector<8x128xi1>
    %broadcast_in_dim3A_4541 = vector.broadcast %reduce_sum3A_4533 : f32 to vector<8x128xf32>
    %select_n3A_4542 = arith.select %and3A_4540, %broadcast_in_dim3A_4541, %select_n3A_4518 : vector<8x128xi1>, vector<8x128xf32>
    %get3A_4543 = arith.index_cast %get3A_4338 : i32 to index
    %get3A_4544 = arith.constant 7 : index
    %get3A_4545 = arith.constant 0 : index
    %get3A_4546 = vector.load %arg1[%get3A_4543, %get3A_4544, %get3A_4545] : memref<81x8x900xf32, #tpu.memory_space<vmem>>, vector<1x1x900xf32>
    %reshape3A_4547 = vector.shape_cast %get3A_4546 : vector<1x1x900xf32> to vector<1x900xf32>
    %eq3A_4548 = vector.broadcast %get3A_4278 : i32 to vector<1x900xi32>
    %eq3A_4549 = arith.cmpi eq, %iota3A, %eq3A_4548 : vector<1x900xi32>
    %jit3A_4550 = arith.constant 0.000000e+00 : f32
    %broadcast_in_dim3A_4551 = vector.broadcast %jit3A_4550 : f32 to vector<1x900xf32>
    %select_n3A_4552 = arith.select %eq3A_4549, %reshape3A_4547, %broadcast_in_dim3A_4551 : vector<1x900xi1>, vector<1x900xf32>
    %reduce_sum3A_4553 = vector.shape_cast %select_n3A_4552 : vector<1x900xf32> to vector<1x1x900xf32>
    %reduce_sum3A_4554 = arith.constant dense<0.000000e+00> : vector<1xf32>
    %reduce_sum3A_4555 = vector.multi_reduction <add>, %reduce_sum3A_4553, %reduce_sum3A_4554 [1, 2] : vector<1x1x900xf32> to vector<1xf32>
    %reduce_sum3A_4556 = vector.shape_cast %reduce_sum3A_4555 : vector<1xf32> to vector<1x1x1xf32>
    %reduce_sum3A_4557 = vector.extract %reduce_sum3A_4556[0, 0, 0] : f32 from vector<1x1x1xf32>
    %eq3A_4558 = arith.constant 7 : i32
    %eq3A_4559 = vector.broadcast %eq3A_4558 : i32 to vector<8x128xi32>
    %eq3A_4560 = arith.cmpi eq, %iota3A_24, %eq3A_4559 : vector<8x128xi32>
    %eq3A_4561 = arith.constant 7 : i32
    %eq3A_4562 = vector.broadcast %eq3A_4561 : i32 to vector<8x128xi32>
    %eq3A_4563 = arith.cmpi eq, %iota3A_25, %eq3A_4562 : vector<8x128xi32>
    %and3A_4564 = arith.andi %eq3A_4560, %eq3A_4563 : vector<8x128xi1>
    %broadcast_in_dim3A_4565 = vector.broadcast %reduce_sum3A_4557 : f32 to vector<8x128xf32>
    %select_n3A_4566 = arith.select %and3A_4564, %broadcast_in_dim3A_4565, %select_n3A_4542 : vector<8x128xi1>, vector<8x128xf32>
    %get3A_4567 = arith.index_cast %get3A_4341 : i32 to index
    %get3A_4568 = arith.constant 7 : index
    %get3A_4569 = arith.constant 0 : index
    %get3A_4570 = vector.load %arg1[%get3A_4567, %get3A_4568, %get3A_4569] : memref<81x8x900xf32, #tpu.memory_space<vmem>>, vector<1x1x900xf32>
    %reshape3A_4571 = vector.shape_cast %get3A_4570 : vector<1x1x900xf32> to vector<1x900xf32>
    %eq3A_4572 = vector.broadcast %get3A_4281 : i32 to vector<1x900xi32>
    %eq3A_4573 = arith.cmpi eq, %iota3A, %eq3A_4572 : vector<1x900xi32>
    %jit3A_4574 = arith.constant 0.000000e+00 : f32
    %broadcast_in_dim3A_4575 = vector.broadcast %jit3A_4574 : f32 to vector<1x900xf32>
    %select_n3A_4576 = arith.select %eq3A_4573, %reshape3A_4571, %broadcast_in_dim3A_4575 : vector<1x900xi1>, vector<1x900xf32>
    %reduce_sum3A_4577 = vector.shape_cast %select_n3A_4576 : vector<1x900xf32> to vector<1x1x900xf32>
    %reduce_sum3A_4578 = arith.constant dense<0.000000e+00> : vector<1xf32>
    %reduce_sum3A_4579 = vector.multi_reduction <add>, %reduce_sum3A_4577, %reduce_sum3A_4578 [1, 2] : vector<1x1x900xf32> to vector<1xf32>
    %reduce_sum3A_4580 = vector.shape_cast %reduce_sum3A_4579 : vector<1xf32> to vector<1x1x1xf32>
    %reduce_sum3A_4581 = vector.extract %reduce_sum3A_4580[0, 0, 0] : f32 from vector<1x1x1xf32>
    %eq3A_4582 = arith.constant 8 : i32
    %eq3A_4583 = vector.broadcast %eq3A_4582 : i32 to vector<8x128xi32>
    %eq3A_4584 = arith.cmpi eq, %iota3A_24, %eq3A_4583 : vector<8x128xi32>
    %eq3A_4585 = arith.constant 7 : i32
    %eq3A_4586 = vector.broadcast %eq3A_4585 : i32 to vector<8x128xi32>
    %eq3A_4587 = arith.cmpi eq, %iota3A_25, %eq3A_4586 : vector<8x128xi32>
    %and3A_4588 = arith.andi %eq3A_4584, %eq3A_4587 : vector<8x128xi1>
    %broadcast_in_dim3A_4589 = vector.broadcast %reduce_sum3A_4581 : f32 to vector<8x128xf32>
    %select_n3A_4590 = arith.select %and3A_4588, %broadcast_in_dim3A_4589, %select_n3A_4566 : vector<8x128xi1>, vector<8x128xf32>
    %get3A_4591 = arith.index_cast %get3A_4344 : i32 to index
    %get3A_4592 = arith.constant 7 : index
    %get3A_4593 = arith.constant 0 : index
    %get3A_4594 = vector.load %arg1[%get3A_4591, %get3A_4592, %get3A_4593] : memref<81x8x900xf32, #tpu.memory_space<vmem>>, vector<1x1x900xf32>
    %reshape3A_4595 = vector.shape_cast %get3A_4594 : vector<1x1x900xf32> to vector<1x900xf32>
    %eq3A_4596 = vector.broadcast %get3A_4284 : i32 to vector<1x900xi32>
    %eq3A_4597 = arith.cmpi eq, %iota3A, %eq3A_4596 : vector<1x900xi32>
    %jit3A_4598 = arith.constant 0.000000e+00 : f32
    %broadcast_in_dim3A_4599 = vector.broadcast %jit3A_4598 : f32 to vector<1x900xf32>
    %select_n3A_4600 = arith.select %eq3A_4597, %reshape3A_4595, %broadcast_in_dim3A_4599 : vector<1x900xi1>, vector<1x900xf32>
    %reduce_sum3A_4601 = vector.shape_cast %select_n3A_4600 : vector<1x900xf32> to vector<1x1x900xf32>
    %reduce_sum3A_4602 = arith.constant dense<0.000000e+00> : vector<1xf32>
    %reduce_sum3A_4603 = vector.multi_reduction <add>, %reduce_sum3A_4601, %reduce_sum3A_4602 [1, 2] : vector<1x1x900xf32> to vector<1xf32>
    %reduce_sum3A_4604 = vector.shape_cast %reduce_sum3A_4603 : vector<1xf32> to vector<1x1x1xf32>
    %reduce_sum3A_4605 = vector.extract %reduce_sum3A_4604[0, 0, 0] : f32 from vector<1x1x1xf32>
    %eq3A_4606 = arith.constant 9 : i32
    %eq3A_4607 = vector.broadcast %eq3A_4606 : i32 to vector<8x128xi32>
    %eq3A_4608 = arith.cmpi eq, %iota3A_24, %eq3A_4607 : vector<8x128xi32>
    %eq3A_4609 = arith.constant 7 : i32
    %eq3A_4610 = vector.broadcast %eq3A_4609 : i32 to vector<8x128xi32>
    %eq3A_4611 = arith.cmpi eq, %iota3A_25, %eq3A_4610 : vector<8x128xi32>
    %and3A_4612 = arith.andi %eq3A_4608, %eq3A_4611 : vector<8x128xi1>
    %broadcast_in_dim3A_4613 = vector.broadcast %reduce_sum3A_4605 : f32 to vector<8x128xf32>
    %select_n3A_4614 = arith.select %and3A_4612, %broadcast_in_dim3A_4613, %select_n3A_4590 : vector<8x128xi1>, vector<8x128xf32>
    %get3A_4615 = arith.index_cast %get3A_4347 : i32 to index
    %get3A_4616 = arith.constant 7 : index
    %get3A_4617 = arith.constant 0 : index
    %get3A_4618 = vector.load %arg1[%get3A_4615, %get3A_4616, %get3A_4617] : memref<81x8x900xf32, #tpu.memory_space<vmem>>, vector<1x1x900xf32>
    %reshape3A_4619 = vector.shape_cast %get3A_4618 : vector<1x1x900xf32> to vector<1x900xf32>
    %eq3A_4620 = vector.broadcast %get3A_4287 : i32 to vector<1x900xi32>
    %eq3A_4621 = arith.cmpi eq, %iota3A, %eq3A_4620 : vector<1x900xi32>
    %jit3A_4622 = arith.constant 0.000000e+00 : f32
    %broadcast_in_dim3A_4623 = vector.broadcast %jit3A_4622 : f32 to vector<1x900xf32>
    %select_n3A_4624 = arith.select %eq3A_4621, %reshape3A_4619, %broadcast_in_dim3A_4623 : vector<1x900xi1>, vector<1x900xf32>
    %reduce_sum3A_4625 = vector.shape_cast %select_n3A_4624 : vector<1x900xf32> to vector<1x1x900xf32>
    %reduce_sum3A_4626 = arith.constant dense<0.000000e+00> : vector<1xf32>
    %reduce_sum3A_4627 = vector.multi_reduction <add>, %reduce_sum3A_4625, %reduce_sum3A_4626 [1, 2] : vector<1x1x900xf32> to vector<1xf32>
    %reduce_sum3A_4628 = vector.shape_cast %reduce_sum3A_4627 : vector<1xf32> to vector<1x1x1xf32>
    %reduce_sum3A_4629 = vector.extract %reduce_sum3A_4628[0, 0, 0] : f32 from vector<1x1x1xf32>
    %eq3A_4630 = arith.constant 10 : i32
    %eq3A_4631 = vector.broadcast %eq3A_4630 : i32 to vector<8x128xi32>
    %eq3A_4632 = arith.cmpi eq, %iota3A_24, %eq3A_4631 : vector<8x128xi32>
    %eq3A_4633 = arith.constant 7 : i32
    %eq3A_4634 = vector.broadcast %eq3A_4633 : i32 to vector<8x128xi32>
    %eq3A_4635 = arith.cmpi eq, %iota3A_25, %eq3A_4634 : vector<8x128xi32>
    %and3A_4636 = arith.andi %eq3A_4632, %eq3A_4635 : vector<8x128xi1>
    %broadcast_in_dim3A_4637 = vector.broadcast %reduce_sum3A_4629 : f32 to vector<8x128xf32>
    %select_n3A_4638 = arith.select %and3A_4636, %broadcast_in_dim3A_4637, %select_n3A_4614 : vector<8x128xi1>, vector<8x128xf32>
    %get3A_4639 = arith.index_cast %get3A_4350 : i32 to index
    %get3A_4640 = arith.constant 7 : index
    %get3A_4641 = arith.constant 0 : index
    %get3A_4642 = vector.load %arg1[%get3A_4639, %get3A_4640, %get3A_4641] : memref<81x8x900xf32, #tpu.memory_space<vmem>>, vector<1x1x900xf32>
    %reshape3A_4643 = vector.shape_cast %get3A_4642 : vector<1x1x900xf32> to vector<1x900xf32>
    %eq3A_4644 = vector.broadcast %get3A_4290 : i32 to vector<1x900xi32>
    %eq3A_4645 = arith.cmpi eq, %iota3A, %eq3A_4644 : vector<1x900xi32>
    %jit3A_4646 = arith.constant 0.000000e+00 : f32
    %broadcast_in_dim3A_4647 = vector.broadcast %jit3A_4646 : f32 to vector<1x900xf32>
    %select_n3A_4648 = arith.select %eq3A_4645, %reshape3A_4643, %broadcast_in_dim3A_4647 : vector<1x900xi1>, vector<1x900xf32>
    %reduce_sum3A_4649 = vector.shape_cast %select_n3A_4648 : vector<1x900xf32> to vector<1x1x900xf32>
    %reduce_sum3A_4650 = arith.constant dense<0.000000e+00> : vector<1xf32>
    %reduce_sum3A_4651 = vector.multi_reduction <add>, %reduce_sum3A_4649, %reduce_sum3A_4650 [1, 2] : vector<1x1x900xf32> to vector<1xf32>
    %reduce_sum3A_4652 = vector.shape_cast %reduce_sum3A_4651 : vector<1xf32> to vector<1x1x1xf32>
    %reduce_sum3A_4653 = vector.extract %reduce_sum3A_4652[0, 0, 0] : f32 from vector<1x1x1xf32>
    %eq3A_4654 = arith.constant 11 : i32
    %eq3A_4655 = vector.broadcast %eq3A_4654 : i32 to vector<8x128xi32>
    %eq3A_4656 = arith.cmpi eq, %iota3A_24, %eq3A_4655 : vector<8x128xi32>
    %eq3A_4657 = arith.constant 7 : i32
    %eq3A_4658 = vector.broadcast %eq3A_4657 : i32 to vector<8x128xi32>
    %eq3A_4659 = arith.cmpi eq, %iota3A_25, %eq3A_4658 : vector<8x128xi32>
    %and3A_4660 = arith.andi %eq3A_4656, %eq3A_4659 : vector<8x128xi1>
    %broadcast_in_dim3A_4661 = vector.broadcast %reduce_sum3A_4653 : f32 to vector<8x128xf32>
    %select_n3A_4662 = arith.select %and3A_4660, %broadcast_in_dim3A_4661, %select_n3A_4638 : vector<8x128xi1>, vector<8x128xf32>
    %get3A_4663 = arith.index_cast %get3A_4353 : i32 to index
    %get3A_4664 = arith.constant 7 : index
    %get3A_4665 = arith.constant 0 : index
    %get3A_4666 = vector.load %arg1[%get3A_4663, %get3A_4664, %get3A_4665] : memref<81x8x900xf32, #tpu.memory_space<vmem>>, vector<1x1x900xf32>
    %reshape3A_4667 = vector.shape_cast %get3A_4666 : vector<1x1x900xf32> to vector<1x900xf32>
    %eq3A_4668 = vector.broadcast %get3A_4293 : i32 to vector<1x900xi32>
    %eq3A_4669 = arith.cmpi eq, %iota3A, %eq3A_4668 : vector<1x900xi32>
    %jit3A_4670 = arith.constant 0.000000e+00 : f32
    %broadcast_in_dim3A_4671 = vector.broadcast %jit3A_4670 : f32 to vector<1x900xf32>
    %select_n3A_4672 = arith.select %eq3A_4669, %reshape3A_4667, %broadcast_in_dim3A_4671 : vector<1x900xi1>, vector<1x900xf32>
    %reduce_sum3A_4673 = vector.shape_cast %select_n3A_4672 : vector<1x900xf32> to vector<1x1x900xf32>
    %reduce_sum3A_4674 = arith.constant dense<0.000000e+00> : vector<1xf32>
    %reduce_sum3A_4675 = vector.multi_reduction <add>, %reduce_sum3A_4673, %reduce_sum3A_4674 [1, 2] : vector<1x1x900xf32> to vector<1xf32>
    %reduce_sum3A_4676 = vector.shape_cast %reduce_sum3A_4675 : vector<1xf32> to vector<1x1x1xf32>
    %reduce_sum3A_4677 = vector.extract %reduce_sum3A_4676[0, 0, 0] : f32 from vector<1x1x1xf32>
    %eq3A_4678 = arith.constant 12 : i32
    %eq3A_4679 = vector.broadcast %eq3A_4678 : i32 to vector<8x128xi32>
    %eq3A_4680 = arith.cmpi eq, %iota3A_24, %eq3A_4679 : vector<8x128xi32>
    %eq3A_4681 = arith.constant 7 : i32
    %eq3A_4682 = vector.broadcast %eq3A_4681 : i32 to vector<8x128xi32>
    %eq3A_4683 = arith.cmpi eq, %iota3A_25, %eq3A_4682 : vector<8x128xi32>
    %and3A_4684 = arith.andi %eq3A_4680, %eq3A_4683 : vector<8x128xi1>
    %broadcast_in_dim3A_4685 = vector.broadcast %reduce_sum3A_4677 : f32 to vector<8x128xf32>
    %select_n3A_4686 = arith.select %and3A_4684, %broadcast_in_dim3A_4685, %select_n3A_4662 : vector<8x128xi1>, vector<8x128xf32>
    %get3A_4687 = arith.index_cast %get3A_4356 : i32 to index
    %get3A_4688 = arith.constant 7 : index
    %get3A_4689 = arith.constant 0 : index
    %get3A_4690 = vector.load %arg1[%get3A_4687, %get3A_4688, %get3A_4689] : memref<81x8x900xf32, #tpu.memory_space<vmem>>, vector<1x1x900xf32>
    %reshape3A_4691 = vector.shape_cast %get3A_4690 : vector<1x1x900xf32> to vector<1x900xf32>
    %eq3A_4692 = vector.broadcast %get3A_4296 : i32 to vector<1x900xi32>
    %eq3A_4693 = arith.cmpi eq, %iota3A, %eq3A_4692 : vector<1x900xi32>
    %jit3A_4694 = arith.constant 0.000000e+00 : f32
    %broadcast_in_dim3A_4695 = vector.broadcast %jit3A_4694 : f32 to vector<1x900xf32>
    %select_n3A_4696 = arith.select %eq3A_4693, %reshape3A_4691, %broadcast_in_dim3A_4695 : vector<1x900xi1>, vector<1x900xf32>
    %reduce_sum3A_4697 = vector.shape_cast %select_n3A_4696 : vector<1x900xf32> to vector<1x1x900xf32>
    %reduce_sum3A_4698 = arith.constant dense<0.000000e+00> : vector<1xf32>
    %reduce_sum3A_4699 = vector.multi_reduction <add>, %reduce_sum3A_4697, %reduce_sum3A_4698 [1, 2] : vector<1x1x900xf32> to vector<1xf32>
    %reduce_sum3A_4700 = vector.shape_cast %reduce_sum3A_4699 : vector<1xf32> to vector<1x1x1xf32>
    %reduce_sum3A_4701 = vector.extract %reduce_sum3A_4700[0, 0, 0] : f32 from vector<1x1x1xf32>
    %eq3A_4702 = arith.constant 13 : i32
    %eq3A_4703 = vector.broadcast %eq3A_4702 : i32 to vector<8x128xi32>
    %eq3A_4704 = arith.cmpi eq, %iota3A_24, %eq3A_4703 : vector<8x128xi32>
    %eq3A_4705 = arith.constant 7 : i32
    %eq3A_4706 = vector.broadcast %eq3A_4705 : i32 to vector<8x128xi32>
    %eq3A_4707 = arith.cmpi eq, %iota3A_25, %eq3A_4706 : vector<8x128xi32>
    %and3A_4708 = arith.andi %eq3A_4704, %eq3A_4707 : vector<8x128xi1>
    %broadcast_in_dim3A_4709 = vector.broadcast %reduce_sum3A_4701 : f32 to vector<8x128xf32>
    %select_n3A_4710 = arith.select %and3A_4708, %broadcast_in_dim3A_4709, %select_n3A_4686 : vector<8x128xi1>, vector<8x128xf32>
    %get3A_4711 = arith.index_cast %get3A_4359 : i32 to index
    %get3A_4712 = arith.constant 7 : index
    %get3A_4713 = arith.constant 0 : index
    %get3A_4714 = vector.load %arg1[%get3A_4711, %get3A_4712, %get3A_4713] : memref<81x8x900xf32, #tpu.memory_space<vmem>>, vector<1x1x900xf32>
    %reshape3A_4715 = vector.shape_cast %get3A_4714 : vector<1x1x900xf32> to vector<1x900xf32>
    %eq3A_4716 = vector.broadcast %get3A_4299 : i32 to vector<1x900xi32>
    %eq3A_4717 = arith.cmpi eq, %iota3A, %eq3A_4716 : vector<1x900xi32>
    %jit3A_4718 = arith.constant 0.000000e+00 : f32
    %broadcast_in_dim3A_4719 = vector.broadcast %jit3A_4718 : f32 to vector<1x900xf32>
    %select_n3A_4720 = arith.select %eq3A_4717, %reshape3A_4715, %broadcast_in_dim3A_4719 : vector<1x900xi1>, vector<1x900xf32>
    %reduce_sum3A_4721 = vector.shape_cast %select_n3A_4720 : vector<1x900xf32> to vector<1x1x900xf32>
    %reduce_sum3A_4722 = arith.constant dense<0.000000e+00> : vector<1xf32>
    %reduce_sum3A_4723 = vector.multi_reduction <add>, %reduce_sum3A_4721, %reduce_sum3A_4722 [1, 2] : vector<1x1x900xf32> to vector<1xf32>
    %reduce_sum3A_4724 = vector.shape_cast %reduce_sum3A_4723 : vector<1xf32> to vector<1x1x1xf32>
    %reduce_sum3A_4725 = vector.extract %reduce_sum3A_4724[0, 0, 0] : f32 from vector<1x1x1xf32>
    %eq3A_4726 = arith.constant 14 : i32
    %eq3A_4727 = vector.broadcast %eq3A_4726 : i32 to vector<8x128xi32>
    %eq3A_4728 = arith.cmpi eq, %iota3A_24, %eq3A_4727 : vector<8x128xi32>
    %eq3A_4729 = arith.constant 7 : i32
    %eq3A_4730 = vector.broadcast %eq3A_4729 : i32 to vector<8x128xi32>
    %eq3A_4731 = arith.cmpi eq, %iota3A_25, %eq3A_4730 : vector<8x128xi32>
    %and3A_4732 = arith.andi %eq3A_4728, %eq3A_4731 : vector<8x128xi1>
    %broadcast_in_dim3A_4733 = vector.broadcast %reduce_sum3A_4725 : f32 to vector<8x128xf32>
    %select_n3A_4734 = arith.select %and3A_4732, %broadcast_in_dim3A_4733, %select_n3A_4710 : vector<8x128xi1>, vector<8x128xf32>
    %get3A_4735 = arith.index_cast %get3A_4362 : i32 to index
    %get3A_4736 = arith.constant 7 : index
    %get3A_4737 = arith.constant 0 : index
    %get3A_4738 = vector.load %arg1[%get3A_4735, %get3A_4736, %get3A_4737] : memref<81x8x900xf32, #tpu.memory_space<vmem>>, vector<1x1x900xf32>
    %reshape3A_4739 = vector.shape_cast %get3A_4738 : vector<1x1x900xf32> to vector<1x900xf32>
    %eq3A_4740 = vector.broadcast %get3A_4302 : i32 to vector<1x900xi32>
    %eq3A_4741 = arith.cmpi eq, %iota3A, %eq3A_4740 : vector<1x900xi32>
    %jit3A_4742 = arith.constant 0.000000e+00 : f32
    %broadcast_in_dim3A_4743 = vector.broadcast %jit3A_4742 : f32 to vector<1x900xf32>
    %select_n3A_4744 = arith.select %eq3A_4741, %reshape3A_4739, %broadcast_in_dim3A_4743 : vector<1x900xi1>, vector<1x900xf32>
    %reduce_sum3A_4745 = vector.shape_cast %select_n3A_4744 : vector<1x900xf32> to vector<1x1x900xf32>
    %reduce_sum3A_4746 = arith.constant dense<0.000000e+00> : vector<1xf32>
    %reduce_sum3A_4747 = vector.multi_reduction <add>, %reduce_sum3A_4745, %reduce_sum3A_4746 [1, 2] : vector<1x1x900xf32> to vector<1xf32>
    %reduce_sum3A_4748 = vector.shape_cast %reduce_sum3A_4747 : vector<1xf32> to vector<1x1x1xf32>
    %reduce_sum3A_4749 = vector.extract %reduce_sum3A_4748[0, 0, 0] : f32 from vector<1x1x1xf32>
    %eq3A_4750 = arith.constant 15 : i32
    %eq3A_4751 = vector.broadcast %eq3A_4750 : i32 to vector<8x128xi32>
    %eq3A_4752 = arith.cmpi eq, %iota3A_24, %eq3A_4751 : vector<8x128xi32>
    %eq3A_4753 = arith.constant 7 : i32
    %eq3A_4754 = vector.broadcast %eq3A_4753 : i32 to vector<8x128xi32>
    %eq3A_4755 = arith.cmpi eq, %iota3A_25, %eq3A_4754 : vector<8x128xi32>
    %and3A_4756 = arith.andi %eq3A_4752, %eq3A_4755 : vector<8x128xi1>
    %broadcast_in_dim3A_4757 = vector.broadcast %reduce_sum3A_4749 : f32 to vector<8x128xf32>
    %select_n3A_4758 = arith.select %and3A_4756, %broadcast_in_dim3A_4757, %select_n3A_4734 : vector<8x128xi1>, vector<8x128xf32>
    %get3A_4759 = arith.index_cast %get3A_4365 : i32 to index
    %get3A_4760 = arith.constant 7 : index
    %get3A_4761 = arith.constant 0 : index
    %get3A_4762 = vector.load %arg1[%get3A_4759, %get3A_4760, %get3A_4761] : memref<81x8x900xf32, #tpu.memory_space<vmem>>, vector<1x1x900xf32>
    %reshape3A_4763 = vector.shape_cast %get3A_4762 : vector<1x1x900xf32> to vector<1x900xf32>
    %eq3A_4764 = vector.broadcast %get3A_4305 : i32 to vector<1x900xi32>
    %eq3A_4765 = arith.cmpi eq, %iota3A, %eq3A_4764 : vector<1x900xi32>
    %jit3A_4766 = arith.constant 0.000000e+00 : f32
    %broadcast_in_dim3A_4767 = vector.broadcast %jit3A_4766 : f32 to vector<1x900xf32>
    %select_n3A_4768 = arith.select %eq3A_4765, %reshape3A_4763, %broadcast_in_dim3A_4767 : vector<1x900xi1>, vector<1x900xf32>
    %reduce_sum3A_4769 = vector.shape_cast %select_n3A_4768 : vector<1x900xf32> to vector<1x1x900xf32>
    %reduce_sum3A_4770 = arith.constant dense<0.000000e+00> : vector<1xf32>
    %reduce_sum3A_4771 = vector.multi_reduction <add>, %reduce_sum3A_4769, %reduce_sum3A_4770 [1, 2] : vector<1x1x900xf32> to vector<1xf32>
    %reduce_sum3A_4772 = vector.shape_cast %reduce_sum3A_4771 : vector<1xf32> to vector<1x1x1xf32>
    %reduce_sum3A_4773 = vector.extract %reduce_sum3A_4772[0, 0, 0] : f32 from vector<1x1x1xf32>
    %eq3A_4774 = arith.constant 16 : i32
    %eq3A_4775 = vector.broadcast %eq3A_4774 : i32 to vector<8x128xi32>
    %eq3A_4776 = arith.cmpi eq, %iota3A_24, %eq3A_4775 : vector<8x128xi32>
    %eq3A_4777 = arith.constant 7 : i32
    %eq3A_4778 = vector.broadcast %eq3A_4777 : i32 to vector<8x128xi32>
    %eq3A_4779 = arith.cmpi eq, %iota3A_25, %eq3A_4778 : vector<8x128xi32>
    %and3A_4780 = arith.andi %eq3A_4776, %eq3A_4779 : vector<8x128xi1>
    %broadcast_in_dim3A_4781 = vector.broadcast %reduce_sum3A_4773 : f32 to vector<8x128xf32>
    %select_n3A_4782 = arith.select %and3A_4780, %broadcast_in_dim3A_4781, %select_n3A_4758 : vector<8x128xi1>, vector<8x128xf32>
    %get3A_4783 = arith.index_cast %get3A_4368 : i32 to index
    %get3A_4784 = arith.constant 7 : index
    %get3A_4785 = arith.constant 0 : index
    %get3A_4786 = vector.load %arg1[%get3A_4783, %get3A_4784, %get3A_4785] : memref<81x8x900xf32, #tpu.memory_space<vmem>>, vector<1x1x900xf32>
    %reshape3A_4787 = vector.shape_cast %get3A_4786 : vector<1x1x900xf32> to vector<1x900xf32>
    %eq3A_4788 = vector.broadcast %get3A_4308 : i32 to vector<1x900xi32>
    %eq3A_4789 = arith.cmpi eq, %iota3A, %eq3A_4788 : vector<1x900xi32>
    %jit3A_4790 = arith.constant 0.000000e+00 : f32
    %broadcast_in_dim3A_4791 = vector.broadcast %jit3A_4790 : f32 to vector<1x900xf32>
    %select_n3A_4792 = arith.select %eq3A_4789, %reshape3A_4787, %broadcast_in_dim3A_4791 : vector<1x900xi1>, vector<1x900xf32>
    %reduce_sum3A_4793 = vector.shape_cast %select_n3A_4792 : vector<1x900xf32> to vector<1x1x900xf32>
    %reduce_sum3A_4794 = arith.constant dense<0.000000e+00> : vector<1xf32>
    %reduce_sum3A_4795 = vector.multi_reduction <add>, %reduce_sum3A_4793, %reduce_sum3A_4794 [1, 2] : vector<1x1x900xf32> to vector<1xf32>
    %reduce_sum3A_4796 = vector.shape_cast %reduce_sum3A_4795 : vector<1xf32> to vector<1x1x1xf32>
    %reduce_sum3A_4797 = vector.extract %reduce_sum3A_4796[0, 0, 0] : f32 from vector<1x1x1xf32>
    %eq3A_4798 = arith.constant 17 : i32
    %eq3A_4799 = vector.broadcast %eq3A_4798 : i32 to vector<8x128xi32>
    %eq3A_4800 = arith.cmpi eq, %iota3A_24, %eq3A_4799 : vector<8x128xi32>
    %eq3A_4801 = arith.constant 7 : i32
    %eq3A_4802 = vector.broadcast %eq3A_4801 : i32 to vector<8x128xi32>
    %eq3A_4803 = arith.cmpi eq, %iota3A_25, %eq3A_4802 : vector<8x128xi32>
    %and3A_4804 = arith.andi %eq3A_4800, %eq3A_4803 : vector<8x128xi1>
    %broadcast_in_dim3A_4805 = vector.broadcast %reduce_sum3A_4797 : f32 to vector<8x128xf32>
    %select_n3A_4806 = arith.select %and3A_4804, %broadcast_in_dim3A_4805, %select_n3A_4782 : vector<8x128xi1>, vector<8x128xf32>
    %get3A_4807 = arith.index_cast %get3A_4371 : i32 to index
    %get3A_4808 = arith.constant 7 : index
    %get3A_4809 = arith.constant 0 : index
    %get3A_4810 = vector.load %arg1[%get3A_4807, %get3A_4808, %get3A_4809] : memref<81x8x900xf32, #tpu.memory_space<vmem>>, vector<1x1x900xf32>
    %reshape3A_4811 = vector.shape_cast %get3A_4810 : vector<1x1x900xf32> to vector<1x900xf32>
    %eq3A_4812 = vector.broadcast %get3A_4311 : i32 to vector<1x900xi32>
    %eq3A_4813 = arith.cmpi eq, %iota3A, %eq3A_4812 : vector<1x900xi32>
    %jit3A_4814 = arith.constant 0.000000e+00 : f32
    %broadcast_in_dim3A_4815 = vector.broadcast %jit3A_4814 : f32 to vector<1x900xf32>
    %select_n3A_4816 = arith.select %eq3A_4813, %reshape3A_4811, %broadcast_in_dim3A_4815 : vector<1x900xi1>, vector<1x900xf32>
    %reduce_sum3A_4817 = vector.shape_cast %select_n3A_4816 : vector<1x900xf32> to vector<1x1x900xf32>
    %reduce_sum3A_4818 = arith.constant dense<0.000000e+00> : vector<1xf32>
    %reduce_sum3A_4819 = vector.multi_reduction <add>, %reduce_sum3A_4817, %reduce_sum3A_4818 [1, 2] : vector<1x1x900xf32> to vector<1xf32>
    %reduce_sum3A_4820 = vector.shape_cast %reduce_sum3A_4819 : vector<1xf32> to vector<1x1x1xf32>
    %reduce_sum3A_4821 = vector.extract %reduce_sum3A_4820[0, 0, 0] : f32 from vector<1x1x1xf32>
    %eq3A_4822 = arith.constant 18 : i32
    %eq3A_4823 = vector.broadcast %eq3A_4822 : i32 to vector<8x128xi32>
    %eq3A_4824 = arith.cmpi eq, %iota3A_24, %eq3A_4823 : vector<8x128xi32>
    %eq3A_4825 = arith.constant 7 : i32
    %eq3A_4826 = vector.broadcast %eq3A_4825 : i32 to vector<8x128xi32>
    %eq3A_4827 = arith.cmpi eq, %iota3A_25, %eq3A_4826 : vector<8x128xi32>
    %and3A_4828 = arith.andi %eq3A_4824, %eq3A_4827 : vector<8x128xi1>
    %broadcast_in_dim3A_4829 = vector.broadcast %reduce_sum3A_4821 : f32 to vector<8x128xf32>
    %select_n3A_4830 = arith.select %and3A_4828, %broadcast_in_dim3A_4829, %select_n3A_4806 : vector<8x128xi1>, vector<8x128xf32>
    %get3A_4831 = arith.index_cast %get3A_4374 : i32 to index
    %get3A_4832 = arith.constant 7 : index
    %get3A_4833 = arith.constant 0 : index
    %get3A_4834 = vector.load %arg1[%get3A_4831, %get3A_4832, %get3A_4833] : memref<81x8x900xf32, #tpu.memory_space<vmem>>, vector<1x1x900xf32>
    %reshape3A_4835 = vector.shape_cast %get3A_4834 : vector<1x1x900xf32> to vector<1x900xf32>
    %eq3A_4836 = vector.broadcast %get3A_4314 : i32 to vector<1x900xi32>
    %eq3A_4837 = arith.cmpi eq, %iota3A, %eq3A_4836 : vector<1x900xi32>
    %jit3A_4838 = arith.constant 0.000000e+00 : f32
    %broadcast_in_dim3A_4839 = vector.broadcast %jit3A_4838 : f32 to vector<1x900xf32>
    %select_n3A_4840 = arith.select %eq3A_4837, %reshape3A_4835, %broadcast_in_dim3A_4839 : vector<1x900xi1>, vector<1x900xf32>
    %reduce_sum3A_4841 = vector.shape_cast %select_n3A_4840 : vector<1x900xf32> to vector<1x1x900xf32>
    %reduce_sum3A_4842 = arith.constant dense<0.000000e+00> : vector<1xf32>
    %reduce_sum3A_4843 = vector.multi_reduction <add>, %reduce_sum3A_4841, %reduce_sum3A_4842 [1, 2] : vector<1x1x900xf32> to vector<1xf32>
    %reduce_sum3A_4844 = vector.shape_cast %reduce_sum3A_4843 : vector<1xf32> to vector<1x1x1xf32>
    %reduce_sum3A_4845 = vector.extract %reduce_sum3A_4844[0, 0, 0] : f32 from vector<1x1x1xf32>
    %eq3A_4846 = arith.constant 19 : i32
    %eq3A_4847 = vector.broadcast %eq3A_4846 : i32 to vector<8x128xi32>
    %eq3A_4848 = arith.cmpi eq, %iota3A_24, %eq3A_4847 : vector<8x128xi32>
    %eq3A_4849 = arith.constant 7 : i32
    %eq3A_4850 = vector.broadcast %eq3A_4849 : i32 to vector<8x128xi32>
    %eq3A_4851 = arith.cmpi eq, %iota3A_25, %eq3A_4850 : vector<8x128xi32>
    %and3A_4852 = arith.andi %eq3A_4848, %eq3A_4851 : vector<8x128xi1>
    %broadcast_in_dim3A_4853 = vector.broadcast %reduce_sum3A_4845 : f32 to vector<8x128xf32>
    %select_n3A_4854 = arith.select %and3A_4852, %broadcast_in_dim3A_4853, %select_n3A_4830 : vector<8x128xi1>, vector<8x128xf32>
    %get3A_4855 = arith.constant 0 : index
    %get3A_4856 = arith.constant 0 : index
    %get3A_4857 = vector.load %arg4[%get3A_4855, %get3A_4856] : memref<8x20xi32, #tpu.memory_space<vmem>>, vector<8x20xi32>
    %broadcast_in_dim3A_4858 = arith.constant 0.000000e+00 : f32
    %broadcast_in_dim3A_4859 = vector.broadcast %broadcast_in_dim3A_4858 : f32 to vector<8x20xf32>
    %slice3A = vector.extract_strided_slice %get3A_4857 {offsets = [0, 0], sizes = [8, 19], strides = [1, 1]} : vector<8x20xi32> to vector<8x19xi32>
    %slice3A_4860 = vector.extract_strided_slice %get3A_4857 {offsets = [0, 1], sizes = [8, 19], strides = [1, 1]} : vector<8x20xi32> to vector<8x19xi32>
    %eq3A_4861 = arith.cmpi eq, %slice3A, %slice3A_4860 : vector<8x19xi32>
    %convert_element_type3A = arith.extui %eq3A_4861 : vector<8x19xi1> to vector<8x19xi32>
    %convert_element_type3A_4862 = arith.sitofp %convert_element_type3A : vector<8x19xi32> to vector<8x19xf32>
    %broadcast_in_dim3A_4863 = arith.constant 0.000000e+00 : f32
    %broadcast_in_dim3A_4864 = vector.broadcast %broadcast_in_dim3A_4863 : f32 to vector<8x1xf32>
    %concatenate3A = tpu.concatenate %convert_element_type3A_4862, %broadcast_in_dim3A_4864 in 1 : vector<8x19xf32>, vector<8x1xf32> -> vector<8x20xf32>
    %max3A_4865 = arith.maximumf %broadcast_in_dim3A_4859, %concatenate3A : vector<8x20xf32>
    %slice3A_4866 = vector.extract_strided_slice %get3A_4857 {offsets = [0, 0], sizes = [8, 18], strides = [1, 1]} : vector<8x20xi32> to vector<8x18xi32>
    %slice3A_4867 = vector.extract_strided_slice %get3A_4857 {offsets = [0, 2], sizes = [8, 18], strides = [1, 1]} : vector<8x20xi32> to vector<8x18xi32>
    %eq3A_4868 = arith.cmpi eq, %slice3A_4866, %slice3A_4867 : vector<8x18xi32>
    %convert_element_type3A_4869 = arith.extui %eq3A_4868 : vector<8x18xi1> to vector<8x18xi32>
    %convert_element_type3A_4870 = arith.sitofp %convert_element_type3A_4869 : vector<8x18xi32> to vector<8x18xf32>
    %broadcast_in_dim3A_4871 = arith.constant 0.000000e+00 : f32
    %broadcast_in_dim3A_4872 = vector.broadcast %broadcast_in_dim3A_4871 : f32 to vector<8x2xf32>
    %concatenate3A_4873 = tpu.concatenate %convert_element_type3A_4870, %broadcast_in_dim3A_4872 in 1 : vector<8x18xf32>, vector<8x2xf32> -> vector<8x20xf32>
    %max3A_4874 = arith.maximumf %max3A_4865, %concatenate3A_4873 : vector<8x20xf32>
    %slice3A_4875 = vector.extract_strided_slice %get3A_4857 {offsets = [0, 0], sizes = [8, 17], strides = [1, 1]} : vector<8x20xi32> to vector<8x17xi32>
    %slice3A_4876 = vector.extract_strided_slice %get3A_4857 {offsets = [0, 3], sizes = [8, 17], strides = [1, 1]} : vector<8x20xi32> to vector<8x17xi32>
    %eq3A_4877 = arith.cmpi eq, %slice3A_4875, %slice3A_4876 : vector<8x17xi32>
    %convert_element_type3A_4878 = arith.extui %eq3A_4877 : vector<8x17xi1> to vector<8x17xi32>
    %convert_element_type3A_4879 = arith.sitofp %convert_element_type3A_4878 : vector<8x17xi32> to vector<8x17xf32>
    %broadcast_in_dim3A_4880 = arith.constant 0.000000e+00 : f32
    %broadcast_in_dim3A_4881 = vector.broadcast %broadcast_in_dim3A_4880 : f32 to vector<8x3xf32>
    %concatenate3A_4882 = tpu.concatenate %convert_element_type3A_4879, %broadcast_in_dim3A_4881 in 1 : vector<8x17xf32>, vector<8x3xf32> -> vector<8x20xf32>
    %max3A_4883 = arith.maximumf %max3A_4874, %concatenate3A_4882 : vector<8x20xf32>
    %slice3A_4884 = vector.extract_strided_slice %get3A_4857 {offsets = [0, 0], sizes = [8, 16], strides = [1, 1]} : vector<8x20xi32> to vector<8x16xi32>
    %slice3A_4885 = vector.extract_strided_slice %get3A_4857 {offsets = [0, 4], sizes = [8, 16], strides = [1, 1]} : vector<8x20xi32> to vector<8x16xi32>
    %eq3A_4886 = arith.cmpi eq, %slice3A_4884, %slice3A_4885 : vector<8x16xi32>
    %convert_element_type3A_4887 = arith.extui %eq3A_4886 : vector<8x16xi1> to vector<8x16xi32>
    %convert_element_type3A_4888 = arith.sitofp %convert_element_type3A_4887 : vector<8x16xi32> to vector<8x16xf32>
    %broadcast_in_dim3A_4889 = arith.constant 0.000000e+00 : f32
    %broadcast_in_dim3A_4890 = vector.broadcast %broadcast_in_dim3A_4889 : f32 to vector<8x4xf32>
    %concatenate3A_4891 = tpu.concatenate %convert_element_type3A_4888, %broadcast_in_dim3A_4890 in 1 : vector<8x16xf32>, vector<8x4xf32> -> vector<8x20xf32>
    %max3A_4892 = arith.maximumf %max3A_4883, %concatenate3A_4891 : vector<8x20xf32>
    %slice3A_4893 = vector.extract_strided_slice %get3A_4857 {offsets = [0, 0], sizes = [8, 15], strides = [1, 1]} : vector<8x20xi32> to vector<8x15xi32>
    %slice3A_4894 = vector.extract_strided_slice %get3A_4857 {offsets = [0, 5], sizes = [8, 15], strides = [1, 1]} : vector<8x20xi32> to vector<8x15xi32>
    %eq3A_4895 = arith.cmpi eq, %slice3A_4893, %slice3A_4894 : vector<8x15xi32>
    %convert_element_type3A_4896 = arith.extui %eq3A_4895 : vector<8x15xi1> to vector<8x15xi32>
    %convert_element_type3A_4897 = arith.sitofp %convert_element_type3A_4896 : vector<8x15xi32> to vector<8x15xf32>
    %broadcast_in_dim3A_4898 = arith.constant 0.000000e+00 : f32
    %broadcast_in_dim3A_4899 = vector.broadcast %broadcast_in_dim3A_4898 : f32 to vector<8x5xf32>
    %concatenate3A_4900 = tpu.concatenate %convert_element_type3A_4897, %broadcast_in_dim3A_4899 in 1 : vector<8x15xf32>, vector<8x5xf32> -> vector<8x20xf32>
    %max3A_4901 = arith.maximumf %max3A_4892, %concatenate3A_4900 : vector<8x20xf32>
    %slice3A_4902 = vector.extract_strided_slice %get3A_4857 {offsets = [0, 0], sizes = [8, 14], strides = [1, 1]} : vector<8x20xi32> to vector<8x14xi32>
    %slice3A_4903 = vector.extract_strided_slice %get3A_4857 {offsets = [0, 6], sizes = [8, 14], strides = [1, 1]} : vector<8x20xi32> to vector<8x14xi32>
    %eq3A_4904 = arith.cmpi eq, %slice3A_4902, %slice3A_4903 : vector<8x14xi32>
    %convert_element_type3A_4905 = arith.extui %eq3A_4904 : vector<8x14xi1> to vector<8x14xi32>
    %convert_element_type3A_4906 = arith.sitofp %convert_element_type3A_4905 : vector<8x14xi32> to vector<8x14xf32>
    %broadcast_in_dim3A_4907 = arith.constant 0.000000e+00 : f32
    %broadcast_in_dim3A_4908 = vector.broadcast %broadcast_in_dim3A_4907 : f32 to vector<8x6xf32>
    %concatenate3A_4909 = tpu.concatenate %convert_element_type3A_4906, %broadcast_in_dim3A_4908 in 1 : vector<8x14xf32>, vector<8x6xf32> -> vector<8x20xf32>
    %max3A_4910 = arith.maximumf %max3A_4901, %concatenate3A_4909 : vector<8x20xf32>
    %slice3A_4911 = vector.extract_strided_slice %get3A_4857 {offsets = [0, 0], sizes = [8, 13], strides = [1, 1]} : vector<8x20xi32> to vector<8x13xi32>
    %slice3A_4912 = vector.extract_strided_slice %get3A_4857 {offsets = [0, 7], sizes = [8, 13], strides = [1, 1]} : vector<8x20xi32> to vector<8x13xi32>
    %eq3A_4913 = arith.cmpi eq, %slice3A_4911, %slice3A_4912 : vector<8x13xi32>
    %convert_element_type3A_4914 = arith.extui %eq3A_4913 : vector<8x13xi1> to vector<8x13xi32>
    %convert_element_type3A_4915 = arith.sitofp %convert_element_type3A_4914 : vector<8x13xi32> to vector<8x13xf32>
    %broadcast_in_dim3A_4916 = arith.constant 0.000000e+00 : f32
    %broadcast_in_dim3A_4917 = vector.broadcast %broadcast_in_dim3A_4916 : f32 to vector<8x7xf32>
    %concatenate3A_4918 = tpu.concatenate %convert_element_type3A_4915, %broadcast_in_dim3A_4917 in 1 : vector<8x13xf32>, vector<8x7xf32> -> vector<8x20xf32>
    %max3A_4919 = arith.maximumf %max3A_4910, %concatenate3A_4918 : vector<8x20xf32>
    %slice3A_4920 = vector.extract_strided_slice %get3A_4857 {offsets = [0, 0], sizes = [8, 12], strides = [1, 1]} : vector<8x20xi32> to vector<8x12xi32>
    %slice3A_4921 = vector.extract_strided_slice %get3A_4857 {offsets = [0, 8], sizes = [8, 12], strides = [1, 1]} : vector<8x20xi32> to vector<8x12xi32>
    %eq3A_4922 = arith.cmpi eq, %slice3A_4920, %slice3A_4921 : vector<8x12xi32>
    %convert_element_type3A_4923 = arith.extui %eq3A_4922 : vector<8x12xi1> to vector<8x12xi32>
    %convert_element_type3A_4924 = arith.sitofp %convert_element_type3A_4923 : vector<8x12xi32> to vector<8x12xf32>
    %broadcast_in_dim3A_4925 = arith.constant 0.000000e+00 : f32
    %broadcast_in_dim3A_4926 = vector.broadcast %broadcast_in_dim3A_4925 : f32 to vector<8x8xf32>
    %concatenate3A_4927 = tpu.concatenate %convert_element_type3A_4924, %broadcast_in_dim3A_4926 in 1 : vector<8x12xf32>, vector<8x8xf32> -> vector<8x20xf32>
    %max3A_4928 = arith.maximumf %max3A_4919, %concatenate3A_4927 : vector<8x20xf32>
    %slice3A_4929 = vector.extract_strided_slice %get3A_4857 {offsets = [0, 0], sizes = [8, 11], strides = [1, 1]} : vector<8x20xi32> to vector<8x11xi32>
    %slice3A_4930 = vector.extract_strided_slice %get3A_4857 {offsets = [0, 9], sizes = [8, 11], strides = [1, 1]} : vector<8x20xi32> to vector<8x11xi32>
    %eq3A_4931 = arith.cmpi eq, %slice3A_4929, %slice3A_4930 : vector<8x11xi32>
    %convert_element_type3A_4932 = arith.extui %eq3A_4931 : vector<8x11xi1> to vector<8x11xi32>
    %convert_element_type3A_4933 = arith.sitofp %convert_element_type3A_4932 : vector<8x11xi32> to vector<8x11xf32>
    %broadcast_in_dim3A_4934 = arith.constant 0.000000e+00 : f32
    %broadcast_in_dim3A_4935 = vector.broadcast %broadcast_in_dim3A_4934 : f32 to vector<8x9xf32>
    %concatenate3A_4936 = tpu.concatenate %convert_element_type3A_4933, %broadcast_in_dim3A_4935 in 1 : vector<8x11xf32>, vector<8x9xf32> -> vector<8x20xf32>
    %max3A_4937 = arith.maximumf %max3A_4928, %concatenate3A_4936 : vector<8x20xf32>
    %slice3A_4938 = vector.extract_strided_slice %get3A_4857 {offsets = [0, 0], sizes = [8, 10], strides = [1, 1]} : vector<8x20xi32> to vector<8x10xi32>
    %slice3A_4939 = vector.extract_strided_slice %get3A_4857 {offsets = [0, 10], sizes = [8, 10], strides = [1, 1]} : vector<8x20xi32> to vector<8x10xi32>
    %eq3A_4940 = arith.cmpi eq, %slice3A_4938, %slice3A_4939 : vector<8x10xi32>
    %convert_element_type3A_4941 = arith.extui %eq3A_4940 : vector<8x10xi1> to vector<8x10xi32>
    %convert_element_type3A_4942 = arith.sitofp %convert_element_type3A_4941 : vector<8x10xi32> to vector<8x10xf32>
    %broadcast_in_dim3A_4943 = arith.constant 0.000000e+00 : f32
    %broadcast_in_dim3A_4944 = vector.broadcast %broadcast_in_dim3A_4943 : f32 to vector<8x10xf32>
    %concatenate3A_4945 = tpu.concatenate %convert_element_type3A_4942, %broadcast_in_dim3A_4944 in 1 : vector<8x10xf32>, vector<8x10xf32> -> vector<8x20xf32>
    %max3A_4946 = arith.maximumf %max3A_4937, %concatenate3A_4945 : vector<8x20xf32>
    %slice3A_4947 = vector.extract_strided_slice %get3A_4857 {offsets = [0, 0], sizes = [8, 9], strides = [1, 1]} : vector<8x20xi32> to vector<8x9xi32>
    %slice3A_4948 = vector.extract_strided_slice %get3A_4857 {offsets = [0, 11], sizes = [8, 9], strides = [1, 1]} : vector<8x20xi32> to vector<8x9xi32>
    %eq3A_4949 = arith.cmpi eq, %slice3A_4947, %slice3A_4948 : vector<8x9xi32>
    %convert_element_type3A_4950 = arith.extui %eq3A_4949 : vector<8x9xi1> to vector<8x9xi32>
    %convert_element_type3A_4951 = arith.sitofp %convert_element_type3A_4950 : vector<8x9xi32> to vector<8x9xf32>
    %broadcast_in_dim3A_4952 = arith.constant 0.000000e+00 : f32
    %broadcast_in_dim3A_4953 = vector.broadcast %broadcast_in_dim3A_4952 : f32 to vector<8x11xf32>
    %concatenate3A_4954 = tpu.concatenate %convert_element_type3A_4951, %broadcast_in_dim3A_4953 in 1 : vector<8x9xf32>, vector<8x11xf32> -> vector<8x20xf32>
    %max3A_4955 = arith.maximumf %max3A_4946, %concatenate3A_4954 : vector<8x20xf32>
    %slice3A_4956 = vector.extract_strided_slice %get3A_4857 {offsets = [0, 0], sizes = [8, 8], strides = [1, 1]} : vector<8x20xi32> to vector<8x8xi32>
    %slice3A_4957 = vector.extract_strided_slice %get3A_4857 {offsets = [0, 12], sizes = [8, 8], strides = [1, 1]} : vector<8x20xi32> to vector<8x8xi32>
    %eq3A_4958 = arith.cmpi eq, %slice3A_4956, %slice3A_4957 : vector<8x8xi32>
    %convert_element_type3A_4959 = arith.extui %eq3A_4958 : vector<8x8xi1> to vector<8x8xi32>
    %convert_element_type3A_4960 = arith.sitofp %convert_element_type3A_4959 : vector<8x8xi32> to vector<8x8xf32>
    %broadcast_in_dim3A_4961 = arith.constant 0.000000e+00 : f32
    %broadcast_in_dim3A_4962 = vector.broadcast %broadcast_in_dim3A_4961 : f32 to vector<8x12xf32>
    %concatenate3A_4963 = tpu.concatenate %convert_element_type3A_4960, %broadcast_in_dim3A_4962 in 1 : vector<8x8xf32>, vector<8x12xf32> -> vector<8x20xf32>
    %max3A_4964 = arith.maximumf %max3A_4955, %concatenate3A_4963 : vector<8x20xf32>
    %slice3A_4965 = vector.extract_strided_slice %get3A_4857 {offsets = [0, 0], sizes = [8, 7], strides = [1, 1]} : vector<8x20xi32> to vector<8x7xi32>
    %slice3A_4966 = vector.extract_strided_slice %get3A_4857 {offsets = [0, 13], sizes = [8, 7], strides = [1, 1]} : vector<8x20xi32> to vector<8x7xi32>
    %eq3A_4967 = arith.cmpi eq, %slice3A_4965, %slice3A_4966 : vector<8x7xi32>
    %convert_element_type3A_4968 = arith.extui %eq3A_4967 : vector<8x7xi1> to vector<8x7xi32>
    %convert_element_type3A_4969 = arith.sitofp %convert_element_type3A_4968 : vector<8x7xi32> to vector<8x7xf32>
    %broadcast_in_dim3A_4970 = arith.constant 0.000000e+00 : f32
    %broadcast_in_dim3A_4971 = vector.broadcast %broadcast_in_dim3A_4970 : f32 to vector<8x13xf32>
    %concatenate3A_4972 = tpu.concatenate %convert_element_type3A_4969, %broadcast_in_dim3A_4971 in 1 : vector<8x7xf32>, vector<8x13xf32> -> vector<8x20xf32>
    %max3A_4973 = arith.maximumf %max3A_4964, %concatenate3A_4972 : vector<8x20xf32>
    %slice3A_4974 = vector.extract_strided_slice %get3A_4857 {offsets = [0, 0], sizes = [8, 6], strides = [1, 1]} : vector<8x20xi32> to vector<8x6xi32>
    %slice3A_4975 = vector.extract_strided_slice %get3A_4857 {offsets = [0, 14], sizes = [8, 6], strides = [1, 1]} : vector<8x20xi32> to vector<8x6xi32>
    %eq3A_4976 = arith.cmpi eq, %slice3A_4974, %slice3A_4975 : vector<8x6xi32>
    %convert_element_type3A_4977 = arith.extui %eq3A_4976 : vector<8x6xi1> to vector<8x6xi32>
    %convert_element_type3A_4978 = arith.sitofp %convert_element_type3A_4977 : vector<8x6xi32> to vector<8x6xf32>
    %broadcast_in_dim3A_4979 = arith.constant 0.000000e+00 : f32
    %broadcast_in_dim3A_4980 = vector.broadcast %broadcast_in_dim3A_4979 : f32 to vector<8x14xf32>
    %concatenate3A_4981 = tpu.concatenate %convert_element_type3A_4978, %broadcast_in_dim3A_4980 in 1 : vector<8x6xf32>, vector<8x14xf32> -> vector<8x20xf32>
    %max3A_4982 = arith.maximumf %max3A_4973, %concatenate3A_4981 : vector<8x20xf32>
    %slice3A_4983 = vector.extract_strided_slice %get3A_4857 {offsets = [0, 0], sizes = [8, 5], strides = [1, 1]} : vector<8x20xi32> to vector<8x5xi32>
    %slice3A_4984 = vector.extract_strided_slice %get3A_4857 {offsets = [0, 15], sizes = [8, 5], strides = [1, 1]} : vector<8x20xi32> to vector<8x5xi32>
    %eq3A_4985 = arith.cmpi eq, %slice3A_4983, %slice3A_4984 : vector<8x5xi32>
    %convert_element_type3A_4986 = arith.extui %eq3A_4985 : vector<8x5xi1> to vector<8x5xi32>
    %convert_element_type3A_4987 = arith.sitofp %convert_element_type3A_4986 : vector<8x5xi32> to vector<8x5xf32>
    %broadcast_in_dim3A_4988 = arith.constant 0.000000e+00 : f32
    %broadcast_in_dim3A_4989 = vector.broadcast %broadcast_in_dim3A_4988 : f32 to vector<8x15xf32>
    %concatenate3A_4990 = tpu.concatenate %convert_element_type3A_4987, %broadcast_in_dim3A_4989 in 1 : vector<8x5xf32>, vector<8x15xf32> -> vector<8x20xf32>
    %max3A_4991 = arith.maximumf %max3A_4982, %concatenate3A_4990 : vector<8x20xf32>
    %slice3A_4992 = vector.extract_strided_slice %get3A_4857 {offsets = [0, 0], sizes = [8, 4], strides = [1, 1]} : vector<8x20xi32> to vector<8x4xi32>
    %slice3A_4993 = vector.extract_strided_slice %get3A_4857 {offsets = [0, 16], sizes = [8, 4], strides = [1, 1]} : vector<8x20xi32> to vector<8x4xi32>
    %eq3A_4994 = arith.cmpi eq, %slice3A_4992, %slice3A_4993 : vector<8x4xi32>
    %convert_element_type3A_4995 = arith.extui %eq3A_4994 : vector<8x4xi1> to vector<8x4xi32>
    %convert_element_type3A_4996 = arith.sitofp %convert_element_type3A_4995 : vector<8x4xi32> to vector<8x4xf32>
    %broadcast_in_dim3A_4997 = arith.constant 0.000000e+00 : f32
    %broadcast_in_dim3A_4998 = vector.broadcast %broadcast_in_dim3A_4997 : f32 to vector<8x16xf32>
    %concatenate3A_4999 = tpu.concatenate %convert_element_type3A_4996, %broadcast_in_dim3A_4998 in 1 : vector<8x4xf32>, vector<8x16xf32> -> vector<8x20xf32>
    %max3A_5000 = arith.maximumf %max3A_4991, %concatenate3A_4999 : vector<8x20xf32>
    %slice3A_5001 = vector.extract_strided_slice %get3A_4857 {offsets = [0, 0], sizes = [8, 3], strides = [1, 1]} : vector<8x20xi32> to vector<8x3xi32>
    %slice3A_5002 = vector.extract_strided_slice %get3A_4857 {offsets = [0, 17], sizes = [8, 3], strides = [1, 1]} : vector<8x20xi32> to vector<8x3xi32>
    %eq3A_5003 = arith.cmpi eq, %slice3A_5001, %slice3A_5002 : vector<8x3xi32>
    %convert_element_type3A_5004 = arith.extui %eq3A_5003 : vector<8x3xi1> to vector<8x3xi32>
    %convert_element_type3A_5005 = arith.sitofp %convert_element_type3A_5004 : vector<8x3xi32> to vector<8x3xf32>
    %broadcast_in_dim3A_5006 = arith.constant 0.000000e+00 : f32
    %broadcast_in_dim3A_5007 = vector.broadcast %broadcast_in_dim3A_5006 : f32 to vector<8x17xf32>
    %concatenate3A_5008 = tpu.concatenate %convert_element_type3A_5005, %broadcast_in_dim3A_5007 in 1 : vector<8x3xf32>, vector<8x17xf32> -> vector<8x20xf32>
    %max3A_5009 = arith.maximumf %max3A_5000, %concatenate3A_5008 : vector<8x20xf32>
    %slice3A_5010 = vector.extract_strided_slice %get3A_4857 {offsets = [0, 0], sizes = [8, 2], strides = [1, 1]} : vector<8x20xi32> to vector<8x2xi32>
    %slice3A_5011 = vector.extract_strided_slice %get3A_4857 {offsets = [0, 18], sizes = [8, 2], strides = [1, 1]} : vector<8x20xi32> to vector<8x2xi32>
    %eq3A_5012 = arith.cmpi eq, %slice3A_5010, %slice3A_5011 : vector<8x2xi32>
    %convert_element_type3A_5013 = arith.extui %eq3A_5012 : vector<8x2xi1> to vector<8x2xi32>
    %convert_element_type3A_5014 = arith.sitofp %convert_element_type3A_5013 : vector<8x2xi32> to vector<8x2xf32>
    %broadcast_in_dim3A_5015 = arith.constant 0.000000e+00 : f32
    %broadcast_in_dim3A_5016 = vector.broadcast %broadcast_in_dim3A_5015 : f32 to vector<8x18xf32>
    %concatenate3A_5017 = tpu.concatenate %convert_element_type3A_5014, %broadcast_in_dim3A_5016 in 1 : vector<8x2xf32>, vector<8x18xf32> -> vector<8x20xf32>
    %max3A_5018 = arith.maximumf %max3A_5009, %concatenate3A_5017 : vector<8x20xf32>
    %slice3A_5019 = vector.extract_strided_slice %get3A_4857 {offsets = [0, 0], sizes = [8, 1], strides = [1, 1]} : vector<8x20xi32> to vector<8x1xi32>
    %slice3A_5020 = vector.extract_strided_slice %get3A_4857 {offsets = [0, 19], sizes = [8, 1], strides = [1, 1]} : vector<8x20xi32> to vector<8x1xi32>
    %eq3A_5021 = arith.cmpi eq, %slice3A_5019, %slice3A_5020 : vector<8x1xi32>
    %convert_element_type3A_5022 = arith.extui %eq3A_5021 : vector<8x1xi1> to vector<8x1xi32>
    %convert_element_type3A_5023 = arith.sitofp %convert_element_type3A_5022 : vector<8x1xi32> to vector<8x1xf32>
    %broadcast_in_dim3A_5024 = arith.constant 0.000000e+00 : f32
    %broadcast_in_dim3A_5025 = vector.broadcast %broadcast_in_dim3A_5024 : f32 to vector<8x19xf32>
    %concatenate3A_5026 = tpu.concatenate %convert_element_type3A_5023, %broadcast_in_dim3A_5025 in 1 : vector<8x1xf32>, vector<8x19xf32> -> vector<8x20xf32>
    %max3A_5027 = arith.maximumf %max3A_5018, %concatenate3A_5026 : vector<8x20xf32>
    %sub3A_5028 = arith.constant 1.000000e+00 : f32
    %sub3A_5029 = vector.broadcast %sub3A_5028 : f32 to vector<8x20xf32>
    %sub3A_5030 = arith.subf %sub3A_5029, %max3A_5027 : vector<8x20xf32>
    %abs3A_5031 = math.absf %select_n3A_4854 : vector<8x128xf32>
    %neg3A_5032 = arith.constant 0.000000e+00 : f32
    %neg3A_5033 = vector.broadcast %neg3A_5032 : f32 to vector<8x128xf32>
    %neg3A_5034 = arith.subf %neg3A_5033, %abs3A_5031 : vector<8x128xf32>
    %exp3A_5035 = math.exp %neg3A_5034 : vector<8x128xf32>
    %add3A_5036 = arith.constant 1.000000e+00 : f32
    %add3A_5037 = vector.broadcast %add3A_5036 : f32 to vector<8x128xf32>
    %add3A_5038 = arith.addf %add3A_5037, %exp3A_5035 : vector<8x128xf32>
    %log3A_5039 = math.log %add3A_5038 : vector<8x128xf32>
    %add3A_5040 = arith.constant 1.000000e+00 : f32
    %add3A_5041 = vector.broadcast %add3A_5040 : f32 to vector<8x128xf32>
    %add3A_5042 = arith.addf %add3A_5041, %exp3A_5035 : vector<8x128xf32>
    %div3A_5043 = arith.constant 1.000000e+00 : f32
    %div3A_5044 = vector.broadcast %div3A_5043 : f32 to vector<8x128xf32>
    %div3A_5045 = arith.divf %div3A_5044, %add3A_5042 : vector<8x128xf32>
    %ge3A_5046 = arith.constant 0.000000e+00 : f32
    %ge3A_5047 = vector.broadcast %ge3A_5046 : f32 to vector<8x128xf32>
    %ge3A_5048 = arith.cmpf oge, %select_n3A_4854, %ge3A_5047 : vector<8x128xf32>
    %sub3A_5049 = arith.constant 1.000000e+00 : f32
    %sub3A_5050 = vector.broadcast %sub3A_5049 : f32 to vector<8x128xf32>
    %sub3A_5051 = arith.subf %sub3A_5050, %div3A_5045 : vector<8x128xf32>
    %select_n3A_5052 = arith.select %ge3A_5048, %div3A_5045, %sub3A_5051 : vector<8x128xi1>, vector<8x128xf32>
    %max3A_5053 = arith.constant 0.000000e+00 : f32
    %max3A_5054 = vector.broadcast %max3A_5053 : f32 to vector<8x128xf32>
    %max3A_5055 = arith.maximumf %select_n3A_4854, %max3A_5054 : vector<8x128xf32>
    %add3A_5056 = arith.addf %max3A_5055, %log3A_5039 : vector<8x128xf32>
    %sub3A_5057 = arith.subf %add3A_5056, %select_n3A_4854 : vector<8x128xf32>
    %sub3A_5058 = arith.constant 1.000000e+00 : f32
    %sub3A_5059 = vector.broadcast %sub3A_5058 : f32 to vector<8x128xf32>
    %sub3A_5060 = arith.subf %sub3A_5059, %select_n3A_5052 : vector<8x128xf32>
    %mul3A_5061 = arith.constant 2.500000e-01 : f32
    %mul3A_5062 = vector.broadcast %mul3A_5061 : f32 to vector<8x128xf32>
    %mul3A_5063 = arith.mulf %mul3A_5062, %sub3A_5060 : vector<8x128xf32>
    %mul3A_5064 = arith.mulf %mul3A_5063, %sub3A_5060 : vector<8x128xf32>
    %mul3A_5065 = arith.mulf %mul3A_5064, %sub3A_5057 : vector<8x128xf32>
    %mul3A_5066 = arith.constant 7.500000e-01 : f32
    %mul3A_5067 = vector.broadcast %mul3A_5066 : f32 to vector<8x128xf32>
    %mul3A_5068 = arith.mulf %mul3A_5067, %select_n3A_5052 : vector<8x128xf32>
    %mul3A_5069 = arith.mulf %mul3A_5068, %select_n3A_5052 : vector<8x128xf32>
    %mul3A_5070 = arith.mulf %mul3A_5069, %add3A_5056 : vector<8x128xf32>
    %sub3A_5071 = arith.subf %mul3A_5065, %mul3A_5070 : vector<8x128xf32>
    %mul3A_5072 = arith.constant 7.500000e-01 : f32
    %mul3A_5073 = arith.mulf %mul3A_5072, %reduce_sum3A_23 : f32
    %slice3A_5074 = vector.extract_strided_slice %sub3A_5071 {offsets = [0, 0], sizes = [8, 20], strides = [1, 1]} : vector<8x128xf32> to vector<8x20xf32>
    %mul3A_5075 = arith.mulf %sub3A_5030, %slice3A_5074 : vector<8x20xf32>
    %reduce_sum3A_5076 = vector.shape_cast %mul3A_5075 : vector<8x20xf32> to vector<1x8x20xf32>
    %reduce_sum3A_5077 = arith.constant dense<0.000000e+00> : vector<1xf32>
    %reduce_sum3A_5078 = vector.multi_reduction <add>, %reduce_sum3A_5076, %reduce_sum3A_5077 [1, 2] : vector<1x8x20xf32> to vector<1xf32>
    %reduce_sum3A_5079 = vector.shape_cast %reduce_sum3A_5078 : vector<1xf32> to vector<1x1x1xf32>
    %reduce_sum3A_5080 = vector.extract %reduce_sum3A_5079[0, 0, 0] : f32 from vector<1x1x1xf32>
    %add3A_5081 = arith.addf %mul3A_5073, %reduce_sum3A_5080 : f32
    %eq3A_5082 = arith.constant 0 : i32
    %eq3A_5083 = arith.cmpi eq, %arg0, %eq3A_5082 : i32
    %convert_element_type3A_5084 = arith.extui %eq3A_5083 : i1 to i32
    %cond3A = arith.constant 0 : i32
    %cond3A_5085 = arith.cmpi ne, %convert_element_type3A_5084, %cond3A : i32
    scf.if %cond3A_5085 {
      %swap3A_5097 = arith.constant 0.000000e+00 : f32
      %swap3A_5098 = arith.constant 0 : index
      %swap3A_5099 = arith.constant 0 : index
      %swap3A_5100 = memref.load %arg6[%swap3A_5098, %swap3A_5099] : memref<1x1xf32, #tpu.memory_space<smem>>
      memref.store %swap3A_5097, %arg6[%swap3A_5098, %swap3A_5099] : memref<1x1xf32, #tpu.memory_space<smem>>
    } else {
    }
    %get3A_5086 = arith.constant 0 : index
    %get3A_5087 = arith.constant 0 : index
    %get3A_5088 = memref.load %arg6[%get3A_5086, %get3A_5087] : memref<1x1xf32, #tpu.memory_space<smem>>
    %add3A_5089 = arith.addf %get3A_5088, %add3A_5081 : f32
    %swap3A = arith.constant 0 : index
    %swap3A_5090 = arith.constant 0 : index
    %swap3A_5091 = memref.load %arg6[%swap3A, %swap3A_5090] : memref<1x1xf32, #tpu.memory_space<smem>>
    memref.store %add3A_5089, %arg6[%swap3A, %swap3A_5090] : memref<1x1xf32, #tpu.memory_space<smem>>
    %eq3A_5092 = arith.constant 3 : i32
    %eq3A_5093 = arith.cmpi eq, %arg0, %eq3A_5092 : i32
    %convert_element_type3A_5094 = arith.extui %eq3A_5093 : i1 to i32
    %cond3A_5095 = arith.constant 0 : i32
    %cond3A_5096 = arith.cmpi ne, %convert_element_type3A_5094, %cond3A_5095 : i32
    scf.if %cond3A_5096 {
      %swap3A_5097 = arith.constant 0 : index
      %swap3A_5098 = arith.constant 0 : index
      %swap3A_5099 = memref.load %arg5[%swap3A_5097, %swap3A_5098] : memref<1x1xf32, #tpu.memory_space<smem>>
      memref.store %add3A_5089, %arg5[%swap3A_5097, %swap3A_5098] : memref<1x1xf32, #tpu.memory_space<smem>>
    } else {
    }
    return
  }
  func.func @transform_0(%arg0: i32) -> (i32, i32, i32) {
    %c0_i32 = arith.constant 0 : i32
    %c0_i32_0 = arith.constant 0 : i32
    %c0_i32_1 = arith.constant 0 : i32
    return %c0_i32, %arg0, %c0_i32_0 : i32, i32, i32
  }
  func.func @transform_1(%arg0: i32) -> (i32, i32) {
    %c0_i32 = arith.constant 0 : i32
    %c0_i32_0 = arith.constant 0 : i32
    %c0_i32_1 = arith.constant 0 : i32
    return %c0_i32, %c0_i32_0 : i32, i32
  }
  func.func @transform_2(%arg0: i32) -> (i32, i32) {
    %c0_i32 = arith.constant 0 : i32
    %c0_i32_0 = arith.constant 0 : i32
    %c0_i32_1 = arith.constant 0 : i32
    return %c0_i32, %c0_i32_0 : i32, i32
  }
  func.func @transform_3(%arg0: i32) -> (i32, i32) {
    %c0_i32 = arith.constant 0 : i32
    %c0_i32_0 = arith.constant 0 : i32
    return %arg0, %c0_i32 : i32, i32
  }
  func.func @transform_4(%arg0: i32) -> (i32, i32) {
    %c0_i32 = arith.constant 0 : i32
    %c0_i32_0 = arith.constant 0 : i32
    %c0_i32_1 = arith.constant 0 : i32
    return %c0_i32, %c0_i32_0 : i32, i32
  }
}

</mosaic_0001>

<sc_bundles>
// kernel: kernel.5.cloned.1.call-start
scs
__scs_entry_jumppad:
0x0: {  	(pc) =	sbr.rel $0x88, $3  }
0x1: {  	(tag) =	ssettag $0x0;
	lr =	simm.s32 $0x1  }
0x2: {  	[smem:$0x3F9C] =	sst lr;
	_ =	strace $0xD0000000  }
0x3: {  	_ = 	snop  }
0x4: {  	_ = 	snop  }
0x5: {  	_ = 	snop  }
0x6: {  	_ = 	snop  }
0x7: {  	_ = 	snop  }
__scs_overlays_trampoline_lowered:
0x8: {  	[smem:$0x3FAB] =	sst s0  }
0x9: {  	[smem:$0x3FAC] =	sst s1  }
0xa: {  	[smem:$0x3FAD] =	sst s2  }
0xb: {  	[smem:$0x3FAE] =	sst s3  }
0xc: {  	[smem:$0x3FAF] =	sst s4  }
0xd: {  	[smem:$0x3FB0] =	sst s5  }
0xe: {  	[smem:$0x3FB1] =	sst s6  }
0xf: {  	[smem:$0x3FB2] =	sst s7  }
0x10: {  	[smem:$0x3FB3] =	sst s8  }
0x11: {  	[smem:$0x3FB4] =	sst s9;
	s0 =	simm.s32 @!p0 $0x0  }
0x12: {  	s1 =	sld [smem:$0x3F9A];
	s0 =	simm.s32 @p0 $0x1  }
0x13: {  	[smem:$0x3FB5] =	sst s0;
	s0 =	simm.s32 @!p1 $0x0  }
0x14: {  	s2 =	sld [smem:$0x3F99];
	s0 =	simm.s32 @p1 $0x1  }
0x15: {  	[smem:$0x3FB6] =	sst s0;
	s0 =	simm.s32 @!p2 $0x0  }
0x16: {  	s3 =	sld [smem:$0x3FDB];
	s0 =	simm.s32 @p2 $0x1  }
0x17: {  	s4 =	simm.s32 $0x1BF5;
	[smem:$0x3FB8] =	sst s0  }
0x18: {  	s0 =	sld [smem:$0x3F9B];
	_ =	swait.ge [sflag:s4], $0x0  }
0x19: {  	s7 =	sld [smem:$0x3F9C]  }
0x1a: {  	s8 =	sadd.s32 $0xFFFFE003, lr  }
0x1b: {  	s9 =	sadd.s32 $0xFFFFFEF7, lr;
	s5 =	simm.s32 $0xFFFFFFFF;
	p2 =	slt.u32 s8, $0xFFFFF086  }
0x1c: {  	p1 =	slt.u32 s9, $0xF7A;
	s5 =	simm.s32 @!p2 $0x0  }
0x1d: {  	s5 =	simm.s32 @p1 $0x1;
	p0 =	seq.s32 s7, s2  }
0x1e: {  	s7 =	smul.u32 @!p0 $0xF7A, s2;
	p2 =	seq.s32 @!p0 s5, $0x0  }
0x1f: {  	s9 =	smul.u32 $0xF7A, s1;
	s8 =	simm.s32 @!p0 $0x1BF5;
	p2 =	por !p2, p0  }
0x20: {  	[sflag:s8] =	ssyncset.s32 @!p0 $0xFFFFF086;
	s6 =	sadd.s32 @!p0 s3, s7;
	s7 =	simm.s32 @!p0 $0x108  }
0x21: {  	s3 =	sadd.s32 s3, s9;
	s6 =	sadd.s32 @!p0 $0x88, s6;
	s7 =	simm.s32 @p2 $0x1082  }
0x22: {  	[simem:s7], [sflag:s8] =	dma.local @!p0 [hbm:s6], $0xF7A  }
0x23: {  	s9 =	sor.u32 $0xD0000000, s2;
	s6 =	simm.s32 $0x108;
	_ =	swait.ge @!p0 [sflag:s8], $0x0  }
0x24: {  	s3 =	sadd.s32 $0x88, s3;
	s6 =	simm.s32 @!p1 $0x1082;
	[sflag:s4] =	ssyncset.s32 $0xFFFFF086  }
0x25: {  	[simem:s6], [sflag:s4] =	dma.local [hbm:s3], $0xF7A  }
0x26: {  	[smem:$0x3F9C] =	sst s1;
	(tag) =	ssettag s2;
	_ =	strace s9  }
0x27: {  	s1 =	sld [smem:$0x3FAC]  }
0x28: {  	s2 =	sld [smem:$0x3FAD]  }
0x29: {  	s4 =	sld [smem:$0x3FAF]  }
0x2a: {  	p0 =	seq.s32 s5, $0x0;
	s5 =	sld [smem:$0x3FB0]  }
0x2b: {  	s6 =	sld [smem:$0x3FB1]  }
0x2c: {  	s7 =	sld [smem:$0x3FB2]  }
0x2d: {  	s3 =	simm.s32 $0x108;
	s8 =	sld [smem:$0x3FB3]  }
0x2e: {  	s3 =	simm.s32 @!p0 $0x1082;
	s9 =	sld [smem:$0x3FB4]  }
0x2f: {  	lr =	sadd.s32 s0, s3;
	s0 =	sld [smem:$0x3FAB]  }
0x30: {  	s3 =	sld [smem:$0x3FAE]  }
0x31: {  	[smem:$0x3FB7] =	sst s10  }
0x32: {  	s10 =	sld [smem:$0x3FB5];
	_ =	sdelay $0x3  }
0x33: {  	p0 =	seq.s32 s10, $0x1;
	s10 =	sld [smem:$0x3FB7];
	_ =	sdelay $0x3  }
0x34: {  	[smem:$0x3FB7] =	sst s10  }
0x35: {  	s10 =	sld [smem:$0x3FB6];
	_ =	sdelay $0x3  }
0x36: {  	p1 =	seq.s32 s10, $0x1;
	s10 =	sld [smem:$0x3FB7];
	_ =	sdelay $0x3  }
0x37: {  	[smem:$0x3FB7] =	sst s10  }
0x38: {  	s10 =	sld [smem:$0x3FB8]  }
0x39: {  	_ = 	snop;
	(pc) =	sbr.ind lr, $3  }
0x3a: {  	_ = 	snop  }
0x3b: {  	_ = 	snop  }
0x3c: {  	p2 =	seq.s32 s10, $0x1;
	s10 =	sld [smem:$0x3FB7]  }
0x3d: {  	_ =	shalt  }
0x3e: {  	_ =	shalt  }
0x3f: {  	_ =	shalt  }
0x40: {  	_ =	shalt  }
0x41: {  	_ =	shalt  }
0x42: {  	_ =	shalt  }
0x43: {  	_ =	shalt  }
0x44: {  	_ =	shalt  }
0x45: {  	_ =	shalt  }
0x46: {  	_ =	shalt  }
0x47: {  	_ =	shalt  }
0x48: {  	_ =	shalt  }
0x49: {  	_ =	shalt  }
0x4a: {  	_ =	shalt  }
0x4b: {  	_ =	shalt  }
0x4c: {  	_ =	shalt  }
0x4d: {  	_ =	shalt  }
0x4e: {  	_ =	shalt  }
0x4f: {  	_ =	shalt  }
0x50: {  	_ =	shalt  }
0x51: {  	_ =	shalt  }
0x52: {  	_ =	shalt  }
0x53: {  	_ =	shalt  }
0x54: {  	_ =	shalt  }
0x55: {  	_ =	shalt  }
0x56: {  	_ =	shalt  }
0x57: {  	_ =	shalt  }
0x58: {  	_ =	shalt  }
0x59: {  	_ =	shalt  }
0x5a: {  	_ =	shalt  }
0x5b: {  	_ =	shalt  }
0x5c: {  	_ =	shalt  }
0x5d: {  	_ =	shalt  }
0x5e: {  	_ =	shalt  }
0x5f: {  	_ =	shalt  }
0x60: {  	_ =	shalt  }
0x61: {  	_ =	shalt  }
0x62: {  	_ =	shalt  }
0x63: {  	_ =	shalt  }
0x64: {  	_ =	shalt  }
0x65: {  	_ =	shalt  }
0x66: {  	_ =	shalt  }
0x67: {  	_ =	shalt  }
0x68: {  	_ =	shalt  }
0x69: {  	_ =	shalt  }
0x6a: {  	_ =	shalt  }
0x6b: {  	_ =	shalt  }
0x6c: {  	_ =	shalt  }
0x6d: {  	_ =	shalt  }
0x6e: {  	_ =	shalt  }
0x6f: {  	_ =	shalt  }
0x70: {  	_ =	shalt  }
0x71: {  	_ =	shalt  }
0x72: {  	_ =	shalt  }
0x73: {  	_ =	shalt  }
0x74: {  	_ =	shalt  }
0x75: {  	_ =	shalt  }
0x76: {  	_ =	shalt  }
0x77: {  	_ =	shalt  }
0x78: {  	_ =	shalt  }
0x79: {  	_ =	shalt  }
0x7a: {  	_ =	shalt  }
0x7b: {  	_ =	shalt  }
0x7c: {  	_ =	shalt  }
0x7d: {  	_ =	shalt  }
0x7e: {  	_ =	shalt  }
0x7f: {  	_ =	shalt  }
0x80: {  	_ =	shalt  }
0x81: {  	_ =	shalt  }
0x82: {  	_ =	shalt  }
0x83: {  	_ =	shalt  }
0x84: {  	_ =	shalt  }
0x85: {  	_ =	shalt  }
0x86: {  	_ =	shalt  }
0x87: {  	_ =	shalt  }
.Lfunc_end0:
.L_simem_size_0:
called_computation_lowered:
.L_overlay_start_0:
0x88: {  	s2 =	sld [smem:$0x3FD9]  }
0x89: {  	s3 =	sld [smem:$0x3FFE];
	_ =	sdelay $0x1  }
0x8a: {  	s1 =	srdreg.scid  }
0x8b: {  	s0 =	sand.u32 $0x1, s1  }
0x8c: {  	s17 =	sshll.u32 s0, $0xA;
	s2 =	sadd.s32 s3, s2  }
0x8d: {  	s2 =	sadd.s32 s2, s17  }
0x8e: {  	[smem:$0x3FC3] =	sst s2  }
0x8f: {  	_ = 	snop  }
0x90: {  	s2 =	sld [smem:$0x3FC8];
	(tm) =	ssettm $0x1  }
0x91: {  	s18 =	sld [smem:$0x3FFB];
	_ =	sdelay $0x3  }
0x92: {  	_ =	strace s18  }
0x93: {  	s3 =	sld [smem:$0x3FFC];
	_ =	sdelay $0x3  }
0x94: {  	_ =	strace s3  }
0x95: {  	s3 =	sld [smem:$0x3FFD];
	_ =	sdelay $0x3  }
0x96: {  	_ =	strace s3  }
0x97: {  	_ =	strace $0x8FFFFFFF  }
0x98: {  	s19 =	sld [smem:$0x3FDB];
	_ =	sdelay $0x1  }
0x99: {  	s4 =	simm.s32 $_scs_section_size  }
0x9a: {  	s5 =	simm.s32 $_size__tile_overlayer_lowered;
	s6 =	simm.s32 $_tile_overlayer_lowered  }
0x9b: {  	s22 =	simm.s32 $0x1BFF;
	s21 =	sshll.u32 s6, $0x1;
	s3 =	sadd.s32 s4, s19  }
0x9c: {  	s7 =	simm.s32 $0x0;
	s20 =	sshll.u32 s5, $0x1;
	s5 =	sadd.s32 s21, s3  }
0x9d: {  	[timem:s7], [sflag:s22] =	dma.local [hbm:s5], s20  }
0x9e: {  	_ =	swait.ge [sflag:s22], s20  }
0x9f: {  	s4 =	ssub.s32 $0x0, s20;
	[sflag:s22] =	ssyncset.done $0x0  }
0xa0: {  	[sflag:s22] =	ssyncadd.s32 s4;
	_ =	sdelay $0x1  }
0xa1: {  	s23 =	simm.s32 $0x1B8B  }
0xa2: {  	_ =	swait.ge [sflag:s23], $0x1  }
0xa3: {  	[sflag:s23] =	ssyncset.done $0x0  }
0xa4: {  	s25 =	simm.s32 $0x1B8E;
	s24 =	sld [smem:$0x3FFE];
	[sflag:s23] =	ssyncadd.s32 $0xFFFFFFFF  }
0xa5: {  	s26 =	simm.s32 $execute0_lowered;
	[smem:$0x3FD2] =	sst s25  }
0xa6: {  	s5 =	sshll.u32 s26, $0x1;
	_ =	strace $0x80000046;
	[dreg:$0x1] =	wrdreg $0xFFFFFFFF  }
0xa7: {  	s28 =	simm.s32 $_size_execute0_lowered;
	s3 =	sadd.s32 s3, s5;
	[dreg:$0x0] =	wrdreg $0x0  }
0xa8: {  	s5 =	sshll.u32 s28, $0x1;
	[dreg:$0x2] =	wrdreg s3  }
0xa9: {  	[dreg:$0x3] =	wrdreg s5  }
0xaa: {  	[dreg:$0x4] =	wrdreg $0xC0  }
0xab: {  	_ =	task [dreg:s7], $0x5FFFF  }
0xac: {  	[dreg:$0x1] =	wrdreg $0xFFFFFFFF  }
0xad: {  	[dreg:$0x0] =	wrdreg $0x60  }
0xae: {  	[dreg:$0x2] =	wrdreg s24  }
0xaf: {  	[dreg:$0x3] =	wrdreg s2  }
0xb0: {  	[dreg:$0x4] =	wrdreg $0x9  }
0xb1: {  	_ =	task.clear_ibuf [dreg:s7], $0x5FFFF;
	_ =	strace $0x90000046  }
0xb2: {  	s29 =	simm.s32 $0x9;
	_ =	strace $0x80000048  }
0xb3: {  	_ =	swait.ge [sflag:s29], $0x1  }
0xb4: {  	[sflag:s29] =	ssyncadd.s32 $0xFFFFFFFF  }
0xb5: {  	_ =	strace $0x90000048  }
0xb6: {  	_ =	sfence  }
0xb7: {  	s30 =	sld [smem:$0x0];
	_ =	sdelay $0x2  }
0xb8: {  	s31 =	sshll.u32 s1, $0xD;
	s1 =	sshrl.u32 s1, $0x2  }
0xb9: {  	s3 =	sand.u32 $0x4000, s31;
	s1 =	sadd.s32 s1, s30  }
0xba: {  	s0 =	sor.u32 s3, s0;
	s1 =	sshll.u32 s1, $0x11  }
0xbb: {  	s0 =	sor.u32 s1, s0  }
0xbc: {  	s0 =	sadd.s32 $0x8F2B, s0  }
0xbd: {  	[sflag:s0] =	ssyncadd.remote.s32 $0x1  }
0xbe: {  	_ =	sfence.sel $0xFFFF  }
0xbf: {  	[dreg:$0x0] =	wrdreg $0xFFFFFFFF;
	(pc) =	sbr.abs _section_cstart, $3  }
0xc0: {  	[dreg:$0x1] =	wrdreg $0xFFFFFFFF  }
0xc1: {  	_ =	task.clear_ibuf [dreg:s7], $0x2FFFF;
	_ =	strace $0x9FFFFFFF  }
0xc2: {  	(tm) =	ssettm $0x7FFFFFFF  }
0xc3: {  	_ =	shalt  }
tec
execute0_lowered:
.L_overlay_start_1:
0x0: {  	(tag) =	ssettag $0x1  }
0x1: {  	s1 =	srdreg.scid;
	s0 =	stileid.u32  }
0x2: {  	s4 =	rddreg [dreg:$0x0];
	s5 =	sand.u32 $0x1, s1;
	s30 =	sshll.u32 s0, $0x1  }
0x3: {  	s2 =	rddreg [dreg:$0x1];
	s3 =	simm.s32 $0x0;
	s6 =	sor.u32 s5, s30  }
0x4: {  	s9 =	simm.s32 $0x880;
	s10 =	simm.s32 $0x1080;
	s7 =	smul.u32 $0x3, s6  }
0x5: {  	s11 =	simm.s32 $0x1;
	[smem:$0x7FF] =	sst s3;
	s6 =	smul.u32 $0x300, s6  }
0x6: {  	s1 =	rddreg [dreg:$0x2];
	_ =	strace $0x80000047;
	s5 =	ssub.s32 $0x2, s5  }
0x7: {  	v2 =	vlaneseq.u32;
	s31 =	sshrl.u32 s5, $0x1;
	s7 =	sadd.s32 s7, s4;
	s6 =	sadd.s32 s6, s4  }
0x8: {  	vm0 =	vmmov $0xffff;
	v1 =	vshrl.u32 v2, $0x3;
	s8 =	ssub.s32 s5, s31;
	s4 =	sadd.s32 $0xE00, s7;
	s5 =	sadd.s32 $0x1000, s6  }
0x9: {  	v0 =	vand.u32 $0x7, v2;
	v2 =	vor.u32 $0x8, v2;
	v1 =	vmul.u32 $0x8, v1;
	s6 =	smax.u32 s8, $0x1;
	s7 =	simm.s32 $0x2;
	s8 =	simm.s32 $0x80  }
.LBB2_1:
0xa: {  	[tilespmem:s3], [sflag:$0x2] =	stream.linear.gather [hbm4b:s4+s3], $0x18, $0x38;
	[tilespmem:$0x1880] =	vst v63  }
0xb: {  	_ =	swait.ge [sflag:s7], $0x18  }
0xc: {  	[sflag:s7] =	ssyncset.done $0x0  }
0xd: {  	[sflag:s7] =	ssyncadd.s32 $0xFFFFFFE8  }
0xe: {  	v3 =	vld [tilespmem:$0x0];
	_ =	sdelay $0x4  }
0xf: {  	v4 =	vshll.u32 v3, $0x1  }
0x10: {  	v3 =	vand.u32 $0x7, v3;
	v4 =	vand.u32 $0xFFFFFFF0, v4  }
0x11: {  	v3 =	vor.u32 v3, v4  }
0x12: {  	v4 =	vperm.xlane v3, v0;
	_ =	sdelay $0x1  }
0x13: {  	v3 =	vperm.xlane v3, v2;
	v4 =	vadd.s32 v1, v4;
	_ =	sdelay $0x1  }
0x14: {  	v3 =	vadd.s32 v1, v3;
	_ =	sdelay $0x2  }
0x15: {  	[tilespmem:s8], [sflag:$0x1] =	stream.indirect_vreg.gather [hbm4b:s2+s3], $0x80, v4, vm0, $0xb8;
	[tilespmem:$0x1880] =	vst v63  }
0x16: {  	_ = 	snop  }
0x17: {  	[tilespmem:s9], [sflag:$0x1] =	stream.indirect_vreg.gather [hbm4b:s2+s3], $0x80, v3, vm0, $0xb8;
	[tilespmem:$0x1880] =	vst v63  }
0x18: {  	v3 =	vld.msk [tilespmem:$0x10], $0xff;
	_ =	sdelay $0x4  }
0x19: {  	v63 =	vshll.u32 v3, $0x1  }
0x1a: {  	v3 =	vand.u32 $0x7, v3;
	v4 =	vand.u32 $0xFFFFFFF0, v63  }
0x1b: {  	v3 =	vor.u32 v3, v4  }
0x1c: {  	v3 =	vperm.xlane v3, v0;
	_ =	sdelay $0x1  }
0x1d: {  	v3 =	vadd.s32 v1, v3;
	_ =	sdelay $0x4  }
0x1e: {  	[tilespmem:s10], [sflag:$0x1] =	stream.indirect_vreg.gather [hbm4b:s2+s3], $0x80, v3, vm0, $0xb8;
	[tilespmem:$0x1880] =	vst v63  }
0x1f: {  	_ =	swait.ge [sflag:s11], $0x1800  }
0x20: {  	p0 =	sne.s32 s6, $0x1;
	[sflag:s11] =	ssyncset.done $0x0  }
.Ltmp0:
0x21: {  	[sflag:s11] =	ssyncadd.s32 $0xFFFFE800;
	(pc) =	sbr.rel @p0 .LBB2_1-.Ltmp0, $4  }
0x22: {  	[hbm4b:s5+s3] =	stream.linear.scatter [tilespmem:s8], [sflag:$0x2], $0x1800, $0x38;
	[tilespmem:$0x1880] =	vst v63  }
0x23: {  	_ =	swait.ge [sflag:s7], $0x1800  }
0x24: {  	[sflag:s7] =	ssyncset.done $0x0  }
0x25: {  	s6 =	sadd.s32 $0xFFFFFFFF, s6;
	[sflag:s7] =	ssyncadd.s32 $0xFFFFE800  }
0x26: {  	_ =	sfence.sel $0x180000  }
0x27: {  	[bflag:$0x0] =	sbarrier.arrive $0xFFFF  }
0x28: {  	p0 =	sne.s32 s0, $0x0;
	_ =	strace $0x90000047  }
0x29: {  	s0 =	sadd.s32 @!p0 $0x100000, s1;
	[bflag:$0x2] =	sbarrier.arrive $0xFFFF  }
0x2a: {  	[sflag:s0] =	ssyncadd.tile.s32 @!p0 $0x1;
	_ =	shalt  }
.Lfunc_end2:
_tile_overlayer_lowered:
.L_overlay_start_2:
0x2b: {  	(tag) =	ssettag $0x2  }
0x2c: {  	s0 =	rddreg [dreg:$0x0];
	s2 =	stileid.u32  }
0x2d: {  	s1 =	rddreg [dreg:$0x1];
	p0 =	sne.s32 s2, $0x0  }
0x2e: {  	s3 =	rddreg [dreg:$0x2];
	[bflag:$0x3] =	sbarrier.arrive $0xFFFF;
	s2 =	simm.s32 @!p0 $0x1C02  }
0x2f: {  	[timem:s3], [sflag:s2] =	dma.local @!p0 [hbm:s0], s1  }
0x30: {  	s0 =	simm.s32 @!p0 $0x2  }
0x31: {  	_ =	swait.ge @!p0 [sflag:s0], s1  }
0x32: {  	s1 =	ssub.s32 @!p0 $0x0, s1;
	[sflag:s0] =	ssyncset.done @!p0 $0x0  }
0x33: {  	[sflag:s0] =	ssyncadd.s32 @!p0 s1  }
0x34: {  	[bflag:$0x3] =	sbarrier.arrive $0xFFFF  }
0x35: {  	_ =	shalt  }

</sc_bundles>
